<compile_context>
chip_gen: v7x
topology: tpu7x:2x2x1
jax: 0.10.2.dev20260603
libtpu: 0.0.44.dev20260713+nightly
codegen_flags: <defaults>
</compile_context>

<pallas_src>
import functools

import jax
import jax.numpy as jnp
from jax import lax
from jax.experimental import pallas as pl
from jax.experimental.pallas import tpu as pltpu
from jax.experimental.pallas import tpu_sc as plsc

NC = 2
NS = 16
NW = NC * NS

ROW_BLK = 1024
K = 128

_mesh = functools.partial(
    plsc.VectorSubcoreMesh,
    core_axis_name="c",
    subcore_axis_name="s",
    num_cores=NC,
    num_subcores=NS,
)


def _make_deg_kernel(npad, epad):
  ept = epad // NW
  nchunk = ept // K
  rows_per_s = npad // NS

  @functools.partial(
      pl.kernel,
      out_type=jax.ShapeDtypeStruct((NC, npad), jnp.float32),
      mesh=_mesh(),
      scratch_types=[
          pltpu.VMEM_SHARED((npad,), jnp.float32),
          pltpu.VMEM((K,), jnp.int32),
          pltpu.VMEM((K,), jnp.float32),
          pltpu.VMEM((rows_per_s,), jnp.float32),
      ],
  )
  def deg_kernel(col_hbm, ew_hbm, degp_hbm, deg_sh, cidx_buf, ew_buf, zeros_v):
    cid = lax.axis_index("c")
    sid = lax.axis_index("s")
    wid = sid * NC + cid

    def zfill(i, _):
      zeros_v[pl.ds(i * 16, 16)] = jnp.zeros((16,), jnp.float32)
      return 0
    lax.fori_loop(0, rows_per_s // 16, zfill, 0)
    pltpu.sync_copy(zeros_v, deg_sh.at[pl.ds(sid * rows_per_s, rows_per_s)])
    plsc.subcore_barrier()

    def chunk(t, _):
      base = wid * ept + t * K
      pltpu.sync_copy(col_hbm.at[pl.ds(base, K)], cidx_buf)
      pltpu.sync_copy(ew_hbm.at[pl.ds(base, K)], ew_buf)
      pltpu.sync_copy(ew_buf, deg_sh.at[cidx_buf], add=True)
      return 0
    lax.fori_loop(0, nchunk, chunk, 0)
    plsc.subcore_barrier()

    pltpu.sync_copy(
        deg_sh.at[pl.ds(sid * rows_per_s, rows_per_s)],
        degp_hbm.at[cid, pl.ds(sid * rows_per_s, rows_per_s)],
    )

  return deg_kernel


def _make_edge_kernel(npad, d, epad):
  ept = epad // NW
  nchunk = ept // K
  rows_per_s = npad // NS

  @functools.partial(
      pl.kernel,
      out_type=jax.ShapeDtypeStruct((NC, npad, d), jnp.float32),
      mesh=_mesh(),
      scratch_types=[
          pltpu.VMEM_SHARED((npad, d), jnp.float32),
          pltpu.VMEM((2 * K,), jnp.int32),
          pltpu.VMEM((K,), jnp.int32),
          pltpu.VMEM((K, d), jnp.float32),
          pltpu.SemaphoreType.DMA,
      ],
  )
  def edge_kernel(g_hbm, rw_hbm, col_hbm, sp_hbm,
                  acc_sh, rw_buf, cidx_v, rows_v, sem):
    cid = lax.axis_index("c")
    sid = lax.axis_index("s")
    wid = sid * NC + cid
    nsub = d // 16

    def zfill(i, _):
      def zrow(cc, _):
        rows_v[i, pl.ds(cc * 16, 16)] = jnp.zeros((16,), jnp.float32)
        return 0
      lax.fori_loop(0, nsub, zrow, 0)
      return 0
    lax.fori_loop(0, K, zfill, 0)
    def zcopy(i, _):
      pltpu.sync_copy(rows_v, acc_sh.at[pl.ds(sid * rows_per_s + i * K, K)])
      return 0
    lax.fori_loop(0, rows_per_s // K, zcopy, 0)
    plsc.subcore_barrier()

    def chunk(t, _):
      pltpu.sync_copy(rw_hbm.at[pl.ds(2 * (wid * ept + t * K), 2 * K)], rw_buf)
      pltpu.sync_copy(col_hbm.at[pl.ds(wid * ept + t * K, K)], cidx_v)
      pltpu.async_copy(g_hbm.at[rw_buf.at[pl.ds(0, K)]], rows_v, sem).wait()
      def scale16(jj, _):
        ew16 = lax.bitcast_convert_type(rw_buf[pl.ds(K + jj * 16, 16)], jnp.float32)
        base_j = jj * 16
        for lane in range(16):
          w = ew16[lane]
          j = base_j + lane
          for cc in range(nsub):
            sl = pl.ds(cc * 16, 16)
            rows_v[j, sl] = rows_v[j, sl] * w
        return 0
      lax.fori_loop(0, K // 16, scale16, 0)
      pltpu.sync_copy(rows_v, acc_sh.at[cidx_v], add=True)
      return 0
    lax.fori_loop(0, nchunk, chunk, 0)
    plsc.subcore_barrier()

    pltpu.sync_copy(
        acc_sh.at[pl.ds(sid * rows_per_s, rows_per_s)],
        sp_hbm.at[cid, pl.ds(sid * rows_per_s, rows_per_s)],
    )

  return edge_kernel


def _dis_from(degp_blk):
  deg = 1.0 + degp_blk[0, :] + degp_blk[1, :]
  return lax.rsqrt(deg)


def _g1_body(x_ref, w_ref, degp_ref, g_ref):
  h = jnp.dot(x_ref[...], w_ref[...], preferred_element_type=jnp.float32)
  dis = _dis_from(degp_ref[...])
  g_ref[...] = h * dis[:, None]


def _g2_body(sp_ref, g1_ref, degp_ref, b1_ref, w2_ref, g2_ref):
  dis = _dis_from(degp_ref[...])
  pre = (sp_ref[0] + sp_ref[1] + g1_ref[...]) * dis[:, None] + b1_ref[...]
  h = jnp.maximum(pre, 0.0)
  hw = jnp.dot(h, w2_ref[...], preferred_element_type=jnp.float32)
  g2_ref[...] = hw * dis[:, None]


def _out_body(sp_ref, g2_ref, degp_ref, b2_ref, out_ref):
  dis = _dis_from(degp_ref[...])
  out_ref[...] = (sp_ref[0] + sp_ref[1] + g2_ref[...]) * dis[:, None] + b2_ref[...]


def kernel(x, edge_index, edge_weight, W1, b1, W2, b2):
  n, d = x.shape
  e = edge_index.shape[1]
  npad = ((n + ROW_BLK - 1) // ROW_BLK) * ROW_BLK
  assert npad % (NS * K) == 0
  epad = ((e + NW * K - 1) // (NW * K)) * (NW * K)

  row = edge_index[0].astype(jnp.int32)
  col = edge_index[1].astype(jnp.int32)
  ew = edge_weight.astype(jnp.float32)
  pe = epad - e
  if pe:
    pad_idx = jnp.full((pe,), npad - 1, jnp.int32)
    row = jnp.concatenate([row, pad_idx])
    col = jnp.concatenate([col, pad_idx])
    ew = jnp.concatenate([ew, jnp.zeros((pe,), jnp.float32)])
  ew_bits = lax.bitcast_convert_type(ew, jnp.int32)
  rw = jnp.concatenate(
      [row.reshape(-1, K), ew_bits.reshape(-1, K)], axis=1).reshape(-1)
  x_p = jnp.pad(x, ((0, npad - n), (0, 0)))
  b1_2d = b1.reshape(1, d)
  b2_2d = b2.reshape(1, d)

  deg_kernel = _make_deg_kernel(npad, epad)
  edge_kernel = _make_edge_kernel(npad, d, epad)

  grid = npad // ROW_BLK
  blk_rows = pl.BlockSpec((ROW_BLK, d), lambda i: (i, 0))
  blk_deg = pl.BlockSpec((NC, ROW_BLK), lambda i: (0, i))
  blk_sp = pl.BlockSpec((NC, ROW_BLK, d), lambda i: (0, i, 0))
  blk_w = pl.BlockSpec((d, d), lambda i: (0, 0))
  blk_b = pl.BlockSpec((1, d), lambda i: (0, 0))

  degp = deg_kernel(col, ew)
  g1 = pl.pallas_call(
      _g1_body,
      grid=(grid,),
      in_specs=[blk_rows, blk_w, blk_deg],
      out_specs=blk_rows,
      out_shape=jax.ShapeDtypeStruct((npad, d), jnp.float32),
  )(x_p, W1, degp)

  s1 = edge_kernel(g1, rw, col)

  g2 = pl.pallas_call(
      _g2_body,
      grid=(grid,),
      in_specs=[blk_sp, blk_rows, blk_deg, blk_b, blk_w],
      out_specs=blk_rows,
      out_shape=jax.ShapeDtypeStruct((npad, d), jnp.float32),
  )(s1, g1, degp, b1_2d, W2)

  s2 = edge_kernel(g2, rw, col)

  out = pl.pallas_call(
      _out_body,
      grid=(grid,),
      in_specs=[blk_sp, blk_rows, blk_deg, blk_b],
      out_specs=blk_rows,
      out_shape=jax.ShapeDtypeStruct((npad, d), jnp.float32),
  )(s2, g2, degp, b2_2d)

  return out[:n]

# --- scband reference (transcript-rebuilt; emitter-appended) ---
"""Pipeline reference for scband-gnn-83365315215491 (READ-ONLY COPY).

The authoritative reference and input builder live on the scoring server;
editing this copy changes nothing except your own understanding.
"""

import jax, jax.numpy as jnp
import numpy as np

N_NODES = 10000
N_EDGES = 320000
D_FEAT = 128
D_HID = 128
D_CLS = 128


def setup_inputs(seed: int = 0) -> dict:
    key = jax.random.key(seed)
    k1, k2, k3, k4, k5, k6, k7 = jax.random.split(key, 7)
    x = jax.random.normal(k1, (N_NODES, D_FEAT), dtype=jnp.float32)
    edge_index = jax.random.randint(k2, (2, N_EDGES), 0, N_NODES, dtype=jnp.int64)
    edge_weight = jax.random.uniform(k3, (N_EDGES,), dtype=jnp.float32)
    # GCNConv layer params (glorot-ish init)
    W1 = jax.random.normal(k4, (D_FEAT, D_HID), dtype=jnp.float32) * (1.0 / np.sqrt(D_FEAT))
    b1 = jnp.zeros((D_HID,), dtype=jnp.float32)
    W2 = jax.random.normal(k5, (D_HID, D_CLS), dtype=jnp.float32) * (1.0 / np.sqrt(D_HID))
    b2 = jnp.zeros((D_CLS,), dtype=jnp.float32)
    return {"x": x, "edge_index": edge_index, "edge_weight": edge_weight,
            "W1": W1, "b1": b1, "W2": W2, "b2": b2}


def _gcn_conv(x, edge_index, edge_weight, W, b):
    n = x.shape[0]
    row = edge_index[0]
    col = edge_index[1]
    # add self-loops with weight 1 (PyG GCNConv default)
    loop = jnp.arange(n, dtype=row.dtype)
    row = jnp.concatenate([row, loop])
    col = jnp.concatenate([col, loop])
    ew = jnp.concatenate([edge_weight, jnp.ones((n,), dtype=edge_weight.dtype)])
    # symmetric normalization: deg computed at target nodes
    deg = jnp.zeros((n,), dtype=x.dtype).at[col].add(ew)
    deg_inv_sqrt = jnp.where(deg > 0, jax.lax.rsqrt(jnp.where(deg > 0, deg, 1.0)), 0.0)
    norm = deg_inv_sqrt[row] * ew * deg_inv_sqrt[col]
    h = x @ W
    msg = h[row] * norm[:, None]
    out = jnp.zeros_like(h).at[col].add(msg)
    return out + b


def reference(x, edge_index, edge_weight, W1, b1, W2, b2):
    # GNN forward (encoder=False, eval mode -> dropout is identity)
    h = _gcn_conv(x, edge_index, edge_weight, W1, b1)
    h = jax.nn.relu(h)
    out = _gcn_conv(h, edge_index, edge_weight, W2, b2)
    return out

if __name__ == "__main__":
    import jax
    _d = setup_inputs()
    print(jax.jit(kernel)(*tuple(_d.values())))

</pallas_src>

<mosaic_0001>
#map = affine_map<(d0, d1) -> (0)>
#map1 = affine_map<(d0, d1) -> (0, 0)>
module attributes {stable_mosaic.version = 14 : i64} {
  func.func @deg_kernel(%arg0: i32, %arg1: i32, %arg2: memref<323584xi32, #tpu.memory_space<hbm>>, %arg3: memref<323584xf32, #tpu.memory_space<hbm>>, %arg4: memref<2x10240xf32, #tpu.memory_space<hbm>>, %arg5: memref<10240xf32, #tpu.memory_space<vmem_shared>>, %arg6: memref<128xi32, #tpu.memory_space<vmem>>, %arg7: memref<128xf32, #tpu.memory_space<vmem>>, %arg8: memref<640xf32, #tpu.memory_space<vmem>>) attributes {dimension_semantics = [#tpu.dimension_semantics<core_parallel>, #tpu.dimension_semantics<subcore_parallel>], iteration_bounds = array<i64: 2, 16>, scalar_prefetch = 0 : i64, scratch_operands = 4 : i64, tpu.core_type = #tpu.core_type<sc_vector_subcore>, window_params = [{transform_indices = #map}, {transform_indices = #map}, {transform_indices = #map1}]} {
    %mul3A = arith.constant 2 : i32
    %mul3A_0 = arith.muli %arg1, %mul3A : i32
    %add3A = arith.addi %mul3A_0, %arg0 : i32
    %scan3A = arith.constant 0 : i32
    %scan3A_1 = arith.constant 0 : i32
    %scan3A_2 = arith.constant 40 : i32
    %scan3A_3 = arith.addi %scan3A_1, %scan3A_2 : i32
    %scan3A_4 = arith.constant 1 : i32
    %scan3A_5 = scf.for %scan3A_21 = %scan3A_1 to %scan3A_3 step %scan3A_4 iter_args(%scan3A_22 = %scan3A) -> (i32)  : i32 {
      %broadcast_in_dim3A = arith.constant 0.000000e+00 : f32
      %broadcast_in_dim3A_23 = vector.broadcast %broadcast_in_dim3A : f32 to vector<16xf32>
      %mul3A_24 = arith.constant 16 : i32
      %mul3A_25 = arith.muli %scan3A_21, %mul3A_24 : i32
      %swap3A = arith.index_cast %mul3A_25 : i32 to index
      %swap3A_26 = tpu.vector_load %arg8[%swap3A] {strides = array<i32>} : memref<640xf32, #tpu.memory_space<vmem>>, vector<16xf32>,
      %swap3A_27 = vector.shape_cast %swap3A_26 : vector<16xf32> to vector<16xf32>
      %swap3A_28 = vector.shape_cast %broadcast_in_dim3A_23 : vector<16xf32> to vector<16xf32>
      tpu.vector_store %arg8[%swap3A], %swap3A_28 {strides = array<i32>} : memref<640xf32, #tpu.memory_space<vmem>>, vector<16xf32>,
      %scan3A_29 = arith.constant 0 : i32
      scf.yield %scan3A_29 : i32
    }
    %scan3A_6 = arith.constant 40 : i32
    %mul3A_7 = arith.constant 640 : i32
    %mul3A_8 = arith.muli %arg1, %mul3A_7 : i32
    "tpu.region"() ({
      %run_scoped3A = tpu.sem_alloc : memref<!tpu.dma_semaphore, #tpu.memory_space<semaphore_mem>>
      %dma_start3A = tpu.memref_slice %arg5[%mul3A_8] : memref<10240xf32, #tpu.memory_space<vmem_shared>> -> memref<640xf32, #tpu.memory_space<vmem_shared>>
      %dma_start3A_21 = tpu.memref_slice %arg5[%mul3A_8] : memref<10240xf32, #tpu.memory_space<vmem_shared>> -> memref<640xf32, #tpu.memory_space<vmem_shared>>
      tpu.enqueue_dma source(%arg8 : memref<640xf32, #tpu.memory_space<vmem>>) target(%dma_start3A_21 : memref<640xf32, #tpu.memory_space<vmem_shared>>) target_semaphore(%run_scoped3A : memref<!tpu.dma_semaphore, #tpu.memory_space<semaphore_mem>>)
      %dma_wait3A = tpu.memref_slice %arg5[%mul3A_8] : memref<10240xf32, #tpu.memory_space<vmem_shared>> -> memref<640xf32, #tpu.memory_space<vmem_shared>>
      %dma_wait3A_22 = tpu.memref_slice %arg5[%mul3A_8] : memref<10240xf32, #tpu.memory_space<vmem_shared>> -> memref<640xf32, #tpu.memory_space<vmem_shared>>
      tpu.wait_dma2 semaphore(%run_scoped3A : memref<!tpu.dma_semaphore, #tpu.memory_space<semaphore_mem>>) src(%arg8 : memref<640xf32, #tpu.memory_space<vmem>>) dst(%dma_wait3A_22 : memref<640xf32, #tpu.memory_space<vmem_shared>>)
      tpu.yield
    }) : () -> ()
    %barrier3A = arith.constant 0 : index
    tpu.barrier barrier_id(%barrier3A)
    %scan3A_9 = arith.constant 0 : i32
    %scan3A_10 = arith.constant 0 : i32
    %scan3A_11 = arith.constant 79 : i32
    %scan3A_12 = arith.addi %scan3A_10, %scan3A_11 : i32
    %scan3A_13 = arith.constant 1 : i32
    %scan3A_14 = scf.for %scan3A_21 = %scan3A_10 to %scan3A_12 step %scan3A_13 iter_args(%scan3A_22 = %scan3A_9) -> (i32)  : i32 {
      %mul3A_23 = arith.constant 10112 : i32
      %mul3A_24 = arith.muli %add3A, %mul3A_23 : i32
      %mul3A_25 = arith.constant 128 : i32
      %mul3A_26 = arith.muli %scan3A_21, %mul3A_25 : i32
      %add3A_27 = arith.addi %mul3A_24, %mul3A_26 : i32
      "tpu.region"() ({
        %run_scoped3A = tpu.sem_alloc : memref<!tpu.dma_semaphore, #tpu.memory_space<semaphore_mem>>
        %dma_start3A = tpu.memref_slice %arg2[%add3A_27] : memref<323584xi32, #tpu.memory_space<hbm>> -> memref<128xi32, #tpu.memory_space<hbm>>
        %dma_start3A_29 = tpu.memref_slice %arg2[%add3A_27] : memref<323584xi32, #tpu.memory_space<hbm>> -> memref<128xi32, #tpu.memory_space<hbm>>
        tpu.enqueue_dma source(%dma_start3A_29 : memref<128xi32, #tpu.memory_space<hbm>>) target(%arg6 : memref<128xi32, #tpu.memory_space<vmem>>) target_semaphore(%run_scoped3A : memref<!tpu.dma_semaphore, #tpu.memory_space<semaphore_mem>>)
        %dma_wait3A = tpu.memref_slice %arg2[%add3A_27] : memref<323584xi32, #tpu.memory_space<hbm>> -> memref<128xi32, #tpu.memory_space<hbm>>
        %dma_wait3A_30 = tpu.memref_slice %arg2[%add3A_27] : memref<323584xi32, #tpu.memory_space<hbm>> -> memref<128xi32, #tpu.memory_space<hbm>>
        tpu.wait_dma2 semaphore(%run_scoped3A : memref<!tpu.dma_semaphore, #tpu.memory_space<semaphore_mem>>) src(%dma_wait3A_30 : memref<128xi32, #tpu.memory_space<hbm>>) dst(%arg6 : memref<128xi32, #tpu.memory_space<vmem>>)
        tpu.yield
      }) : () -> ()
      "tpu.region"() ({
        %run_scoped3A = tpu.sem_alloc : memref<!tpu.dma_semaphore, #tpu.memory_space<semaphore_mem>>
        %dma_start3A = tpu.memref_slice %arg3[%add3A_27] : memref<323584xf32, #tpu.memory_space<hbm>> -> memref<128xf32, #tpu.memory_space<hbm>>
        %dma_start3A_29 = tpu.memref_slice %arg3[%add3A_27] : memref<323584xf32, #tpu.memory_space<hbm>> -> memref<128xf32, #tpu.memory_space<hbm>>
        tpu.enqueue_dma source(%dma_start3A_29 : memref<128xf32, #tpu.memory_space<hbm>>) target(%arg7 : memref<128xf32, #tpu.memory_space<vmem>>) target_semaphore(%run_scoped3A : memref<!tpu.dma_semaphore, #tpu.memory_space<semaphore_mem>>)
        %dma_wait3A = tpu.memref_slice %arg3[%add3A_27] : memref<323584xf32, #tpu.memory_space<hbm>> -> memref<128xf32, #tpu.memory_space<hbm>>
        %dma_wait3A_30 = tpu.memref_slice %arg3[%add3A_27] : memref<323584xf32, #tpu.memory_space<hbm>> -> memref<128xf32, #tpu.memory_space<hbm>>
        tpu.wait_dma2 semaphore(%run_scoped3A : memref<!tpu.dma_semaphore, #tpu.memory_space<semaphore_mem>>) src(%dma_wait3A_30 : memref<128xf32, #tpu.memory_space<hbm>>) dst(%arg7 : memref<128xf32, #tpu.memory_space<vmem>>)
        tpu.yield
      }) : () -> ()
      "tpu.region"() ({
        %run_scoped3A = tpu.sem_alloc : memref<!tpu.dma_semaphore, #tpu.memory_space<semaphore_mem>>
        %dma_start3A = arith.constant 0 : i32
        %dma_start3A_29 = tpu.memref_slice %arg5[%dma_start3A] : memref<10240xf32, #tpu.memory_space<vmem_shared>> -> memref<10240xf32, #tpu.memory_space<vmem_shared>>
        tpu.enqueue_indirect_dma source(%arg7 : memref<128xf32, #tpu.memory_space<vmem>>) target(%dma_start3A_29 : memref<10240xf32, #tpu.memory_space<vmem_shared>>) offsets(%arg6 : memref<128xi32, #tpu.memory_space<vmem>>) semaphore(%run_scoped3A : memref<!tpu.dma_semaphore, #tpu.memory_space<semaphore_mem>>) {add = true}
        %dma_wait3A = arith.constant 0 : i32
        %dma_wait3A_30 = tpu.memref_slice %arg5[%dma_wait3A] : memref<10240xf32, #tpu.memory_space<vmem_shared>> -> memref<10240xf32, #tpu.memory_space<vmem_shared>>
        tpu.wait_indirect_dma semaphore(%run_scoped3A : memref<!tpu.dma_semaphore, #tpu.memory_space<semaphore_mem>>) src(%arg7 : memref<128xf32, #tpu.memory_space<vmem>>) dst(%dma_wait3A_30 : memref<10240xf32, #tpu.memory_space<vmem_shared>>)
        tpu.yield
      }) : () -> ()
      %scan3A_28 = arith.constant 0 : i32
      scf.yield %scan3A_28 : i32
    }
    %scan3A_15 = arith.constant 79 : i32
    %barrier3A_16 = arith.constant 0 : index
    tpu.barrier barrier_id(%barrier3A_16)
    %mul3A_17 = arith.constant 640 : i32
    %mul3A_18 = arith.muli %arg1, %mul3A_17 : i32
    %mul3A_19 = arith.constant 640 : i32
    %mul3A_20 = arith.muli %arg1, %mul3A_19 : i32
    "tpu.region"() ({
      %run_scoped3A = tpu.sem_alloc : memref<!tpu.dma_semaphore, #tpu.memory_space<semaphore_mem>>
      %dma_start3A = tpu.memref_slice %arg4[%arg0, %mul3A_20] : memref<2x10240xf32, #tpu.memory_space<hbm>> -> memref<1x640xf32, #tpu.memory_space<hbm>>
      %dma_start3A_21 = tpu.memref_squeeze %dma_start3A : memref<1x640xf32, #tpu.memory_space<hbm>> -> memref<640xf32, #tpu.memory_space<hbm>>
      %dma_start3A_22 = tpu.memref_slice %arg5[%mul3A_18] : memref<10240xf32, #tpu.memory_space<vmem_shared>> -> memref<640xf32, #tpu.memory_space<vmem_shared>>
      tpu.enqueue_dma source(%dma_start3A_22 : memref<640xf32, #tpu.memory_space<vmem_shared>>) target(%dma_start3A_21 : memref<640xf32, #tpu.memory_space<hbm>>) target_semaphore(%run_scoped3A : memref<!tpu.dma_semaphore, #tpu.memory_space<semaphore_mem>>)
      %dma_wait3A = tpu.memref_slice %arg4[%arg0, %mul3A_20] : memref<2x10240xf32, #tpu.memory_space<hbm>> -> memref<1x640xf32, #tpu.memory_space<hbm>>
      %dma_wait3A_23 = tpu.memref_squeeze %dma_wait3A : memref<1x640xf32, #tpu.memory_space<hbm>> -> memref<640xf32, #tpu.memory_space<hbm>>
      %dma_wait3A_24 = tpu.memref_slice %arg5[%mul3A_18] : memref<10240xf32, #tpu.memory_space<vmem_shared>> -> memref<640xf32, #tpu.memory_space<vmem_shared>>
      tpu.wait_dma2 semaphore(%run_scoped3A : memref<!tpu.dma_semaphore, #tpu.memory_space<semaphore_mem>>) src(%dma_wait3A_24 : memref<640xf32, #tpu.memory_space<vmem_shared>>) dst(%dma_wait3A_23 : memref<640xf32, #tpu.memory_space<hbm>>)
      tpu.yield
    }) : () -> ()
    return
  }
}

#map = affine_map<(d0, d1) -> (0, 0)>
#map1 = affine_map<(d0, d1) -> (0)>
#map2 = affine_map<(d0, d1) -> (0, 0, 0)>
module attributes {stable_mosaic.version = 14 : i64} {
  func.func @edge_kernel(%arg0: i32, %arg1: i32, %arg2: memref<10240x128xf32, #tpu.memory_space<hbm>>, %arg3: memref<647168xi32, #tpu.memory_space<hbm>>, %arg4: memref<323584xi32, #tpu.memory_space<hbm>>, %arg5: memref<2x10240x128xf32, #tpu.memory_space<hbm>>, %arg6: memref<10240x128xf32, #tpu.memory_space<vmem_shared>>, %arg7: memref<256xi32, #tpu.memory_space<vmem>>, %arg8: memref<128xi32, #tpu.memory_space<vmem>>, %arg9: memref<128x128xf32, #tpu.memory_space<vmem>>, %arg10: memref<!tpu.dma_semaphore, #tpu.memory_space<semaphore_mem>>) attributes {dimension_semantics = [#tpu.dimension_semantics<core_parallel>, #tpu.dimension_semantics<subcore_parallel>], iteration_bounds = array<i64: 2, 16>, scalar_prefetch = 0 : i64, scratch_operands = 5 : i64, tpu.core_type = #tpu.core_type<sc_vector_subcore>, window_params = [{transform_indices = #map}, {transform_indices = #map1}, {transform_indices = #map1}, {transform_indices = #map2}]} {
    %mul3A = arith.constant 2 : i32
    %mul3A_0 = arith.muli %arg1, %mul3A : i32
    %add3A = arith.addi %mul3A_0, %arg0 : i32
    %scan3A = arith.constant 0 : i32
    %scan3A_1 = arith.constant 0 : i32
    %scan3A_2 = arith.constant 128 : i32
    %scan3A_3 = arith.addi %scan3A_1, %scan3A_2 : i32
    %scan3A_4 = arith.constant 1 : i32
    %scan3A_5 = scf.for %scan3A_26 = %scan3A_1 to %scan3A_3 step %scan3A_4 iter_args(%scan3A_27 = %scan3A) -> (i32)  : i32 {
      %scan3A_28 = arith.constant 0 : i32
      %scan3A_29 = arith.constant 0 : i32
      %scan3A_30 = arith.constant 8 : i32
      %scan3A_31 = arith.addi %scan3A_29, %scan3A_30 : i32
      %scan3A_32 = arith.constant 1 : i32
      %scan3A_33 = scf.for %scan3A_36 = %scan3A_29 to %scan3A_31 step %scan3A_32 iter_args(%scan3A_37 = %scan3A_28) -> (i32)  : i32 {
        %broadcast_in_dim3A = arith.constant 0.000000e+00 : f32
        %broadcast_in_dim3A_38 = vector.broadcast %broadcast_in_dim3A : f32 to vector<16xf32>
        %mul3A_39 = arith.constant 16 : i32
        %mul3A_40 = arith.muli %scan3A_36, %mul3A_39 : i32
        %swap3A = arith.index_cast %scan3A_26 : i32 to index
        %swap3A_41 = arith.index_cast %mul3A_40 : i32 to index
        %swap3A_42 = tpu.vector_load %arg9[%swap3A, %swap3A_41] {strides = array<i32>} : memref<128x128xf32, #tpu.memory_space<vmem>>, vector<1x16xf32>,
        %swap3A_43 = vector.shape_cast %swap3A_42 : vector<1x16xf32> to vector<16xf32>
        %swap3A_44 = vector.shape_cast %broadcast_in_dim3A_38 : vector<16xf32> to vector<1x16xf32>
        tpu.vector_store %arg9[%swap3A, %swap3A_41], %swap3A_44 {strides = array<i32>} : memref<128x128xf32, #tpu.memory_space<vmem>>, vector<1x16xf32>,
        %scan3A_45 = arith.constant 0 : i32
        scf.yield %scan3A_45 : i32
      }
      %scan3A_34 = arith.constant 8 : i32
      %scan3A_35 = arith.constant 0 : i32
      scf.yield %scan3A_35 : i32
    }
    %scan3A_6 = arith.constant 128 : i32
    %scan3A_7 = arith.constant 0 : i32
    %scan3A_8 = arith.constant 0 : i32
    %scan3A_9 = arith.constant 5 : i32
    %scan3A_10 = arith.addi %scan3A_8, %scan3A_9 : i32
    %scan3A_11 = arith.constant 1 : i32
    %scan3A_12 = scf.for %scan3A_26 = %scan3A_8 to %scan3A_10 step %scan3A_11 iter_args(%scan3A_27 = %scan3A_7) -> (i32)  : i32 {
      %mul3A_28 = arith.constant 640 : i32
      %mul3A_29 = arith.muli %arg1, %mul3A_28 : i32
      %mul3A_30 = arith.constant 128 : i32
      %mul3A_31 = arith.muli %scan3A_26, %mul3A_30 : i32
      %add3A_32 = arith.addi %mul3A_29, %mul3A_31 : i32
      "tpu.region"() ({
        %run_scoped3A = tpu.sem_alloc : memref<!tpu.dma_semaphore, #tpu.memory_space<semaphore_mem>>
        %dma_start3A = arith.constant 0 : i32
        %dma_start3A_34 = tpu.memref_slice %arg6[%add3A_32, %dma_start3A] : memref<10240x128xf32, #tpu.memory_space<vmem_shared>> -> memref<128x128xf32, #tpu.memory_space<vmem_shared>>
        %dma_start3A_35 = arith.constant 0 : i32
        %dma_start3A_36 = tpu.memref_slice %arg6[%add3A_32, %dma_start3A_35] : memref<10240x128xf32, #tpu.memory_space<vmem_shared>> -> memref<128x128xf32, #tpu.memory_space<vmem_shared>>
        tpu.enqueue_dma source(%arg9 : memref<128x128xf32, #tpu.memory_space<vmem>>) target(%dma_start3A_36 : memref<128x128xf32, #tpu.memory_space<vmem_shared>>) target_semaphore(%run_scoped3A : memref<!tpu.dma_semaphore, #tpu.memory_space<semaphore_mem>>)
        %dma_wait3A = arith.constant 0 : i32
        %dma_wait3A_37 = tpu.memref_slice %arg6[%add3A_32, %dma_wait3A] : memref<10240x128xf32, #tpu.memory_space<vmem_shared>> -> memref<128x128xf32, #tpu.memory_space<vmem_shared>>
        %dma_wait3A_38 = arith.constant 0 : i32
        %dma_wait3A_39 = tpu.memref_slice %arg6[%add3A_32, %dma_wait3A_38] : memref<10240x128xf32, #tpu.memory_space<vmem_shared>> -> memref<128x128xf32, #tpu.memory_space<vmem_shared>>
        tpu.wait_dma2 semaphore(%run_scoped3A : memref<!tpu.dma_semaphore, #tpu.memory_space<semaphore_mem>>) src(%arg9 : memref<128x128xf32, #tpu.memory_space<vmem>>) dst(%dma_wait3A_39 : memref<128x128xf32, #tpu.memory_space<vmem_shared>>)
        tpu.yield
      }) : () -> ()
      %scan3A_33 = arith.constant 0 : i32
      scf.yield %scan3A_33 : i32
    }
    %scan3A_13 = arith.constant 5 : i32
    %barrier3A = arith.constant 0 : index
    tpu.barrier barrier_id(%barrier3A)
    %scan3A_14 = arith.constant 0 : i32
    %scan3A_15 = arith.constant 0 : i32
    %scan3A_16 = arith.constant 79 : i32
    %scan3A_17 = arith.addi %scan3A_15, %scan3A_16 : i32
    %scan3A_18 = arith.constant 1 : i32
    %scan3A_19 = scf.for %scan3A_26 = %scan3A_15 to %scan3A_17 step %scan3A_18 iter_args(%scan3A_27 = %scan3A_14) -> (i32)  : i32 {
      %mul3A_28 = arith.constant 10112 : i32
      %mul3A_29 = arith.muli %add3A, %mul3A_28 : i32
      %mul3A_30 = arith.constant 128 : i32
      %mul3A_31 = arith.muli %scan3A_26, %mul3A_30 : i32
      %add3A_32 = arith.addi %mul3A_29, %mul3A_31 : i32
      %mul3A_33 = arith.constant 2 : i32
      %mul3A_34 = arith.muli %mul3A_33, %add3A_32 : i32
      "tpu.region"() ({
        %run_scoped3A = tpu.sem_alloc : memref<!tpu.dma_semaphore, #tpu.memory_space<semaphore_mem>>
        %dma_start3A_56 = tpu.memref_slice %arg3[%mul3A_34] : memref<647168xi32, #tpu.memory_space<hbm>> -> memref<256xi32, #tpu.memory_space<hbm>>
        %dma_start3A_57 = tpu.memref_slice %arg3[%mul3A_34] : memref<647168xi32, #tpu.memory_space<hbm>> -> memref<256xi32, #tpu.memory_space<hbm>>
        tpu.enqueue_dma source(%dma_start3A_57 : memref<256xi32, #tpu.memory_space<hbm>>) target(%arg7 : memref<256xi32, #tpu.memory_space<vmem>>) target_semaphore(%run_scoped3A : memref<!tpu.dma_semaphore, #tpu.memory_space<semaphore_mem>>)
        %dma_wait3A_58 = tpu.memref_slice %arg3[%mul3A_34] : memref<647168xi32, #tpu.memory_space<hbm>> -> memref<256xi32, #tpu.memory_space<hbm>>
        %dma_wait3A_59 = tpu.memref_slice %arg3[%mul3A_34] : memref<647168xi32, #tpu.memory_space<hbm>> -> memref<256xi32, #tpu.memory_space<hbm>>
        tpu.wait_dma2 semaphore(%run_scoped3A : memref<!tpu.dma_semaphore, #tpu.memory_space<semaphore_mem>>) src(%dma_wait3A_59 : memref<256xi32, #tpu.memory_space<hbm>>) dst(%arg7 : memref<256xi32, #tpu.memory_space<vmem>>)
        tpu.yield
      }) : () -> ()
      %mul3A_35 = arith.constant 10112 : i32
      %mul3A_36 = arith.muli %add3A, %mul3A_35 : i32
      %mul3A_37 = arith.constant 128 : i32
      %mul3A_38 = arith.muli %scan3A_26, %mul3A_37 : i32
      %add3A_39 = arith.addi %mul3A_36, %mul3A_38 : i32
      "tpu.region"() ({
        %run_scoped3A = tpu.sem_alloc : memref<!tpu.dma_semaphore, #tpu.memory_space<semaphore_mem>>
        %dma_start3A_56 = tpu.memref_slice %arg4[%add3A_39] : memref<323584xi32, #tpu.memory_space<hbm>> -> memref<128xi32, #tpu.memory_space<hbm>>
        %dma_start3A_57 = tpu.memref_slice %arg4[%add3A_39] : memref<323584xi32, #tpu.memory_space<hbm>> -> memref<128xi32, #tpu.memory_space<hbm>>
        tpu.enqueue_dma source(%dma_start3A_57 : memref<128xi32, #tpu.memory_space<hbm>>) target(%arg8 : memref<128xi32, #tpu.memory_space<vmem>>) target_semaphore(%run_scoped3A : memref<!tpu.dma_semaphore, #tpu.memory_space<semaphore_mem>>)
        %dma_wait3A_58 = tpu.memref_slice %arg4[%add3A_39] : memref<323584xi32, #tpu.memory_space<hbm>> -> memref<128xi32, #tpu.memory_space<hbm>>
        %dma_wait3A_59 = tpu.memref_slice %arg4[%add3A_39] : memref<323584xi32, #tpu.memory_space<hbm>> -> memref<128xi32, #tpu.memory_space<hbm>>
        tpu.wait_dma2 semaphore(%run_scoped3A : memref<!tpu.dma_semaphore, #tpu.memory_space<semaphore_mem>>) src(%dma_wait3A_59 : memref<128xi32, #tpu.memory_space<hbm>>) dst(%arg8 : memref<128xi32, #tpu.memory_space<vmem>>)
        tpu.yield
      }) : () -> ()
      %dma_start3A = arith.constant 0 : i32
      %dma_start3A_40 = tpu.memref_slice %arg7[%dma_start3A] : memref<256xi32, #tpu.memory_space<vmem>> -> memref<128xi32, #tpu.memory_space<vmem>>
      %dma_start3A_41 = arith.constant 0 : i32
      %dma_start3A_42 = arith.constant 0 : i32
      %dma_start3A_43 = tpu.memref_slice %arg2[%dma_start3A_41, %dma_start3A_42] : memref<10240x128xf32, #tpu.memory_space<hbm>> -> memref<10240x128xf32, #tpu.memory_space<hbm>>
      tpu.enqueue_indirect_dma source(%dma_start3A_43 : memref<10240x128xf32, #tpu.memory_space<hbm>>) target(%arg9 : memref<128x128xf32, #tpu.memory_space<vmem>>) offsets(%dma_start3A_40 : memref<128xi32, #tpu.memory_space<vmem>>) semaphore(%arg10 : memref<!tpu.dma_semaphore, #tpu.memory_space<semaphore_mem>>)
      %dma_wait3A = arith.constant 0 : i32
      %dma_wait3A_44 = tpu.memref_slice %arg7[%dma_wait3A] : memref<256xi32, #tpu.memory_space<vmem>> -> memref<128xi32, #tpu.memory_space<vmem>>
      %dma_wait3A_45 = arith.constant 0 : i32
      %dma_wait3A_46 = arith.constant 0 : i32
      %dma_wait3A_47 = tpu.memref_slice %arg2[%dma_wait3A_45, %dma_wait3A_46] : memref<10240x128xf32, #tpu.memory_space<hbm>> -> memref<10240x128xf32, #tpu.memory_space<hbm>>
      tpu.wait_indirect_dma semaphore(%arg10 : memref<!tpu.dma_semaphore, #tpu.memory_space<semaphore_mem>>) src(%dma_wait3A_47 : memref<10240x128xf32, #tpu.memory_space<hbm>>) dst(%arg9 : memref<128x128xf32, #tpu.memory_space<vmem>>)
      %scan3A_48 = arith.constant 0 : i32
      %scan3A_49 = arith.constant 0 : i32
      %scan3A_50 = arith.constant 8 : i32
      %scan3A_51 = arith.addi %scan3A_49, %scan3A_50 : i32
      %scan3A_52 = arith.constant 1 : i32
      %scan3A_53 = scf.for %scan3A_56 = %scan3A_49 to %scan3A_51 step %scan3A_52 iter_args(%scan3A_57 = %scan3A_48) -> (i32)  : i32 {
        %mul3A_58 = arith.constant 16 : i32
        %mul3A_59 = arith.muli %scan3A_56, %mul3A_58 : i32
        %add3A_60 = arith.constant 128 : i32
        %add3A_61 = arith.addi %add3A_60, %mul3A_59 : i32
        %get3A = arith.index_cast %add3A_61 : i32 to index
        %get3A_62 = tpu.vector_load %arg7[%get3A] {strides = array<i32>} : memref<256xi32, #tpu.memory_space<vmem>>, vector<16xi32>,
        %get3A_63 = vector.shape_cast %get3A_62 : vector<16xi32> to vector<16xi32>
        %bitcast_convert_type3A = tpu.bitcast %get3A_63 : vector<16xi32> -> vector<16xf32>
        %mul3A_64 = arith.constant 16 : i32
        %mul3A_65 = arith.muli %scan3A_56, %mul3A_64 : i32
        %slice3A = vector.extract_strided_slice %bitcast_convert_type3A {offsets = [0], sizes = [1], strides = [1]} : vector<16xf32> to vector<1xf32>
        %squeeze3A = vector.extract %slice3A[0] : f32 from vector<1xf32>
        %add3A_66 = arith.constant 0 : i32
        %add3A_67 = arith.addi %mul3A_65, %add3A_66 : i32
        %get3A_68 = arith.index_cast %add3A_67 : i32 to index
        %get3A_69 = arith.constant 0 : index
        %get3A_70 = tpu.vector_load %arg9[%get3A_68, %get3A_69] {strides = array<i32>} : memref<128x128xf32, #tpu.memory_space<vmem>>, vector<1x16xf32>,
        %get3A_71 = vector.shape_cast %get3A_70 : vector<1x16xf32> to vector<16xf32>
        %mul3A_72 = vector.broadcast %squeeze3A : f32 to vector<16xf32>
        %mul3A_73 = arith.mulf %get3A_71, %mul3A_72 : vector<16xf32>
        %swap3A = arith.index_cast %add3A_67 : i32 to index
        %swap3A_74 = arith.constant 0 : index
        %swap3A_75 = tpu.vector_load %arg9[%swap3A, %swap3A_74] {strides = array<i32>} : memref<128x128xf32, #tpu.memory_space<vmem>>, vector<1x16xf32>,
        %swap3A_76 = vector.shape_cast %swap3A_75 : vector<1x16xf32> to vector<16xf32>
        %swap3A_77 = vector.shape_cast %mul3A_73 : vector<16xf32> to vector<1x16xf32>
        tpu.vector_store %arg9[%swap3A, %swap3A_74], %swap3A_77 {strides = array<i32>} : memref<128x128xf32, #tpu.memory_space<vmem>>, vector<1x16xf32>,
        %get3A_78 = arith.index_cast %add3A_67 : i32 to index
        %get3A_79 = arith.constant 16 : index
        %get3A_80 = tpu.vector_load %arg9[%get3A_78, %get3A_79] {strides = array<i32>} : memref<128x128xf32, #tpu.memory_space<vmem>>, vector<1x16xf32>,
        %get3A_81 = vector.shape_cast %get3A_80 : vector<1x16xf32> to vector<16xf32>
        %mul3A_82 = vector.broadcast %squeeze3A : f32 to vector<16xf32>
        %mul3A_83 = arith.mulf %get3A_81, %mul3A_82 : vector<16xf32>
        %swap3A_84 = arith.index_cast %add3A_67 : i32 to index
        %swap3A_85 = arith.constant 16 : index
        %swap3A_86 = tpu.vector_load %arg9[%swap3A_84, %swap3A_85] {strides = array<i32>} : memref<128x128xf32, #tpu.memory_space<vmem>>, vector<1x16xf32>,
        %swap3A_87 = vector.shape_cast %swap3A_86 : vector<1x16xf32> to vector<16xf32>
        %swap3A_88 = vector.shape_cast %mul3A_83 : vector<16xf32> to vector<1x16xf32>
        tpu.vector_store %arg9[%swap3A_84, %swap3A_85], %swap3A_88 {strides = array<i32>} : memref<128x128xf32, #tpu.memory_space<vmem>>, vector<1x16xf32>,
        %get3A_89 = arith.index_cast %add3A_67 : i32 to index
        %get3A_90 = arith.constant 32 : index
        %get3A_91 = tpu.vector_load %arg9[%get3A_89, %get3A_90] {strides = array<i32>} : memref<128x128xf32, #tpu.memory_space<vmem>>, vector<1x16xf32>,
        %get3A_92 = vector.shape_cast %get3A_91 : vector<1x16xf32> to vector<16xf32>
        %mul3A_93 = vector.broadcast %squeeze3A : f32 to vector<16xf32>
        %mul3A_94 = arith.mulf %get3A_92, %mul3A_93 : vector<16xf32>
        %swap3A_95 = arith.index_cast %add3A_67 : i32 to index
        %swap3A_96 = arith.constant 32 : index
        %swap3A_97 = tpu.vector_load %arg9[%swap3A_95, %swap3A_96] {strides = array<i32>} : memref<128x128xf32, #tpu.memory_space<vmem>>, vector<1x16xf32>,
        %swap3A_98 = vector.shape_cast %swap3A_97 : vector<1x16xf32> to vector<16xf32>
        %swap3A_99 = vector.shape_cast %mul3A_94 : vector<16xf32> to vector<1x16xf32>
        tpu.vector_store %arg9[%swap3A_95, %swap3A_96], %swap3A_99 {strides = array<i32>} : memref<128x128xf32, #tpu.memory_space<vmem>>, vector<1x16xf32>,
        %get3A_100 = arith.index_cast %add3A_67 : i32 to index
        %get3A_101 = arith.constant 48 : index
        %get3A_102 = tpu.vector_load %arg9[%get3A_100, %get3A_101] {strides = array<i32>} : memref<128x128xf32, #tpu.memory_space<vmem>>, vector<1x16xf32>,
        %get3A_103 = vector.shape_cast %get3A_102 : vector<1x16xf32> to vector<16xf32>
        %mul3A_104 = vector.broadcast %squeeze3A : f32 to vector<16xf32>
        %mul3A_105 = arith.mulf %get3A_103, %mul3A_104 : vector<16xf32>
        %swap3A_106 = arith.index_cast %add3A_67 : i32 to index
        %swap3A_107 = arith.constant 48 : index
        %swap3A_108 = tpu.vector_load %arg9[%swap3A_106, %swap3A_107] {strides = array<i32>} : memref<128x128xf32, #tpu.memory_space<vmem>>, vector<1x16xf32>,
        %swap3A_109 = vector.shape_cast %swap3A_108 : vector<1x16xf32> to vector<16xf32>
        %swap3A_110 = vector.shape_cast %mul3A_105 : vector<16xf32> to vector<1x16xf32>
        tpu.vector_store %arg9[%swap3A_106, %swap3A_107], %swap3A_110 {strides = array<i32>} : memref<128x128xf32, #tpu.memory_space<vmem>>, vector<1x16xf32>,
        %get3A_111 = arith.index_cast %add3A_67 : i32 to index
        %get3A_112 = arith.constant 64 : index
        %get3A_113 = tpu.vector_load %arg9[%get3A_111, %get3A_112] {strides = array<i32>} : memref<128x128xf32, #tpu.memory_space<vmem>>, vector<1x16xf32>,
        %get3A_114 = vector.shape_cast %get3A_113 : vector<1x16xf32> to vector<16xf32>
        %mul3A_115 = vector.broadcast %squeeze3A : f32 to vector<16xf32>
        %mul3A_116 = arith.mulf %get3A_114, %mul3A_115 : vector<16xf32>
        %swap3A_117 = arith.index_cast %add3A_67 : i32 to index
        %swap3A_118 = arith.constant 64 : index
        %swap3A_119 = tpu.vector_load %arg9[%swap3A_117, %swap3A_118] {strides = array<i32>} : memref<128x128xf32, #tpu.memory_space<vmem>>, vector<1x16xf32>,
        %swap3A_120 = vector.shape_cast %swap3A_119 : vector<1x16xf32> to vector<16xf32>
        %swap3A_121 = vector.shape_cast %mul3A_116 : vector<16xf32> to vector<1x16xf32>
        tpu.vector_store %arg9[%swap3A_117, %swap3A_118], %swap3A_121 {strides = array<i32>} : memref<128x128xf32, #tpu.memory_space<vmem>>, vector<1x16xf32>,
        %get3A_122 = arith.index_cast %add3A_67 : i32 to index
        %get3A_123 = arith.constant 80 : index
        %get3A_124 = tpu.vector_load %arg9[%get3A_122, %get3A_123] {strides = array<i32>} : memref<128x128xf32, #tpu.memory_space<vmem>>, vector<1x16xf32>,
        %get3A_125 = vector.shape_cast %get3A_124 : vector<1x16xf32> to vector<16xf32>
        %mul3A_126 = vector.broadcast %squeeze3A : f32 to vector<16xf32>
        %mul3A_127 = arith.mulf %get3A_125, %mul3A_126 : vector<16xf32>
        %swap3A_128 = arith.index_cast %add3A_67 : i32 to index
        %swap3A_129 = arith.constant 80 : index
        %swap3A_130 = tpu.vector_load %arg9[%swap3A_128, %swap3A_129] {strides = array<i32>} : memref<128x128xf32, #tpu.memory_space<vmem>>, vector<1x16xf32>,
        %swap3A_131 = vector.shape_cast %swap3A_130 : vector<1x16xf32> to vector<16xf32>
        %swap3A_132 = vector.shape_cast %mul3A_127 : vector<16xf32> to vector<1x16xf32>
        tpu.vector_store %arg9[%swap3A_128, %swap3A_129], %swap3A_132 {strides = array<i32>} : memref<128x128xf32, #tpu.memory_space<vmem>>, vector<1x16xf32>,
        %get3A_133 = arith.index_cast %add3A_67 : i32 to index
        %get3A_134 = arith.constant 96 : index
        %get3A_135 = tpu.vector_load %arg9[%get3A_133, %get3A_134] {strides = array<i32>} : memref<128x128xf32, #tpu.memory_space<vmem>>, vector<1x16xf32>,
        %get3A_136 = vector.shape_cast %get3A_135 : vector<1x16xf32> to vector<16xf32>
        %mul3A_137 = vector.broadcast %squeeze3A : f32 to vector<16xf32>
        %mul3A_138 = arith.mulf %get3A_136, %mul3A_137 : vector<16xf32>
        %swap3A_139 = arith.index_cast %add3A_67 : i32 to index
        %swap3A_140 = arith.constant 96 : index
        %swap3A_141 = tpu.vector_load %arg9[%swap3A_139, %swap3A_140] {strides = array<i32>} : memref<128x128xf32, #tpu.memory_space<vmem>>, vector<1x16xf32>,
        %swap3A_142 = vector.shape_cast %swap3A_141 : vector<1x16xf32> to vector<16xf32>
        %swap3A_143 = vector.shape_cast %mul3A_138 : vector<16xf32> to vector<1x16xf32>
        tpu.vector_store %arg9[%swap3A_139, %swap3A_140], %swap3A_143 {strides = array<i32>} : memref<128x128xf32, #tpu.memory_space<vmem>>, vector<1x16xf32>,
        %get3A_144 = arith.index_cast %add3A_67 : i32 to index
        %get3A_145 = arith.constant 112 : index
        %get3A_146 = tpu.vector_load %arg9[%get3A_144, %get3A_145] {strides = array<i32>} : memref<128x128xf32, #tpu.memory_space<vmem>>, vector<1x16xf32>,
        %get3A_147 = vector.shape_cast %get3A_146 : vector<1x16xf32> to vector<16xf32>
        %mul3A_148 = vector.broadcast %squeeze3A : f32 to vector<16xf32>
        %mul3A_149 = arith.mulf %get3A_147, %mul3A_148 : vector<16xf32>
        %swap3A_150 = arith.index_cast %add3A_67 : i32 to index
        %swap3A_151 = arith.constant 112 : index
        %swap3A_152 = tpu.vector_load %arg9[%swap3A_150, %swap3A_151] {strides = array<i32>} : memref<128x128xf32, #tpu.memory_space<vmem>>, vector<1x16xf32>,
        %swap3A_153 = vector.shape_cast %swap3A_152 : vector<1x16xf32> to vector<16xf32>
        %swap3A_154 = vector.shape_cast %mul3A_149 : vector<16xf32> to vector<1x16xf32>
        tpu.vector_store %arg9[%swap3A_150, %swap3A_151], %swap3A_154 {strides = array<i32>} : memref<128x128xf32, #tpu.memory_space<vmem>>, vector<1x16xf32>,
        %slice3A_155 = vector.extract_strided_slice %bitcast_convert_type3A {offsets = [1], sizes = [1], strides = [1]} : vector<16xf32> to vector<1xf32>
        %squeeze3A_156 = vector.extract %slice3A_155[0] : f32 from vector<1xf32>
        %add3A_157 = arith.constant 1 : i32
        %add3A_158 = arith.addi %mul3A_65, %add3A_157 : i32
        %get3A_159 = arith.index_cast %add3A_158 : i32 to index
        %get3A_160 = arith.constant 0 : index
        %get3A_161 = tpu.vector_load %arg9[%get3A_159, %get3A_160] {strides = array<i32>} : memref<128x128xf32, #tpu.memory_space<vmem>>, vector<1x16xf32>,
        %get3A_162 = vector.shape_cast %get3A_161 : vector<1x16xf32> to vector<16xf32>
        %mul3A_163 = vector.broadcast %squeeze3A_156 : f32 to vector<16xf32>
        %mul3A_164 = arith.mulf %get3A_162, %mul3A_163 : vector<16xf32>
        %swap3A_165 = arith.index_cast %add3A_158 : i32 to index
        %swap3A_166 = arith.constant 0 : index
        %swap3A_167 = tpu.vector_load %arg9[%swap3A_165, %swap3A_166] {strides = array<i32>} : memref<128x128xf32, #tpu.memory_space<vmem>>, vector<1x16xf32>,
        %swap3A_168 = vector.shape_cast %swap3A_167 : vector<1x16xf32> to vector<16xf32>
        %swap3A_169 = vector.shape_cast %mul3A_164 : vector<16xf32> to vector<1x16xf32>
        tpu.vector_store %arg9[%swap3A_165, %swap3A_166], %swap3A_169 {strides = array<i32>} : memref<128x128xf32, #tpu.memory_space<vmem>>, vector<1x16xf32>,
        %get3A_170 = arith.index_cast %add3A_158 : i32 to index
        %get3A_171 = arith.constant 16 : index
        %get3A_172 = tpu.vector_load %arg9[%get3A_170, %get3A_171] {strides = array<i32>} : memref<128x128xf32, #tpu.memory_space<vmem>>, vector<1x16xf32>,
        %get3A_173 = vector.shape_cast %get3A_172 : vector<1x16xf32> to vector<16xf32>
        %mul3A_174 = vector.broadcast %squeeze3A_156 : f32 to vector<16xf32>
        %mul3A_175 = arith.mulf %get3A_173, %mul3A_174 : vector<16xf32>
        %swap3A_176 = arith.index_cast %add3A_158 : i32 to index
        %swap3A_177 = arith.constant 16 : index
        %swap3A_178 = tpu.vector_load %arg9[%swap3A_176, %swap3A_177] {strides = array<i32>} : memref<128x128xf32, #tpu.memory_space<vmem>>, vector<1x16xf32>,
        %swap3A_179 = vector.shape_cast %swap3A_178 : vector<1x16xf32> to vector<16xf32>
        %swap3A_180 = vector.shape_cast %mul3A_175 : vector<16xf32> to vector<1x16xf32>
        tpu.vector_store %arg9[%swap3A_176, %swap3A_177], %swap3A_180 {strides = array<i32>} : memref<128x128xf32, #tpu.memory_space<vmem>>, vector<1x16xf32>,
        %get3A_181 = arith.index_cast %add3A_158 : i32 to index
        %get3A_182 = arith.constant 32 : index
        %get3A_183 = tpu.vector_load %arg9[%get3A_181, %get3A_182] {strides = array<i32>} : memref<128x128xf32, #tpu.memory_space<vmem>>, vector<1x16xf32>,
        %get3A_184 = vector.shape_cast %get3A_183 : vector<1x16xf32> to vector<16xf32>
        %mul3A_185 = vector.broadcast %squeeze3A_156 : f32 to vector<16xf32>
        %mul3A_186 = arith.mulf %get3A_184, %mul3A_185 : vector<16xf32>
        %swap3A_187 = arith.index_cast %add3A_158 : i32 to index
        %swap3A_188 = arith.constant 32 : index
        %swap3A_189 = tpu.vector_load %arg9[%swap3A_187, %swap3A_188] {strides = array<i32>} : memref<128x128xf32, #tpu.memory_space<vmem>>, vector<1x16xf32>,
        %swap3A_190 = vector.shape_cast %swap3A_189 : vector<1x16xf32> to vector<16xf32>
        %swap3A_191 = vector.shape_cast %mul3A_186 : vector<16xf32> to vector<1x16xf32>
        tpu.vector_store %arg9[%swap3A_187, %swap3A_188], %swap3A_191 {strides = array<i32>} : memref<128x128xf32, #tpu.memory_space<vmem>>, vector<1x16xf32>,
        %get3A_192 = arith.index_cast %add3A_158 : i32 to index
        %get3A_193 = arith.constant 48 : index
        %get3A_194 = tpu.vector_load %arg9[%get3A_192, %get3A_193] {strides = array<i32>} : memref<128x128xf32, #tpu.memory_space<vmem>>, vector<1x16xf32>,
        %get3A_195 = vector.shape_cast %get3A_194 : vector<1x16xf32> to vector<16xf32>
        %mul3A_196 = vector.broadcast %squeeze3A_156 : f32 to vector<16xf32>
        %mul3A_197 = arith.mulf %get3A_195, %mul3A_196 : vector<16xf32>
        %swap3A_198 = arith.index_cast %add3A_158 : i32 to index
        %swap3A_199 = arith.constant 48 : index
        %swap3A_200 = tpu.vector_load %arg9[%swap3A_198, %swap3A_199] {strides = array<i32>} : memref<128x128xf32, #tpu.memory_space<vmem>>, vector<1x16xf32>,
        %swap3A_201 = vector.shape_cast %swap3A_200 : vector<1x16xf32> to vector<16xf32>
        %swap3A_202 = vector.shape_cast %mul3A_197 : vector<16xf32> to vector<1x16xf32>
        tpu.vector_store %arg9[%swap3A_198, %swap3A_199], %swap3A_202 {strides = array<i32>} : memref<128x128xf32, #tpu.memory_space<vmem>>, vector<1x16xf32>,
        %get3A_203 = arith.index_cast %add3A_158 : i32 to index
        %get3A_204 = arith.constant 64 : index
        %get3A_205 = tpu.vector_load %arg9[%get3A_203, %get3A_204] {strides = array<i32>} : memref<128x128xf32, #tpu.memory_space<vmem>>, vector<1x16xf32>,
        %get3A_206 = vector.shape_cast %get3A_205 : vector<1x16xf32> to vector<16xf32>
        %mul3A_207 = vector.broadcast %squeeze3A_156 : f32 to vector<16xf32>
        %mul3A_208 = arith.mulf %get3A_206, %mul3A_207 : vector<16xf32>
        %swap3A_209 = arith.index_cast %add3A_158 : i32 to index
        %swap3A_210 = arith.constant 64 : index
        %swap3A_211 = tpu.vector_load %arg9[%swap3A_209, %swap3A_210] {strides = array<i32>} : memref<128x128xf32, #tpu.memory_space<vmem>>, vector<1x16xf32>,
        %swap3A_212 = vector.shape_cast %swap3A_211 : vector<1x16xf32> to vector<16xf32>
        %swap3A_213 = vector.shape_cast %mul3A_208 : vector<16xf32> to vector<1x16xf32>
        tpu.vector_store %arg9[%swap3A_209, %swap3A_210], %swap3A_213 {strides = array<i32>} : memref<128x128xf32, #tpu.memory_space<vmem>>, vector<1x16xf32>,
        %get3A_214 = arith.index_cast %add3A_158 : i32 to index
        %get3A_215 = arith.constant 80 : index
        %get3A_216 = tpu.vector_load %arg9[%get3A_214, %get3A_215] {strides = array<i32>} : memref<128x128xf32, #tpu.memory_space<vmem>>, vector<1x16xf32>,
        %get3A_217 = vector.shape_cast %get3A_216 : vector<1x16xf32> to vector<16xf32>
        %mul3A_218 = vector.broadcast %squeeze3A_156 : f32 to vector<16xf32>
        %mul3A_219 = arith.mulf %get3A_217, %mul3A_218 : vector<16xf32>
        %swap3A_220 = arith.index_cast %add3A_158 : i32 to index
        %swap3A_221 = arith.constant 80 : index
        %swap3A_222 = tpu.vector_load %arg9[%swap3A_220, %swap3A_221] {strides = array<i32>} : memref<128x128xf32, #tpu.memory_space<vmem>>, vector<1x16xf32>,
        %swap3A_223 = vector.shape_cast %swap3A_222 : vector<1x16xf32> to vector<16xf32>
        %swap3A_224 = vector.shape_cast %mul3A_219 : vector<16xf32> to vector<1x16xf32>
        tpu.vector_store %arg9[%swap3A_220, %swap3A_221], %swap3A_224 {strides = array<i32>} : memref<128x128xf32, #tpu.memory_space<vmem>>, vector<1x16xf32>,
        %get3A_225 = arith.index_cast %add3A_158 : i32 to index
        %get3A_226 = arith.constant 96 : index
        %get3A_227 = tpu.vector_load %arg9[%get3A_225, %get3A_226] {strides = array<i32>} : memref<128x128xf32, #tpu.memory_space<vmem>>, vector<1x16xf32>,
        %get3A_228 = vector.shape_cast %get3A_227 : vector<1x16xf32> to vector<16xf32>
        %mul3A_229 = vector.broadcast %squeeze3A_156 : f32 to vector<16xf32>
        %mul3A_230 = arith.mulf %get3A_228, %mul3A_229 : vector<16xf32>
        %swap3A_231 = arith.index_cast %add3A_158 : i32 to index
        %swap3A_232 = arith.constant 96 : index
        %swap3A_233 = tpu.vector_load %arg9[%swap3A_231, %swap3A_232] {strides = array<i32>} : memref<128x128xf32, #tpu.memory_space<vmem>>, vector<1x16xf32>,
        %swap3A_234 = vector.shape_cast %swap3A_233 : vector<1x16xf32> to vector<16xf32>
        %swap3A_235 = vector.shape_cast %mul3A_230 : vector<16xf32> to vector<1x16xf32>
        tpu.vector_store %arg9[%swap3A_231, %swap3A_232], %swap3A_235 {strides = array<i32>} : memref<128x128xf32, #tpu.memory_space<vmem>>, vector<1x16xf32>,
        %get3A_236 = arith.index_cast %add3A_158 : i32 to index
        %get3A_237 = arith.constant 112 : index
        %get3A_238 = tpu.vector_load %arg9[%get3A_236, %get3A_237] {strides = array<i32>} : memref<128x128xf32, #tpu.memory_space<vmem>>, vector<1x16xf32>,
        %get3A_239 = vector.shape_cast %get3A_238 : vector<1x16xf32> to vector<16xf32>
        %mul3A_240 = vector.broadcast %squeeze3A_156 : f32 to vector<16xf32>
        %mul3A_241 = arith.mulf %get3A_239, %mul3A_240 : vector<16xf32>
        %swap3A_242 = arith.index_cast %add3A_158 : i32 to index
        %swap3A_243 = arith.constant 112 : index
        %swap3A_244 = tpu.vector_load %arg9[%swap3A_242, %swap3A_243] {strides = array<i32>} : memref<128x128xf32, #tpu.memory_space<vmem>>, vector<1x16xf32>,
        %swap3A_245 = vector.shape_cast %swap3A_244 : vector<1x16xf32> to vector<16xf32>
        %swap3A_246 = vector.shape_cast %mul3A_241 : vector<16xf32> to vector<1x16xf32>
        tpu.vector_store %arg9[%swap3A_242, %swap3A_243], %swap3A_246 {strides = array<i32>} : memref<128x128xf32, #tpu.memory_space<vmem>>, vector<1x16xf32>,
        %slice3A_247 = vector.extract_strided_slice %bitcast_convert_type3A {offsets = [2], sizes = [1], strides = [1]} : vector<16xf32> to vector<1xf32>
        %squeeze3A_248 = vector.extract %slice3A_247[0] : f32 from vector<1xf32>
        %add3A_249 = arith.constant 2 : i32
        %add3A_250 = arith.addi %mul3A_65, %add3A_249 : i32
        %get3A_251 = arith.index_cast %add3A_250 : i32 to index
        %get3A_252 = arith.constant 0 : index
        %get3A_253 = tpu.vector_load %arg9[%get3A_251, %get3A_252] {strides = array<i32>} : memref<128x128xf32, #tpu.memory_space<vmem>>, vector<1x16xf32>,
        %get3A_254 = vector.shape_cast %get3A_253 : vector<1x16xf32> to vector<16xf32>
        %mul3A_255 = vector.broadcast %squeeze3A_248 : f32 to vector<16xf32>
        %mul3A_256 = arith.mulf %get3A_254, %mul3A_255 : vector<16xf32>
        %swap3A_257 = arith.index_cast %add3A_250 : i32 to index
        %swap3A_258 = arith.constant 0 : index
        %swap3A_259 = tpu.vector_load %arg9[%swap3A_257, %swap3A_258] {strides = array<i32>} : memref<128x128xf32, #tpu.memory_space<vmem>>, vector<1x16xf32>,
        %swap3A_260 = vector.shape_cast %swap3A_259 : vector<1x16xf32> to vector<16xf32>
        %swap3A_261 = vector.shape_cast %mul3A_256 : vector<16xf32> to vector<1x16xf32>
        tpu.vector_store %arg9[%swap3A_257, %swap3A_258], %swap3A_261 {strides = array<i32>} : memref<128x128xf32, #tpu.memory_space<vmem>>, vector<1x16xf32>,
        %get3A_262 = arith.index_cast %add3A_250 : i32 to index
        %get3A_263 = arith.constant 16 : index
        %get3A_264 = tpu.vector_load %arg9[%get3A_262, %get3A_263] {strides = array<i32>} : memref<128x128xf32, #tpu.memory_space<vmem>>, vector<1x16xf32>,
        %get3A_265 = vector.shape_cast %get3A_264 : vector<1x16xf32> to vector<16xf32>
        %mul3A_266 = vector.broadcast %squeeze3A_248 : f32 to vector<16xf32>
        %mul3A_267 = arith.mulf %get3A_265, %mul3A_266 : vector<16xf32>
        %swap3A_268 = arith.index_cast %add3A_250 : i32 to index
        %swap3A_269 = arith.constant 16 : index
        %swap3A_270 = tpu.vector_load %arg9[%swap3A_268, %swap3A_269] {strides = array<i32>} : memref<128x128xf32, #tpu.memory_space<vmem>>, vector<1x16xf32>,
        %swap3A_271 = vector.shape_cast %swap3A_270 : vector<1x16xf32> to vector<16xf32>
        %swap3A_272 = vector.shape_cast %mul3A_267 : vector<16xf32> to vector<1x16xf32>
        tpu.vector_store %arg9[%swap3A_268, %swap3A_269], %swap3A_272 {strides = array<i32>} : memref<128x128xf32, #tpu.memory_space<vmem>>, vector<1x16xf32>,
        %get3A_273 = arith.index_cast %add3A_250 : i32 to index
        %get3A_274 = arith.constant 32 : index
        %get3A_275 = tpu.vector_load %arg9[%get3A_273, %get3A_274] {strides = array<i32>} : memref<128x128xf32, #tpu.memory_space<vmem>>, vector<1x16xf32>,
        %get3A_276 = vector.shape_cast %get3A_275 : vector<1x16xf32> to vector<16xf32>
        %mul3A_277 = vector.broadcast %squeeze3A_248 : f32 to vector<16xf32>
        %mul3A_278 = arith.mulf %get3A_276, %mul3A_277 : vector<16xf32>
        %swap3A_279 = arith.index_cast %add3A_250 : i32 to index
        %swap3A_280 = arith.constant 32 : index
        %swap3A_281 = tpu.vector_load %arg9[%swap3A_279, %swap3A_280] {strides = array<i32>} : memref<128x128xf32, #tpu.memory_space<vmem>>, vector<1x16xf32>,
        %swap3A_282 = vector.shape_cast %swap3A_281 : vector<1x16xf32> to vector<16xf32>
        %swap3A_283 = vector.shape_cast %mul3A_278 : vector<16xf32> to vector<1x16xf32>
        tpu.vector_store %arg9[%swap3A_279, %swap3A_280], %swap3A_283 {strides = array<i32>} : memref<128x128xf32, #tpu.memory_space<vmem>>, vector<1x16xf32>,
        %get3A_284 = arith.index_cast %add3A_250 : i32 to index
        %get3A_285 = arith.constant 48 : index
        %get3A_286 = tpu.vector_load %arg9[%get3A_284, %get3A_285] {strides = array<i32>} : memref<128x128xf32, #tpu.memory_space<vmem>>, vector<1x16xf32>,
        %get3A_287 = vector.shape_cast %get3A_286 : vector<1x16xf32> to vector<16xf32>
        %mul3A_288 = vector.broadcast %squeeze3A_248 : f32 to vector<16xf32>
        %mul3A_289 = arith.mulf %get3A_287, %mul3A_288 : vector<16xf32>
        %swap3A_290 = arith.index_cast %add3A_250 : i32 to index
        %swap3A_291 = arith.constant 48 : index
        %swap3A_292 = tpu.vector_load %arg9[%swap3A_290, %swap3A_291] {strides = array<i32>} : memref<128x128xf32, #tpu.memory_space<vmem>>, vector<1x16xf32>,
        %swap3A_293 = vector.shape_cast %swap3A_292 : vector<1x16xf32> to vector<16xf32>
        %swap3A_294 = vector.shape_cast %mul3A_289 : vector<16xf32> to vector<1x16xf32>
        tpu.vector_store %arg9[%swap3A_290, %swap3A_291], %swap3A_294 {strides = array<i32>} : memref<128x128xf32, #tpu.memory_space<vmem>>, vector<1x16xf32>,
        %get3A_295 = arith.index_cast %add3A_250 : i32 to index
        %get3A_296 = arith.constant 64 : index
        %get3A_297 = tpu.vector_load %arg9[%get3A_295, %get3A_296] {strides = array<i32>} : memref<128x128xf32, #tpu.memory_space<vmem>>, vector<1x16xf32>,
        %get3A_298 = vector.shape_cast %get3A_297 : vector<1x16xf32> to vector<16xf32>
        %mul3A_299 = vector.broadcast %squeeze3A_248 : f32 to vector<16xf32>
        %mul3A_300 = arith.mulf %get3A_298, %mul3A_299 : vector<16xf32>
        %swap3A_301 = arith.index_cast %add3A_250 : i32 to index
        %swap3A_302 = arith.constant 64 : index
        %swap3A_303 = tpu.vector_load %arg9[%swap3A_301, %swap3A_302] {strides = array<i32>} : memref<128x128xf32, #tpu.memory_space<vmem>>, vector<1x16xf32>,
        %swap3A_304 = vector.shape_cast %swap3A_303 : vector<1x16xf32> to vector<16xf32>
        %swap3A_305 = vector.shape_cast %mul3A_300 : vector<16xf32> to vector<1x16xf32>
        tpu.vector_store %arg9[%swap3A_301, %swap3A_302], %swap3A_305 {strides = array<i32>} : memref<128x128xf32, #tpu.memory_space<vmem>>, vector<1x16xf32>,
        %get3A_306 = arith.index_cast %add3A_250 : i32 to index
        %get3A_307 = arith.constant 80 : index
        %get3A_308 = tpu.vector_load %arg9[%get3A_306, %get3A_307] {strides = array<i32>} : memref<128x128xf32, #tpu.memory_space<vmem>>, vector<1x16xf32>,
        %get3A_309 = vector.shape_cast %get3A_308 : vector<1x16xf32> to vector<16xf32>
        %mul3A_310 = vector.broadcast %squeeze3A_248 : f32 to vector<16xf32>
        %mul3A_311 = arith.mulf %get3A_309, %mul3A_310 : vector<16xf32>
        %swap3A_312 = arith.index_cast %add3A_250 : i32 to index
        %swap3A_313 = arith.constant 80 : index
        %swap3A_314 = tpu.vector_load %arg9[%swap3A_312, %swap3A_313] {strides = array<i32>} : memref<128x128xf32, #tpu.memory_space<vmem>>, vector<1x16xf32>,
        %swap3A_315 = vector.shape_cast %swap3A_314 : vector<1x16xf32> to vector<16xf32>
        %swap3A_316 = vector.shape_cast %mul3A_311 : vector<16xf32> to vector<1x16xf32>
        tpu.vector_store %arg9[%swap3A_312, %swap3A_313], %swap3A_316 {strides = array<i32>} : memref<128x128xf32, #tpu.memory_space<vmem>>, vector<1x16xf32>,
        %get3A_317 = arith.index_cast %add3A_250 : i32 to index
        %get3A_318 = arith.constant 96 : index
        %get3A_319 = tpu.vector_load %arg9[%get3A_317, %get3A_318] {strides = array<i32>} : memref<128x128xf32, #tpu.memory_space<vmem>>, vector<1x16xf32>,
        %get3A_320 = vector.shape_cast %get3A_319 : vector<1x16xf32> to vector<16xf32>
        %mul3A_321 = vector.broadcast %squeeze3A_248 : f32 to vector<16xf32>
        %mul3A_322 = arith.mulf %get3A_320, %mul3A_321 : vector<16xf32>
        %swap3A_323 = arith.index_cast %add3A_250 : i32 to index
        %swap3A_324 = arith.constant 96 : index
        %swap3A_325 = tpu.vector_load %arg9[%swap3A_323, %swap3A_324] {strides = array<i32>} : memref<128x128xf32, #tpu.memory_space<vmem>>, vector<1x16xf32>,
        %swap3A_326 = vector.shape_cast %swap3A_325 : vector<1x16xf32> to vector<16xf32>
        %swap3A_327 = vector.shape_cast %mul3A_322 : vector<16xf32> to vector<1x16xf32>
        tpu.vector_store %arg9[%swap3A_323, %swap3A_324], %swap3A_327 {strides = array<i32>} : memref<128x128xf32, #tpu.memory_space<vmem>>, vector<1x16xf32>,
        %get3A_328 = arith.index_cast %add3A_250 : i32 to index
        %get3A_329 = arith.constant 112 : index
        %get3A_330 = tpu.vector_load %arg9[%get3A_328, %get3A_329] {strides = array<i32>} : memref<128x128xf32, #tpu.memory_space<vmem>>, vector<1x16xf32>,
        %get3A_331 = vector.shape_cast %get3A_330 : vector<1x16xf32> to vector<16xf32>
        %mul3A_332 = vector.broadcast %squeeze3A_248 : f32 to vector<16xf32>
        %mul3A_333 = arith.mulf %get3A_331, %mul3A_332 : vector<16xf32>
        %swap3A_334 = arith.index_cast %add3A_250 : i32 to index
        %swap3A_335 = arith.constant 112 : index
        %swap3A_336 = tpu.vector_load %arg9[%swap3A_334, %swap3A_335] {strides = array<i32>} : memref<128x128xf32, #tpu.memory_space<vmem>>, vector<1x16xf32>,
        %swap3A_337 = vector.shape_cast %swap3A_336 : vector<1x16xf32> to vector<16xf32>
        %swap3A_338 = vector.shape_cast %mul3A_333 : vector<16xf32> to vector<1x16xf32>
        tpu.vector_store %arg9[%swap3A_334, %swap3A_335], %swap3A_338 {strides = array<i32>} : memref<128x128xf32, #tpu.memory_space<vmem>>, vector<1x16xf32>,
        %slice3A_339 = vector.extract_strided_slice %bitcast_convert_type3A {offsets = [3], sizes = [1], strides = [1]} : vector<16xf32> to vector<1xf32>
        %squeeze3A_340 = vector.extract %slice3A_339[0] : f32 from vector<1xf32>
        %add3A_341 = arith.constant 3 : i32
        %add3A_342 = arith.addi %mul3A_65, %add3A_341 : i32
        %get3A_343 = arith.index_cast %add3A_342 : i32 to index
        %get3A_344 = arith.constant 0 : index
        %get3A_345 = tpu.vector_load %arg9[%get3A_343, %get3A_344] {strides = array<i32>} : memref<128x128xf32, #tpu.memory_space<vmem>>, vector<1x16xf32>,
        %get3A_346 = vector.shape_cast %get3A_345 : vector<1x16xf32> to vector<16xf32>
        %mul3A_347 = vector.broadcast %squeeze3A_340 : f32 to vector<16xf32>
        %mul3A_348 = arith.mulf %get3A_346, %mul3A_347 : vector<16xf32>
        %swap3A_349 = arith.index_cast %add3A_342 : i32 to index
        %swap3A_350 = arith.constant 0 : index
        %swap3A_351 = tpu.vector_load %arg9[%swap3A_349, %swap3A_350] {strides = array<i32>} : memref<128x128xf32, #tpu.memory_space<vmem>>, vector<1x16xf32>,
        %swap3A_352 = vector.shape_cast %swap3A_351 : vector<1x16xf32> to vector<16xf32>
        %swap3A_353 = vector.shape_cast %mul3A_348 : vector<16xf32> to vector<1x16xf32>
        tpu.vector_store %arg9[%swap3A_349, %swap3A_350], %swap3A_353 {strides = array<i32>} : memref<128x128xf32, #tpu.memory_space<vmem>>, vector<1x16xf32>,
        %get3A_354 = arith.index_cast %add3A_342 : i32 to index
        %get3A_355 = arith.constant 16 : index
        %get3A_356 = tpu.vector_load %arg9[%get3A_354, %get3A_355] {strides = array<i32>} : memref<128x128xf32, #tpu.memory_space<vmem>>, vector<1x16xf32>,
        %get3A_357 = vector.shape_cast %get3A_356 : vector<1x16xf32> to vector<16xf32>
        %mul3A_358 = vector.broadcast %squeeze3A_340 : f32 to vector<16xf32>
        %mul3A_359 = arith.mulf %get3A_357, %mul3A_358 : vector<16xf32>
        %swap3A_360 = arith.index_cast %add3A_342 : i32 to index
        %swap3A_361 = arith.constant 16 : index
        %swap3A_362 = tpu.vector_load %arg9[%swap3A_360, %swap3A_361] {strides = array<i32>} : memref<128x128xf32, #tpu.memory_space<vmem>>, vector<1x16xf32>,
        %swap3A_363 = vector.shape_cast %swap3A_362 : vector<1x16xf32> to vector<16xf32>
        %swap3A_364 = vector.shape_cast %mul3A_359 : vector<16xf32> to vector<1x16xf32>
        tpu.vector_store %arg9[%swap3A_360, %swap3A_361], %swap3A_364 {strides = array<i32>} : memref<128x128xf32, #tpu.memory_space<vmem>>, vector<1x16xf32>,
        %get3A_365 = arith.index_cast %add3A_342 : i32 to index
        %get3A_366 = arith.constant 32 : index
        %get3A_367 = tpu.vector_load %arg9[%get3A_365, %get3A_366] {strides = array<i32>} : memref<128x128xf32, #tpu.memory_space<vmem>>, vector<1x16xf32>,
        %get3A_368 = vector.shape_cast %get3A_367 : vector<1x16xf32> to vector<16xf32>
        %mul3A_369 = vector.broadcast %squeeze3A_340 : f32 to vector<16xf32>
        %mul3A_370 = arith.mulf %get3A_368, %mul3A_369 : vector<16xf32>
        %swap3A_371 = arith.index_cast %add3A_342 : i32 to index
        %swap3A_372 = arith.constant 32 : index
        %swap3A_373 = tpu.vector_load %arg9[%swap3A_371, %swap3A_372] {strides = array<i32>} : memref<128x128xf32, #tpu.memory_space<vmem>>, vector<1x16xf32>,
        %swap3A_374 = vector.shape_cast %swap3A_373 : vector<1x16xf32> to vector<16xf32>
        %swap3A_375 = vector.shape_cast %mul3A_370 : vector<16xf32> to vector<1x16xf32>
        tpu.vector_store %arg9[%swap3A_371, %swap3A_372], %swap3A_375 {strides = array<i32>} : memref<128x128xf32, #tpu.memory_space<vmem>>, vector<1x16xf32>,
        %get3A_376 = arith.index_cast %add3A_342 : i32 to index
        %get3A_377 = arith.constant 48 : index
        %get3A_378 = tpu.vector_load %arg9[%get3A_376, %get3A_377] {strides = array<i32>} : memref<128x128xf32, #tpu.memory_space<vmem>>, vector<1x16xf32>,
        %get3A_379 = vector.shape_cast %get3A_378 : vector<1x16xf32> to vector<16xf32>
        %mul3A_380 = vector.broadcast %squeeze3A_340 : f32 to vector<16xf32>
        %mul3A_381 = arith.mulf %get3A_379, %mul3A_380 : vector<16xf32>
        %swap3A_382 = arith.index_cast %add3A_342 : i32 to index
        %swap3A_383 = arith.constant 48 : index
        %swap3A_384 = tpu.vector_load %arg9[%swap3A_382, %swap3A_383] {strides = array<i32>} : memref<128x128xf32, #tpu.memory_space<vmem>>, vector<1x16xf32>,
        %swap3A_385 = vector.shape_cast %swap3A_384 : vector<1x16xf32> to vector<16xf32>
        %swap3A_386 = vector.shape_cast %mul3A_381 : vector<16xf32> to vector<1x16xf32>
        tpu.vector_store %arg9[%swap3A_382, %swap3A_383], %swap3A_386 {strides = array<i32>} : memref<128x128xf32, #tpu.memory_space<vmem>>, vector<1x16xf32>,
        %get3A_387 = arith.index_cast %add3A_342 : i32 to index
        %get3A_388 = arith.constant 64 : index
        %get3A_389 = tpu.vector_load %arg9[%get3A_387, %get3A_388] {strides = array<i32>} : memref<128x128xf32, #tpu.memory_space<vmem>>, vector<1x16xf32>,
        %get3A_390 = vector.shape_cast %get3A_389 : vector<1x16xf32> to vector<16xf32>
        %mul3A_391 = vector.broadcast %squeeze3A_340 : f32 to vector<16xf32>
        %mul3A_392 = arith.mulf %get3A_390, %mul3A_391 : vector<16xf32>
        %swap3A_393 = arith.index_cast %add3A_342 : i32 to index
        %swap3A_394 = arith.constant 64 : index
        %swap3A_395 = tpu.vector_load %arg9[%swap3A_393, %swap3A_394] {strides = array<i32>} : memref<128x128xf32, #tpu.memory_space<vmem>>, vector<1x16xf32>,
        %swap3A_396 = vector.shape_cast %swap3A_395 : vector<1x16xf32> to vector<16xf32>
        %swap3A_397 = vector.shape_cast %mul3A_392 : vector<16xf32> to vector<1x16xf32>
        tpu.vector_store %arg9[%swap3A_393, %swap3A_394], %swap3A_397 {strides = array<i32>} : memref<128x128xf32, #tpu.memory_space<vmem>>, vector<1x16xf32>,
        %get3A_398 = arith.index_cast %add3A_342 : i32 to index
        %get3A_399 = arith.constant 80 : index
        %get3A_400 = tpu.vector_load %arg9[%get3A_398, %get3A_399] {strides = array<i32>} : memref<128x128xf32, #tpu.memory_space<vmem>>, vector<1x16xf32>,
        %get3A_401 = vector.shape_cast %get3A_400 : vector<1x16xf32> to vector<16xf32>
        %mul3A_402 = vector.broadcast %squeeze3A_340 : f32 to vector<16xf32>
        %mul3A_403 = arith.mulf %get3A_401, %mul3A_402 : vector<16xf32>
        %swap3A_404 = arith.index_cast %add3A_342 : i32 to index
        %swap3A_405 = arith.constant 80 : index
        %swap3A_406 = tpu.vector_load %arg9[%swap3A_404, %swap3A_405] {strides = array<i32>} : memref<128x128xf32, #tpu.memory_space<vmem>>, vector<1x16xf32>,
        %swap3A_407 = vector.shape_cast %swap3A_406 : vector<1x16xf32> to vector<16xf32>
        %swap3A_408 = vector.shape_cast %mul3A_403 : vector<16xf32> to vector<1x16xf32>
        tpu.vector_store %arg9[%swap3A_404, %swap3A_405], %swap3A_408 {strides = array<i32>} : memref<128x128xf32, #tpu.memory_space<vmem>>, vector<1x16xf32>,
        %get3A_409 = arith.index_cast %add3A_342 : i32 to index
        %get3A_410 = arith.constant 96 : index
        %get3A_411 = tpu.vector_load %arg9[%get3A_409, %get3A_410] {strides = array<i32>} : memref<128x128xf32, #tpu.memory_space<vmem>>, vector<1x16xf32>,
        %get3A_412 = vector.shape_cast %get3A_411 : vector<1x16xf32> to vector<16xf32>
        %mul3A_413 = vector.broadcast %squeeze3A_340 : f32 to vector<16xf32>
        %mul3A_414 = arith.mulf %get3A_412, %mul3A_413 : vector<16xf32>
        %swap3A_415 = arith.index_cast %add3A_342 : i32 to index
        %swap3A_416 = arith.constant 96 : index
        %swap3A_417 = tpu.vector_load %arg9[%swap3A_415, %swap3A_416] {strides = array<i32>} : memref<128x128xf32, #tpu.memory_space<vmem>>, vector<1x16xf32>,
        %swap3A_418 = vector.shape_cast %swap3A_417 : vector<1x16xf32> to vector<16xf32>
        %swap3A_419 = vector.shape_cast %mul3A_414 : vector<16xf32> to vector<1x16xf32>
        tpu.vector_store %arg9[%swap3A_415, %swap3A_416], %swap3A_419 {strides = array<i32>} : memref<128x128xf32, #tpu.memory_space<vmem>>, vector<1x16xf32>,
        %get3A_420 = arith.index_cast %add3A_342 : i32 to index
        %get3A_421 = arith.constant 112 : index
        %get3A_422 = tpu.vector_load %arg9[%get3A_420, %get3A_421] {strides = array<i32>} : memref<128x128xf32, #tpu.memory_space<vmem>>, vector<1x16xf32>,
        %get3A_423 = vector.shape_cast %get3A_422 : vector<1x16xf32> to vector<16xf32>
        %mul3A_424 = vector.broadcast %squeeze3A_340 : f32 to vector<16xf32>
        %mul3A_425 = arith.mulf %get3A_423, %mul3A_424 : vector<16xf32>
        %swap3A_426 = arith.index_cast %add3A_342 : i32 to index
        %swap3A_427 = arith.constant 112 : index
        %swap3A_428 = tpu.vector_load %arg9[%swap3A_426, %swap3A_427] {strides = array<i32>} : memref<128x128xf32, #tpu.memory_space<vmem>>, vector<1x16xf32>,
        %swap3A_429 = vector.shape_cast %swap3A_428 : vector<1x16xf32> to vector<16xf32>
        %swap3A_430 = vector.shape_cast %mul3A_425 : vector<16xf32> to vector<1x16xf32>
        tpu.vector_store %arg9[%swap3A_426, %swap3A_427], %swap3A_430 {strides = array<i32>} : memref<128x128xf32, #tpu.memory_space<vmem>>, vector<1x16xf32>,
        %slice3A_431 = vector.extract_strided_slice %bitcast_convert_type3A {offsets = [4], sizes = [1], strides = [1]} : vector<16xf32> to vector<1xf32>
        %squeeze3A_432 = vector.extract %slice3A_431[0] : f32 from vector<1xf32>
        %add3A_433 = arith.constant 4 : i32
        %add3A_434 = arith.addi %mul3A_65, %add3A_433 : i32
        %get3A_435 = arith.index_cast %add3A_434 : i32 to index
        %get3A_436 = arith.constant 0 : index
        %get3A_437 = tpu.vector_load %arg9[%get3A_435, %get3A_436] {strides = array<i32>} : memref<128x128xf32, #tpu.memory_space<vmem>>, vector<1x16xf32>,
        %get3A_438 = vector.shape_cast %get3A_437 : vector<1x16xf32> to vector<16xf32>
        %mul3A_439 = vector.broadcast %squeeze3A_432 : f32 to vector<16xf32>
        %mul3A_440 = arith.mulf %get3A_438, %mul3A_439 : vector<16xf32>
        %swap3A_441 = arith.index_cast %add3A_434 : i32 to index
        %swap3A_442 = arith.constant 0 : index
        %swap3A_443 = tpu.vector_load %arg9[%swap3A_441, %swap3A_442] {strides = array<i32>} : memref<128x128xf32, #tpu.memory_space<vmem>>, vector<1x16xf32>,
        %swap3A_444 = vector.shape_cast %swap3A_443 : vector<1x16xf32> to vector<16xf32>
        %swap3A_445 = vector.shape_cast %mul3A_440 : vector<16xf32> to vector<1x16xf32>
        tpu.vector_store %arg9[%swap3A_441, %swap3A_442], %swap3A_445 {strides = array<i32>} : memref<128x128xf32, #tpu.memory_space<vmem>>, vector<1x16xf32>,
        %get3A_446 = arith.index_cast %add3A_434 : i32 to index
        %get3A_447 = arith.constant 16 : index
        %get3A_448 = tpu.vector_load %arg9[%get3A_446, %get3A_447] {strides = array<i32>} : memref<128x128xf32, #tpu.memory_space<vmem>>, vector<1x16xf32>,
        %get3A_449 = vector.shape_cast %get3A_448 : vector<1x16xf32> to vector<16xf32>
        %mul3A_450 = vector.broadcast %squeeze3A_432 : f32 to vector<16xf32>
        %mul3A_451 = arith.mulf %get3A_449, %mul3A_450 : vector<16xf32>
        %swap3A_452 = arith.index_cast %add3A_434 : i32 to index
        %swap3A_453 = arith.constant 16 : index
        %swap3A_454 = tpu.vector_load %arg9[%swap3A_452, %swap3A_453] {strides = array<i32>} : memref<128x128xf32, #tpu.memory_space<vmem>>, vector<1x16xf32>,
        %swap3A_455 = vector.shape_cast %swap3A_454 : vector<1x16xf32> to vector<16xf32>
        %swap3A_456 = vector.shape_cast %mul3A_451 : vector<16xf32> to vector<1x16xf32>
        tpu.vector_store %arg9[%swap3A_452, %swap3A_453], %swap3A_456 {strides = array<i32>} : memref<128x128xf32, #tpu.memory_space<vmem>>, vector<1x16xf32>,
        %get3A_457 = arith.index_cast %add3A_434 : i32 to index
        %get3A_458 = arith.constant 32 : index
        %get3A_459 = tpu.vector_load %arg9[%get3A_457, %get3A_458] {strides = array<i32>} : memref<128x128xf32, #tpu.memory_space<vmem>>, vector<1x16xf32>,
        %get3A_460 = vector.shape_cast %get3A_459 : vector<1x16xf32> to vector<16xf32>
        %mul3A_461 = vector.broadcast %squeeze3A_432 : f32 to vector<16xf32>
        %mul3A_462 = arith.mulf %get3A_460, %mul3A_461 : vector<16xf32>
        %swap3A_463 = arith.index_cast %add3A_434 : i32 to index
        %swap3A_464 = arith.constant 32 : index
        %swap3A_465 = tpu.vector_load %arg9[%swap3A_463, %swap3A_464] {strides = array<i32>} : memref<128x128xf32, #tpu.memory_space<vmem>>, vector<1x16xf32>,
        %swap3A_466 = vector.shape_cast %swap3A_465 : vector<1x16xf32> to vector<16xf32>
        %swap3A_467 = vector.shape_cast %mul3A_462 : vector<16xf32> to vector<1x16xf32>
        tpu.vector_store %arg9[%swap3A_463, %swap3A_464], %swap3A_467 {strides = array<i32>} : memref<128x128xf32, #tpu.memory_space<vmem>>, vector<1x16xf32>,
        %get3A_468 = arith.index_cast %add3A_434 : i32 to index
        %get3A_469 = arith.constant 48 : index
        %get3A_470 = tpu.vector_load %arg9[%get3A_468, %get3A_469] {strides = array<i32>} : memref<128x128xf32, #tpu.memory_space<vmem>>, vector<1x16xf32>,
        %get3A_471 = vector.shape_cast %get3A_470 : vector<1x16xf32> to vector<16xf32>
        %mul3A_472 = vector.broadcast %squeeze3A_432 : f32 to vector<16xf32>
        %mul3A_473 = arith.mulf %get3A_471, %mul3A_472 : vector<16xf32>
        %swap3A_474 = arith.index_cast %add3A_434 : i32 to index
        %swap3A_475 = arith.constant 48 : index
        %swap3A_476 = tpu.vector_load %arg9[%swap3A_474, %swap3A_475] {strides = array<i32>} : memref<128x128xf32, #tpu.memory_space<vmem>>, vector<1x16xf32>,
        %swap3A_477 = vector.shape_cast %swap3A_476 : vector<1x16xf32> to vector<16xf32>
        %swap3A_478 = vector.shape_cast %mul3A_473 : vector<16xf32> to vector<1x16xf32>
        tpu.vector_store %arg9[%swap3A_474, %swap3A_475], %swap3A_478 {strides = array<i32>} : memref<128x128xf32, #tpu.memory_space<vmem>>, vector<1x16xf32>,
        %get3A_479 = arith.index_cast %add3A_434 : i32 to index
        %get3A_480 = arith.constant 64 : index
        %get3A_481 = tpu.vector_load %arg9[%get3A_479, %get3A_480] {strides = array<i32>} : memref<128x128xf32, #tpu.memory_space<vmem>>, vector<1x16xf32>,
        %get3A_482 = vector.shape_cast %get3A_481 : vector<1x16xf32> to vector<16xf32>
        %mul3A_483 = vector.broadcast %squeeze3A_432 : f32 to vector<16xf32>
        %mul3A_484 = arith.mulf %get3A_482, %mul3A_483 : vector<16xf32>
        %swap3A_485 = arith.index_cast %add3A_434 : i32 to index
        %swap3A_486 = arith.constant 64 : index
        %swap3A_487 = tpu.vector_load %arg9[%swap3A_485, %swap3A_486] {strides = array<i32>} : memref<128x128xf32, #tpu.memory_space<vmem>>, vector<1x16xf32>,
        %swap3A_488 = vector.shape_cast %swap3A_487 : vector<1x16xf32> to vector<16xf32>
        %swap3A_489 = vector.shape_cast %mul3A_484 : vector<16xf32> to vector<1x16xf32>
        tpu.vector_store %arg9[%swap3A_485, %swap3A_486], %swap3A_489 {strides = array<i32>} : memref<128x128xf32, #tpu.memory_space<vmem>>, vector<1x16xf32>,
        %get3A_490 = arith.index_cast %add3A_434 : i32 to index
        %get3A_491 = arith.constant 80 : index
        %get3A_492 = tpu.vector_load %arg9[%get3A_490, %get3A_491] {strides = array<i32>} : memref<128x128xf32, #tpu.memory_space<vmem>>, vector<1x16xf32>,
        %get3A_493 = vector.shape_cast %get3A_492 : vector<1x16xf32> to vector<16xf32>
        %mul3A_494 = vector.broadcast %squeeze3A_432 : f32 to vector<16xf32>
        %mul3A_495 = arith.mulf %get3A_493, %mul3A_494 : vector<16xf32>
        %swap3A_496 = arith.index_cast %add3A_434 : i32 to index
        %swap3A_497 = arith.constant 80 : index
        %swap3A_498 = tpu.vector_load %arg9[%swap3A_496, %swap3A_497] {strides = array<i32>} : memref<128x128xf32, #tpu.memory_space<vmem>>, vector<1x16xf32>,
        %swap3A_499 = vector.shape_cast %swap3A_498 : vector<1x16xf32> to vector<16xf32>
        %swap3A_500 = vector.shape_cast %mul3A_495 : vector<16xf32> to vector<1x16xf32>
        tpu.vector_store %arg9[%swap3A_496, %swap3A_497], %swap3A_500 {strides = array<i32>} : memref<128x128xf32, #tpu.memory_space<vmem>>, vector<1x16xf32>,
        %get3A_501 = arith.index_cast %add3A_434 : i32 to index
        %get3A_502 = arith.constant 96 : index
        %get3A_503 = tpu.vector_load %arg9[%get3A_501, %get3A_502] {strides = array<i32>} : memref<128x128xf32, #tpu.memory_space<vmem>>, vector<1x16xf32>,
        %get3A_504 = vector.shape_cast %get3A_503 : vector<1x16xf32> to vector<16xf32>
        %mul3A_505 = vector.broadcast %squeeze3A_432 : f32 to vector<16xf32>
        %mul3A_506 = arith.mulf %get3A_504, %mul3A_505 : vector<16xf32>
        %swap3A_507 = arith.index_cast %add3A_434 : i32 to index
        %swap3A_508 = arith.constant 96 : index
        %swap3A_509 = tpu.vector_load %arg9[%swap3A_507, %swap3A_508] {strides = array<i32>} : memref<128x128xf32, #tpu.memory_space<vmem>>, vector<1x16xf32>,
        %swap3A_510 = vector.shape_cast %swap3A_509 : vector<1x16xf32> to vector<16xf32>
        %swap3A_511 = vector.shape_cast %mul3A_506 : vector<16xf32> to vector<1x16xf32>
        tpu.vector_store %arg9[%swap3A_507, %swap3A_508], %swap3A_511 {strides = array<i32>} : memref<128x128xf32, #tpu.memory_space<vmem>>, vector<1x16xf32>,
        %get3A_512 = arith.index_cast %add3A_434 : i32 to index
        %get3A_513 = arith.constant 112 : index
        %get3A_514 = tpu.vector_load %arg9[%get3A_512, %get3A_513] {strides = array<i32>} : memref<128x128xf32, #tpu.memory_space<vmem>>, vector<1x16xf32>,
        %get3A_515 = vector.shape_cast %get3A_514 : vector<1x16xf32> to vector<16xf32>
        %mul3A_516 = vector.broadcast %squeeze3A_432 : f32 to vector<16xf32>
        %mul3A_517 = arith.mulf %get3A_515, %mul3A_516 : vector<16xf32>
        %swap3A_518 = arith.index_cast %add3A_434 : i32 to index
        %swap3A_519 = arith.constant 112 : index
        %swap3A_520 = tpu.vector_load %arg9[%swap3A_518, %swap3A_519] {strides = array<i32>} : memref<128x128xf32, #tpu.memory_space<vmem>>, vector<1x16xf32>,
        %swap3A_521 = vector.shape_cast %swap3A_520 : vector<1x16xf32> to vector<16xf32>
        %swap3A_522 = vector.shape_cast %mul3A_517 : vector<16xf32> to vector<1x16xf32>
        tpu.vector_store %arg9[%swap3A_518, %swap3A_519], %swap3A_522 {strides = array<i32>} : memref<128x128xf32, #tpu.memory_space<vmem>>, vector<1x16xf32>,
        %slice3A_523 = vector.extract_strided_slice %bitcast_convert_type3A {offsets = [5], sizes = [1], strides = [1]} : vector<16xf32> to vector<1xf32>
        %squeeze3A_524 = vector.extract %slice3A_523[0] : f32 from vector<1xf32>
        %add3A_525 = arith.constant 5 : i32
        %add3A_526 = arith.addi %mul3A_65, %add3A_525 : i32
        %get3A_527 = arith.index_cast %add3A_526 : i32 to index
        %get3A_528 = arith.constant 0 : index
        %get3A_529 = tpu.vector_load %arg9[%get3A_527, %get3A_528] {strides = array<i32>} : memref<128x128xf32, #tpu.memory_space<vmem>>, vector<1x16xf32>,
        %get3A_530 = vector.shape_cast %get3A_529 : vector<1x16xf32> to vector<16xf32>
        %mul3A_531 = vector.broadcast %squeeze3A_524 : f32 to vector<16xf32>
        %mul3A_532 = arith.mulf %get3A_530, %mul3A_531 : vector<16xf32>
        %swap3A_533 = arith.index_cast %add3A_526 : i32 to index
        %swap3A_534 = arith.constant 0 : index
        %swap3A_535 = tpu.vector_load %arg9[%swap3A_533, %swap3A_534] {strides = array<i32>} : memref<128x128xf32, #tpu.memory_space<vmem>>, vector<1x16xf32>,
        %swap3A_536 = vector.shape_cast %swap3A_535 : vector<1x16xf32> to vector<16xf32>
        %swap3A_537 = vector.shape_cast %mul3A_532 : vector<16xf32> to vector<1x16xf32>
        tpu.vector_store %arg9[%swap3A_533, %swap3A_534], %swap3A_537 {strides = array<i32>} : memref<128x128xf32, #tpu.memory_space<vmem>>, vector<1x16xf32>,
        %get3A_538 = arith.index_cast %add3A_526 : i32 to index
        %get3A_539 = arith.constant 16 : index
        %get3A_540 = tpu.vector_load %arg9[%get3A_538, %get3A_539] {strides = array<i32>} : memref<128x128xf32, #tpu.memory_space<vmem>>, vector<1x16xf32>,
        %get3A_541 = vector.shape_cast %get3A_540 : vector<1x16xf32> to vector<16xf32>
        %mul3A_542 = vector.broadcast %squeeze3A_524 : f32 to vector<16xf32>
        %mul3A_543 = arith.mulf %get3A_541, %mul3A_542 : vector<16xf32>
        %swap3A_544 = arith.index_cast %add3A_526 : i32 to index
        %swap3A_545 = arith.constant 16 : index
        %swap3A_546 = tpu.vector_load %arg9[%swap3A_544, %swap3A_545] {strides = array<i32>} : memref<128x128xf32, #tpu.memory_space<vmem>>, vector<1x16xf32>,
        %swap3A_547 = vector.shape_cast %swap3A_546 : vector<1x16xf32> to vector<16xf32>
        %swap3A_548 = vector.shape_cast %mul3A_543 : vector<16xf32> to vector<1x16xf32>
        tpu.vector_store %arg9[%swap3A_544, %swap3A_545], %swap3A_548 {strides = array<i32>} : memref<128x128xf32, #tpu.memory_space<vmem>>, vector<1x16xf32>,
        %get3A_549 = arith.index_cast %add3A_526 : i32 to index
        %get3A_550 = arith.constant 32 : index
        %get3A_551 = tpu.vector_load %arg9[%get3A_549, %get3A_550] {strides = array<i32>} : memref<128x128xf32, #tpu.memory_space<vmem>>, vector<1x16xf32>,
        %get3A_552 = vector.shape_cast %get3A_551 : vector<1x16xf32> to vector<16xf32>
        %mul3A_553 = vector.broadcast %squeeze3A_524 : f32 to vector<16xf32>
        %mul3A_554 = arith.mulf %get3A_552, %mul3A_553 : vector<16xf32>
        %swap3A_555 = arith.index_cast %add3A_526 : i32 to index
        %swap3A_556 = arith.constant 32 : index
        %swap3A_557 = tpu.vector_load %arg9[%swap3A_555, %swap3A_556] {strides = array<i32>} : memref<128x128xf32, #tpu.memory_space<vmem>>, vector<1x16xf32>,
        %swap3A_558 = vector.shape_cast %swap3A_557 : vector<1x16xf32> to vector<16xf32>
        %swap3A_559 = vector.shape_cast %mul3A_554 : vector<16xf32> to vector<1x16xf32>
        tpu.vector_store %arg9[%swap3A_555, %swap3A_556], %swap3A_559 {strides = array<i32>} : memref<128x128xf32, #tpu.memory_space<vmem>>, vector<1x16xf32>,
        %get3A_560 = arith.index_cast %add3A_526 : i32 to index
        %get3A_561 = arith.constant 48 : index
        %get3A_562 = tpu.vector_load %arg9[%get3A_560, %get3A_561] {strides = array<i32>} : memref<128x128xf32, #tpu.memory_space<vmem>>, vector<1x16xf32>,
        %get3A_563 = vector.shape_cast %get3A_562 : vector<1x16xf32> to vector<16xf32>
        %mul3A_564 = vector.broadcast %squeeze3A_524 : f32 to vector<16xf32>
        %mul3A_565 = arith.mulf %get3A_563, %mul3A_564 : vector<16xf32>
        %swap3A_566 = arith.index_cast %add3A_526 : i32 to index
        %swap3A_567 = arith.constant 48 : index
        %swap3A_568 = tpu.vector_load %arg9[%swap3A_566, %swap3A_567] {strides = array<i32>} : memref<128x128xf32, #tpu.memory_space<vmem>>, vector<1x16xf32>,
        %swap3A_569 = vector.shape_cast %swap3A_568 : vector<1x16xf32> to vector<16xf32>
        %swap3A_570 = vector.shape_cast %mul3A_565 : vector<16xf32> to vector<1x16xf32>
        tpu.vector_store %arg9[%swap3A_566, %swap3A_567], %swap3A_570 {strides = array<i32>} : memref<128x128xf32, #tpu.memory_space<vmem>>, vector<1x16xf32>,
        %get3A_571 = arith.index_cast %add3A_526 : i32 to index
        %get3A_572 = arith.constant 64 : index
        %get3A_573 = tpu.vector_load %arg9[%get3A_571, %get3A_572] {strides = array<i32>} : memref<128x128xf32, #tpu.memory_space<vmem>>, vector<1x16xf32>,
        %get3A_574 = vector.shape_cast %get3A_573 : vector<1x16xf32> to vector<16xf32>
        %mul3A_575 = vector.broadcast %squeeze3A_524 : f32 to vector<16xf32>
        %mul3A_576 = arith.mulf %get3A_574, %mul3A_575 : vector<16xf32>
        %swap3A_577 = arith.index_cast %add3A_526 : i32 to index
        %swap3A_578 = arith.constant 64 : index
        %swap3A_579 = tpu.vector_load %arg9[%swap3A_577, %swap3A_578] {strides = array<i32>} : memref<128x128xf32, #tpu.memory_space<vmem>>, vector<1x16xf32>,
        %swap3A_580 = vector.shape_cast %swap3A_579 : vector<1x16xf32> to vector<16xf32>
        %swap3A_581 = vector.shape_cast %mul3A_576 : vector<16xf32> to vector<1x16xf32>
        tpu.vector_store %arg9[%swap3A_577, %swap3A_578], %swap3A_581 {strides = array<i32>} : memref<128x128xf32, #tpu.memory_space<vmem>>, vector<1x16xf32>,
        %get3A_582 = arith.index_cast %add3A_526 : i32 to index
        %get3A_583 = arith.constant 80 : index
        %get3A_584 = tpu.vector_load %arg9[%get3A_582, %get3A_583] {strides = array<i32>} : memref<128x128xf32, #tpu.memory_space<vmem>>, vector<1x16xf32>,
        %get3A_585 = vector.shape_cast %get3A_584 : vector<1x16xf32> to vector<16xf32>
        %mul3A_586 = vector.broadcast %squeeze3A_524 : f32 to vector<16xf32>
        %mul3A_587 = arith.mulf %get3A_585, %mul3A_586 : vector<16xf32>
        %swap3A_588 = arith.index_cast %add3A_526 : i32 to index
        %swap3A_589 = arith.constant 80 : index
        %swap3A_590 = tpu.vector_load %arg9[%swap3A_588, %swap3A_589] {strides = array<i32>} : memref<128x128xf32, #tpu.memory_space<vmem>>, vector<1x16xf32>,
        %swap3A_591 = vector.shape_cast %swap3A_590 : vector<1x16xf32> to vector<16xf32>
        %swap3A_592 = vector.shape_cast %mul3A_587 : vector<16xf32> to vector<1x16xf32>
        tpu.vector_store %arg9[%swap3A_588, %swap3A_589], %swap3A_592 {strides = array<i32>} : memref<128x128xf32, #tpu.memory_space<vmem>>, vector<1x16xf32>,
        %get3A_593 = arith.index_cast %add3A_526 : i32 to index
        %get3A_594 = arith.constant 96 : index
        %get3A_595 = tpu.vector_load %arg9[%get3A_593, %get3A_594] {strides = array<i32>} : memref<128x128xf32, #tpu.memory_space<vmem>>, vector<1x16xf32>,
        %get3A_596 = vector.shape_cast %get3A_595 : vector<1x16xf32> to vector<16xf32>
        %mul3A_597 = vector.broadcast %squeeze3A_524 : f32 to vector<16xf32>
        %mul3A_598 = arith.mulf %get3A_596, %mul3A_597 : vector<16xf32>
        %swap3A_599 = arith.index_cast %add3A_526 : i32 to index
        %swap3A_600 = arith.constant 96 : index
        %swap3A_601 = tpu.vector_load %arg9[%swap3A_599, %swap3A_600] {strides = array<i32>} : memref<128x128xf32, #tpu.memory_space<vmem>>, vector<1x16xf32>,
        %swap3A_602 = vector.shape_cast %swap3A_601 : vector<1x16xf32> to vector<16xf32>
        %swap3A_603 = vector.shape_cast %mul3A_598 : vector<16xf32> to vector<1x16xf32>
        tpu.vector_store %arg9[%swap3A_599, %swap3A_600], %swap3A_603 {strides = array<i32>} : memref<128x128xf32, #tpu.memory_space<vmem>>, vector<1x16xf32>,
        %get3A_604 = arith.index_cast %add3A_526 : i32 to index
        %get3A_605 = arith.constant 112 : index
        %get3A_606 = tpu.vector_load %arg9[%get3A_604, %get3A_605] {strides = array<i32>} : memref<128x128xf32, #tpu.memory_space<vmem>>, vector<1x16xf32>,
        %get3A_607 = vector.shape_cast %get3A_606 : vector<1x16xf32> to vector<16xf32>
        %mul3A_608 = vector.broadcast %squeeze3A_524 : f32 to vector<16xf32>
        %mul3A_609 = arith.mulf %get3A_607, %mul3A_608 : vector<16xf32>
        %swap3A_610 = arith.index_cast %add3A_526 : i32 to index
        %swap3A_611 = arith.constant 112 : index
        %swap3A_612 = tpu.vector_load %arg9[%swap3A_610, %swap3A_611] {strides = array<i32>} : memref<128x128xf32, #tpu.memory_space<vmem>>, vector<1x16xf32>,
        %swap3A_613 = vector.shape_cast %swap3A_612 : vector<1x16xf32> to vector<16xf32>
        %swap3A_614 = vector.shape_cast %mul3A_609 : vector<16xf32> to vector<1x16xf32>
        tpu.vector_store %arg9[%swap3A_610, %swap3A_611], %swap3A_614 {strides = array<i32>} : memref<128x128xf32, #tpu.memory_space<vmem>>, vector<1x16xf32>,
        %slice3A_615 = vector.extract_strided_slice %bitcast_convert_type3A {offsets = [6], sizes = [1], strides = [1]} : vector<16xf32> to vector<1xf32>
        %squeeze3A_616 = vector.extract %slice3A_615[0] : f32 from vector<1xf32>
        %add3A_617 = arith.constant 6 : i32
        %add3A_618 = arith.addi %mul3A_65, %add3A_617 : i32
        %get3A_619 = arith.index_cast %add3A_618 : i32 to index
        %get3A_620 = arith.constant 0 : index
        %get3A_621 = tpu.vector_load %arg9[%get3A_619, %get3A_620] {strides = array<i32>} : memref<128x128xf32, #tpu.memory_space<vmem>>, vector<1x16xf32>,
        %get3A_622 = vector.shape_cast %get3A_621 : vector<1x16xf32> to vector<16xf32>
        %mul3A_623 = vector.broadcast %squeeze3A_616 : f32 to vector<16xf32>
        %mul3A_624 = arith.mulf %get3A_622, %mul3A_623 : vector<16xf32>
        %swap3A_625 = arith.index_cast %add3A_618 : i32 to index
        %swap3A_626 = arith.constant 0 : index
        %swap3A_627 = tpu.vector_load %arg9[%swap3A_625, %swap3A_626] {strides = array<i32>} : memref<128x128xf32, #tpu.memory_space<vmem>>, vector<1x16xf32>,
        %swap3A_628 = vector.shape_cast %swap3A_627 : vector<1x16xf32> to vector<16xf32>
        %swap3A_629 = vector.shape_cast %mul3A_624 : vector<16xf32> to vector<1x16xf32>
        tpu.vector_store %arg9[%swap3A_625, %swap3A_626], %swap3A_629 {strides = array<i32>} : memref<128x128xf32, #tpu.memory_space<vmem>>, vector<1x16xf32>,
        %get3A_630 = arith.index_cast %add3A_618 : i32 to index
        %get3A_631 = arith.constant 16 : index
        %get3A_632 = tpu.vector_load %arg9[%get3A_630, %get3A_631] {strides = array<i32>} : memref<128x128xf32, #tpu.memory_space<vmem>>, vector<1x16xf32>,
        %get3A_633 = vector.shape_cast %get3A_632 : vector<1x16xf32> to vector<16xf32>
        %mul3A_634 = vector.broadcast %squeeze3A_616 : f32 to vector<16xf32>
        %mul3A_635 = arith.mulf %get3A_633, %mul3A_634 : vector<16xf32>
        %swap3A_636 = arith.index_cast %add3A_618 : i32 to index
        %swap3A_637 = arith.constant 16 : index
        %swap3A_638 = tpu.vector_load %arg9[%swap3A_636, %swap3A_637] {strides = array<i32>} : memref<128x128xf32, #tpu.memory_space<vmem>>, vector<1x16xf32>,
        %swap3A_639 = vector.shape_cast %swap3A_638 : vector<1x16xf32> to vector<16xf32>
        %swap3A_640 = vector.shape_cast %mul3A_635 : vector<16xf32> to vector<1x16xf32>
        tpu.vector_store %arg9[%swap3A_636, %swap3A_637], %swap3A_640 {strides = array<i32>} : memref<128x128xf32, #tpu.memory_space<vmem>>, vector<1x16xf32>,
        %get3A_641 = arith.index_cast %add3A_618 : i32 to index
        %get3A_642 = arith.constant 32 : index
        %get3A_643 = tpu.vector_load %arg9[%get3A_641, %get3A_642] {strides = array<i32>} : memref<128x128xf32, #tpu.memory_space<vmem>>, vector<1x16xf32>,
        %get3A_644 = vector.shape_cast %get3A_643 : vector<1x16xf32> to vector<16xf32>
        %mul3A_645 = vector.broadcast %squeeze3A_616 : f32 to vector<16xf32>
        %mul3A_646 = arith.mulf %get3A_644, %mul3A_645 : vector<16xf32>
        %swap3A_647 = arith.index_cast %add3A_618 : i32 to index
        %swap3A_648 = arith.constant 32 : index
        %swap3A_649 = tpu.vector_load %arg9[%swap3A_647, %swap3A_648] {strides = array<i32>} : memref<128x128xf32, #tpu.memory_space<vmem>>, vector<1x16xf32>,
        %swap3A_650 = vector.shape_cast %swap3A_649 : vector<1x16xf32> to vector<16xf32>
        %swap3A_651 = vector.shape_cast %mul3A_646 : vector<16xf32> to vector<1x16xf32>
        tpu.vector_store %arg9[%swap3A_647, %swap3A_648], %swap3A_651 {strides = array<i32>} : memref<128x128xf32, #tpu.memory_space<vmem>>, vector<1x16xf32>,
        %get3A_652 = arith.index_cast %add3A_618 : i32 to index
        %get3A_653 = arith.constant 48 : index
        %get3A_654 = tpu.vector_load %arg9[%get3A_652, %get3A_653] {strides = array<i32>} : memref<128x128xf32, #tpu.memory_space<vmem>>, vector<1x16xf32>,
        %get3A_655 = vector.shape_cast %get3A_654 : vector<1x16xf32> to vector<16xf32>
        %mul3A_656 = vector.broadcast %squeeze3A_616 : f32 to vector<16xf32>
        %mul3A_657 = arith.mulf %get3A_655, %mul3A_656 : vector<16xf32>
        %swap3A_658 = arith.index_cast %add3A_618 : i32 to index
        %swap3A_659 = arith.constant 48 : index
        %swap3A_660 = tpu.vector_load %arg9[%swap3A_658, %swap3A_659] {strides = array<i32>} : memref<128x128xf32, #tpu.memory_space<vmem>>, vector<1x16xf32>,
        %swap3A_661 = vector.shape_cast %swap3A_660 : vector<1x16xf32> to vector<16xf32>
        %swap3A_662 = vector.shape_cast %mul3A_657 : vector<16xf32> to vector<1x16xf32>
        tpu.vector_store %arg9[%swap3A_658, %swap3A_659], %swap3A_662 {strides = array<i32>} : memref<128x128xf32, #tpu.memory_space<vmem>>, vector<1x16xf32>,
        %get3A_663 = arith.index_cast %add3A_618 : i32 to index
        %get3A_664 = arith.constant 64 : index
        %get3A_665 = tpu.vector_load %arg9[%get3A_663, %get3A_664] {strides = array<i32>} : memref<128x128xf32, #tpu.memory_space<vmem>>, vector<1x16xf32>,
        %get3A_666 = vector.shape_cast %get3A_665 : vector<1x16xf32> to vector<16xf32>
        %mul3A_667 = vector.broadcast %squeeze3A_616 : f32 to vector<16xf32>
        %mul3A_668 = arith.mulf %get3A_666, %mul3A_667 : vector<16xf32>
        %swap3A_669 = arith.index_cast %add3A_618 : i32 to index
        %swap3A_670 = arith.constant 64 : index
        %swap3A_671 = tpu.vector_load %arg9[%swap3A_669, %swap3A_670] {strides = array<i32>} : memref<128x128xf32, #tpu.memory_space<vmem>>, vector<1x16xf32>,
        %swap3A_672 = vector.shape_cast %swap3A_671 : vector<1x16xf32> to vector<16xf32>
        %swap3A_673 = vector.shape_cast %mul3A_668 : vector<16xf32> to vector<1x16xf32>
        tpu.vector_store %arg9[%swap3A_669, %swap3A_670], %swap3A_673 {strides = array<i32>} : memref<128x128xf32, #tpu.memory_space<vmem>>, vector<1x16xf32>,
        %get3A_674 = arith.index_cast %add3A_618 : i32 to index
        %get3A_675 = arith.constant 80 : index
        %get3A_676 = tpu.vector_load %arg9[%get3A_674, %get3A_675] {strides = array<i32>} : memref<128x128xf32, #tpu.memory_space<vmem>>, vector<1x16xf32>,
        %get3A_677 = vector.shape_cast %get3A_676 : vector<1x16xf32> to vector<16xf32>
        %mul3A_678 = vector.broadcast %squeeze3A_616 : f32 to vector<16xf32>
        %mul3A_679 = arith.mulf %get3A_677, %mul3A_678 : vector<16xf32>
        %swap3A_680 = arith.index_cast %add3A_618 : i32 to index
        %swap3A_681 = arith.constant 80 : index
        %swap3A_682 = tpu.vector_load %arg9[%swap3A_680, %swap3A_681] {strides = array<i32>} : memref<128x128xf32, #tpu.memory_space<vmem>>, vector<1x16xf32>,
        %swap3A_683 = vector.shape_cast %swap3A_682 : vector<1x16xf32> to vector<16xf32>
        %swap3A_684 = vector.shape_cast %mul3A_679 : vector<16xf32> to vector<1x16xf32>
        tpu.vector_store %arg9[%swap3A_680, %swap3A_681], %swap3A_684 {strides = array<i32>} : memref<128x128xf32, #tpu.memory_space<vmem>>, vector<1x16xf32>,
        %get3A_685 = arith.index_cast %add3A_618 : i32 to index
        %get3A_686 = arith.constant 96 : index
        %get3A_687 = tpu.vector_load %arg9[%get3A_685, %get3A_686] {strides = array<i32>} : memref<128x128xf32, #tpu.memory_space<vmem>>, vector<1x16xf32>,
        %get3A_688 = vector.shape_cast %get3A_687 : vector<1x16xf32> to vector<16xf32>
        %mul3A_689 = vector.broadcast %squeeze3A_616 : f32 to vector<16xf32>
        %mul3A_690 = arith.mulf %get3A_688, %mul3A_689 : vector<16xf32>
        %swap3A_691 = arith.index_cast %add3A_618 : i32 to index
        %swap3A_692 = arith.constant 96 : index
        %swap3A_693 = tpu.vector_load %arg9[%swap3A_691, %swap3A_692] {strides = array<i32>} : memref<128x128xf32, #tpu.memory_space<vmem>>, vector<1x16xf32>,
        %swap3A_694 = vector.shape_cast %swap3A_693 : vector<1x16xf32> to vector<16xf32>
        %swap3A_695 = vector.shape_cast %mul3A_690 : vector<16xf32> to vector<1x16xf32>
        tpu.vector_store %arg9[%swap3A_691, %swap3A_692], %swap3A_695 {strides = array<i32>} : memref<128x128xf32, #tpu.memory_space<vmem>>, vector<1x16xf32>,
        %get3A_696 = arith.index_cast %add3A_618 : i32 to index
        %get3A_697 = arith.constant 112 : index
        %get3A_698 = tpu.vector_load %arg9[%get3A_696, %get3A_697] {strides = array<i32>} : memref<128x128xf32, #tpu.memory_space<vmem>>, vector<1x16xf32>,
        %get3A_699 = vector.shape_cast %get3A_698 : vector<1x16xf32> to vector<16xf32>
        %mul3A_700 = vector.broadcast %squeeze3A_616 : f32 to vector<16xf32>
        %mul3A_701 = arith.mulf %get3A_699, %mul3A_700 : vector<16xf32>
        %swap3A_702 = arith.index_cast %add3A_618 : i32 to index
        %swap3A_703 = arith.constant 112 : index
        %swap3A_704 = tpu.vector_load %arg9[%swap3A_702, %swap3A_703] {strides = array<i32>} : memref<128x128xf32, #tpu.memory_space<vmem>>, vector<1x16xf32>,
        %swap3A_705 = vector.shape_cast %swap3A_704 : vector<1x16xf32> to vector<16xf32>
        %swap3A_706 = vector.shape_cast %mul3A_701 : vector<16xf32> to vector<1x16xf32>
        tpu.vector_store %arg9[%swap3A_702, %swap3A_703], %swap3A_706 {strides = array<i32>} : memref<128x128xf32, #tpu.memory_space<vmem>>, vector<1x16xf32>,
        %slice3A_707 = vector.extract_strided_slice %bitcast_convert_type3A {offsets = [7], sizes = [1], strides = [1]} : vector<16xf32> to vector<1xf32>
        %squeeze3A_708 = vector.extract %slice3A_707[0] : f32 from vector<1xf32>
        %add3A_709 = arith.constant 7 : i32
        %add3A_710 = arith.addi %mul3A_65, %add3A_709 : i32
        %get3A_711 = arith.index_cast %add3A_710 : i32 to index
        %get3A_712 = arith.constant 0 : index
        %get3A_713 = tpu.vector_load %arg9[%get3A_711, %get3A_712] {strides = array<i32>} : memref<128x128xf32, #tpu.memory_space<vmem>>, vector<1x16xf32>,
        %get3A_714 = vector.shape_cast %get3A_713 : vector<1x16xf32> to vector<16xf32>
        %mul3A_715 = vector.broadcast %squeeze3A_708 : f32 to vector<16xf32>
        %mul3A_716 = arith.mulf %get3A_714, %mul3A_715 : vector<16xf32>
        %swap3A_717 = arith.index_cast %add3A_710 : i32 to index
        %swap3A_718 = arith.constant 0 : index
        %swap3A_719 = tpu.vector_load %arg9[%swap3A_717, %swap3A_718] {strides = array<i32>} : memref<128x128xf32, #tpu.memory_space<vmem>>, vector<1x16xf32>,
        %swap3A_720 = vector.shape_cast %swap3A_719 : vector<1x16xf32> to vector<16xf32>
        %swap3A_721 = vector.shape_cast %mul3A_716 : vector<16xf32> to vector<1x16xf32>
        tpu.vector_store %arg9[%swap3A_717, %swap3A_718], %swap3A_721 {strides = array<i32>} : memref<128x128xf32, #tpu.memory_space<vmem>>, vector<1x16xf32>,
        %get3A_722 = arith.index_cast %add3A_710 : i32 to index
        %get3A_723 = arith.constant 16 : index
        %get3A_724 = tpu.vector_load %arg9[%get3A_722, %get3A_723] {strides = array<i32>} : memref<128x128xf32, #tpu.memory_space<vmem>>, vector<1x16xf32>,
        %get3A_725 = vector.shape_cast %get3A_724 : vector<1x16xf32> to vector<16xf32>
        %mul3A_726 = vector.broadcast %squeeze3A_708 : f32 to vector<16xf32>
        %mul3A_727 = arith.mulf %get3A_725, %mul3A_726 : vector<16xf32>
        %swap3A_728 = arith.index_cast %add3A_710 : i32 to index
        %swap3A_729 = arith.constant 16 : index
        %swap3A_730 = tpu.vector_load %arg9[%swap3A_728, %swap3A_729] {strides = array<i32>} : memref<128x128xf32, #tpu.memory_space<vmem>>, vector<1x16xf32>,
        %swap3A_731 = vector.shape_cast %swap3A_730 : vector<1x16xf32> to vector<16xf32>
        %swap3A_732 = vector.shape_cast %mul3A_727 : vector<16xf32> to vector<1x16xf32>
        tpu.vector_store %arg9[%swap3A_728, %swap3A_729], %swap3A_732 {strides = array<i32>} : memref<128x128xf32, #tpu.memory_space<vmem>>, vector<1x16xf32>,
        %get3A_733 = arith.index_cast %add3A_710 : i32 to index
        %get3A_734 = arith.constant 32 : index
        %get3A_735 = tpu.vector_load %arg9[%get3A_733, %get3A_734] {strides = array<i32>} : memref<128x128xf32, #tpu.memory_space<vmem>>, vector<1x16xf32>,
        %get3A_736 = vector.shape_cast %get3A_735 : vector<1x16xf32> to vector<16xf32>
        %mul3A_737 = vector.broadcast %squeeze3A_708 : f32 to vector<16xf32>
        %mul3A_738 = arith.mulf %get3A_736, %mul3A_737 : vector<16xf32>
        %swap3A_739 = arith.index_cast %add3A_710 : i32 to index
        %swap3A_740 = arith.constant 32 : index
        %swap3A_741 = tpu.vector_load %arg9[%swap3A_739, %swap3A_740] {strides = array<i32>} : memref<128x128xf32, #tpu.memory_space<vmem>>, vector<1x16xf32>,
        %swap3A_742 = vector.shape_cast %swap3A_741 : vector<1x16xf32> to vector<16xf32>
        %swap3A_743 = vector.shape_cast %mul3A_738 : vector<16xf32> to vector<1x16xf32>
        tpu.vector_store %arg9[%swap3A_739, %swap3A_740], %swap3A_743 {strides = array<i32>} : memref<128x128xf32, #tpu.memory_space<vmem>>, vector<1x16xf32>,
        %get3A_744 = arith.index_cast %add3A_710 : i32 to index
        %get3A_745 = arith.constant 48 : index
        %get3A_746 = tpu.vector_load %arg9[%get3A_744, %get3A_745] {strides = array<i32>} : memref<128x128xf32, #tpu.memory_space<vmem>>, vector<1x16xf32>,
        %get3A_747 = vector.shape_cast %get3A_746 : vector<1x16xf32> to vector<16xf32>
        %mul3A_748 = vector.broadcast %squeeze3A_708 : f32 to vector<16xf32>
        %mul3A_749 = arith.mulf %get3A_747, %mul3A_748 : vector<16xf32>
        %swap3A_750 = arith.index_cast %add3A_710 : i32 to index
        %swap3A_751 = arith.constant 48 : index
        %swap3A_752 = tpu.vector_load %arg9[%swap3A_750, %swap3A_751] {strides = array<i32>} : memref<128x128xf32, #tpu.memory_space<vmem>>, vector<1x16xf32>,
        %swap3A_753 = vector.shape_cast %swap3A_752 : vector<1x16xf32> to vector<16xf32>
        %swap3A_754 = vector.shape_cast %mul3A_749 : vector<16xf32> to vector<1x16xf32>
        tpu.vector_store %arg9[%swap3A_750, %swap3A_751], %swap3A_754 {strides = array<i32>} : memref<128x128xf32, #tpu.memory_space<vmem>>, vector<1x16xf32>,
        %get3A_755 = arith.index_cast %add3A_710 : i32 to index
        %get3A_756 = arith.constant 64 : index
        %get3A_757 = tpu.vector_load %arg9[%get3A_755, %get3A_756] {strides = array<i32>} : memref<128x128xf32, #tpu.memory_space<vmem>>, vector<1x16xf32>,
        %get3A_758 = vector.shape_cast %get3A_757 : vector<1x16xf32> to vector<16xf32>
        %mul3A_759 = vector.broadcast %squeeze3A_708 : f32 to vector<16xf32>
        %mul3A_760 = arith.mulf %get3A_758, %mul3A_759 : vector<16xf32>
        %swap3A_761 = arith.index_cast %add3A_710 : i32 to index
        %swap3A_762 = arith.constant 64 : index
        %swap3A_763 = tpu.vector_load %arg9[%swap3A_761, %swap3A_762] {strides = array<i32>} : memref<128x128xf32, #tpu.memory_space<vmem>>, vector<1x16xf32>,
        %swap3A_764 = vector.shape_cast %swap3A_763 : vector<1x16xf32> to vector<16xf32>
        %swap3A_765 = vector.shape_cast %mul3A_760 : vector<16xf32> to vector<1x16xf32>
        tpu.vector_store %arg9[%swap3A_761, %swap3A_762], %swap3A_765 {strides = array<i32>} : memref<128x128xf32, #tpu.memory_space<vmem>>, vector<1x16xf32>,
        %get3A_766 = arith.index_cast %add3A_710 : i32 to index
        %get3A_767 = arith.constant 80 : index
        %get3A_768 = tpu.vector_load %arg9[%get3A_766, %get3A_767] {strides = array<i32>} : memref<128x128xf32, #tpu.memory_space<vmem>>, vector<1x16xf32>,
        %get3A_769 = vector.shape_cast %get3A_768 : vector<1x16xf32> to vector<16xf32>
        %mul3A_770 = vector.broadcast %squeeze3A_708 : f32 to vector<16xf32>
        %mul3A_771 = arith.mulf %get3A_769, %mul3A_770 : vector<16xf32>
        %swap3A_772 = arith.index_cast %add3A_710 : i32 to index
        %swap3A_773 = arith.constant 80 : index
        %swap3A_774 = tpu.vector_load %arg9[%swap3A_772, %swap3A_773] {strides = array<i32>} : memref<128x128xf32, #tpu.memory_space<vmem>>, vector<1x16xf32>,
        %swap3A_775 = vector.shape_cast %swap3A_774 : vector<1x16xf32> to vector<16xf32>
        %swap3A_776 = vector.shape_cast %mul3A_771 : vector<16xf32> to vector<1x16xf32>
        tpu.vector_store %arg9[%swap3A_772, %swap3A_773], %swap3A_776 {strides = array<i32>} : memref<128x128xf32, #tpu.memory_space<vmem>>, vector<1x16xf32>,
        %get3A_777 = arith.index_cast %add3A_710 : i32 to index
        %get3A_778 = arith.constant 96 : index
        %get3A_779 = tpu.vector_load %arg9[%get3A_777, %get3A_778] {strides = array<i32>} : memref<128x128xf32, #tpu.memory_space<vmem>>, vector<1x16xf32>,
        %get3A_780 = vector.shape_cast %get3A_779 : vector<1x16xf32> to vector<16xf32>
        %mul3A_781 = vector.broadcast %squeeze3A_708 : f32 to vector<16xf32>
        %mul3A_782 = arith.mulf %get3A_780, %mul3A_781 : vector<16xf32>
        %swap3A_783 = arith.index_cast %add3A_710 : i32 to index
        %swap3A_784 = arith.constant 96 : index
        %swap3A_785 = tpu.vector_load %arg9[%swap3A_783, %swap3A_784] {strides = array<i32>} : memref<128x128xf32, #tpu.memory_space<vmem>>, vector<1x16xf32>,
        %swap3A_786 = vector.shape_cast %swap3A_785 : vector<1x16xf32> to vector<16xf32>
        %swap3A_787 = vector.shape_cast %mul3A_782 : vector<16xf32> to vector<1x16xf32>
        tpu.vector_store %arg9[%swap3A_783, %swap3A_784], %swap3A_787 {strides = array<i32>} : memref<128x128xf32, #tpu.memory_space<vmem>>, vector<1x16xf32>,
        %get3A_788 = arith.index_cast %add3A_710 : i32 to index
        %get3A_789 = arith.constant 112 : index
        %get3A_790 = tpu.vector_load %arg9[%get3A_788, %get3A_789] {strides = array<i32>} : memref<128x128xf32, #tpu.memory_space<vmem>>, vector<1x16xf32>,
        %get3A_791 = vector.shape_cast %get3A_790 : vector<1x16xf32> to vector<16xf32>
        %mul3A_792 = vector.broadcast %squeeze3A_708 : f32 to vector<16xf32>
        %mul3A_793 = arith.mulf %get3A_791, %mul3A_792 : vector<16xf32>
        %swap3A_794 = arith.index_cast %add3A_710 : i32 to index
        %swap3A_795 = arith.constant 112 : index
        %swap3A_796 = tpu.vector_load %arg9[%swap3A_794, %swap3A_795] {strides = array<i32>} : memref<128x128xf32, #tpu.memory_space<vmem>>, vector<1x16xf32>,
        %swap3A_797 = vector.shape_cast %swap3A_796 : vector<1x16xf32> to vector<16xf32>
        %swap3A_798 = vector.shape_cast %mul3A_793 : vector<16xf32> to vector<1x16xf32>
        tpu.vector_store %arg9[%swap3A_794, %swap3A_795], %swap3A_798 {strides = array<i32>} : memref<128x128xf32, #tpu.memory_space<vmem>>, vector<1x16xf32>,
        %slice3A_799 = vector.extract_strided_slice %bitcast_convert_type3A {offsets = [8], sizes = [1], strides = [1]} : vector<16xf32> to vector<1xf32>
        %squeeze3A_800 = vector.extract %slice3A_799[0] : f32 from vector<1xf32>
        %add3A_801 = arith.constant 8 : i32
        %add3A_802 = arith.addi %mul3A_65, %add3A_801 : i32
        %get3A_803 = arith.index_cast %add3A_802 : i32 to index
        %get3A_804 = arith.constant 0 : index
        %get3A_805 = tpu.vector_load %arg9[%get3A_803, %get3A_804] {strides = array<i32>} : memref<128x128xf32, #tpu.memory_space<vmem>>, vector<1x16xf32>,
        %get3A_806 = vector.shape_cast %get3A_805 : vector<1x16xf32> to vector<16xf32>
        %mul3A_807 = vector.broadcast %squeeze3A_800 : f32 to vector<16xf32>
        %mul3A_808 = arith.mulf %get3A_806, %mul3A_807 : vector<16xf32>
        %swap3A_809 = arith.index_cast %add3A_802 : i32 to index
        %swap3A_810 = arith.constant 0 : index
        %swap3A_811 = tpu.vector_load %arg9[%swap3A_809, %swap3A_810] {strides = array<i32>} : memref<128x128xf32, #tpu.memory_space<vmem>>, vector<1x16xf32>,
        %swap3A_812 = vector.shape_cast %swap3A_811 : vector<1x16xf32> to vector<16xf32>
        %swap3A_813 = vector.shape_cast %mul3A_808 : vector<16xf32> to vector<1x16xf32>
        tpu.vector_store %arg9[%swap3A_809, %swap3A_810], %swap3A_813 {strides = array<i32>} : memref<128x128xf32, #tpu.memory_space<vmem>>, vector<1x16xf32>,
        %get3A_814 = arith.index_cast %add3A_802 : i32 to index
        %get3A_815 = arith.constant 16 : index
        %get3A_816 = tpu.vector_load %arg9[%get3A_814, %get3A_815] {strides = array<i32>} : memref<128x128xf32, #tpu.memory_space<vmem>>, vector<1x16xf32>,
        %get3A_817 = vector.shape_cast %get3A_816 : vector<1x16xf32> to vector<16xf32>
        %mul3A_818 = vector.broadcast %squeeze3A_800 : f32 to vector<16xf32>
        %mul3A_819 = arith.mulf %get3A_817, %mul3A_818 : vector<16xf32>
        %swap3A_820 = arith.index_cast %add3A_802 : i32 to index
        %swap3A_821 = arith.constant 16 : index
        %swap3A_822 = tpu.vector_load %arg9[%swap3A_820, %swap3A_821] {strides = array<i32>} : memref<128x128xf32, #tpu.memory_space<vmem>>, vector<1x16xf32>,
        %swap3A_823 = vector.shape_cast %swap3A_822 : vector<1x16xf32> to vector<16xf32>
        %swap3A_824 = vector.shape_cast %mul3A_819 : vector<16xf32> to vector<1x16xf32>
        tpu.vector_store %arg9[%swap3A_820, %swap3A_821], %swap3A_824 {strides = array<i32>} : memref<128x128xf32, #tpu.memory_space<vmem>>, vector<1x16xf32>,
        %get3A_825 = arith.index_cast %add3A_802 : i32 to index
        %get3A_826 = arith.constant 32 : index
        %get3A_827 = tpu.vector_load %arg9[%get3A_825, %get3A_826] {strides = array<i32>} : memref<128x128xf32, #tpu.memory_space<vmem>>, vector<1x16xf32>,
        %get3A_828 = vector.shape_cast %get3A_827 : vector<1x16xf32> to vector<16xf32>
        %mul3A_829 = vector.broadcast %squeeze3A_800 : f32 to vector<16xf32>
        %mul3A_830 = arith.mulf %get3A_828, %mul3A_829 : vector<16xf32>
        %swap3A_831 = arith.index_cast %add3A_802 : i32 to index
        %swap3A_832 = arith.constant 32 : index
        %swap3A_833 = tpu.vector_load %arg9[%swap3A_831, %swap3A_832] {strides = array<i32>} : memref<128x128xf32, #tpu.memory_space<vmem>>, vector<1x16xf32>,
        %swap3A_834 = vector.shape_cast %swap3A_833 : vector<1x16xf32> to vector<16xf32>
        %swap3A_835 = vector.shape_cast %mul3A_830 : vector<16xf32> to vector<1x16xf32>
        tpu.vector_store %arg9[%swap3A_831, %swap3A_832], %swap3A_835 {strides = array<i32>} : memref<128x128xf32, #tpu.memory_space<vmem>>, vector<1x16xf32>,
        %get3A_836 = arith.index_cast %add3A_802 : i32 to index
        %get3A_837 = arith.constant 48 : index
        %get3A_838 = tpu.vector_load %arg9[%get3A_836, %get3A_837] {strides = array<i32>} : memref<128x128xf32, #tpu.memory_space<vmem>>, vector<1x16xf32>,
        %get3A_839 = vector.shape_cast %get3A_838 : vector<1x16xf32> to vector<16xf32>
        %mul3A_840 = vector.broadcast %squeeze3A_800 : f32 to vector<16xf32>
        %mul3A_841 = arith.mulf %get3A_839, %mul3A_840 : vector<16xf32>
        %swap3A_842 = arith.index_cast %add3A_802 : i32 to index
        %swap3A_843 = arith.constant 48 : index
        %swap3A_844 = tpu.vector_load %arg9[%swap3A_842, %swap3A_843] {strides = array<i32>} : memref<128x128xf32, #tpu.memory_space<vmem>>, vector<1x16xf32>,
        %swap3A_845 = vector.shape_cast %swap3A_844 : vector<1x16xf32> to vector<16xf32>
        %swap3A_846 = vector.shape_cast %mul3A_841 : vector<16xf32> to vector<1x16xf32>
        tpu.vector_store %arg9[%swap3A_842, %swap3A_843], %swap3A_846 {strides = array<i32>} : memref<128x128xf32, #tpu.memory_space<vmem>>, vector<1x16xf32>,
        %get3A_847 = arith.index_cast %add3A_802 : i32 to index
        %get3A_848 = arith.constant 64 : index
        %get3A_849 = tpu.vector_load %arg9[%get3A_847, %get3A_848] {strides = array<i32>} : memref<128x128xf32, #tpu.memory_space<vmem>>, vector<1x16xf32>,
        %get3A_850 = vector.shape_cast %get3A_849 : vector<1x16xf32> to vector<16xf32>
        %mul3A_851 = vector.broadcast %squeeze3A_800 : f32 to vector<16xf32>
        %mul3A_852 = arith.mulf %get3A_850, %mul3A_851 : vector<16xf32>
        %swap3A_853 = arith.index_cast %add3A_802 : i32 to index
        %swap3A_854 = arith.constant 64 : index
        %swap3A_855 = tpu.vector_load %arg9[%swap3A_853, %swap3A_854] {strides = array<i32>} : memref<128x128xf32, #tpu.memory_space<vmem>>, vector<1x16xf32>,
        %swap3A_856 = vector.shape_cast %swap3A_855 : vector<1x16xf32> to vector<16xf32>
        %swap3A_857 = vector.shape_cast %mul3A_852 : vector<16xf32> to vector<1x16xf32>
        tpu.vector_store %arg9[%swap3A_853, %swap3A_854], %swap3A_857 {strides = array<i32>} : memref<128x128xf32, #tpu.memory_space<vmem>>, vector<1x16xf32>,
        %get3A_858 = arith.index_cast %add3A_802 : i32 to index
        %get3A_859 = arith.constant 80 : index
        %get3A_860 = tpu.vector_load %arg9[%get3A_858, %get3A_859] {strides = array<i32>} : memref<128x128xf32, #tpu.memory_space<vmem>>, vector<1x16xf32>,
        %get3A_861 = vector.shape_cast %get3A_860 : vector<1x16xf32> to vector<16xf32>
        %mul3A_862 = vector.broadcast %squeeze3A_800 : f32 to vector<16xf32>
        %mul3A_863 = arith.mulf %get3A_861, %mul3A_862 : vector<16xf32>
        %swap3A_864 = arith.index_cast %add3A_802 : i32 to index
        %swap3A_865 = arith.constant 80 : index
        %swap3A_866 = tpu.vector_load %arg9[%swap3A_864, %swap3A_865] {strides = array<i32>} : memref<128x128xf32, #tpu.memory_space<vmem>>, vector<1x16xf32>,
        %swap3A_867 = vector.shape_cast %swap3A_866 : vector<1x16xf32> to vector<16xf32>
        %swap3A_868 = vector.shape_cast %mul3A_863 : vector<16xf32> to vector<1x16xf32>
        tpu.vector_store %arg9[%swap3A_864, %swap3A_865], %swap3A_868 {strides = array<i32>} : memref<128x128xf32, #tpu.memory_space<vmem>>, vector<1x16xf32>,
        %get3A_869 = arith.index_cast %add3A_802 : i32 to index
        %get3A_870 = arith.constant 96 : index
        %get3A_871 = tpu.vector_load %arg9[%get3A_869, %get3A_870] {strides = array<i32>} : memref<128x128xf32, #tpu.memory_space<vmem>>, vector<1x16xf32>,
        %get3A_872 = vector.shape_cast %get3A_871 : vector<1x16xf32> to vector<16xf32>
        %mul3A_873 = vector.broadcast %squeeze3A_800 : f32 to vector<16xf32>
        %mul3A_874 = arith.mulf %get3A_872, %mul3A_873 : vector<16xf32>
        %swap3A_875 = arith.index_cast %add3A_802 : i32 to index
        %swap3A_876 = arith.constant 96 : index
        %swap3A_877 = tpu.vector_load %arg9[%swap3A_875, %swap3A_876] {strides = array<i32>} : memref<128x128xf32, #tpu.memory_space<vmem>>, vector<1x16xf32>,
        %swap3A_878 = vector.shape_cast %swap3A_877 : vector<1x16xf32> to vector<16xf32>
        %swap3A_879 = vector.shape_cast %mul3A_874 : vector<16xf32> to vector<1x16xf32>
        tpu.vector_store %arg9[%swap3A_875, %swap3A_876], %swap3A_879 {strides = array<i32>} : memref<128x128xf32, #tpu.memory_space<vmem>>, vector<1x16xf32>,
        %get3A_880 = arith.index_cast %add3A_802 : i32 to index
        %get3A_881 = arith.constant 112 : index
        %get3A_882 = tpu.vector_load %arg9[%get3A_880, %get3A_881] {strides = array<i32>} : memref<128x128xf32, #tpu.memory_space<vmem>>, vector<1x16xf32>,
        %get3A_883 = vector.shape_cast %get3A_882 : vector<1x16xf32> to vector<16xf32>
        %mul3A_884 = vector.broadcast %squeeze3A_800 : f32 to vector<16xf32>
        %mul3A_885 = arith.mulf %get3A_883, %mul3A_884 : vector<16xf32>
        %swap3A_886 = arith.index_cast %add3A_802 : i32 to index
        %swap3A_887 = arith.constant 112 : index
        %swap3A_888 = tpu.vector_load %arg9[%swap3A_886, %swap3A_887] {strides = array<i32>} : memref<128x128xf32, #tpu.memory_space<vmem>>, vector<1x16xf32>,
        %swap3A_889 = vector.shape_cast %swap3A_888 : vector<1x16xf32> to vector<16xf32>
        %swap3A_890 = vector.shape_cast %mul3A_885 : vector<16xf32> to vector<1x16xf32>
        tpu.vector_store %arg9[%swap3A_886, %swap3A_887], %swap3A_890 {strides = array<i32>} : memref<128x128xf32, #tpu.memory_space<vmem>>, vector<1x16xf32>,
        %slice3A_891 = vector.extract_strided_slice %bitcast_convert_type3A {offsets = [9], sizes = [1], strides = [1]} : vector<16xf32> to vector<1xf32>
        %squeeze3A_892 = vector.extract %slice3A_891[0] : f32 from vector<1xf32>
        %add3A_893 = arith.constant 9 : i32
        %add3A_894 = arith.addi %mul3A_65, %add3A_893 : i32
        %get3A_895 = arith.index_cast %add3A_894 : i32 to index
        %get3A_896 = arith.constant 0 : index
        %get3A_897 = tpu.vector_load %arg9[%get3A_895, %get3A_896] {strides = array<i32>} : memref<128x128xf32, #tpu.memory_space<vmem>>, vector<1x16xf32>,
        %get3A_898 = vector.shape_cast %get3A_897 : vector<1x16xf32> to vector<16xf32>
        %mul3A_899 = vector.broadcast %squeeze3A_892 : f32 to vector<16xf32>
        %mul3A_900 = arith.mulf %get3A_898, %mul3A_899 : vector<16xf32>
        %swap3A_901 = arith.index_cast %add3A_894 : i32 to index
        %swap3A_902 = arith.constant 0 : index
        %swap3A_903 = tpu.vector_load %arg9[%swap3A_901, %swap3A_902] {strides = array<i32>} : memref<128x128xf32, #tpu.memory_space<vmem>>, vector<1x16xf32>,
        %swap3A_904 = vector.shape_cast %swap3A_903 : vector<1x16xf32> to vector<16xf32>
        %swap3A_905 = vector.shape_cast %mul3A_900 : vector<16xf32> to vector<1x16xf32>
        tpu.vector_store %arg9[%swap3A_901, %swap3A_902], %swap3A_905 {strides = array<i32>} : memref<128x128xf32, #tpu.memory_space<vmem>>, vector<1x16xf32>,
        %get3A_906 = arith.index_cast %add3A_894 : i32 to index
        %get3A_907 = arith.constant 16 : index
        %get3A_908 = tpu.vector_load %arg9[%get3A_906, %get3A_907] {strides = array<i32>} : memref<128x128xf32, #tpu.memory_space<vmem>>, vector<1x16xf32>,
        %get3A_909 = vector.shape_cast %get3A_908 : vector<1x16xf32> to vector<16xf32>
        %mul3A_910 = vector.broadcast %squeeze3A_892 : f32 to vector<16xf32>
        %mul3A_911 = arith.mulf %get3A_909, %mul3A_910 : vector<16xf32>
        %swap3A_912 = arith.index_cast %add3A_894 : i32 to index
        %swap3A_913 = arith.constant 16 : index
        %swap3A_914 = tpu.vector_load %arg9[%swap3A_912, %swap3A_913] {strides = array<i32>} : memref<128x128xf32, #tpu.memory_space<vmem>>, vector<1x16xf32>,
        %swap3A_915 = vector.shape_cast %swap3A_914 : vector<1x16xf32> to vector<16xf32>
        %swap3A_916 = vector.shape_cast %mul3A_911 : vector<16xf32> to vector<1x16xf32>
        tpu.vector_store %arg9[%swap3A_912, %swap3A_913], %swap3A_916 {strides = array<i32>} : memref<128x128xf32, #tpu.memory_space<vmem>>, vector<1x16xf32>,
        %get3A_917 = arith.index_cast %add3A_894 : i32 to index
        %get3A_918 = arith.constant 32 : index
        %get3A_919 = tpu.vector_load %arg9[%get3A_917, %get3A_918] {strides = array<i32>} : memref<128x128xf32, #tpu.memory_space<vmem>>, vector<1x16xf32>,
        %get3A_920 = vector.shape_cast %get3A_919 : vector<1x16xf32> to vector<16xf32>
        %mul3A_921 = vector.broadcast %squeeze3A_892 : f32 to vector<16xf32>
        %mul3A_922 = arith.mulf %get3A_920, %mul3A_921 : vector<16xf32>
        %swap3A_923 = arith.index_cast %add3A_894 : i32 to index
        %swap3A_924 = arith.constant 32 : index
        %swap3A_925 = tpu.vector_load %arg9[%swap3A_923, %swap3A_924] {strides = array<i32>} : memref<128x128xf32, #tpu.memory_space<vmem>>, vector<1x16xf32>,
        %swap3A_926 = vector.shape_cast %swap3A_925 : vector<1x16xf32> to vector<16xf32>
        %swap3A_927 = vector.shape_cast %mul3A_922 : vector<16xf32> to vector<1x16xf32>
        tpu.vector_store %arg9[%swap3A_923, %swap3A_924], %swap3A_927 {strides = array<i32>} : memref<128x128xf32, #tpu.memory_space<vmem>>, vector<1x16xf32>,
        %get3A_928 = arith.index_cast %add3A_894 : i32 to index
        %get3A_929 = arith.constant 48 : index
        %get3A_930 = tpu.vector_load %arg9[%get3A_928, %get3A_929] {strides = array<i32>} : memref<128x128xf32, #tpu.memory_space<vmem>>, vector<1x16xf32>,
        %get3A_931 = vector.shape_cast %get3A_930 : vector<1x16xf32> to vector<16xf32>
        %mul3A_932 = vector.broadcast %squeeze3A_892 : f32 to vector<16xf32>
        %mul3A_933 = arith.mulf %get3A_931, %mul3A_932 : vector<16xf32>
        %swap3A_934 = arith.index_cast %add3A_894 : i32 to index
        %swap3A_935 = arith.constant 48 : index
        %swap3A_936 = tpu.vector_load %arg9[%swap3A_934, %swap3A_935] {strides = array<i32>} : memref<128x128xf32, #tpu.memory_space<vmem>>, vector<1x16xf32>,
        %swap3A_937 = vector.shape_cast %swap3A_936 : vector<1x16xf32> to vector<16xf32>
        %swap3A_938 = vector.shape_cast %mul3A_933 : vector<16xf32> to vector<1x16xf32>
        tpu.vector_store %arg9[%swap3A_934, %swap3A_935], %swap3A_938 {strides = array<i32>} : memref<128x128xf32, #tpu.memory_space<vmem>>, vector<1x16xf32>,
        %get3A_939 = arith.index_cast %add3A_894 : i32 to index
        %get3A_940 = arith.constant 64 : index
        %get3A_941 = tpu.vector_load %arg9[%get3A_939, %get3A_940] {strides = array<i32>} : memref<128x128xf32, #tpu.memory_space<vmem>>, vector<1x16xf32>,
        %get3A_942 = vector.shape_cast %get3A_941 : vector<1x16xf32> to vector<16xf32>
        %mul3A_943 = vector.broadcast %squeeze3A_892 : f32 to vector<16xf32>
        %mul3A_944 = arith.mulf %get3A_942, %mul3A_943 : vector<16xf32>
        %swap3A_945 = arith.index_cast %add3A_894 : i32 to index
        %swap3A_946 = arith.constant 64 : index
        %swap3A_947 = tpu.vector_load %arg9[%swap3A_945, %swap3A_946] {strides = array<i32>} : memref<128x128xf32, #tpu.memory_space<vmem>>, vector<1x16xf32>,
        %swap3A_948 = vector.shape_cast %swap3A_947 : vector<1x16xf32> to vector<16xf32>
        %swap3A_949 = vector.shape_cast %mul3A_944 : vector<16xf32> to vector<1x16xf32>
        tpu.vector_store %arg9[%swap3A_945, %swap3A_946], %swap3A_949 {strides = array<i32>} : memref<128x128xf32, #tpu.memory_space<vmem>>, vector<1x16xf32>,
        %get3A_950 = arith.index_cast %add3A_894 : i32 to index
        %get3A_951 = arith.constant 80 : index
        %get3A_952 = tpu.vector_load %arg9[%get3A_950, %get3A_951] {strides = array<i32>} : memref<128x128xf32, #tpu.memory_space<vmem>>, vector<1x16xf32>,
        %get3A_953 = vector.shape_cast %get3A_952 : vector<1x16xf32> to vector<16xf32>
        %mul3A_954 = vector.broadcast %squeeze3A_892 : f32 to vector<16xf32>
        %mul3A_955 = arith.mulf %get3A_953, %mul3A_954 : vector<16xf32>
        %swap3A_956 = arith.index_cast %add3A_894 : i32 to index
        %swap3A_957 = arith.constant 80 : index
        %swap3A_958 = tpu.vector_load %arg9[%swap3A_956, %swap3A_957] {strides = array<i32>} : memref<128x128xf32, #tpu.memory_space<vmem>>, vector<1x16xf32>,
        %swap3A_959 = vector.shape_cast %swap3A_958 : vector<1x16xf32> to vector<16xf32>
        %swap3A_960 = vector.shape_cast %mul3A_955 : vector<16xf32> to vector<1x16xf32>
        tpu.vector_store %arg9[%swap3A_956, %swap3A_957], %swap3A_960 {strides = array<i32>} : memref<128x128xf32, #tpu.memory_space<vmem>>, vector<1x16xf32>,
        %get3A_961 = arith.index_cast %add3A_894 : i32 to index
        %get3A_962 = arith.constant 96 : index
        %get3A_963 = tpu.vector_load %arg9[%get3A_961, %get3A_962] {strides = array<i32>} : memref<128x128xf32, #tpu.memory_space<vmem>>, vector<1x16xf32>,
        %get3A_964 = vector.shape_cast %get3A_963 : vector<1x16xf32> to vector<16xf32>
        %mul3A_965 = vector.broadcast %squeeze3A_892 : f32 to vector<16xf32>
        %mul3A_966 = arith.mulf %get3A_964, %mul3A_965 : vector<16xf32>
        %swap3A_967 = arith.index_cast %add3A_894 : i32 to index
        %swap3A_968 = arith.constant 96 : index
        %swap3A_969 = tpu.vector_load %arg9[%swap3A_967, %swap3A_968] {strides = array<i32>} : memref<128x128xf32, #tpu.memory_space<vmem>>, vector<1x16xf32>,
        %swap3A_970 = vector.shape_cast %swap3A_969 : vector<1x16xf32> to vector<16xf32>
        %swap3A_971 = vector.shape_cast %mul3A_966 : vector<16xf32> to vector<1x16xf32>
        tpu.vector_store %arg9[%swap3A_967, %swap3A_968], %swap3A_971 {strides = array<i32>} : memref<128x128xf32, #tpu.memory_space<vmem>>, vector<1x16xf32>,
        %get3A_972 = arith.index_cast %add3A_894 : i32 to index
        %get3A_973 = arith.constant 112 : index
        %get3A_974 = tpu.vector_load %arg9[%get3A_972, %get3A_973] {strides = array<i32>} : memref<128x128xf32, #tpu.memory_space<vmem>>, vector<1x16xf32>,
        %get3A_975 = vector.shape_cast %get3A_974 : vector<1x16xf32> to vector<16xf32>
        %mul3A_976 = vector.broadcast %squeeze3A_892 : f32 to vector<16xf32>
        %mul3A_977 = arith.mulf %get3A_975, %mul3A_976 : vector<16xf32>
        %swap3A_978 = arith.index_cast %add3A_894 : i32 to index
        %swap3A_979 = arith.constant 112 : index
        %swap3A_980 = tpu.vector_load %arg9[%swap3A_978, %swap3A_979] {strides = array<i32>} : memref<128x128xf32, #tpu.memory_space<vmem>>, vector<1x16xf32>,
        %swap3A_981 = vector.shape_cast %swap3A_980 : vector<1x16xf32> to vector<16xf32>
        %swap3A_982 = vector.shape_cast %mul3A_977 : vector<16xf32> to vector<1x16xf32>
        tpu.vector_store %arg9[%swap3A_978, %swap3A_979], %swap3A_982 {strides = array<i32>} : memref<128x128xf32, #tpu.memory_space<vmem>>, vector<1x16xf32>,
        %slice3A_983 = vector.extract_strided_slice %bitcast_convert_type3A {offsets = [10], sizes = [1], strides = [1]} : vector<16xf32> to vector<1xf32>
        %squeeze3A_984 = vector.extract %slice3A_983[0] : f32 from vector<1xf32>
        %add3A_985 = arith.constant 10 : i32
        %add3A_986 = arith.addi %mul3A_65, %add3A_985 : i32
        %get3A_987 = arith.index_cast %add3A_986 : i32 to index
        %get3A_988 = arith.constant 0 : index
        %get3A_989 = tpu.vector_load %arg9[%get3A_987, %get3A_988] {strides = array<i32>} : memref<128x128xf32, #tpu.memory_space<vmem>>, vector<1x16xf32>,
        %get3A_990 = vector.shape_cast %get3A_989 : vector<1x16xf32> to vector<16xf32>
        %mul3A_991 = vector.broadcast %squeeze3A_984 : f32 to vector<16xf32>
        %mul3A_992 = arith.mulf %get3A_990, %mul3A_991 : vector<16xf32>
        %swap3A_993 = arith.index_cast %add3A_986 : i32 to index
        %swap3A_994 = arith.constant 0 : index
        %swap3A_995 = tpu.vector_load %arg9[%swap3A_993, %swap3A_994] {strides = array<i32>} : memref<128x128xf32, #tpu.memory_space<vmem>>, vector<1x16xf32>,
        %swap3A_996 = vector.shape_cast %swap3A_995 : vector<1x16xf32> to vector<16xf32>
        %swap3A_997 = vector.shape_cast %mul3A_992 : vector<16xf32> to vector<1x16xf32>
        tpu.vector_store %arg9[%swap3A_993, %swap3A_994], %swap3A_997 {strides = array<i32>} : memref<128x128xf32, #tpu.memory_space<vmem>>, vector<1x16xf32>,
        %get3A_998 = arith.index_cast %add3A_986 : i32 to index
        %get3A_999 = arith.constant 16 : index
        %get3A_1000 = tpu.vector_load %arg9[%get3A_998, %get3A_999] {strides = array<i32>} : memref<128x128xf32, #tpu.memory_space<vmem>>, vector<1x16xf32>,
        %get3A_1001 = vector.shape_cast %get3A_1000 : vector<1x16xf32> to vector<16xf32>
        %mul3A_1002 = vector.broadcast %squeeze3A_984 : f32 to vector<16xf32>
        %mul3A_1003 = arith.mulf %get3A_1001, %mul3A_1002 : vector<16xf32>
        %swap3A_1004 = arith.index_cast %add3A_986 : i32 to index
        %swap3A_1005 = arith.constant 16 : index
        %swap3A_1006 = tpu.vector_load %arg9[%swap3A_1004, %swap3A_1005] {strides = array<i32>} : memref<128x128xf32, #tpu.memory_space<vmem>>, vector<1x16xf32>,
        %swap3A_1007 = vector.shape_cast %swap3A_1006 : vector<1x16xf32> to vector<16xf32>
        %swap3A_1008 = vector.shape_cast %mul3A_1003 : vector<16xf32> to vector<1x16xf32>
        tpu.vector_store %arg9[%swap3A_1004, %swap3A_1005], %swap3A_1008 {strides = array<i32>} : memref<128x128xf32, #tpu.memory_space<vmem>>, vector<1x16xf32>,
        %get3A_1009 = arith.index_cast %add3A_986 : i32 to index
        %get3A_1010 = arith.constant 32 : index
        %get3A_1011 = tpu.vector_load %arg9[%get3A_1009, %get3A_1010] {strides = array<i32>} : memref<128x128xf32, #tpu.memory_space<vmem>>, vector<1x16xf32>,
        %get3A_1012 = vector.shape_cast %get3A_1011 : vector<1x16xf32> to vector<16xf32>
        %mul3A_1013 = vector.broadcast %squeeze3A_984 : f32 to vector<16xf32>
        %mul3A_1014 = arith.mulf %get3A_1012, %mul3A_1013 : vector<16xf32>
        %swap3A_1015 = arith.index_cast %add3A_986 : i32 to index
        %swap3A_1016 = arith.constant 32 : index
        %swap3A_1017 = tpu.vector_load %arg9[%swap3A_1015, %swap3A_1016] {strides = array<i32>} : memref<128x128xf32, #tpu.memory_space<vmem>>, vector<1x16xf32>,
        %swap3A_1018 = vector.shape_cast %swap3A_1017 : vector<1x16xf32> to vector<16xf32>
        %swap3A_1019 = vector.shape_cast %mul3A_1014 : vector<16xf32> to vector<1x16xf32>
        tpu.vector_store %arg9[%swap3A_1015, %swap3A_1016], %swap3A_1019 {strides = array<i32>} : memref<128x128xf32, #tpu.memory_space<vmem>>, vector<1x16xf32>,
        %get3A_1020 = arith.index_cast %add3A_986 : i32 to index
        %get3A_1021 = arith.constant 48 : index
        %get3A_1022 = tpu.vector_load %arg9[%get3A_1020, %get3A_1021] {strides = array<i32>} : memref<128x128xf32, #tpu.memory_space<vmem>>, vector<1x16xf32>,
        %get3A_1023 = vector.shape_cast %get3A_1022 : vector<1x16xf32> to vector<16xf32>
        %mul3A_1024 = vector.broadcast %squeeze3A_984 : f32 to vector<16xf32>
        %mul3A_1025 = arith.mulf %get3A_1023, %mul3A_1024 : vector<16xf32>
        %swap3A_1026 = arith.index_cast %add3A_986 : i32 to index
        %swap3A_1027 = arith.constant 48 : index
        %swap3A_1028 = tpu.vector_load %arg9[%swap3A_1026, %swap3A_1027] {strides = array<i32>} : memref<128x128xf32, #tpu.memory_space<vmem>>, vector<1x16xf32>,
        %swap3A_1029 = vector.shape_cast %swap3A_1028 : vector<1x16xf32> to vector<16xf32>
        %swap3A_1030 = vector.shape_cast %mul3A_1025 : vector<16xf32> to vector<1x16xf32>
        tpu.vector_store %arg9[%swap3A_1026, %swap3A_1027], %swap3A_1030 {strides = array<i32>} : memref<128x128xf32, #tpu.memory_space<vmem>>, vector<1x16xf32>,
        %get3A_1031 = arith.index_cast %add3A_986 : i32 to index
        %get3A_1032 = arith.constant 64 : index
        %get3A_1033 = tpu.vector_load %arg9[%get3A_1031, %get3A_1032] {strides = array<i32>} : memref<128x128xf32, #tpu.memory_space<vmem>>, vector<1x16xf32>,
        %get3A_1034 = vector.shape_cast %get3A_1033 : vector<1x16xf32> to vector<16xf32>
        %mul3A_1035 = vector.broadcast %squeeze3A_984 : f32 to vector<16xf32>
        %mul3A_1036 = arith.mulf %get3A_1034, %mul3A_1035 : vector<16xf32>
        %swap3A_1037 = arith.index_cast %add3A_986 : i32 to index
        %swap3A_1038 = arith.constant 64 : index
        %swap3A_1039 = tpu.vector_load %arg9[%swap3A_1037, %swap3A_1038] {strides = array<i32>} : memref<128x128xf32, #tpu.memory_space<vmem>>, vector<1x16xf32>,
        %swap3A_1040 = vector.shape_cast %swap3A_1039 : vector<1x16xf32> to vector<16xf32>
        %swap3A_1041 = vector.shape_cast %mul3A_1036 : vector<16xf32> to vector<1x16xf32>
        tpu.vector_store %arg9[%swap3A_1037, %swap3A_1038], %swap3A_1041 {strides = array<i32>} : memref<128x128xf32, #tpu.memory_space<vmem>>, vector<1x16xf32>,
        %get3A_1042 = arith.index_cast %add3A_986 : i32 to index
        %get3A_1043 = arith.constant 80 : index
        %get3A_1044 = tpu.vector_load %arg9[%get3A_1042, %get3A_1043] {strides = array<i32>} : memref<128x128xf32, #tpu.memory_space<vmem>>, vector<1x16xf32>,
        %get3A_1045 = vector.shape_cast %get3A_1044 : vector<1x16xf32> to vector<16xf32>
        %mul3A_1046 = vector.broadcast %squeeze3A_984 : f32 to vector<16xf32>
        %mul3A_1047 = arith.mulf %get3A_1045, %mul3A_1046 : vector<16xf32>
        %swap3A_1048 = arith.index_cast %add3A_986 : i32 to index
        %swap3A_1049 = arith.constant 80 : index
        %swap3A_1050 = tpu.vector_load %arg9[%swap3A_1048, %swap3A_1049] {strides = array<i32>} : memref<128x128xf32, #tpu.memory_space<vmem>>, vector<1x16xf32>,
        %swap3A_1051 = vector.shape_cast %swap3A_1050 : vector<1x16xf32> to vector<16xf32>
        %swap3A_1052 = vector.shape_cast %mul3A_1047 : vector<16xf32> to vector<1x16xf32>
        tpu.vector_store %arg9[%swap3A_1048, %swap3A_1049], %swap3A_1052 {strides = array<i32>} : memref<128x128xf32, #tpu.memory_space<vmem>>, vector<1x16xf32>,
        %get3A_1053 = arith.index_cast %add3A_986 : i32 to index
        %get3A_1054 = arith.constant 96 : index
        %get3A_1055 = tpu.vector_load %arg9[%get3A_1053, %get3A_1054] {strides = array<i32>} : memref<128x128xf32, #tpu.memory_space<vmem>>, vector<1x16xf32>,
        %get3A_1056 = vector.shape_cast %get3A_1055 : vector<1x16xf32> to vector<16xf32>
        %mul3A_1057 = vector.broadcast %squeeze3A_984 : f32 to vector<16xf32>
        %mul3A_1058 = arith.mulf %get3A_1056, %mul3A_1057 : vector<16xf32>
        %swap3A_1059 = arith.index_cast %add3A_986 : i32 to index
        %swap3A_1060 = arith.constant 96 : index
        %swap3A_1061 = tpu.vector_load %arg9[%swap3A_1059, %swap3A_1060] {strides = array<i32>} : memref<128x128xf32, #tpu.memory_space<vmem>>, vector<1x16xf32>,
        %swap3A_1062 = vector.shape_cast %swap3A_1061 : vector<1x16xf32> to vector<16xf32>
        %swap3A_1063 = vector.shape_cast %mul3A_1058 : vector<16xf32> to vector<1x16xf32>
        tpu.vector_store %arg9[%swap3A_1059, %swap3A_1060], %swap3A_1063 {strides = array<i32>} : memref<128x128xf32, #tpu.memory_space<vmem>>, vector<1x16xf32>,
        %get3A_1064 = arith.index_cast %add3A_986 : i32 to index
        %get3A_1065 = arith.constant 112 : index
        %get3A_1066 = tpu.vector_load %arg9[%get3A_1064, %get3A_1065] {strides = array<i32>} : memref<128x128xf32, #tpu.memory_space<vmem>>, vector<1x16xf32>,
        %get3A_1067 = vector.shape_cast %get3A_1066 : vector<1x16xf32> to vector<16xf32>
        %mul3A_1068 = vector.broadcast %squeeze3A_984 : f32 to vector<16xf32>
        %mul3A_1069 = arith.mulf %get3A_1067, %mul3A_1068 : vector<16xf32>
        %swap3A_1070 = arith.index_cast %add3A_986 : i32 to index
        %swap3A_1071 = arith.constant 112 : index
        %swap3A_1072 = tpu.vector_load %arg9[%swap3A_1070, %swap3A_1071] {strides = array<i32>} : memref<128x128xf32, #tpu.memory_space<vmem>>, vector<1x16xf32>,
        %swap3A_1073 = vector.shape_cast %swap3A_1072 : vector<1x16xf32> to vector<16xf32>
        %swap3A_1074 = vector.shape_cast %mul3A_1069 : vector<16xf32> to vector<1x16xf32>
        tpu.vector_store %arg9[%swap3A_1070, %swap3A_1071], %swap3A_1074 {strides = array<i32>} : memref<128x128xf32, #tpu.memory_space<vmem>>, vector<1x16xf32>,
        %slice3A_1075 = vector.extract_strided_slice %bitcast_convert_type3A {offsets = [11], sizes = [1], strides = [1]} : vector<16xf32> to vector<1xf32>
        %squeeze3A_1076 = vector.extract %slice3A_1075[0] : f32 from vector<1xf32>
        %add3A_1077 = arith.constant 11 : i32
        %add3A_1078 = arith.addi %mul3A_65, %add3A_1077 : i32
        %get3A_1079 = arith.index_cast %add3A_1078 : i32 to index
        %get3A_1080 = arith.constant 0 : index
        %get3A_1081 = tpu.vector_load %arg9[%get3A_1079, %get3A_1080] {strides = array<i32>} : memref<128x128xf32, #tpu.memory_space<vmem>>, vector<1x16xf32>,
        %get3A_1082 = vector.shape_cast %get3A_1081 : vector<1x16xf32> to vector<16xf32>
        %mul3A_1083 = vector.broadcast %squeeze3A_1076 : f32 to vector<16xf32>
        %mul3A_1084 = arith.mulf %get3A_1082, %mul3A_1083 : vector<16xf32>
        %swap3A_1085 = arith.index_cast %add3A_1078 : i32 to index
        %swap3A_1086 = arith.constant 0 : index
        %swap3A_1087 = tpu.vector_load %arg9[%swap3A_1085, %swap3A_1086] {strides = array<i32>} : memref<128x128xf32, #tpu.memory_space<vmem>>, vector<1x16xf32>,
        %swap3A_1088 = vector.shape_cast %swap3A_1087 : vector<1x16xf32> to vector<16xf32>
        %swap3A_1089 = vector.shape_cast %mul3A_1084 : vector<16xf32> to vector<1x16xf32>
        tpu.vector_store %arg9[%swap3A_1085, %swap3A_1086], %swap3A_1089 {strides = array<i32>} : memref<128x128xf32, #tpu.memory_space<vmem>>, vector<1x16xf32>,
        %get3A_1090 = arith.index_cast %add3A_1078 : i32 to index
        %get3A_1091 = arith.constant 16 : index
        %get3A_1092 = tpu.vector_load %arg9[%get3A_1090, %get3A_1091] {strides = array<i32>} : memref<128x128xf32, #tpu.memory_space<vmem>>, vector<1x16xf32>,
        %get3A_1093 = vector.shape_cast %get3A_1092 : vector<1x16xf32> to vector<16xf32>
        %mul3A_1094 = vector.broadcast %squeeze3A_1076 : f32 to vector<16xf32>
        %mul3A_1095 = arith.mulf %get3A_1093, %mul3A_1094 : vector<16xf32>
        %swap3A_1096 = arith.index_cast %add3A_1078 : i32 to index
        %swap3A_1097 = arith.constant 16 : index
        %swap3A_1098 = tpu.vector_load %arg9[%swap3A_1096, %swap3A_1097] {strides = array<i32>} : memref<128x128xf32, #tpu.memory_space<vmem>>, vector<1x16xf32>,
        %swap3A_1099 = vector.shape_cast %swap3A_1098 : vector<1x16xf32> to vector<16xf32>
        %swap3A_1100 = vector.shape_cast %mul3A_1095 : vector<16xf32> to vector<1x16xf32>
        tpu.vector_store %arg9[%swap3A_1096, %swap3A_1097], %swap3A_1100 {strides = array<i32>} : memref<128x128xf32, #tpu.memory_space<vmem>>, vector<1x16xf32>,
        %get3A_1101 = arith.index_cast %add3A_1078 : i32 to index
        %get3A_1102 = arith.constant 32 : index
        %get3A_1103 = tpu.vector_load %arg9[%get3A_1101, %get3A_1102] {strides = array<i32>} : memref<128x128xf32, #tpu.memory_space<vmem>>, vector<1x16xf32>,
        %get3A_1104 = vector.shape_cast %get3A_1103 : vector<1x16xf32> to vector<16xf32>
        %mul3A_1105 = vector.broadcast %squeeze3A_1076 : f32 to vector<16xf32>
        %mul3A_1106 = arith.mulf %get3A_1104, %mul3A_1105 : vector<16xf32>
        %swap3A_1107 = arith.index_cast %add3A_1078 : i32 to index
        %swap3A_1108 = arith.constant 32 : index
        %swap3A_1109 = tpu.vector_load %arg9[%swap3A_1107, %swap3A_1108] {strides = array<i32>} : memref<128x128xf32, #tpu.memory_space<vmem>>, vector<1x16xf32>,
        %swap3A_1110 = vector.shape_cast %swap3A_1109 : vector<1x16xf32> to vector<16xf32>
        %swap3A_1111 = vector.shape_cast %mul3A_1106 : vector<16xf32> to vector<1x16xf32>
        tpu.vector_store %arg9[%swap3A_1107, %swap3A_1108], %swap3A_1111 {strides = array<i32>} : memref<128x128xf32, #tpu.memory_space<vmem>>, vector<1x16xf32>,
        %get3A_1112 = arith.index_cast %add3A_1078 : i32 to index
        %get3A_1113 = arith.constant 48 : index
        %get3A_1114 = tpu.vector_load %arg9[%get3A_1112, %get3A_1113] {strides = array<i32>} : memref<128x128xf32, #tpu.memory_space<vmem>>, vector<1x16xf32>,
        %get3A_1115 = vector.shape_cast %get3A_1114 : vector<1x16xf32> to vector<16xf32>
        %mul3A_1116 = vector.broadcast %squeeze3A_1076 : f32 to vector<16xf32>
        %mul3A_1117 = arith.mulf %get3A_1115, %mul3A_1116 : vector<16xf32>
        %swap3A_1118 = arith.index_cast %add3A_1078 : i32 to index
        %swap3A_1119 = arith.constant 48 : index
        %swap3A_1120 = tpu.vector_load %arg9[%swap3A_1118, %swap3A_1119] {strides = array<i32>} : memref<128x128xf32, #tpu.memory_space<vmem>>, vector<1x16xf32>,
        %swap3A_1121 = vector.shape_cast %swap3A_1120 : vector<1x16xf32> to vector<16xf32>
        %swap3A_1122 = vector.shape_cast %mul3A_1117 : vector<16xf32> to vector<1x16xf32>
        tpu.vector_store %arg9[%swap3A_1118, %swap3A_1119], %swap3A_1122 {strides = array<i32>} : memref<128x128xf32, #tpu.memory_space<vmem>>, vector<1x16xf32>,
        %get3A_1123 = arith.index_cast %add3A_1078 : i32 to index
        %get3A_1124 = arith.constant 64 : index
        %get3A_1125 = tpu.vector_load %arg9[%get3A_1123, %get3A_1124] {strides = array<i32>} : memref<128x128xf32, #tpu.memory_space<vmem>>, vector<1x16xf32>,
        %get3A_1126 = vector.shape_cast %get3A_1125 : vector<1x16xf32> to vector<16xf32>
        %mul3A_1127 = vector.broadcast %squeeze3A_1076 : f32 to vector<16xf32>
        %mul3A_1128 = arith.mulf %get3A_1126, %mul3A_1127 : vector<16xf32>
        %swap3A_1129 = arith.index_cast %add3A_1078 : i32 to index
        %swap3A_1130 = arith.constant 64 : index
        %swap3A_1131 = tpu.vector_load %arg9[%swap3A_1129, %swap3A_1130] {strides = array<i32>} : memref<128x128xf32, #tpu.memory_space<vmem>>, vector<1x16xf32>,
        %swap3A_1132 = vector.shape_cast %swap3A_1131 : vector<1x16xf32> to vector<16xf32>
        %swap3A_1133 = vector.shape_cast %mul3A_1128 : vector<16xf32> to vector<1x16xf32>
        tpu.vector_store %arg9[%swap3A_1129, %swap3A_1130], %swap3A_1133 {strides = array<i32>} : memref<128x128xf32, #tpu.memory_space<vmem>>, vector<1x16xf32>,
        %get3A_1134 = arith.index_cast %add3A_1078 : i32 to index
        %get3A_1135 = arith.constant 80 : index
        %get3A_1136 = tpu.vector_load %arg9[%get3A_1134, %get3A_1135] {strides = array<i32>} : memref<128x128xf32, #tpu.memory_space<vmem>>, vector<1x16xf32>,
        %get3A_1137 = vector.shape_cast %get3A_1136 : vector<1x16xf32> to vector<16xf32>
        %mul3A_1138 = vector.broadcast %squeeze3A_1076 : f32 to vector<16xf32>
        %mul3A_1139 = arith.mulf %get3A_1137, %mul3A_1138 : vector<16xf32>
        %swap3A_1140 = arith.index_cast %add3A_1078 : i32 to index
        %swap3A_1141 = arith.constant 80 : index
        %swap3A_1142 = tpu.vector_load %arg9[%swap3A_1140, %swap3A_1141] {strides = array<i32>} : memref<128x128xf32, #tpu.memory_space<vmem>>, vector<1x16xf32>,
        %swap3A_1143 = vector.shape_cast %swap3A_1142 : vector<1x16xf32> to vector<16xf32>
        %swap3A_1144 = vector.shape_cast %mul3A_1139 : vector<16xf32> to vector<1x16xf32>
        tpu.vector_store %arg9[%swap3A_1140, %swap3A_1141], %swap3A_1144 {strides = array<i32>} : memref<128x128xf32, #tpu.memory_space<vmem>>, vector<1x16xf32>,
        %get3A_1145 = arith.index_cast %add3A_1078 : i32 to index
        %get3A_1146 = arith.constant 96 : index
        %get3A_1147 = tpu.vector_load %arg9[%get3A_1145, %get3A_1146] {strides = array<i32>} : memref<128x128xf32, #tpu.memory_space<vmem>>, vector<1x16xf32>,
        %get3A_1148 = vector.shape_cast %get3A_1147 : vector<1x16xf32> to vector<16xf32>
        %mul3A_1149 = vector.broadcast %squeeze3A_1076 : f32 to vector<16xf32>
        %mul3A_1150 = arith.mulf %get3A_1148, %mul3A_1149 : vector<16xf32>
        %swap3A_1151 = arith.index_cast %add3A_1078 : i32 to index
        %swap3A_1152 = arith.constant 96 : index
        %swap3A_1153 = tpu.vector_load %arg9[%swap3A_1151, %swap3A_1152] {strides = array<i32>} : memref<128x128xf32, #tpu.memory_space<vmem>>, vector<1x16xf32>,
        %swap3A_1154 = vector.shape_cast %swap3A_1153 : vector<1x16xf32> to vector<16xf32>
        %swap3A_1155 = vector.shape_cast %mul3A_1150 : vector<16xf32> to vector<1x16xf32>
        tpu.vector_store %arg9[%swap3A_1151, %swap3A_1152], %swap3A_1155 {strides = array<i32>} : memref<128x128xf32, #tpu.memory_space<vmem>>, vector<1x16xf32>,
        %get3A_1156 = arith.index_cast %add3A_1078 : i32 to index
        %get3A_1157 = arith.constant 112 : index
        %get3A_1158 = tpu.vector_load %arg9[%get3A_1156, %get3A_1157] {strides = array<i32>} : memref<128x128xf32, #tpu.memory_space<vmem>>, vector<1x16xf32>,
        %get3A_1159 = vector.shape_cast %get3A_1158 : vector<1x16xf32> to vector<16xf32>
        %mul3A_1160 = vector.broadcast %squeeze3A_1076 : f32 to vector<16xf32>
        %mul3A_1161 = arith.mulf %get3A_1159, %mul3A_1160 : vector<16xf32>
        %swap3A_1162 = arith.index_cast %add3A_1078 : i32 to index
        %swap3A_1163 = arith.constant 112 : index
        %swap3A_1164 = tpu.vector_load %arg9[%swap3A_1162, %swap3A_1163] {strides = array<i32>} : memref<128x128xf32, #tpu.memory_space<vmem>>, vector<1x16xf32>,
        %swap3A_1165 = vector.shape_cast %swap3A_1164 : vector<1x16xf32> to vector<16xf32>
        %swap3A_1166 = vector.shape_cast %mul3A_1161 : vector<16xf32> to vector<1x16xf32>
        tpu.vector_store %arg9[%swap3A_1162, %swap3A_1163], %swap3A_1166 {strides = array<i32>} : memref<128x128xf32, #tpu.memory_space<vmem>>, vector<1x16xf32>,
        %slice3A_1167 = vector.extract_strided_slice %bitcast_convert_type3A {offsets = [12], sizes = [1], strides = [1]} : vector<16xf32> to vector<1xf32>
        %squeeze3A_1168 = vector.extract %slice3A_1167[0] : f32 from vector<1xf32>
        %add3A_1169 = arith.constant 12 : i32
        %add3A_1170 = arith.addi %mul3A_65, %add3A_1169 : i32
        %get3A_1171 = arith.index_cast %add3A_1170 : i32 to index
        %get3A_1172 = arith.constant 0 : index
        %get3A_1173 = tpu.vector_load %arg9[%get3A_1171, %get3A_1172] {strides = array<i32>} : memref<128x128xf32, #tpu.memory_space<vmem>>, vector<1x16xf32>,
        %get3A_1174 = vector.shape_cast %get3A_1173 : vector<1x16xf32> to vector<16xf32>
        %mul3A_1175 = vector.broadcast %squeeze3A_1168 : f32 to vector<16xf32>
        %mul3A_1176 = arith.mulf %get3A_1174, %mul3A_1175 : vector<16xf32>
        %swap3A_1177 = arith.index_cast %add3A_1170 : i32 to index
        %swap3A_1178 = arith.constant 0 : index
        %swap3A_1179 = tpu.vector_load %arg9[%swap3A_1177, %swap3A_1178] {strides = array<i32>} : memref<128x128xf32, #tpu.memory_space<vmem>>, vector<1x16xf32>,
        %swap3A_1180 = vector.shape_cast %swap3A_1179 : vector<1x16xf32> to vector<16xf32>
        %swap3A_1181 = vector.shape_cast %mul3A_1176 : vector<16xf32> to vector<1x16xf32>
        tpu.vector_store %arg9[%swap3A_1177, %swap3A_1178], %swap3A_1181 {strides = array<i32>} : memref<128x128xf32, #tpu.memory_space<vmem>>, vector<1x16xf32>,
        %get3A_1182 = arith.index_cast %add3A_1170 : i32 to index
        %get3A_1183 = arith.constant 16 : index
        %get3A_1184 = tpu.vector_load %arg9[%get3A_1182, %get3A_1183] {strides = array<i32>} : memref<128x128xf32, #tpu.memory_space<vmem>>, vector<1x16xf32>,
        %get3A_1185 = vector.shape_cast %get3A_1184 : vector<1x16xf32> to vector<16xf32>
        %mul3A_1186 = vector.broadcast %squeeze3A_1168 : f32 to vector<16xf32>
        %mul3A_1187 = arith.mulf %get3A_1185, %mul3A_1186 : vector<16xf32>
        %swap3A_1188 = arith.index_cast %add3A_1170 : i32 to index
        %swap3A_1189 = arith.constant 16 : index
        %swap3A_1190 = tpu.vector_load %arg9[%swap3A_1188, %swap3A_1189] {strides = array<i32>} : memref<128x128xf32, #tpu.memory_space<vmem>>, vector<1x16xf32>,
        %swap3A_1191 = vector.shape_cast %swap3A_1190 : vector<1x16xf32> to vector<16xf32>
        %swap3A_1192 = vector.shape_cast %mul3A_1187 : vector<16xf32> to vector<1x16xf32>
        tpu.vector_store %arg9[%swap3A_1188, %swap3A_1189], %swap3A_1192 {strides = array<i32>} : memref<128x128xf32, #tpu.memory_space<vmem>>, vector<1x16xf32>,
        %get3A_1193 = arith.index_cast %add3A_1170 : i32 to index
        %get3A_1194 = arith.constant 32 : index
        %get3A_1195 = tpu.vector_load %arg9[%get3A_1193, %get3A_1194] {strides = array<i32>} : memref<128x128xf32, #tpu.memory_space<vmem>>, vector<1x16xf32>,
        %get3A_1196 = vector.shape_cast %get3A_1195 : vector<1x16xf32> to vector<16xf32>
        %mul3A_1197 = vector.broadcast %squeeze3A_1168 : f32 to vector<16xf32>
        %mul3A_1198 = arith.mulf %get3A_1196, %mul3A_1197 : vector<16xf32>
        %swap3A_1199 = arith.index_cast %add3A_1170 : i32 to index
        %swap3A_1200 = arith.constant 32 : index
        %swap3A_1201 = tpu.vector_load %arg9[%swap3A_1199, %swap3A_1200] {strides = array<i32>} : memref<128x128xf32, #tpu.memory_space<vmem>>, vector<1x16xf32>,
        %swap3A_1202 = vector.shape_cast %swap3A_1201 : vector<1x16xf32> to vector<16xf32>
        %swap3A_1203 = vector.shape_cast %mul3A_1198 : vector<16xf32> to vector<1x16xf32>
        tpu.vector_store %arg9[%swap3A_1199, %swap3A_1200], %swap3A_1203 {strides = array<i32>} : memref<128x128xf32, #tpu.memory_space<vmem>>, vector<1x16xf32>,
        %get3A_1204 = arith.index_cast %add3A_1170 : i32 to index
        %get3A_1205 = arith.constant 48 : index
        %get3A_1206 = tpu.vector_load %arg9[%get3A_1204, %get3A_1205] {strides = array<i32>} : memref<128x128xf32, #tpu.memory_space<vmem>>, vector<1x16xf32>,
        %get3A_1207 = vector.shape_cast %get3A_1206 : vector<1x16xf32> to vector<16xf32>
        %mul3A_1208 = vector.broadcast %squeeze3A_1168 : f32 to vector<16xf32>
        %mul3A_1209 = arith.mulf %get3A_1207, %mul3A_1208 : vector<16xf32>
        %swap3A_1210 = arith.index_cast %add3A_1170 : i32 to index
        %swap3A_1211 = arith.constant 48 : index
        %swap3A_1212 = tpu.vector_load %arg9[%swap3A_1210, %swap3A_1211] {strides = array<i32>} : memref<128x128xf32, #tpu.memory_space<vmem>>, vector<1x16xf32>,
        %swap3A_1213 = vector.shape_cast %swap3A_1212 : vector<1x16xf32> to vector<16xf32>
        %swap3A_1214 = vector.shape_cast %mul3A_1209 : vector<16xf32> to vector<1x16xf32>
        tpu.vector_store %arg9[%swap3A_1210, %swap3A_1211], %swap3A_1214 {strides = array<i32>} : memref<128x128xf32, #tpu.memory_space<vmem>>, vector<1x16xf32>,
        %get3A_1215 = arith.index_cast %add3A_1170 : i32 to index
        %get3A_1216 = arith.constant 64 : index
        %get3A_1217 = tpu.vector_load %arg9[%get3A_1215, %get3A_1216] {strides = array<i32>} : memref<128x128xf32, #tpu.memory_space<vmem>>, vector<1x16xf32>,
        %get3A_1218 = vector.shape_cast %get3A_1217 : vector<1x16xf32> to vector<16xf32>
        %mul3A_1219 = vector.broadcast %squeeze3A_1168 : f32 to vector<16xf32>
        %mul3A_1220 = arith.mulf %get3A_1218, %mul3A_1219 : vector<16xf32>
        %swap3A_1221 = arith.index_cast %add3A_1170 : i32 to index
        %swap3A_1222 = arith.constant 64 : index
        %swap3A_1223 = tpu.vector_load %arg9[%swap3A_1221, %swap3A_1222] {strides = array<i32>} : memref<128x128xf32, #tpu.memory_space<vmem>>, vector<1x16xf32>,
        %swap3A_1224 = vector.shape_cast %swap3A_1223 : vector<1x16xf32> to vector<16xf32>
        %swap3A_1225 = vector.shape_cast %mul3A_1220 : vector<16xf32> to vector<1x16xf32>
        tpu.vector_store %arg9[%swap3A_1221, %swap3A_1222], %swap3A_1225 {strides = array<i32>} : memref<128x128xf32, #tpu.memory_space<vmem>>, vector<1x16xf32>,
        %get3A_1226 = arith.index_cast %add3A_1170 : i32 to index
        %get3A_1227 = arith.constant 80 : index
        %get3A_1228 = tpu.vector_load %arg9[%get3A_1226, %get3A_1227] {strides = array<i32>} : memref<128x128xf32, #tpu.memory_space<vmem>>, vector<1x16xf32>,
        %get3A_1229 = vector.shape_cast %get3A_1228 : vector<1x16xf32> to vector<16xf32>
        %mul3A_1230 = vector.broadcast %squeeze3A_1168 : f32 to vector<16xf32>
        %mul3A_1231 = arith.mulf %get3A_1229, %mul3A_1230 : vector<16xf32>
        %swap3A_1232 = arith.index_cast %add3A_1170 : i32 to index
        %swap3A_1233 = arith.constant 80 : index
        %swap3A_1234 = tpu.vector_load %arg9[%swap3A_1232, %swap3A_1233] {strides = array<i32>} : memref<128x128xf32, #tpu.memory_space<vmem>>, vector<1x16xf32>,
        %swap3A_1235 = vector.shape_cast %swap3A_1234 : vector<1x16xf32> to vector<16xf32>
        %swap3A_1236 = vector.shape_cast %mul3A_1231 : vector<16xf32> to vector<1x16xf32>
        tpu.vector_store %arg9[%swap3A_1232, %swap3A_1233], %swap3A_1236 {strides = array<i32>} : memref<128x128xf32, #tpu.memory_space<vmem>>, vector<1x16xf32>,
        %get3A_1237 = arith.index_cast %add3A_1170 : i32 to index
        %get3A_1238 = arith.constant 96 : index
        %get3A_1239 = tpu.vector_load %arg9[%get3A_1237, %get3A_1238] {strides = array<i32>} : memref<128x128xf32, #tpu.memory_space<vmem>>, vector<1x16xf32>,
        %get3A_1240 = vector.shape_cast %get3A_1239 : vector<1x16xf32> to vector<16xf32>
        %mul3A_1241 = vector.broadcast %squeeze3A_1168 : f32 to vector<16xf32>
        %mul3A_1242 = arith.mulf %get3A_1240, %mul3A_1241 : vector<16xf32>
        %swap3A_1243 = arith.index_cast %add3A_1170 : i32 to index
        %swap3A_1244 = arith.constant 96 : index
        %swap3A_1245 = tpu.vector_load %arg9[%swap3A_1243, %swap3A_1244] {strides = array<i32>} : memref<128x128xf32, #tpu.memory_space<vmem>>, vector<1x16xf32>,
        %swap3A_1246 = vector.shape_cast %swap3A_1245 : vector<1x16xf32> to vector<16xf32>
        %swap3A_1247 = vector.shape_cast %mul3A_1242 : vector<16xf32> to vector<1x16xf32>
        tpu.vector_store %arg9[%swap3A_1243, %swap3A_1244], %swap3A_1247 {strides = array<i32>} : memref<128x128xf32, #tpu.memory_space<vmem>>, vector<1x16xf32>,
        %get3A_1248 = arith.index_cast %add3A_1170 : i32 to index
        %get3A_1249 = arith.constant 112 : index
        %get3A_1250 = tpu.vector_load %arg9[%get3A_1248, %get3A_1249] {strides = array<i32>} : memref<128x128xf32, #tpu.memory_space<vmem>>, vector<1x16xf32>,
        %get3A_1251 = vector.shape_cast %get3A_1250 : vector<1x16xf32> to vector<16xf32>
        %mul3A_1252 = vector.broadcast %squeeze3A_1168 : f32 to vector<16xf32>
        %mul3A_1253 = arith.mulf %get3A_1251, %mul3A_1252 : vector<16xf32>
        %swap3A_1254 = arith.index_cast %add3A_1170 : i32 to index
        %swap3A_1255 = arith.constant 112 : index
        %swap3A_1256 = tpu.vector_load %arg9[%swap3A_1254, %swap3A_1255] {strides = array<i32>} : memref<128x128xf32, #tpu.memory_space<vmem>>, vector<1x16xf32>,
        %swap3A_1257 = vector.shape_cast %swap3A_1256 : vector<1x16xf32> to vector<16xf32>
        %swap3A_1258 = vector.shape_cast %mul3A_1253 : vector<16xf32> to vector<1x16xf32>
        tpu.vector_store %arg9[%swap3A_1254, %swap3A_1255], %swap3A_1258 {strides = array<i32>} : memref<128x128xf32, #tpu.memory_space<vmem>>, vector<1x16xf32>,
        %slice3A_1259 = vector.extract_strided_slice %bitcast_convert_type3A {offsets = [13], sizes = [1], strides = [1]} : vector<16xf32> to vector<1xf32>
        %squeeze3A_1260 = vector.extract %slice3A_1259[0] : f32 from vector<1xf32>
        %add3A_1261 = arith.constant 13 : i32
        %add3A_1262 = arith.addi %mul3A_65, %add3A_1261 : i32
        %get3A_1263 = arith.index_cast %add3A_1262 : i32 to index
        %get3A_1264 = arith.constant 0 : index
        %get3A_1265 = tpu.vector_load %arg9[%get3A_1263, %get3A_1264] {strides = array<i32>} : memref<128x128xf32, #tpu.memory_space<vmem>>, vector<1x16xf32>,
        %get3A_1266 = vector.shape_cast %get3A_1265 : vector<1x16xf32> to vector<16xf32>
        %mul3A_1267 = vector.broadcast %squeeze3A_1260 : f32 to vector<16xf32>
        %mul3A_1268 = arith.mulf %get3A_1266, %mul3A_1267 : vector<16xf32>
        %swap3A_1269 = arith.index_cast %add3A_1262 : i32 to index
        %swap3A_1270 = arith.constant 0 : index
        %swap3A_1271 = tpu.vector_load %arg9[%swap3A_1269, %swap3A_1270] {strides = array<i32>} : memref<128x128xf32, #tpu.memory_space<vmem>>, vector<1x16xf32>,
        %swap3A_1272 = vector.shape_cast %swap3A_1271 : vector<1x16xf32> to vector<16xf32>
        %swap3A_1273 = vector.shape_cast %mul3A_1268 : vector<16xf32> to vector<1x16xf32>
        tpu.vector_store %arg9[%swap3A_1269, %swap3A_1270], %swap3A_1273 {strides = array<i32>} : memref<128x128xf32, #tpu.memory_space<vmem>>, vector<1x16xf32>,
        %get3A_1274 = arith.index_cast %add3A_1262 : i32 to index
        %get3A_1275 = arith.constant 16 : index
        %get3A_1276 = tpu.vector_load %arg9[%get3A_1274, %get3A_1275] {strides = array<i32>} : memref<128x128xf32, #tpu.memory_space<vmem>>, vector<1x16xf32>,
        %get3A_1277 = vector.shape_cast %get3A_1276 : vector<1x16xf32> to vector<16xf32>
        %mul3A_1278 = vector.broadcast %squeeze3A_1260 : f32 to vector<16xf32>
        %mul3A_1279 = arith.mulf %get3A_1277, %mul3A_1278 : vector<16xf32>
        %swap3A_1280 = arith.index_cast %add3A_1262 : i32 to index
        %swap3A_1281 = arith.constant 16 : index
        %swap3A_1282 = tpu.vector_load %arg9[%swap3A_1280, %swap3A_1281] {strides = array<i32>} : memref<128x128xf32, #tpu.memory_space<vmem>>, vector<1x16xf32>,
        %swap3A_1283 = vector.shape_cast %swap3A_1282 : vector<1x16xf32> to vector<16xf32>
        %swap3A_1284 = vector.shape_cast %mul3A_1279 : vector<16xf32> to vector<1x16xf32>
        tpu.vector_store %arg9[%swap3A_1280, %swap3A_1281], %swap3A_1284 {strides = array<i32>} : memref<128x128xf32, #tpu.memory_space<vmem>>, vector<1x16xf32>,
        %get3A_1285 = arith.index_cast %add3A_1262 : i32 to index
        %get3A_1286 = arith.constant 32 : index
        %get3A_1287 = tpu.vector_load %arg9[%get3A_1285, %get3A_1286] {strides = array<i32>} : memref<128x128xf32, #tpu.memory_space<vmem>>, vector<1x16xf32>,
        %get3A_1288 = vector.shape_cast %get3A_1287 : vector<1x16xf32> to vector<16xf32>
        %mul3A_1289 = vector.broadcast %squeeze3A_1260 : f32 to vector<16xf32>
        %mul3A_1290 = arith.mulf %get3A_1288, %mul3A_1289 : vector<16xf32>
        %swap3A_1291 = arith.index_cast %add3A_1262 : i32 to index
        %swap3A_1292 = arith.constant 32 : index
        %swap3A_1293 = tpu.vector_load %arg9[%swap3A_1291, %swap3A_1292] {strides = array<i32>} : memref<128x128xf32, #tpu.memory_space<vmem>>, vector<1x16xf32>,
        %swap3A_1294 = vector.shape_cast %swap3A_1293 : vector<1x16xf32> to vector<16xf32>
        %swap3A_1295 = vector.shape_cast %mul3A_1290 : vector<16xf32> to vector<1x16xf32>
        tpu.vector_store %arg9[%swap3A_1291, %swap3A_1292], %swap3A_1295 {strides = array<i32>} : memref<128x128xf32, #tpu.memory_space<vmem>>, vector<1x16xf32>,
        %get3A_1296 = arith.index_cast %add3A_1262 : i32 to index
        %get3A_1297 = arith.constant 48 : index
        %get3A_1298 = tpu.vector_load %arg9[%get3A_1296, %get3A_1297] {strides = array<i32>} : memref<128x128xf32, #tpu.memory_space<vmem>>, vector<1x16xf32>,
        %get3A_1299 = vector.shape_cast %get3A_1298 : vector<1x16xf32> to vector<16xf32>
        %mul3A_1300 = vector.broadcast %squeeze3A_1260 : f32 to vector<16xf32>
        %mul3A_1301 = arith.mulf %get3A_1299, %mul3A_1300 : vector<16xf32>
        %swap3A_1302 = arith.index_cast %add3A_1262 : i32 to index
        %swap3A_1303 = arith.constant 48 : index
        %swap3A_1304 = tpu.vector_load %arg9[%swap3A_1302, %swap3A_1303] {strides = array<i32>} : memref<128x128xf32, #tpu.memory_space<vmem>>, vector<1x16xf32>,
        %swap3A_1305 = vector.shape_cast %swap3A_1304 : vector<1x16xf32> to vector<16xf32>
        %swap3A_1306 = vector.shape_cast %mul3A_1301 : vector<16xf32> to vector<1x16xf32>
        tpu.vector_store %arg9[%swap3A_1302, %swap3A_1303], %swap3A_1306 {strides = array<i32>} : memref<128x128xf32, #tpu.memory_space<vmem>>, vector<1x16xf32>,
        %get3A_1307 = arith.index_cast %add3A_1262 : i32 to index
        %get3A_1308 = arith.constant 64 : index
        %get3A_1309 = tpu.vector_load %arg9[%get3A_1307, %get3A_1308] {strides = array<i32>} : memref<128x128xf32, #tpu.memory_space<vmem>>, vector<1x16xf32>,
        %get3A_1310 = vector.shape_cast %get3A_1309 : vector<1x16xf32> to vector<16xf32>
        %mul3A_1311 = vector.broadcast %squeeze3A_1260 : f32 to vector<16xf32>
        %mul3A_1312 = arith.mulf %get3A_1310, %mul3A_1311 : vector<16xf32>
        %swap3A_1313 = arith.index_cast %add3A_1262 : i32 to index
        %swap3A_1314 = arith.constant 64 : index
        %swap3A_1315 = tpu.vector_load %arg9[%swap3A_1313, %swap3A_1314] {strides = array<i32>} : memref<128x128xf32, #tpu.memory_space<vmem>>, vector<1x16xf32>,
        %swap3A_1316 = vector.shape_cast %swap3A_1315 : vector<1x16xf32> to vector<16xf32>
        %swap3A_1317 = vector.shape_cast %mul3A_1312 : vector<16xf32> to vector<1x16xf32>
        tpu.vector_store %arg9[%swap3A_1313, %swap3A_1314], %swap3A_1317 {strides = array<i32>} : memref<128x128xf32, #tpu.memory_space<vmem>>, vector<1x16xf32>,
        %get3A_1318 = arith.index_cast %add3A_1262 : i32 to index
        %get3A_1319 = arith.constant 80 : index
        %get3A_1320 = tpu.vector_load %arg9[%get3A_1318, %get3A_1319] {strides = array<i32>} : memref<128x128xf32, #tpu.memory_space<vmem>>, vector<1x16xf32>,
        %get3A_1321 = vector.shape_cast %get3A_1320 : vector<1x16xf32> to vector<16xf32>
        %mul3A_1322 = vector.broadcast %squeeze3A_1260 : f32 to vector<16xf32>
        %mul3A_1323 = arith.mulf %get3A_1321, %mul3A_1322 : vector<16xf32>
        %swap3A_1324 = arith.index_cast %add3A_1262 : i32 to index
        %swap3A_1325 = arith.constant 80 : index
        %swap3A_1326 = tpu.vector_load %arg9[%swap3A_1324, %swap3A_1325] {strides = array<i32>} : memref<128x128xf32, #tpu.memory_space<vmem>>, vector<1x16xf32>,
        %swap3A_1327 = vector.shape_cast %swap3A_1326 : vector<1x16xf32> to vector<16xf32>
        %swap3A_1328 = vector.shape_cast %mul3A_1323 : vector<16xf32> to vector<1x16xf32>
        tpu.vector_store %arg9[%swap3A_1324, %swap3A_1325], %swap3A_1328 {strides = array<i32>} : memref<128x128xf32, #tpu.memory_space<vmem>>, vector<1x16xf32>,
        %get3A_1329 = arith.index_cast %add3A_1262 : i32 to index
        %get3A_1330 = arith.constant 96 : index
        %get3A_1331 = tpu.vector_load %arg9[%get3A_1329, %get3A_1330] {strides = array<i32>} : memref<128x128xf32, #tpu.memory_space<vmem>>, vector<1x16xf32>,
        %get3A_1332 = vector.shape_cast %get3A_1331 : vector<1x16xf32> to vector<16xf32>
        %mul3A_1333 = vector.broadcast %squeeze3A_1260 : f32 to vector<16xf32>
        %mul3A_1334 = arith.mulf %get3A_1332, %mul3A_1333 : vector<16xf32>
        %swap3A_1335 = arith.index_cast %add3A_1262 : i32 to index
        %swap3A_1336 = arith.constant 96 : index
        %swap3A_1337 = tpu.vector_load %arg9[%swap3A_1335, %swap3A_1336] {strides = array<i32>} : memref<128x128xf32, #tpu.memory_space<vmem>>, vector<1x16xf32>,
        %swap3A_1338 = vector.shape_cast %swap3A_1337 : vector<1x16xf32> to vector<16xf32>
        %swap3A_1339 = vector.shape_cast %mul3A_1334 : vector<16xf32> to vector<1x16xf32>
        tpu.vector_store %arg9[%swap3A_1335, %swap3A_1336], %swap3A_1339 {strides = array<i32>} : memref<128x128xf32, #tpu.memory_space<vmem>>, vector<1x16xf32>,
        %get3A_1340 = arith.index_cast %add3A_1262 : i32 to index
        %get3A_1341 = arith.constant 112 : index
        %get3A_1342 = tpu.vector_load %arg9[%get3A_1340, %get3A_1341] {strides = array<i32>} : memref<128x128xf32, #tpu.memory_space<vmem>>, vector<1x16xf32>,
        %get3A_1343 = vector.shape_cast %get3A_1342 : vector<1x16xf32> to vector<16xf32>
        %mul3A_1344 = vector.broadcast %squeeze3A_1260 : f32 to vector<16xf32>
        %mul3A_1345 = arith.mulf %get3A_1343, %mul3A_1344 : vector<16xf32>
        %swap3A_1346 = arith.index_cast %add3A_1262 : i32 to index
        %swap3A_1347 = arith.constant 112 : index
        %swap3A_1348 = tpu.vector_load %arg9[%swap3A_1346, %swap3A_1347] {strides = array<i32>} : memref<128x128xf32, #tpu.memory_space<vmem>>, vector<1x16xf32>,
        %swap3A_1349 = vector.shape_cast %swap3A_1348 : vector<1x16xf32> to vector<16xf32>
        %swap3A_1350 = vector.shape_cast %mul3A_1345 : vector<16xf32> to vector<1x16xf32>
        tpu.vector_store %arg9[%swap3A_1346, %swap3A_1347], %swap3A_1350 {strides = array<i32>} : memref<128x128xf32, #tpu.memory_space<vmem>>, vector<1x16xf32>,
        %slice3A_1351 = vector.extract_strided_slice %bitcast_convert_type3A {offsets = [14], sizes = [1], strides = [1]} : vector<16xf32> to vector<1xf32>
        %squeeze3A_1352 = vector.extract %slice3A_1351[0] : f32 from vector<1xf32>
        %add3A_1353 = arith.constant 14 : i32
        %add3A_1354 = arith.addi %mul3A_65, %add3A_1353 : i32
        %get3A_1355 = arith.index_cast %add3A_1354 : i32 to index
        %get3A_1356 = arith.constant 0 : index
        %get3A_1357 = tpu.vector_load %arg9[%get3A_1355, %get3A_1356] {strides = array<i32>} : memref<128x128xf32, #tpu.memory_space<vmem>>, vector<1x16xf32>,
        %get3A_1358 = vector.shape_cast %get3A_1357 : vector<1x16xf32> to vector<16xf32>
        %mul3A_1359 = vector.broadcast %squeeze3A_1352 : f32 to vector<16xf32>
        %mul3A_1360 = arith.mulf %get3A_1358, %mul3A_1359 : vector<16xf32>
        %swap3A_1361 = arith.index_cast %add3A_1354 : i32 to index
        %swap3A_1362 = arith.constant 0 : index
        %swap3A_1363 = tpu.vector_load %arg9[%swap3A_1361, %swap3A_1362] {strides = array<i32>} : memref<128x128xf32, #tpu.memory_space<vmem>>, vector<1x16xf32>,
        %swap3A_1364 = vector.shape_cast %swap3A_1363 : vector<1x16xf32> to vector<16xf32>
        %swap3A_1365 = vector.shape_cast %mul3A_1360 : vector<16xf32> to vector<1x16xf32>
        tpu.vector_store %arg9[%swap3A_1361, %swap3A_1362], %swap3A_1365 {strides = array<i32>} : memref<128x128xf32, #tpu.memory_space<vmem>>, vector<1x16xf32>,
        %get3A_1366 = arith.index_cast %add3A_1354 : i32 to index
        %get3A_1367 = arith.constant 16 : index
        %get3A_1368 = tpu.vector_load %arg9[%get3A_1366, %get3A_1367] {strides = array<i32>} : memref<128x128xf32, #tpu.memory_space<vmem>>, vector<1x16xf32>,
        %get3A_1369 = vector.shape_cast %get3A_1368 : vector<1x16xf32> to vector<16xf32>
        %mul3A_1370 = vector.broadcast %squeeze3A_1352 : f32 to vector<16xf32>
        %mul3A_1371 = arith.mulf %get3A_1369, %mul3A_1370 : vector<16xf32>
        %swap3A_1372 = arith.index_cast %add3A_1354 : i32 to index
        %swap3A_1373 = arith.constant 16 : index
        %swap3A_1374 = tpu.vector_load %arg9[%swap3A_1372, %swap3A_1373] {strides = array<i32>} : memref<128x128xf32, #tpu.memory_space<vmem>>, vector<1x16xf32>,
        %swap3A_1375 = vector.shape_cast %swap3A_1374 : vector<1x16xf32> to vector<16xf32>
        %swap3A_1376 = vector.shape_cast %mul3A_1371 : vector<16xf32> to vector<1x16xf32>
        tpu.vector_store %arg9[%swap3A_1372, %swap3A_1373], %swap3A_1376 {strides = array<i32>} : memref<128x128xf32, #tpu.memory_space<vmem>>, vector<1x16xf32>,
        %get3A_1377 = arith.index_cast %add3A_1354 : i32 to index
        %get3A_1378 = arith.constant 32 : index
        %get3A_1379 = tpu.vector_load %arg9[%get3A_1377, %get3A_1378] {strides = array<i32>} : memref<128x128xf32, #tpu.memory_space<vmem>>, vector<1x16xf32>,
        %get3A_1380 = vector.shape_cast %get3A_1379 : vector<1x16xf32> to vector<16xf32>
        %mul3A_1381 = vector.broadcast %squeeze3A_1352 : f32 to vector<16xf32>
        %mul3A_1382 = arith.mulf %get3A_1380, %mul3A_1381 : vector<16xf32>
        %swap3A_1383 = arith.index_cast %add3A_1354 : i32 to index
        %swap3A_1384 = arith.constant 32 : index
        %swap3A_1385 = tpu.vector_load %arg9[%swap3A_1383, %swap3A_1384] {strides = array<i32>} : memref<128x128xf32, #tpu.memory_space<vmem>>, vector<1x16xf32>,
        %swap3A_1386 = vector.shape_cast %swap3A_1385 : vector<1x16xf32> to vector<16xf32>
        %swap3A_1387 = vector.shape_cast %mul3A_1382 : vector<16xf32> to vector<1x16xf32>
        tpu.vector_store %arg9[%swap3A_1383, %swap3A_1384], %swap3A_1387 {strides = array<i32>} : memref<128x128xf32, #tpu.memory_space<vmem>>, vector<1x16xf32>,
        %get3A_1388 = arith.index_cast %add3A_1354 : i32 to index
        %get3A_1389 = arith.constant 48 : index
        %get3A_1390 = tpu.vector_load %arg9[%get3A_1388, %get3A_1389] {strides = array<i32>} : memref<128x128xf32, #tpu.memory_space<vmem>>, vector<1x16xf32>,
        %get3A_1391 = vector.shape_cast %get3A_1390 : vector<1x16xf32> to vector<16xf32>
        %mul3A_1392 = vector.broadcast %squeeze3A_1352 : f32 to vector<16xf32>
        %mul3A_1393 = arith.mulf %get3A_1391, %mul3A_1392 : vector<16xf32>
        %swap3A_1394 = arith.index_cast %add3A_1354 : i32 to index
        %swap3A_1395 = arith.constant 48 : index
        %swap3A_1396 = tpu.vector_load %arg9[%swap3A_1394, %swap3A_1395] {strides = array<i32>} : memref<128x128xf32, #tpu.memory_space<vmem>>, vector<1x16xf32>,
        %swap3A_1397 = vector.shape_cast %swap3A_1396 : vector<1x16xf32> to vector<16xf32>
        %swap3A_1398 = vector.shape_cast %mul3A_1393 : vector<16xf32> to vector<1x16xf32>
        tpu.vector_store %arg9[%swap3A_1394, %swap3A_1395], %swap3A_1398 {strides = array<i32>} : memref<128x128xf32, #tpu.memory_space<vmem>>, vector<1x16xf32>,
        %get3A_1399 = arith.index_cast %add3A_1354 : i32 to index
        %get3A_1400 = arith.constant 64 : index
        %get3A_1401 = tpu.vector_load %arg9[%get3A_1399, %get3A_1400] {strides = array<i32>} : memref<128x128xf32, #tpu.memory_space<vmem>>, vector<1x16xf32>,
        %get3A_1402 = vector.shape_cast %get3A_1401 : vector<1x16xf32> to vector<16xf32>
        %mul3A_1403 = vector.broadcast %squeeze3A_1352 : f32 to vector<16xf32>
        %mul3A_1404 = arith.mulf %get3A_1402, %mul3A_1403 : vector<16xf32>
        %swap3A_1405 = arith.index_cast %add3A_1354 : i32 to index
        %swap3A_1406 = arith.constant 64 : index
        %swap3A_1407 = tpu.vector_load %arg9[%swap3A_1405, %swap3A_1406] {strides = array<i32>} : memref<128x128xf32, #tpu.memory_space<vmem>>, vector<1x16xf32>,
        %swap3A_1408 = vector.shape_cast %swap3A_1407 : vector<1x16xf32> to vector<16xf32>
        %swap3A_1409 = vector.shape_cast %mul3A_1404 : vector<16xf32> to vector<1x16xf32>
        tpu.vector_store %arg9[%swap3A_1405, %swap3A_1406], %swap3A_1409 {strides = array<i32>} : memref<128x128xf32, #tpu.memory_space<vmem>>, vector<1x16xf32>,
        %get3A_1410 = arith.index_cast %add3A_1354 : i32 to index
        %get3A_1411 = arith.constant 80 : index
        %get3A_1412 = tpu.vector_load %arg9[%get3A_1410, %get3A_1411] {strides = array<i32>} : memref<128x128xf32, #tpu.memory_space<vmem>>, vector<1x16xf32>,
        %get3A_1413 = vector.shape_cast %get3A_1412 : vector<1x16xf32> to vector<16xf32>
        %mul3A_1414 = vector.broadcast %squeeze3A_1352 : f32 to vector<16xf32>
        %mul3A_1415 = arith.mulf %get3A_1413, %mul3A_1414 : vector<16xf32>
        %swap3A_1416 = arith.index_cast %add3A_1354 : i32 to index
        %swap3A_1417 = arith.constant 80 : index
        %swap3A_1418 = tpu.vector_load %arg9[%swap3A_1416, %swap3A_1417] {strides = array<i32>} : memref<128x128xf32, #tpu.memory_space<vmem>>, vector<1x16xf32>,
        %swap3A_1419 = vector.shape_cast %swap3A_1418 : vector<1x16xf32> to vector<16xf32>
        %swap3A_1420 = vector.shape_cast %mul3A_1415 : vector<16xf32> to vector<1x16xf32>
        tpu.vector_store %arg9[%swap3A_1416, %swap3A_1417], %swap3A_1420 {strides = array<i32>} : memref<128x128xf32, #tpu.memory_space<vmem>>, vector<1x16xf32>,
        %get3A_1421 = arith.index_cast %add3A_1354 : i32 to index
        %get3A_1422 = arith.constant 96 : index
        %get3A_1423 = tpu.vector_load %arg9[%get3A_1421, %get3A_1422] {strides = array<i32>} : memref<128x128xf32, #tpu.memory_space<vmem>>, vector<1x16xf32>,
        %get3A_1424 = vector.shape_cast %get3A_1423 : vector<1x16xf32> to vector<16xf32>
        %mul3A_1425 = vector.broadcast %squeeze3A_1352 : f32 to vector<16xf32>
        %mul3A_1426 = arith.mulf %get3A_1424, %mul3A_1425 : vector<16xf32>
        %swap3A_1427 = arith.index_cast %add3A_1354 : i32 to index
        %swap3A_1428 = arith.constant 96 : index
        %swap3A_1429 = tpu.vector_load %arg9[%swap3A_1427, %swap3A_1428] {strides = array<i32>} : memref<128x128xf32, #tpu.memory_space<vmem>>, vector<1x16xf32>,
        %swap3A_1430 = vector.shape_cast %swap3A_1429 : vector<1x16xf32> to vector<16xf32>
        %swap3A_1431 = vector.shape_cast %mul3A_1426 : vector<16xf32> to vector<1x16xf32>
        tpu.vector_store %arg9[%swap3A_1427, %swap3A_1428], %swap3A_1431 {strides = array<i32>} : memref<128x128xf32, #tpu.memory_space<vmem>>, vector<1x16xf32>,
        %get3A_1432 = arith.index_cast %add3A_1354 : i32 to index
        %get3A_1433 = arith.constant 112 : index
        %get3A_1434 = tpu.vector_load %arg9[%get3A_1432, %get3A_1433] {strides = array<i32>} : memref<128x128xf32, #tpu.memory_space<vmem>>, vector<1x16xf32>,
        %get3A_1435 = vector.shape_cast %get3A_1434 : vector<1x16xf32> to vector<16xf32>
        %mul3A_1436 = vector.broadcast %squeeze3A_1352 : f32 to vector<16xf32>
        %mul3A_1437 = arith.mulf %get3A_1435, %mul3A_1436 : vector<16xf32>
        %swap3A_1438 = arith.index_cast %add3A_1354 : i32 to index
        %swap3A_1439 = arith.constant 112 : index
        %swap3A_1440 = tpu.vector_load %arg9[%swap3A_1438, %swap3A_1439] {strides = array<i32>} : memref<128x128xf32, #tpu.memory_space<vmem>>, vector<1x16xf32>,
        %swap3A_1441 = vector.shape_cast %swap3A_1440 : vector<1x16xf32> to vector<16xf32>
        %swap3A_1442 = vector.shape_cast %mul3A_1437 : vector<16xf32> to vector<1x16xf32>
        tpu.vector_store %arg9[%swap3A_1438, %swap3A_1439], %swap3A_1442 {strides = array<i32>} : memref<128x128xf32, #tpu.memory_space<vmem>>, vector<1x16xf32>,
        %slice3A_1443 = vector.extract_strided_slice %bitcast_convert_type3A {offsets = [15], sizes = [1], strides = [1]} : vector<16xf32> to vector<1xf32>
        %squeeze3A_1444 = vector.extract %slice3A_1443[0] : f32 from vector<1xf32>
        %add3A_1445 = arith.constant 15 : i32
        %add3A_1446 = arith.addi %mul3A_65, %add3A_1445 : i32
        %get3A_1447 = arith.index_cast %add3A_1446 : i32 to index
        %get3A_1448 = arith.constant 0 : index
        %get3A_1449 = tpu.vector_load %arg9[%get3A_1447, %get3A_1448] {strides = array<i32>} : memref<128x128xf32, #tpu.memory_space<vmem>>, vector<1x16xf32>,
        %get3A_1450 = vector.shape_cast %get3A_1449 : vector<1x16xf32> to vector<16xf32>
        %mul3A_1451 = vector.broadcast %squeeze3A_1444 : f32 to vector<16xf32>
        %mul3A_1452 = arith.mulf %get3A_1450, %mul3A_1451 : vector<16xf32>
        %swap3A_1453 = arith.index_cast %add3A_1446 : i32 to index
        %swap3A_1454 = arith.constant 0 : index
        %swap3A_1455 = tpu.vector_load %arg9[%swap3A_1453, %swap3A_1454] {strides = array<i32>} : memref<128x128xf32, #tpu.memory_space<vmem>>, vector<1x16xf32>,
        %swap3A_1456 = vector.shape_cast %swap3A_1455 : vector<1x16xf32> to vector<16xf32>
        %swap3A_1457 = vector.shape_cast %mul3A_1452 : vector<16xf32> to vector<1x16xf32>
        tpu.vector_store %arg9[%swap3A_1453, %swap3A_1454], %swap3A_1457 {strides = array<i32>} : memref<128x128xf32, #tpu.memory_space<vmem>>, vector<1x16xf32>,
        %get3A_1458 = arith.index_cast %add3A_1446 : i32 to index
        %get3A_1459 = arith.constant 16 : index
        %get3A_1460 = tpu.vector_load %arg9[%get3A_1458, %get3A_1459] {strides = array<i32>} : memref<128x128xf32, #tpu.memory_space<vmem>>, vector<1x16xf32>,
        %get3A_1461 = vector.shape_cast %get3A_1460 : vector<1x16xf32> to vector<16xf32>
        %mul3A_1462 = vector.broadcast %squeeze3A_1444 : f32 to vector<16xf32>
        %mul3A_1463 = arith.mulf %get3A_1461, %mul3A_1462 : vector<16xf32>
        %swap3A_1464 = arith.index_cast %add3A_1446 : i32 to index
        %swap3A_1465 = arith.constant 16 : index
        %swap3A_1466 = tpu.vector_load %arg9[%swap3A_1464, %swap3A_1465] {strides = array<i32>} : memref<128x128xf32, #tpu.memory_space<vmem>>, vector<1x16xf32>,
        %swap3A_1467 = vector.shape_cast %swap3A_1466 : vector<1x16xf32> to vector<16xf32>
        %swap3A_1468 = vector.shape_cast %mul3A_1463 : vector<16xf32> to vector<1x16xf32>
        tpu.vector_store %arg9[%swap3A_1464, %swap3A_1465], %swap3A_1468 {strides = array<i32>} : memref<128x128xf32, #tpu.memory_space<vmem>>, vector<1x16xf32>,
        %get3A_1469 = arith.index_cast %add3A_1446 : i32 to index
        %get3A_1470 = arith.constant 32 : index
        %get3A_1471 = tpu.vector_load %arg9[%get3A_1469, %get3A_1470] {strides = array<i32>} : memref<128x128xf32, #tpu.memory_space<vmem>>, vector<1x16xf32>,
        %get3A_1472 = vector.shape_cast %get3A_1471 : vector<1x16xf32> to vector<16xf32>
        %mul3A_1473 = vector.broadcast %squeeze3A_1444 : f32 to vector<16xf32>
        %mul3A_1474 = arith.mulf %get3A_1472, %mul3A_1473 : vector<16xf32>
        %swap3A_1475 = arith.index_cast %add3A_1446 : i32 to index
        %swap3A_1476 = arith.constant 32 : index
        %swap3A_1477 = tpu.vector_load %arg9[%swap3A_1475, %swap3A_1476] {strides = array<i32>} : memref<128x128xf32, #tpu.memory_space<vmem>>, vector<1x16xf32>,
        %swap3A_1478 = vector.shape_cast %swap3A_1477 : vector<1x16xf32> to vector<16xf32>
        %swap3A_1479 = vector.shape_cast %mul3A_1474 : vector<16xf32> to vector<1x16xf32>
        tpu.vector_store %arg9[%swap3A_1475, %swap3A_1476], %swap3A_1479 {strides = array<i32>} : memref<128x128xf32, #tpu.memory_space<vmem>>, vector<1x16xf32>,
        %get3A_1480 = arith.index_cast %add3A_1446 : i32 to index
        %get3A_1481 = arith.constant 48 : index
        %get3A_1482 = tpu.vector_load %arg9[%get3A_1480, %get3A_1481] {strides = array<i32>} : memref<128x128xf32, #tpu.memory_space<vmem>>, vector<1x16xf32>,
        %get3A_1483 = vector.shape_cast %get3A_1482 : vector<1x16xf32> to vector<16xf32>
        %mul3A_1484 = vector.broadcast %squeeze3A_1444 : f32 to vector<16xf32>
        %mul3A_1485 = arith.mulf %get3A_1483, %mul3A_1484 : vector<16xf32>
        %swap3A_1486 = arith.index_cast %add3A_1446 : i32 to index
        %swap3A_1487 = arith.constant 48 : index
        %swap3A_1488 = tpu.vector_load %arg9[%swap3A_1486, %swap3A_1487] {strides = array<i32>} : memref<128x128xf32, #tpu.memory_space<vmem>>, vector<1x16xf32>,
        %swap3A_1489 = vector.shape_cast %swap3A_1488 : vector<1x16xf32> to vector<16xf32>
        %swap3A_1490 = vector.shape_cast %mul3A_1485 : vector<16xf32> to vector<1x16xf32>
        tpu.vector_store %arg9[%swap3A_1486, %swap3A_1487], %swap3A_1490 {strides = array<i32>} : memref<128x128xf32, #tpu.memory_space<vmem>>, vector<1x16xf32>,
        %get3A_1491 = arith.index_cast %add3A_1446 : i32 to index
        %get3A_1492 = arith.constant 64 : index
        %get3A_1493 = tpu.vector_load %arg9[%get3A_1491, %get3A_1492] {strides = array<i32>} : memref<128x128xf32, #tpu.memory_space<vmem>>, vector<1x16xf32>,
        %get3A_1494 = vector.shape_cast %get3A_1493 : vector<1x16xf32> to vector<16xf32>
        %mul3A_1495 = vector.broadcast %squeeze3A_1444 : f32 to vector<16xf32>
        %mul3A_1496 = arith.mulf %get3A_1494, %mul3A_1495 : vector<16xf32>
        %swap3A_1497 = arith.index_cast %add3A_1446 : i32 to index
        %swap3A_1498 = arith.constant 64 : index
        %swap3A_1499 = tpu.vector_load %arg9[%swap3A_1497, %swap3A_1498] {strides = array<i32>} : memref<128x128xf32, #tpu.memory_space<vmem>>, vector<1x16xf32>,
        %swap3A_1500 = vector.shape_cast %swap3A_1499 : vector<1x16xf32> to vector<16xf32>
        %swap3A_1501 = vector.shape_cast %mul3A_1496 : vector<16xf32> to vector<1x16xf32>
        tpu.vector_store %arg9[%swap3A_1497, %swap3A_1498], %swap3A_1501 {strides = array<i32>} : memref<128x128xf32, #tpu.memory_space<vmem>>, vector<1x16xf32>,
        %get3A_1502 = arith.index_cast %add3A_1446 : i32 to index
        %get3A_1503 = arith.constant 80 : index
        %get3A_1504 = tpu.vector_load %arg9[%get3A_1502, %get3A_1503] {strides = array<i32>} : memref<128x128xf32, #tpu.memory_space<vmem>>, vector<1x16xf32>,
        %get3A_1505 = vector.shape_cast %get3A_1504 : vector<1x16xf32> to vector<16xf32>
        %mul3A_1506 = vector.broadcast %squeeze3A_1444 : f32 to vector<16xf32>
        %mul3A_1507 = arith.mulf %get3A_1505, %mul3A_1506 : vector<16xf32>
        %swap3A_1508 = arith.index_cast %add3A_1446 : i32 to index
        %swap3A_1509 = arith.constant 80 : index
        %swap3A_1510 = tpu.vector_load %arg9[%swap3A_1508, %swap3A_1509] {strides = array<i32>} : memref<128x128xf32, #tpu.memory_space<vmem>>, vector<1x16xf32>,
        %swap3A_1511 = vector.shape_cast %swap3A_1510 : vector<1x16xf32> to vector<16xf32>
        %swap3A_1512 = vector.shape_cast %mul3A_1507 : vector<16xf32> to vector<1x16xf32>
        tpu.vector_store %arg9[%swap3A_1508, %swap3A_1509], %swap3A_1512 {strides = array<i32>} : memref<128x128xf32, #tpu.memory_space<vmem>>, vector<1x16xf32>,
        %get3A_1513 = arith.index_cast %add3A_1446 : i32 to index
        %get3A_1514 = arith.constant 96 : index
        %get3A_1515 = tpu.vector_load %arg9[%get3A_1513, %get3A_1514] {strides = array<i32>} : memref<128x128xf32, #tpu.memory_space<vmem>>, vector<1x16xf32>,
        %get3A_1516 = vector.shape_cast %get3A_1515 : vector<1x16xf32> to vector<16xf32>
        %mul3A_1517 = vector.broadcast %squeeze3A_1444 : f32 to vector<16xf32>
        %mul3A_1518 = arith.mulf %get3A_1516, %mul3A_1517 : vector<16xf32>
        %swap3A_1519 = arith.index_cast %add3A_1446 : i32 to index
        %swap3A_1520 = arith.constant 96 : index
        %swap3A_1521 = tpu.vector_load %arg9[%swap3A_1519, %swap3A_1520] {strides = array<i32>} : memref<128x128xf32, #tpu.memory_space<vmem>>, vector<1x16xf32>,
        %swap3A_1522 = vector.shape_cast %swap3A_1521 : vector<1x16xf32> to vector<16xf32>
        %swap3A_1523 = vector.shape_cast %mul3A_1518 : vector<16xf32> to vector<1x16xf32>
        tpu.vector_store %arg9[%swap3A_1519, %swap3A_1520], %swap3A_1523 {strides = array<i32>} : memref<128x128xf32, #tpu.memory_space<vmem>>, vector<1x16xf32>,
        %get3A_1524 = arith.index_cast %add3A_1446 : i32 to index
        %get3A_1525 = arith.constant 112 : index
        %get3A_1526 = tpu.vector_load %arg9[%get3A_1524, %get3A_1525] {strides = array<i32>} : memref<128x128xf32, #tpu.memory_space<vmem>>, vector<1x16xf32>,
        %get3A_1527 = vector.shape_cast %get3A_1526 : vector<1x16xf32> to vector<16xf32>
        %mul3A_1528 = vector.broadcast %squeeze3A_1444 : f32 to vector<16xf32>
        %mul3A_1529 = arith.mulf %get3A_1527, %mul3A_1528 : vector<16xf32>
        %swap3A_1530 = arith.index_cast %add3A_1446 : i32 to index
        %swap3A_1531 = arith.constant 112 : index
        %swap3A_1532 = tpu.vector_load %arg9[%swap3A_1530, %swap3A_1531] {strides = array<i32>} : memref<128x128xf32, #tpu.memory_space<vmem>>, vector<1x16xf32>,
        %swap3A_1533 = vector.shape_cast %swap3A_1532 : vector<1x16xf32> to vector<16xf32>
        %swap3A_1534 = vector.shape_cast %mul3A_1529 : vector<16xf32> to vector<1x16xf32>
        tpu.vector_store %arg9[%swap3A_1530, %swap3A_1531], %swap3A_1534 {strides = array<i32>} : memref<128x128xf32, #tpu.memory_space<vmem>>, vector<1x16xf32>,
        %scan3A_1535 = arith.constant 0 : i32
        scf.yield %scan3A_1535 : i32
      }
      %scan3A_54 = arith.constant 8 : i32
      "tpu.region"() ({
        %run_scoped3A = tpu.sem_alloc : memref<!tpu.dma_semaphore, #tpu.memory_space<semaphore_mem>>
        %dma_start3A_56 = arith.constant 0 : i32
        %dma_start3A_57 = arith.constant 0 : i32
        %dma_start3A_58 = tpu.memref_slice %arg6[%dma_start3A_56, %dma_start3A_57] : memref<10240x128xf32, #tpu.memory_space<vmem_shared>> -> memref<10240x128xf32, #tpu.memory_space<vmem_shared>>
        tpu.enqueue_indirect_dma source(%arg9 : memref<128x128xf32, #tpu.memory_space<vmem>>) target(%dma_start3A_58 : memref<10240x128xf32, #tpu.memory_space<vmem_shared>>) offsets(%arg8 : memref<128xi32, #tpu.memory_space<vmem>>) semaphore(%run_scoped3A : memref<!tpu.dma_semaphore, #tpu.memory_space<semaphore_mem>>) {add = true}
        %dma_wait3A_59 = arith.constant 0 : i32
        %dma_wait3A_60 = arith.constant 0 : i32
        %dma_wait3A_61 = tpu.memref_slice %arg6[%dma_wait3A_59, %dma_wait3A_60] : memref<10240x128xf32, #tpu.memory_space<vmem_shared>> -> memref<10240x128xf32, #tpu.memory_space<vmem_shared>>
        tpu.wait_indirect_dma semaphore(%run_scoped3A : memref<!tpu.dma_semaphore, #tpu.memory_space<semaphore_mem>>) src(%arg9 : memref<128x128xf32, #tpu.memory_space<vmem>>) dst(%dma_wait3A_61 : memref<10240x128xf32, #tpu.memory_space<vmem_shared>>)
        tpu.yield
      }) : () -> ()
      %scan3A_55 = arith.constant 0 : i32
      scf.yield %scan3A_55 : i32
    }
    %scan3A_20 = arith.constant 79 : i32
    %barrier3A_21 = arith.constant 0 : index
    tpu.barrier barrier_id(%barrier3A_21)
    %mul3A_22 = arith.constant 640 : i32
    %mul3A_23 = arith.muli %arg1, %mul3A_22 : i32
    %mul3A_24 = arith.constant 640 : i32
    %mul3A_25 = arith.muli %arg1, %mul3A_24 : i32
    "tpu.region"() ({
      %run_scoped3A = tpu.sem_alloc : memref<!tpu.dma_semaphore, #tpu.memory_space<semaphore_mem>>
      %dma_start3A = arith.constant 0 : i32
      %dma_start3A_26 = tpu.memref_slice %arg5[%arg0, %mul3A_25, %dma_start3A] : memref<2x10240x128xf32, #tpu.memory_space<hbm>> -> memref<1x640x128xf32, #tpu.memory_space<hbm>>
      %dma_start3A_27 = tpu.memref_squeeze %dma_start3A_26 : memref<1x640x128xf32, #tpu.memory_space<hbm>> -> memref<640x128xf32, #tpu.memory_space<hbm>>
      %dma_start3A_28 = arith.constant 0 : i32
      %dma_start3A_29 = tpu.memref_slice %arg6[%mul3A_23, %dma_start3A_28] : memref<10240x128xf32, #tpu.memory_space<vmem_shared>> -> memref<640x128xf32, #tpu.memory_space<vmem_shared>>
      tpu.enqueue_dma source(%dma_start3A_29 : memref<640x128xf32, #tpu.memory_space<vmem_shared>>) target(%dma_start3A_27 : memref<640x128xf32, #tpu.memory_space<hbm>>) target_semaphore(%run_scoped3A : memref<!tpu.dma_semaphore, #tpu.memory_space<semaphore_mem>>)
      %dma_wait3A = arith.constant 0 : i32
      %dma_wait3A_30 = tpu.memref_slice %arg5[%arg0, %mul3A_25, %dma_wait3A] : memref<2x10240x128xf32, #tpu.memory_space<hbm>> -> memref<1x640x128xf32, #tpu.memory_space<hbm>>
      %dma_wait3A_31 = tpu.memref_squeeze %dma_wait3A_30 : memref<1x640x128xf32, #tpu.memory_space<hbm>> -> memref<640x128xf32, #tpu.memory_space<hbm>>
      %dma_wait3A_32 = arith.constant 0 : i32
      %dma_wait3A_33 = tpu.memref_slice %arg6[%mul3A_23, %dma_wait3A_32] : memref<10240x128xf32, #tpu.memory_space<vmem_shared>> -> memref<640x128xf32, #tpu.memory_space<vmem_shared>>
      tpu.wait_dma2 semaphore(%run_scoped3A : memref<!tpu.dma_semaphore, #tpu.memory_space<semaphore_mem>>) src(%dma_wait3A_33 : memref<640x128xf32, #tpu.memory_space<vmem_shared>>) dst(%dma_wait3A_31 : memref<640x128xf32, #tpu.memory_space<hbm>>)
      tpu.yield
    }) : () -> ()
    return
  }
}

#map = affine_map<(d0, d1) -> (0, 0)>
#map1 = affine_map<(d0, d1) -> (0)>
#map2 = affine_map<(d0, d1) -> (0, 0, 0)>
module attributes {stable_mosaic.version = 14 : i64} {
  func.func @edge_kernel(%arg0: i32, %arg1: i32, %arg2: memref<10240x128xf32, #tpu.memory_space<hbm>>, %arg3: memref<647168xi32, #tpu.memory_space<hbm>>, %arg4: memref<323584xi32, #tpu.memory_space<hbm>>, %arg5: memref<2x10240x128xf32, #tpu.memory_space<hbm>>, %arg6: memref<10240x128xf32, #tpu.memory_space<vmem_shared>>, %arg7: memref<256xi32, #tpu.memory_space<vmem>>, %arg8: memref<128xi32, #tpu.memory_space<vmem>>, %arg9: memref<128x128xf32, #tpu.memory_space<vmem>>, %arg10: memref<!tpu.dma_semaphore, #tpu.memory_space<semaphore_mem>>) attributes {dimension_semantics = [#tpu.dimension_semantics<core_parallel>, #tpu.dimension_semantics<subcore_parallel>], iteration_bounds = array<i64: 2, 16>, scalar_prefetch = 0 : i64, scratch_operands = 5 : i64, tpu.core_type = #tpu.core_type<sc_vector_subcore>, window_params = [{transform_indices = #map}, {transform_indices = #map1}, {transform_indices = #map1}, {transform_indices = #map2}]} {
    %mul3A = arith.constant 2 : i32
    %mul3A_0 = arith.muli %arg1, %mul3A : i32
    %add3A = arith.addi %mul3A_0, %arg0 : i32
    %scan3A = arith.constant 0 : i32
    %scan3A_1 = arith.constant 0 : i32
    %scan3A_2 = arith.constant 128 : i32
    %scan3A_3 = arith.addi %scan3A_1, %scan3A_2 : i32
    %scan3A_4 = arith.constant 1 : i32
    %scan3A_5 = scf.for %scan3A_26 = %scan3A_1 to %scan3A_3 step %scan3A_4 iter_args(%scan3A_27 = %scan3A) -> (i32)  : i32 {
      %scan3A_28 = arith.constant 0 : i32
      %scan3A_29 = arith.constant 0 : i32
      %scan3A_30 = arith.constant 8 : i32
      %scan3A_31 = arith.addi %scan3A_29, %scan3A_30 : i32
      %scan3A_32 = arith.constant 1 : i32
      %scan3A_33 = scf.for %scan3A_36 = %scan3A_29 to %scan3A_31 step %scan3A_32 iter_args(%scan3A_37 = %scan3A_28) -> (i32)  : i32 {
        %broadcast_in_dim3A = arith.constant 0.000000e+00 : f32
        %broadcast_in_dim3A_38 = vector.broadcast %broadcast_in_dim3A : f32 to vector<16xf32>
        %mul3A_39 = arith.constant 16 : i32
        %mul3A_40 = arith.muli %scan3A_36, %mul3A_39 : i32
        %swap3A = arith.index_cast %scan3A_26 : i32 to index
        %swap3A_41 = arith.index_cast %mul3A_40 : i32 to index
        %swap3A_42 = tpu.vector_load %arg9[%swap3A, %swap3A_41] {strides = array<i32>} : memref<128x128xf32, #tpu.memory_space<vmem>>, vector<1x16xf32>,
        %swap3A_43 = vector.shape_cast %swap3A_42 : vector<1x16xf32> to vector<16xf32>
        %swap3A_44 = vector.shape_cast %broadcast_in_dim3A_38 : vector<16xf32> to vector<1x16xf32>
        tpu.vector_store %arg9[%swap3A, %swap3A_41], %swap3A_44 {strides = array<i32>} : memref<128x128xf32, #tpu.memory_space<vmem>>, vector<1x16xf32>,
        %scan3A_45 = arith.constant 0 : i32
        scf.yield %scan3A_45 : i32
      }
      %scan3A_34 = arith.constant 8 : i32
      %scan3A_35 = arith.constant 0 : i32
      scf.yield %scan3A_35 : i32
    }
    %scan3A_6 = arith.constant 128 : i32
    %scan3A_7 = arith.constant 0 : i32
    %scan3A_8 = arith.constant 0 : i32
    %scan3A_9 = arith.constant 5 : i32
    %scan3A_10 = arith.addi %scan3A_8, %scan3A_9 : i32
    %scan3A_11 = arith.constant 1 : i32
    %scan3A_12 = scf.for %scan3A_26 = %scan3A_8 to %scan3A_10 step %scan3A_11 iter_args(%scan3A_27 = %scan3A_7) -> (i32)  : i32 {
      %mul3A_28 = arith.constant 640 : i32
      %mul3A_29 = arith.muli %arg1, %mul3A_28 : i32
      %mul3A_30 = arith.constant 128 : i32
      %mul3A_31 = arith.muli %scan3A_26, %mul3A_30 : i32
      %add3A_32 = arith.addi %mul3A_29, %mul3A_31 : i32
      "tpu.region"() ({
        %run_scoped3A = tpu.sem_alloc : memref<!tpu.dma_semaphore, #tpu.memory_space<semaphore_mem>>
        %dma_start3A = arith.constant 0 : i32
        %dma_start3A_34 = tpu.memref_slice %arg6[%add3A_32, %dma_start3A] : memref<10240x128xf32, #tpu.memory_space<vmem_shared>> -> memref<128x128xf32, #tpu.memory_space<vmem_shared>>
        %dma_start3A_35 = arith.constant 0 : i32
        %dma_start3A_36 = tpu.memref_slice %arg6[%add3A_32, %dma_start3A_35] : memref<10240x128xf32, #tpu.memory_space<vmem_shared>> -> memref<128x128xf32, #tpu.memory_space<vmem_shared>>
        tpu.enqueue_dma source(%arg9 : memref<128x128xf32, #tpu.memory_space<vmem>>) target(%dma_start3A_36 : memref<128x128xf32, #tpu.memory_space<vmem_shared>>) target_semaphore(%run_scoped3A : memref<!tpu.dma_semaphore, #tpu.memory_space<semaphore_mem>>)
        %dma_wait3A = arith.constant 0 : i32
        %dma_wait3A_37 = tpu.memref_slice %arg6[%add3A_32, %dma_wait3A] : memref<10240x128xf32, #tpu.memory_space<vmem_shared>> -> memref<128x128xf32, #tpu.memory_space<vmem_shared>>
        %dma_wait3A_38 = arith.constant 0 : i32
        %dma_wait3A_39 = tpu.memref_slice %arg6[%add3A_32, %dma_wait3A_38] : memref<10240x128xf32, #tpu.memory_space<vmem_shared>> -> memref<128x128xf32, #tpu.memory_space<vmem_shared>>
        tpu.wait_dma2 semaphore(%run_scoped3A : memref<!tpu.dma_semaphore, #tpu.memory_space<semaphore_mem>>) src(%arg9 : memref<128x128xf32, #tpu.memory_space<vmem>>) dst(%dma_wait3A_39 : memref<128x128xf32, #tpu.memory_space<vmem_shared>>)
        tpu.yield
      }) : () -> ()
      %scan3A_33 = arith.constant 0 : i32
      scf.yield %scan3A_33 : i32
    }
    %scan3A_13 = arith.constant 5 : i32
    %barrier3A = arith.constant 0 : index
    tpu.barrier barrier_id(%barrier3A)
    %scan3A_14 = arith.constant 0 : i32
    %scan3A_15 = arith.constant 0 : i32
    %scan3A_16 = arith.constant 79 : i32
    %scan3A_17 = arith.addi %scan3A_15, %scan3A_16 : i32
    %scan3A_18 = arith.constant 1 : i32
    %scan3A_19 = scf.for %scan3A_26 = %scan3A_15 to %scan3A_17 step %scan3A_18 iter_args(%scan3A_27 = %scan3A_14) -> (i32)  : i32 {
      %mul3A_28 = arith.constant 10112 : i32
      %mul3A_29 = arith.muli %add3A, %mul3A_28 : i32
      %mul3A_30 = arith.constant 128 : i32
      %mul3A_31 = arith.muli %scan3A_26, %mul3A_30 : i32
      %add3A_32 = arith.addi %mul3A_29, %mul3A_31 : i32
      %mul3A_33 = arith.constant 2 : i32
      %mul3A_34 = arith.muli %mul3A_33, %add3A_32 : i32
      "tpu.region"() ({
        %run_scoped3A = tpu.sem_alloc : memref<!tpu.dma_semaphore, #tpu.memory_space<semaphore_mem>>
        %dma_start3A_56 = tpu.memref_slice %arg3[%mul3A_34] : memref<647168xi32, #tpu.memory_space<hbm>> -> memref<256xi32, #tpu.memory_space<hbm>>
        %dma_start3A_57 = tpu.memref_slice %arg3[%mul3A_34] : memref<647168xi32, #tpu.memory_space<hbm>> -> memref<256xi32, #tpu.memory_space<hbm>>
        tpu.enqueue_dma source(%dma_start3A_57 : memref<256xi32, #tpu.memory_space<hbm>>) target(%arg7 : memref<256xi32, #tpu.memory_space<vmem>>) target_semaphore(%run_scoped3A : memref<!tpu.dma_semaphore, #tpu.memory_space<semaphore_mem>>)
        %dma_wait3A_58 = tpu.memref_slice %arg3[%mul3A_34] : memref<647168xi32, #tpu.memory_space<hbm>> -> memref<256xi32, #tpu.memory_space<hbm>>
        %dma_wait3A_59 = tpu.memref_slice %arg3[%mul3A_34] : memref<647168xi32, #tpu.memory_space<hbm>> -> memref<256xi32, #tpu.memory_space<hbm>>
        tpu.wait_dma2 semaphore(%run_scoped3A : memref<!tpu.dma_semaphore, #tpu.memory_space<semaphore_mem>>) src(%dma_wait3A_59 : memref<256xi32, #tpu.memory_space<hbm>>) dst(%arg7 : memref<256xi32, #tpu.memory_space<vmem>>)
        tpu.yield
      }) : () -> ()
      %mul3A_35 = arith.constant 10112 : i32
      %mul3A_36 = arith.muli %add3A, %mul3A_35 : i32
      %mul3A_37 = arith.constant 128 : i32
      %mul3A_38 = arith.muli %scan3A_26, %mul3A_37 : i32
      %add3A_39 = arith.addi %mul3A_36, %mul3A_38 : i32
      "tpu.region"() ({
        %run_scoped3A = tpu.sem_alloc : memref<!tpu.dma_semaphore, #tpu.memory_space<semaphore_mem>>
        %dma_start3A_56 = tpu.memref_slice %arg4[%add3A_39] : memref<323584xi32, #tpu.memory_space<hbm>> -> memref<128xi32, #tpu.memory_space<hbm>>
        %dma_start3A_57 = tpu.memref_slice %arg4[%add3A_39] : memref<323584xi32, #tpu.memory_space<hbm>> -> memref<128xi32, #tpu.memory_space<hbm>>
        tpu.enqueue_dma source(%dma_start3A_57 : memref<128xi32, #tpu.memory_space<hbm>>) target(%arg8 : memref<128xi32, #tpu.memory_space<vmem>>) target_semaphore(%run_scoped3A : memref<!tpu.dma_semaphore, #tpu.memory_space<semaphore_mem>>)
        %dma_wait3A_58 = tpu.memref_slice %arg4[%add3A_39] : memref<323584xi32, #tpu.memory_space<hbm>> -> memref<128xi32, #tpu.memory_space<hbm>>
        %dma_wait3A_59 = tpu.memref_slice %arg4[%add3A_39] : memref<323584xi32, #tpu.memory_space<hbm>> -> memref<128xi32, #tpu.memory_space<hbm>>
        tpu.wait_dma2 semaphore(%run_scoped3A : memref<!tpu.dma_semaphore, #tpu.memory_space<semaphore_mem>>) src(%dma_wait3A_59 : memref<128xi32, #tpu.memory_space<hbm>>) dst(%arg8 : memref<128xi32, #tpu.memory_space<vmem>>)
        tpu.yield
      }) : () -> ()
      %dma_start3A = arith.constant 0 : i32
      %dma_start3A_40 = tpu.memref_slice %arg7[%dma_start3A] : memref<256xi32, #tpu.memory_space<vmem>> -> memref<128xi32, #tpu.memory_space<vmem>>
      %dma_start3A_41 = arith.constant 0 : i32
      %dma_start3A_42 = arith.constant 0 : i32
      %dma_start3A_43 = tpu.memref_slice %arg2[%dma_start3A_41, %dma_start3A_42] : memref<10240x128xf32, #tpu.memory_space<hbm>> -> memref<10240x128xf32, #tpu.memory_space<hbm>>
      tpu.enqueue_indirect_dma source(%dma_start3A_43 : memref<10240x128xf32, #tpu.memory_space<hbm>>) target(%arg9 : memref<128x128xf32, #tpu.memory_space<vmem>>) offsets(%dma_start3A_40 : memref<128xi32, #tpu.memory_space<vmem>>) semaphore(%arg10 : memref<!tpu.dma_semaphore, #tpu.memory_space<semaphore_mem>>)
      %dma_wait3A = arith.constant 0 : i32
      %dma_wait3A_44 = tpu.memref_slice %arg7[%dma_wait3A] : memref<256xi32, #tpu.memory_space<vmem>> -> memref<128xi32, #tpu.memory_space<vmem>>
      %dma_wait3A_45 = arith.constant 0 : i32
      %dma_wait3A_46 = arith.constant 0 : i32
      %dma_wait3A_47 = tpu.memref_slice %arg2[%dma_wait3A_45, %dma_wait3A_46] : memref<10240x128xf32, #tpu.memory_space<hbm>> -> memref<10240x128xf32, #tpu.memory_space<hbm>>
      tpu.wait_indirect_dma semaphore(%arg10 : memref<!tpu.dma_semaphore, #tpu.memory_space<semaphore_mem>>) src(%dma_wait3A_47 : memref<10240x128xf32, #tpu.memory_space<hbm>>) dst(%arg9 : memref<128x128xf32, #tpu.memory_space<vmem>>)
      %scan3A_48 = arith.constant 0 : i32
      %scan3A_49 = arith.constant 0 : i32
      %scan3A_50 = arith.constant 8 : i32
      %scan3A_51 = arith.addi %scan3A_49, %scan3A_50 : i32
      %scan3A_52 = arith.constant 1 : i32
      %scan3A_53 = scf.for %scan3A_56 = %scan3A_49 to %scan3A_51 step %scan3A_52 iter_args(%scan3A_57 = %scan3A_48) -> (i32)  : i32 {
        %mul3A_58 = arith.constant 16 : i32
        %mul3A_59 = arith.muli %scan3A_56, %mul3A_58 : i32
        %add3A_60 = arith.constant 128 : i32
        %add3A_61 = arith.addi %add3A_60, %mul3A_59 : i32
        %get3A = arith.index_cast %add3A_61 : i32 to index
        %get3A_62 = tpu.vector_load %arg7[%get3A] {strides = array<i32>} : memref<256xi32, #tpu.memory_space<vmem>>, vector<16xi32>,
        %get3A_63 = vector.shape_cast %get3A_62 : vector<16xi32> to vector<16xi32>
        %bitcast_convert_type3A = tpu.bitcast %get3A_63 : vector<16xi32> -> vector<16xf32>
        %mul3A_64 = arith.constant 16 : i32
        %mul3A_65 = arith.muli %scan3A_56, %mul3A_64 : i32
        %slice3A = vector.extract_strided_slice %bitcast_convert_type3A {offsets = [0], sizes = [1], strides = [1]} : vector<16xf32> to vector<1xf32>
        %squeeze3A = vector.extract %slice3A[0] : f32 from vector<1xf32>
        %add3A_66 = arith.constant 0 : i32
        %add3A_67 = arith.addi %mul3A_65, %add3A_66 : i32
        %get3A_68 = arith.index_cast %add3A_67 : i32 to index
        %get3A_69 = arith.constant 0 : index
        %get3A_70 = tpu.vector_load %arg9[%get3A_68, %get3A_69] {strides = array<i32>} : memref<128x128xf32, #tpu.memory_space<vmem>>, vector<1x16xf32>,
        %get3A_71 = vector.shape_cast %get3A_70 : vector<1x16xf32> to vector<16xf32>
        %mul3A_72 = vector.broadcast %squeeze3A : f32 to vector<16xf32>
        %mul3A_73 = arith.mulf %get3A_71, %mul3A_72 : vector<16xf32>
        %swap3A = arith.index_cast %add3A_67 : i32 to index
        %swap3A_74 = arith.constant 0 : index
        %swap3A_75 = tpu.vector_load %arg9[%swap3A, %swap3A_74] {strides = array<i32>} : memref<128x128xf32, #tpu.memory_space<vmem>>, vector<1x16xf32>,
        %swap3A_76 = vector.shape_cast %swap3A_75 : vector<1x16xf32> to vector<16xf32>
        %swap3A_77 = vector.shape_cast %mul3A_73 : vector<16xf32> to vector<1x16xf32>
        tpu.vector_store %arg9[%swap3A, %swap3A_74], %swap3A_77 {strides = array<i32>} : memref<128x128xf32, #tpu.memory_space<vmem>>, vector<1x16xf32>,
        %get3A_78 = arith.index_cast %add3A_67 : i32 to index
        %get3A_79 = arith.constant 16 : index
        %get3A_80 = tpu.vector_load %arg9[%get3A_78, %get3A_79] {strides = array<i32>} : memref<128x128xf32, #tpu.memory_space<vmem>>, vector<1x16xf32>,
        %get3A_81 = vector.shape_cast %get3A_80 : vector<1x16xf32> to vector<16xf32>
        %mul3A_82 = vector.broadcast %squeeze3A : f32 to vector<16xf32>
        %mul3A_83 = arith.mulf %get3A_81, %mul3A_82 : vector<16xf32>
        %swap3A_84 = arith.index_cast %add3A_67 : i32 to index
        %swap3A_85 = arith.constant 16 : index
        %swap3A_86 = tpu.vector_load %arg9[%swap3A_84, %swap3A_85] {strides = array<i32>} : memref<128x128xf32, #tpu.memory_space<vmem>>, vector<1x16xf32>,
        %swap3A_87 = vector.shape_cast %swap3A_86 : vector<1x16xf32> to vector<16xf32>
        %swap3A_88 = vector.shape_cast %mul3A_83 : vector<16xf32> to vector<1x16xf32>
        tpu.vector_store %arg9[%swap3A_84, %swap3A_85], %swap3A_88 {strides = array<i32>} : memref<128x128xf32, #tpu.memory_space<vmem>>, vector<1x16xf32>,
        %get3A_89 = arith.index_cast %add3A_67 : i32 to index
        %get3A_90 = arith.constant 32 : index
        %get3A_91 = tpu.vector_load %arg9[%get3A_89, %get3A_90] {strides = array<i32>} : memref<128x128xf32, #tpu.memory_space<vmem>>, vector<1x16xf32>,
        %get3A_92 = vector.shape_cast %get3A_91 : vector<1x16xf32> to vector<16xf32>
        %mul3A_93 = vector.broadcast %squeeze3A : f32 to vector<16xf32>
        %mul3A_94 = arith.mulf %get3A_92, %mul3A_93 : vector<16xf32>
        %swap3A_95 = arith.index_cast %add3A_67 : i32 to index
        %swap3A_96 = arith.constant 32 : index
        %swap3A_97 = tpu.vector_load %arg9[%swap3A_95, %swap3A_96] {strides = array<i32>} : memref<128x128xf32, #tpu.memory_space<vmem>>, vector<1x16xf32>,
        %swap3A_98 = vector.shape_cast %swap3A_97 : vector<1x16xf32> to vector<16xf32>
        %swap3A_99 = vector.shape_cast %mul3A_94 : vector<16xf32> to vector<1x16xf32>
        tpu.vector_store %arg9[%swap3A_95, %swap3A_96], %swap3A_99 {strides = array<i32>} : memref<128x128xf32, #tpu.memory_space<vmem>>, vector<1x16xf32>,
        %get3A_100 = arith.index_cast %add3A_67 : i32 to index
        %get3A_101 = arith.constant 48 : index
        %get3A_102 = tpu.vector_load %arg9[%get3A_100, %get3A_101] {strides = array<i32>} : memref<128x128xf32, #tpu.memory_space<vmem>>, vector<1x16xf32>,
        %get3A_103 = vector.shape_cast %get3A_102 : vector<1x16xf32> to vector<16xf32>
        %mul3A_104 = vector.broadcast %squeeze3A : f32 to vector<16xf32>
        %mul3A_105 = arith.mulf %get3A_103, %mul3A_104 : vector<16xf32>
        %swap3A_106 = arith.index_cast %add3A_67 : i32 to index
        %swap3A_107 = arith.constant 48 : index
        %swap3A_108 = tpu.vector_load %arg9[%swap3A_106, %swap3A_107] {strides = array<i32>} : memref<128x128xf32, #tpu.memory_space<vmem>>, vector<1x16xf32>,
        %swap3A_109 = vector.shape_cast %swap3A_108 : vector<1x16xf32> to vector<16xf32>
        %swap3A_110 = vector.shape_cast %mul3A_105 : vector<16xf32> to vector<1x16xf32>
        tpu.vector_store %arg9[%swap3A_106, %swap3A_107], %swap3A_110 {strides = array<i32>} : memref<128x128xf32, #tpu.memory_space<vmem>>, vector<1x16xf32>,
        %get3A_111 = arith.index_cast %add3A_67 : i32 to index
        %get3A_112 = arith.constant 64 : index
        %get3A_113 = tpu.vector_load %arg9[%get3A_111, %get3A_112] {strides = array<i32>} : memref<128x128xf32, #tpu.memory_space<vmem>>, vector<1x16xf32>,
        %get3A_114 = vector.shape_cast %get3A_113 : vector<1x16xf32> to vector<16xf32>
        %mul3A_115 = vector.broadcast %squeeze3A : f32 to vector<16xf32>
        %mul3A_116 = arith.mulf %get3A_114, %mul3A_115 : vector<16xf32>
        %swap3A_117 = arith.index_cast %add3A_67 : i32 to index
        %swap3A_118 = arith.constant 64 : index
        %swap3A_119 = tpu.vector_load %arg9[%swap3A_117, %swap3A_118] {strides = array<i32>} : memref<128x128xf32, #tpu.memory_space<vmem>>, vector<1x16xf32>,
        %swap3A_120 = vector.shape_cast %swap3A_119 : vector<1x16xf32> to vector<16xf32>
        %swap3A_121 = vector.shape_cast %mul3A_116 : vector<16xf32> to vector<1x16xf32>
        tpu.vector_store %arg9[%swap3A_117, %swap3A_118], %swap3A_121 {strides = array<i32>} : memref<128x128xf32, #tpu.memory_space<vmem>>, vector<1x16xf32>,
        %get3A_122 = arith.index_cast %add3A_67 : i32 to index
        %get3A_123 = arith.constant 80 : index
        %get3A_124 = tpu.vector_load %arg9[%get3A_122, %get3A_123] {strides = array<i32>} : memref<128x128xf32, #tpu.memory_space<vmem>>, vector<1x16xf32>,
        %get3A_125 = vector.shape_cast %get3A_124 : vector<1x16xf32> to vector<16xf32>
        %mul3A_126 = vector.broadcast %squeeze3A : f32 to vector<16xf32>
        %mul3A_127 = arith.mulf %get3A_125, %mul3A_126 : vector<16xf32>
        %swap3A_128 = arith.index_cast %add3A_67 : i32 to index
        %swap3A_129 = arith.constant 80 : index
        %swap3A_130 = tpu.vector_load %arg9[%swap3A_128, %swap3A_129] {strides = array<i32>} : memref<128x128xf32, #tpu.memory_space<vmem>>, vector<1x16xf32>,
        %swap3A_131 = vector.shape_cast %swap3A_130 : vector<1x16xf32> to vector<16xf32>
        %swap3A_132 = vector.shape_cast %mul3A_127 : vector<16xf32> to vector<1x16xf32>
        tpu.vector_store %arg9[%swap3A_128, %swap3A_129], %swap3A_132 {strides = array<i32>} : memref<128x128xf32, #tpu.memory_space<vmem>>, vector<1x16xf32>,
        %get3A_133 = arith.index_cast %add3A_67 : i32 to index
        %get3A_134 = arith.constant 96 : index
        %get3A_135 = tpu.vector_load %arg9[%get3A_133, %get3A_134] {strides = array<i32>} : memref<128x128xf32, #tpu.memory_space<vmem>>, vector<1x16xf32>,
        %get3A_136 = vector.shape_cast %get3A_135 : vector<1x16xf32> to vector<16xf32>
        %mul3A_137 = vector.broadcast %squeeze3A : f32 to vector<16xf32>
        %mul3A_138 = arith.mulf %get3A_136, %mul3A_137 : vector<16xf32>
        %swap3A_139 = arith.index_cast %add3A_67 : i32 to index
        %swap3A_140 = arith.constant 96 : index
        %swap3A_141 = tpu.vector_load %arg9[%swap3A_139, %swap3A_140] {strides = array<i32>} : memref<128x128xf32, #tpu.memory_space<vmem>>, vector<1x16xf32>,
        %swap3A_142 = vector.shape_cast %swap3A_141 : vector<1x16xf32> to vector<16xf32>
        %swap3A_143 = vector.shape_cast %mul3A_138 : vector<16xf32> to vector<1x16xf32>
        tpu.vector_store %arg9[%swap3A_139, %swap3A_140], %swap3A_143 {strides = array<i32>} : memref<128x128xf32, #tpu.memory_space<vmem>>, vector<1x16xf32>,
        %get3A_144 = arith.index_cast %add3A_67 : i32 to index
        %get3A_145 = arith.constant 112 : index
        %get3A_146 = tpu.vector_load %arg9[%get3A_144, %get3A_145] {strides = array<i32>} : memref<128x128xf32, #tpu.memory_space<vmem>>, vector<1x16xf32>,
        %get3A_147 = vector.shape_cast %get3A_146 : vector<1x16xf32> to vector<16xf32>
        %mul3A_148 = vector.broadcast %squeeze3A : f32 to vector<16xf32>
        %mul3A_149 = arith.mulf %get3A_147, %mul3A_148 : vector<16xf32>
        %swap3A_150 = arith.index_cast %add3A_67 : i32 to index
        %swap3A_151 = arith.constant 112 : index
        %swap3A_152 = tpu.vector_load %arg9[%swap3A_150, %swap3A_151] {strides = array<i32>} : memref<128x128xf32, #tpu.memory_space<vmem>>, vector<1x16xf32>,
        %swap3A_153 = vector.shape_cast %swap3A_152 : vector<1x16xf32> to vector<16xf32>
        %swap3A_154 = vector.shape_cast %mul3A_149 : vector<16xf32> to vector<1x16xf32>
        tpu.vector_store %arg9[%swap3A_150, %swap3A_151], %swap3A_154 {strides = array<i32>} : memref<128x128xf32, #tpu.memory_space<vmem>>, vector<1x16xf32>,
        %slice3A_155 = vector.extract_strided_slice %bitcast_convert_type3A {offsets = [1], sizes = [1], strides = [1]} : vector<16xf32> to vector<1xf32>
        %squeeze3A_156 = vector.extract %slice3A_155[0] : f32 from vector<1xf32>
        %add3A_157 = arith.constant 1 : i32
        %add3A_158 = arith.addi %mul3A_65, %add3A_157 : i32
        %get3A_159 = arith.index_cast %add3A_158 : i32 to index
        %get3A_160 = arith.constant 0 : index
        %get3A_161 = tpu.vector_load %arg9[%get3A_159, %get3A_160] {strides = array<i32>} : memref<128x128xf32, #tpu.memory_space<vmem>>, vector<1x16xf32>,
        %get3A_162 = vector.shape_cast %get3A_161 : vector<1x16xf32> to vector<16xf32>
        %mul3A_163 = vector.broadcast %squeeze3A_156 : f32 to vector<16xf32>
        %mul3A_164 = arith.mulf %get3A_162, %mul3A_163 : vector<16xf32>
        %swap3A_165 = arith.index_cast %add3A_158 : i32 to index
        %swap3A_166 = arith.constant 0 : index
        %swap3A_167 = tpu.vector_load %arg9[%swap3A_165, %swap3A_166] {strides = array<i32>} : memref<128x128xf32, #tpu.memory_space<vmem>>, vector<1x16xf32>,
        %swap3A_168 = vector.shape_cast %swap3A_167 : vector<1x16xf32> to vector<16xf32>
        %swap3A_169 = vector.shape_cast %mul3A_164 : vector<16xf32> to vector<1x16xf32>
        tpu.vector_store %arg9[%swap3A_165, %swap3A_166], %swap3A_169 {strides = array<i32>} : memref<128x128xf32, #tpu.memory_space<vmem>>, vector<1x16xf32>,
        %get3A_170 = arith.index_cast %add3A_158 : i32 to index
        %get3A_171 = arith.constant 16 : index
        %get3A_172 = tpu.vector_load %arg9[%get3A_170, %get3A_171] {strides = array<i32>} : memref<128x128xf32, #tpu.memory_space<vmem>>, vector<1x16xf32>,
        %get3A_173 = vector.shape_cast %get3A_172 : vector<1x16xf32> to vector<16xf32>
        %mul3A_174 = vector.broadcast %squeeze3A_156 : f32 to vector<16xf32>
        %mul3A_175 = arith.mulf %get3A_173, %mul3A_174 : vector<16xf32>
        %swap3A_176 = arith.index_cast %add3A_158 : i32 to index
        %swap3A_177 = arith.constant 16 : index
        %swap3A_178 = tpu.vector_load %arg9[%swap3A_176, %swap3A_177] {strides = array<i32>} : memref<128x128xf32, #tpu.memory_space<vmem>>, vector<1x16xf32>,
        %swap3A_179 = vector.shape_cast %swap3A_178 : vector<1x16xf32> to vector<16xf32>
        %swap3A_180 = vector.shape_cast %mul3A_175 : vector<16xf32> to vector<1x16xf32>
        tpu.vector_store %arg9[%swap3A_176, %swap3A_177], %swap3A_180 {strides = array<i32>} : memref<128x128xf32, #tpu.memory_space<vmem>>, vector<1x16xf32>,
        %get3A_181 = arith.index_cast %add3A_158 : i32 to index
        %get3A_182 = arith.constant 32 : index
        %get3A_183 = tpu.vector_load %arg9[%get3A_181, %get3A_182] {strides = array<i32>} : memref<128x128xf32, #tpu.memory_space<vmem>>, vector<1x16xf32>,
        %get3A_184 = vector.shape_cast %get3A_183 : vector<1x16xf32> to vector<16xf32>
        %mul3A_185 = vector.broadcast %squeeze3A_156 : f32 to vector<16xf32>
        %mul3A_186 = arith.mulf %get3A_184, %mul3A_185 : vector<16xf32>
        %swap3A_187 = arith.index_cast %add3A_158 : i32 to index
        %swap3A_188 = arith.constant 32 : index
        %swap3A_189 = tpu.vector_load %arg9[%swap3A_187, %swap3A_188] {strides = array<i32>} : memref<128x128xf32, #tpu.memory_space<vmem>>, vector<1x16xf32>,
        %swap3A_190 = vector.shape_cast %swap3A_189 : vector<1x16xf32> to vector<16xf32>
        %swap3A_191 = vector.shape_cast %mul3A_186 : vector<16xf32> to vector<1x16xf32>
        tpu.vector_store %arg9[%swap3A_187, %swap3A_188], %swap3A_191 {strides = array<i32>} : memref<128x128xf32, #tpu.memory_space<vmem>>, vector<1x16xf32>,
        %get3A_192 = arith.index_cast %add3A_158 : i32 to index
        %get3A_193 = arith.constant 48 : index
        %get3A_194 = tpu.vector_load %arg9[%get3A_192, %get3A_193] {strides = array<i32>} : memref<128x128xf32, #tpu.memory_space<vmem>>, vector<1x16xf32>,
        %get3A_195 = vector.shape_cast %get3A_194 : vector<1x16xf32> to vector<16xf32>
        %mul3A_196 = vector.broadcast %squeeze3A_156 : f32 to vector<16xf32>
        %mul3A_197 = arith.mulf %get3A_195, %mul3A_196 : vector<16xf32>
        %swap3A_198 = arith.index_cast %add3A_158 : i32 to index
        %swap3A_199 = arith.constant 48 : index
        %swap3A_200 = tpu.vector_load %arg9[%swap3A_198, %swap3A_199] {strides = array<i32>} : memref<128x128xf32, #tpu.memory_space<vmem>>, vector<1x16xf32>,
        %swap3A_201 = vector.shape_cast %swap3A_200 : vector<1x16xf32> to vector<16xf32>
        %swap3A_202 = vector.shape_cast %mul3A_197 : vector<16xf32> to vector<1x16xf32>
        tpu.vector_store %arg9[%swap3A_198, %swap3A_199], %swap3A_202 {strides = array<i32>} : memref<128x128xf32, #tpu.memory_space<vmem>>, vector<1x16xf32>,
        %get3A_203 = arith.index_cast %add3A_158 : i32 to index
        %get3A_204 = arith.constant 64 : index
        %get3A_205 = tpu.vector_load %arg9[%get3A_203, %get3A_204] {strides = array<i32>} : memref<128x128xf32, #tpu.memory_space<vmem>>, vector<1x16xf32>,
        %get3A_206 = vector.shape_cast %get3A_205 : vector<1x16xf32> to vector<16xf32>
        %mul3A_207 = vector.broadcast %squeeze3A_156 : f32 to vector<16xf32>
        %mul3A_208 = arith.mulf %get3A_206, %mul3A_207 : vector<16xf32>
        %swap3A_209 = arith.index_cast %add3A_158 : i32 to index
        %swap3A_210 = arith.constant 64 : index
        %swap3A_211 = tpu.vector_load %arg9[%swap3A_209, %swap3A_210] {strides = array<i32>} : memref<128x128xf32, #tpu.memory_space<vmem>>, vector<1x16xf32>,
        %swap3A_212 = vector.shape_cast %swap3A_211 : vector<1x16xf32> to vector<16xf32>
        %swap3A_213 = vector.shape_cast %mul3A_208 : vector<16xf32> to vector<1x16xf32>
        tpu.vector_store %arg9[%swap3A_209, %swap3A_210], %swap3A_213 {strides = array<i32>} : memref<128x128xf32, #tpu.memory_space<vmem>>, vector<1x16xf32>,
        %get3A_214 = arith.index_cast %add3A_158 : i32 to index
        %get3A_215 = arith.constant 80 : index
        %get3A_216 = tpu.vector_load %arg9[%get3A_214, %get3A_215] {strides = array<i32>} : memref<128x128xf32, #tpu.memory_space<vmem>>, vector<1x16xf32>,
        %get3A_217 = vector.shape_cast %get3A_216 : vector<1x16xf32> to vector<16xf32>
        %mul3A_218 = vector.broadcast %squeeze3A_156 : f32 to vector<16xf32>
        %mul3A_219 = arith.mulf %get3A_217, %mul3A_218 : vector<16xf32>
        %swap3A_220 = arith.index_cast %add3A_158 : i32 to index
        %swap3A_221 = arith.constant 80 : index
        %swap3A_222 = tpu.vector_load %arg9[%swap3A_220, %swap3A_221] {strides = array<i32>} : memref<128x128xf32, #tpu.memory_space<vmem>>, vector<1x16xf32>,
        %swap3A_223 = vector.shape_cast %swap3A_222 : vector<1x16xf32> to vector<16xf32>
        %swap3A_224 = vector.shape_cast %mul3A_219 : vector<16xf32> to vector<1x16xf32>
        tpu.vector_store %arg9[%swap3A_220, %swap3A_221], %swap3A_224 {strides = array<i32>} : memref<128x128xf32, #tpu.memory_space<vmem>>, vector<1x16xf32>,
        %get3A_225 = arith.index_cast %add3A_158 : i32 to index
        %get3A_226 = arith.constant 96 : index
        %get3A_227 = tpu.vector_load %arg9[%get3A_225, %get3A_226] {strides = array<i32>} : memref<128x128xf32, #tpu.memory_space<vmem>>, vector<1x16xf32>,
        %get3A_228 = vector.shape_cast %get3A_227 : vector<1x16xf32> to vector<16xf32>
        %mul3A_229 = vector.broadcast %squeeze3A_156 : f32 to vector<16xf32>
        %mul3A_230 = arith.mulf %get3A_228, %mul3A_229 : vector<16xf32>
        %swap3A_231 = arith.index_cast %add3A_158 : i32 to index
        %swap3A_232 = arith.constant 96 : index
        %swap3A_233 = tpu.vector_load %arg9[%swap3A_231, %swap3A_232] {strides = array<i32>} : memref<128x128xf32, #tpu.memory_space<vmem>>, vector<1x16xf32>,
        %swap3A_234 = vector.shape_cast %swap3A_233 : vector<1x16xf32> to vector<16xf32>
        %swap3A_235 = vector.shape_cast %mul3A_230 : vector<16xf32> to vector<1x16xf32>
        tpu.vector_store %arg9[%swap3A_231, %swap3A_232], %swap3A_235 {strides = array<i32>} : memref<128x128xf32, #tpu.memory_space<vmem>>, vector<1x16xf32>,
        %get3A_236 = arith.index_cast %add3A_158 : i32 to index
        %get3A_237 = arith.constant 112 : index
        %get3A_238 = tpu.vector_load %arg9[%get3A_236, %get3A_237] {strides = array<i32>} : memref<128x128xf32, #tpu.memory_space<vmem>>, vector<1x16xf32>,
        %get3A_239 = vector.shape_cast %get3A_238 : vector<1x16xf32> to vector<16xf32>
        %mul3A_240 = vector.broadcast %squeeze3A_156 : f32 to vector<16xf32>
        %mul3A_241 = arith.mulf %get3A_239, %mul3A_240 : vector<16xf32>
        %swap3A_242 = arith.index_cast %add3A_158 : i32 to index
        %swap3A_243 = arith.constant 112 : index
        %swap3A_244 = tpu.vector_load %arg9[%swap3A_242, %swap3A_243] {strides = array<i32>} : memref<128x128xf32, #tpu.memory_space<vmem>>, vector<1x16xf32>,
        %swap3A_245 = vector.shape_cast %swap3A_244 : vector<1x16xf32> to vector<16xf32>
        %swap3A_246 = vector.shape_cast %mul3A_241 : vector<16xf32> to vector<1x16xf32>
        tpu.vector_store %arg9[%swap3A_242, %swap3A_243], %swap3A_246 {strides = array<i32>} : memref<128x128xf32, #tpu.memory_space<vmem>>, vector<1x16xf32>,
        %slice3A_247 = vector.extract_strided_slice %bitcast_convert_type3A {offsets = [2], sizes = [1], strides = [1]} : vector<16xf32> to vector<1xf32>
        %squeeze3A_248 = vector.extract %slice3A_247[0] : f32 from vector<1xf32>
        %add3A_249 = arith.constant 2 : i32
        %add3A_250 = arith.addi %mul3A_65, %add3A_249 : i32
        %get3A_251 = arith.index_cast %add3A_250 : i32 to index
        %get3A_252 = arith.constant 0 : index
        %get3A_253 = tpu.vector_load %arg9[%get3A_251, %get3A_252] {strides = array<i32>} : memref<128x128xf32, #tpu.memory_space<vmem>>, vector<1x16xf32>,
        %get3A_254 = vector.shape_cast %get3A_253 : vector<1x16xf32> to vector<16xf32>
        %mul3A_255 = vector.broadcast %squeeze3A_248 : f32 to vector<16xf32>
        %mul3A_256 = arith.mulf %get3A_254, %mul3A_255 : vector<16xf32>
        %swap3A_257 = arith.index_cast %add3A_250 : i32 to index
        %swap3A_258 = arith.constant 0 : index
        %swap3A_259 = tpu.vector_load %arg9[%swap3A_257, %swap3A_258] {strides = array<i32>} : memref<128x128xf32, #tpu.memory_space<vmem>>, vector<1x16xf32>,
        %swap3A_260 = vector.shape_cast %swap3A_259 : vector<1x16xf32> to vector<16xf32>
        %swap3A_261 = vector.shape_cast %mul3A_256 : vector<16xf32> to vector<1x16xf32>
        tpu.vector_store %arg9[%swap3A_257, %swap3A_258], %swap3A_261 {strides = array<i32>} : memref<128x128xf32, #tpu.memory_space<vmem>>, vector<1x16xf32>,
        %get3A_262 = arith.index_cast %add3A_250 : i32 to index
        %get3A_263 = arith.constant 16 : index
        %get3A_264 = tpu.vector_load %arg9[%get3A_262, %get3A_263] {strides = array<i32>} : memref<128x128xf32, #tpu.memory_space<vmem>>, vector<1x16xf32>,
        %get3A_265 = vector.shape_cast %get3A_264 : vector<1x16xf32> to vector<16xf32>
        %mul3A_266 = vector.broadcast %squeeze3A_248 : f32 to vector<16xf32>
        %mul3A_267 = arith.mulf %get3A_265, %mul3A_266 : vector<16xf32>
        %swap3A_268 = arith.index_cast %add3A_250 : i32 to index
        %swap3A_269 = arith.constant 16 : index
        %swap3A_270 = tpu.vector_load %arg9[%swap3A_268, %swap3A_269] {strides = array<i32>} : memref<128x128xf32, #tpu.memory_space<vmem>>, vector<1x16xf32>,
        %swap3A_271 = vector.shape_cast %swap3A_270 : vector<1x16xf32> to vector<16xf32>
        %swap3A_272 = vector.shape_cast %mul3A_267 : vector<16xf32> to vector<1x16xf32>
        tpu.vector_store %arg9[%swap3A_268, %swap3A_269], %swap3A_272 {strides = array<i32>} : memref<128x128xf32, #tpu.memory_space<vmem>>, vector<1x16xf32>,
        %get3A_273 = arith.index_cast %add3A_250 : i32 to index
        %get3A_274 = arith.constant 32 : index
        %get3A_275 = tpu.vector_load %arg9[%get3A_273, %get3A_274] {strides = array<i32>} : memref<128x128xf32, #tpu.memory_space<vmem>>, vector<1x16xf32>,
        %get3A_276 = vector.shape_cast %get3A_275 : vector<1x16xf32> to vector<16xf32>
        %mul3A_277 = vector.broadcast %squeeze3A_248 : f32 to vector<16xf32>
        %mul3A_278 = arith.mulf %get3A_276, %mul3A_277 : vector<16xf32>
        %swap3A_279 = arith.index_cast %add3A_250 : i32 to index
        %swap3A_280 = arith.constant 32 : index
        %swap3A_281 = tpu.vector_load %arg9[%swap3A_279, %swap3A_280] {strides = array<i32>} : memref<128x128xf32, #tpu.memory_space<vmem>>, vector<1x16xf32>,
        %swap3A_282 = vector.shape_cast %swap3A_281 : vector<1x16xf32> to vector<16xf32>
        %swap3A_283 = vector.shape_cast %mul3A_278 : vector<16xf32> to vector<1x16xf32>
        tpu.vector_store %arg9[%swap3A_279, %swap3A_280], %swap3A_283 {strides = array<i32>} : memref<128x128xf32, #tpu.memory_space<vmem>>, vector<1x16xf32>,
        %get3A_284 = arith.index_cast %add3A_250 : i32 to index
        %get3A_285 = arith.constant 48 : index
        %get3A_286 = tpu.vector_load %arg9[%get3A_284, %get3A_285] {strides = array<i32>} : memref<128x128xf32, #tpu.memory_space<vmem>>, vector<1x16xf32>,
        %get3A_287 = vector.shape_cast %get3A_286 : vector<1x16xf32> to vector<16xf32>
        %mul3A_288 = vector.broadcast %squeeze3A_248 : f32 to vector<16xf32>
        %mul3A_289 = arith.mulf %get3A_287, %mul3A_288 : vector<16xf32>
        %swap3A_290 = arith.index_cast %add3A_250 : i32 to index
        %swap3A_291 = arith.constant 48 : index
        %swap3A_292 = tpu.vector_load %arg9[%swap3A_290, %swap3A_291] {strides = array<i32>} : memref<128x128xf32, #tpu.memory_space<vmem>>, vector<1x16xf32>,
        %swap3A_293 = vector.shape_cast %swap3A_292 : vector<1x16xf32> to vector<16xf32>
        %swap3A_294 = vector.shape_cast %mul3A_289 : vector<16xf32> to vector<1x16xf32>
        tpu.vector_store %arg9[%swap3A_290, %swap3A_291], %swap3A_294 {strides = array<i32>} : memref<128x128xf32, #tpu.memory_space<vmem>>, vector<1x16xf32>,
        %get3A_295 = arith.index_cast %add3A_250 : i32 to index
        %get3A_296 = arith.constant 64 : index
        %get3A_297 = tpu.vector_load %arg9[%get3A_295, %get3A_296] {strides = array<i32>} : memref<128x128xf32, #tpu.memory_space<vmem>>, vector<1x16xf32>,
        %get3A_298 = vector.shape_cast %get3A_297 : vector<1x16xf32> to vector<16xf32>
        %mul3A_299 = vector.broadcast %squeeze3A_248 : f32 to vector<16xf32>
        %mul3A_300 = arith.mulf %get3A_298, %mul3A_299 : vector<16xf32>
        %swap3A_301 = arith.index_cast %add3A_250 : i32 to index
        %swap3A_302 = arith.constant 64 : index
        %swap3A_303 = tpu.vector_load %arg9[%swap3A_301, %swap3A_302] {strides = array<i32>} : memref<128x128xf32, #tpu.memory_space<vmem>>, vector<1x16xf32>,
        %swap3A_304 = vector.shape_cast %swap3A_303 : vector<1x16xf32> to vector<16xf32>
        %swap3A_305 = vector.shape_cast %mul3A_300 : vector<16xf32> to vector<1x16xf32>
        tpu.vector_store %arg9[%swap3A_301, %swap3A_302], %swap3A_305 {strides = array<i32>} : memref<128x128xf32, #tpu.memory_space<vmem>>, vector<1x16xf32>,
        %get3A_306 = arith.index_cast %add3A_250 : i32 to index
        %get3A_307 = arith.constant 80 : index
        %get3A_308 = tpu.vector_load %arg9[%get3A_306, %get3A_307] {strides = array<i32>} : memref<128x128xf32, #tpu.memory_space<vmem>>, vector<1x16xf32>,
        %get3A_309 = vector.shape_cast %get3A_308 : vector<1x16xf32> to vector<16xf32>
        %mul3A_310 = vector.broadcast %squeeze3A_248 : f32 to vector<16xf32>
        %mul3A_311 = arith.mulf %get3A_309, %mul3A_310 : vector<16xf32>
        %swap3A_312 = arith.index_cast %add3A_250 : i32 to index
        %swap3A_313 = arith.constant 80 : index
        %swap3A_314 = tpu.vector_load %arg9[%swap3A_312, %swap3A_313] {strides = array<i32>} : memref<128x128xf32, #tpu.memory_space<vmem>>, vector<1x16xf32>,
        %swap3A_315 = vector.shape_cast %swap3A_314 : vector<1x16xf32> to vector<16xf32>
        %swap3A_316 = vector.shape_cast %mul3A_311 : vector<16xf32> to vector<1x16xf32>
        tpu.vector_store %arg9[%swap3A_312, %swap3A_313], %swap3A_316 {strides = array<i32>} : memref<128x128xf32, #tpu.memory_space<vmem>>, vector<1x16xf32>,
        %get3A_317 = arith.index_cast %add3A_250 : i32 to index
        %get3A_318 = arith.constant 96 : index
        %get3A_319 = tpu.vector_load %arg9[%get3A_317, %get3A_318] {strides = array<i32>} : memref<128x128xf32, #tpu.memory_space<vmem>>, vector<1x16xf32>,
        %get3A_320 = vector.shape_cast %get3A_319 : vector<1x16xf32> to vector<16xf32>
        %mul3A_321 = vector.broadcast %squeeze3A_248 : f32 to vector<16xf32>
        %mul3A_322 = arith.mulf %get3A_320, %mul3A_321 : vector<16xf32>
        %swap3A_323 = arith.index_cast %add3A_250 : i32 to index
        %swap3A_324 = arith.constant 96 : index
        %swap3A_325 = tpu.vector_load %arg9[%swap3A_323, %swap3A_324] {strides = array<i32>} : memref<128x128xf32, #tpu.memory_space<vmem>>, vector<1x16xf32>,
        %swap3A_326 = vector.shape_cast %swap3A_325 : vector<1x16xf32> to vector<16xf32>
        %swap3A_327 = vector.shape_cast %mul3A_322 : vector<16xf32> to vector<1x16xf32>
        tpu.vector_store %arg9[%swap3A_323, %swap3A_324], %swap3A_327 {strides = array<i32>} : memref<128x128xf32, #tpu.memory_space<vmem>>, vector<1x16xf32>,
        %get3A_328 = arith.index_cast %add3A_250 : i32 to index
        %get3A_329 = arith.constant 112 : index
        %get3A_330 = tpu.vector_load %arg9[%get3A_328, %get3A_329] {strides = array<i32>} : memref<128x128xf32, #tpu.memory_space<vmem>>, vector<1x16xf32>,
        %get3A_331 = vector.shape_cast %get3A_330 : vector<1x16xf32> to vector<16xf32>
        %mul3A_332 = vector.broadcast %squeeze3A_248 : f32 to vector<16xf32>
        %mul3A_333 = arith.mulf %get3A_331, %mul3A_332 : vector<16xf32>
        %swap3A_334 = arith.index_cast %add3A_250 : i32 to index
        %swap3A_335 = arith.constant 112 : index
        %swap3A_336 = tpu.vector_load %arg9[%swap3A_334, %swap3A_335] {strides = array<i32>} : memref<128x128xf32, #tpu.memory_space<vmem>>, vector<1x16xf32>,
        %swap3A_337 = vector.shape_cast %swap3A_336 : vector<1x16xf32> to vector<16xf32>
        %swap3A_338 = vector.shape_cast %mul3A_333 : vector<16xf32> to vector<1x16xf32>
        tpu.vector_store %arg9[%swap3A_334, %swap3A_335], %swap3A_338 {strides = array<i32>} : memref<128x128xf32, #tpu.memory_space<vmem>>, vector<1x16xf32>,
        %slice3A_339 = vector.extract_strided_slice %bitcast_convert_type3A {offsets = [3], sizes = [1], strides = [1]} : vector<16xf32> to vector<1xf32>
        %squeeze3A_340 = vector.extract %slice3A_339[0] : f32 from vector<1xf32>
        %add3A_341 = arith.constant 3 : i32
        %add3A_342 = arith.addi %mul3A_65, %add3A_341 : i32
        %get3A_343 = arith.index_cast %add3A_342 : i32 to index
        %get3A_344 = arith.constant 0 : index
        %get3A_345 = tpu.vector_load %arg9[%get3A_343, %get3A_344] {strides = array<i32>} : memref<128x128xf32, #tpu.memory_space<vmem>>, vector<1x16xf32>,
        %get3A_346 = vector.shape_cast %get3A_345 : vector<1x16xf32> to vector<16xf32>
        %mul3A_347 = vector.broadcast %squeeze3A_340 : f32 to vector<16xf32>
        %mul3A_348 = arith.mulf %get3A_346, %mul3A_347 : vector<16xf32>
        %swap3A_349 = arith.index_cast %add3A_342 : i32 to index
        %swap3A_350 = arith.constant 0 : index
        %swap3A_351 = tpu.vector_load %arg9[%swap3A_349, %swap3A_350] {strides = array<i32>} : memref<128x128xf32, #tpu.memory_space<vmem>>, vector<1x16xf32>,
        %swap3A_352 = vector.shape_cast %swap3A_351 : vector<1x16xf32> to vector<16xf32>
        %swap3A_353 = vector.shape_cast %mul3A_348 : vector<16xf32> to vector<1x16xf32>
        tpu.vector_store %arg9[%swap3A_349, %swap3A_350], %swap3A_353 {strides = array<i32>} : memref<128x128xf32, #tpu.memory_space<vmem>>, vector<1x16xf32>,
        %get3A_354 = arith.index_cast %add3A_342 : i32 to index
        %get3A_355 = arith.constant 16 : index
        %get3A_356 = tpu.vector_load %arg9[%get3A_354, %get3A_355] {strides = array<i32>} : memref<128x128xf32, #tpu.memory_space<vmem>>, vector<1x16xf32>,
        %get3A_357 = vector.shape_cast %get3A_356 : vector<1x16xf32> to vector<16xf32>
        %mul3A_358 = vector.broadcast %squeeze3A_340 : f32 to vector<16xf32>
        %mul3A_359 = arith.mulf %get3A_357, %mul3A_358 : vector<16xf32>
        %swap3A_360 = arith.index_cast %add3A_342 : i32 to index
        %swap3A_361 = arith.constant 16 : index
        %swap3A_362 = tpu.vector_load %arg9[%swap3A_360, %swap3A_361] {strides = array<i32>} : memref<128x128xf32, #tpu.memory_space<vmem>>, vector<1x16xf32>,
        %swap3A_363 = vector.shape_cast %swap3A_362 : vector<1x16xf32> to vector<16xf32>
        %swap3A_364 = vector.shape_cast %mul3A_359 : vector<16xf32> to vector<1x16xf32>
        tpu.vector_store %arg9[%swap3A_360, %swap3A_361], %swap3A_364 {strides = array<i32>} : memref<128x128xf32, #tpu.memory_space<vmem>>, vector<1x16xf32>,
        %get3A_365 = arith.index_cast %add3A_342 : i32 to index
        %get3A_366 = arith.constant 32 : index
        %get3A_367 = tpu.vector_load %arg9[%get3A_365, %get3A_366] {strides = array<i32>} : memref<128x128xf32, #tpu.memory_space<vmem>>, vector<1x16xf32>,
        %get3A_368 = vector.shape_cast %get3A_367 : vector<1x16xf32> to vector<16xf32>
        %mul3A_369 = vector.broadcast %squeeze3A_340 : f32 to vector<16xf32>
        %mul3A_370 = arith.mulf %get3A_368, %mul3A_369 : vector<16xf32>
        %swap3A_371 = arith.index_cast %add3A_342 : i32 to index
        %swap3A_372 = arith.constant 32 : index
        %swap3A_373 = tpu.vector_load %arg9[%swap3A_371, %swap3A_372] {strides = array<i32>} : memref<128x128xf32, #tpu.memory_space<vmem>>, vector<1x16xf32>,
        %swap3A_374 = vector.shape_cast %swap3A_373 : vector<1x16xf32> to vector<16xf32>
        %swap3A_375 = vector.shape_cast %mul3A_370 : vector<16xf32> to vector<1x16xf32>
        tpu.vector_store %arg9[%swap3A_371, %swap3A_372], %swap3A_375 {strides = array<i32>} : memref<128x128xf32, #tpu.memory_space<vmem>>, vector<1x16xf32>,
        %get3A_376 = arith.index_cast %add3A_342 : i32 to index
        %get3A_377 = arith.constant 48 : index
        %get3A_378 = tpu.vector_load %arg9[%get3A_376, %get3A_377] {strides = array<i32>} : memref<128x128xf32, #tpu.memory_space<vmem>>, vector<1x16xf32>,
        %get3A_379 = vector.shape_cast %get3A_378 : vector<1x16xf32> to vector<16xf32>
        %mul3A_380 = vector.broadcast %squeeze3A_340 : f32 to vector<16xf32>
        %mul3A_381 = arith.mulf %get3A_379, %mul3A_380 : vector<16xf32>
        %swap3A_382 = arith.index_cast %add3A_342 : i32 to index
        %swap3A_383 = arith.constant 48 : index
        %swap3A_384 = tpu.vector_load %arg9[%swap3A_382, %swap3A_383] {strides = array<i32>} : memref<128x128xf32, #tpu.memory_space<vmem>>, vector<1x16xf32>,
        %swap3A_385 = vector.shape_cast %swap3A_384 : vector<1x16xf32> to vector<16xf32>
        %swap3A_386 = vector.shape_cast %mul3A_381 : vector<16xf32> to vector<1x16xf32>
        tpu.vector_store %arg9[%swap3A_382, %swap3A_383], %swap3A_386 {strides = array<i32>} : memref<128x128xf32, #tpu.memory_space<vmem>>, vector<1x16xf32>,
        %get3A_387 = arith.index_cast %add3A_342 : i32 to index
        %get3A_388 = arith.constant 64 : index
        %get3A_389 = tpu.vector_load %arg9[%get3A_387, %get3A_388] {strides = array<i32>} : memref<128x128xf32, #tpu.memory_space<vmem>>, vector<1x16xf32>,
        %get3A_390 = vector.shape_cast %get3A_389 : vector<1x16xf32> to vector<16xf32>
        %mul3A_391 = vector.broadcast %squeeze3A_340 : f32 to vector<16xf32>
        %mul3A_392 = arith.mulf %get3A_390, %mul3A_391 : vector<16xf32>
        %swap3A_393 = arith.index_cast %add3A_342 : i32 to index
        %swap3A_394 = arith.constant 64 : index
        %swap3A_395 = tpu.vector_load %arg9[%swap3A_393, %swap3A_394] {strides = array<i32>} : memref<128x128xf32, #tpu.memory_space<vmem>>, vector<1x16xf32>,
        %swap3A_396 = vector.shape_cast %swap3A_395 : vector<1x16xf32> to vector<16xf32>
        %swap3A_397 = vector.shape_cast %mul3A_392 : vector<16xf32> to vector<1x16xf32>
        tpu.vector_store %arg9[%swap3A_393, %swap3A_394], %swap3A_397 {strides = array<i32>} : memref<128x128xf32, #tpu.memory_space<vmem>>, vector<1x16xf32>,
        %get3A_398 = arith.index_cast %add3A_342 : i32 to index
        %get3A_399 = arith.constant 80 : index
        %get3A_400 = tpu.vector_load %arg9[%get3A_398, %get3A_399] {strides = array<i32>} : memref<128x128xf32, #tpu.memory_space<vmem>>, vector<1x16xf32>,
        %get3A_401 = vector.shape_cast %get3A_400 : vector<1x16xf32> to vector<16xf32>
        %mul3A_402 = vector.broadcast %squeeze3A_340 : f32 to vector<16xf32>
        %mul3A_403 = arith.mulf %get3A_401, %mul3A_402 : vector<16xf32>
        %swap3A_404 = arith.index_cast %add3A_342 : i32 to index
        %swap3A_405 = arith.constant 80 : index
        %swap3A_406 = tpu.vector_load %arg9[%swap3A_404, %swap3A_405] {strides = array<i32>} : memref<128x128xf32, #tpu.memory_space<vmem>>, vector<1x16xf32>,
        %swap3A_407 = vector.shape_cast %swap3A_406 : vector<1x16xf32> to vector<16xf32>
        %swap3A_408 = vector.shape_cast %mul3A_403 : vector<16xf32> to vector<1x16xf32>
        tpu.vector_store %arg9[%swap3A_404, %swap3A_405], %swap3A_408 {strides = array<i32>} : memref<128x128xf32, #tpu.memory_space<vmem>>, vector<1x16xf32>,
        %get3A_409 = arith.index_cast %add3A_342 : i32 to index
        %get3A_410 = arith.constant 96 : index
        %get3A_411 = tpu.vector_load %arg9[%get3A_409, %get3A_410] {strides = array<i32>} : memref<128x128xf32, #tpu.memory_space<vmem>>, vector<1x16xf32>,
        %get3A_412 = vector.shape_cast %get3A_411 : vector<1x16xf32> to vector<16xf32>
        %mul3A_413 = vector.broadcast %squeeze3A_340 : f32 to vector<16xf32>
        %mul3A_414 = arith.mulf %get3A_412, %mul3A_413 : vector<16xf32>
        %swap3A_415 = arith.index_cast %add3A_342 : i32 to index
        %swap3A_416 = arith.constant 96 : index
        %swap3A_417 = tpu.vector_load %arg9[%swap3A_415, %swap3A_416] {strides = array<i32>} : memref<128x128xf32, #tpu.memory_space<vmem>>, vector<1x16xf32>,
        %swap3A_418 = vector.shape_cast %swap3A_417 : vector<1x16xf32> to vector<16xf32>
        %swap3A_419 = vector.shape_cast %mul3A_414 : vector<16xf32> to vector<1x16xf32>
        tpu.vector_store %arg9[%swap3A_415, %swap3A_416], %swap3A_419 {strides = array<i32>} : memref<128x128xf32, #tpu.memory_space<vmem>>, vector<1x16xf32>,
        %get3A_420 = arith.index_cast %add3A_342 : i32 to index
        %get3A_421 = arith.constant 112 : index
        %get3A_422 = tpu.vector_load %arg9[%get3A_420, %get3A_421] {strides = array<i32>} : memref<128x128xf32, #tpu.memory_space<vmem>>, vector<1x16xf32>,
        %get3A_423 = vector.shape_cast %get3A_422 : vector<1x16xf32> to vector<16xf32>
        %mul3A_424 = vector.broadcast %squeeze3A_340 : f32 to vector<16xf32>
        %mul3A_425 = arith.mulf %get3A_423, %mul3A_424 : vector<16xf32>
        %swap3A_426 = arith.index_cast %add3A_342 : i32 to index
        %swap3A_427 = arith.constant 112 : index
        %swap3A_428 = tpu.vector_load %arg9[%swap3A_426, %swap3A_427] {strides = array<i32>} : memref<128x128xf32, #tpu.memory_space<vmem>>, vector<1x16xf32>,
        %swap3A_429 = vector.shape_cast %swap3A_428 : vector<1x16xf32> to vector<16xf32>
        %swap3A_430 = vector.shape_cast %mul3A_425 : vector<16xf32> to vector<1x16xf32>
        tpu.vector_store %arg9[%swap3A_426, %swap3A_427], %swap3A_430 {strides = array<i32>} : memref<128x128xf32, #tpu.memory_space<vmem>>, vector<1x16xf32>,
        %slice3A_431 = vector.extract_strided_slice %bitcast_convert_type3A {offsets = [4], sizes = [1], strides = [1]} : vector<16xf32> to vector<1xf32>
        %squeeze3A_432 = vector.extract %slice3A_431[0] : f32 from vector<1xf32>
        %add3A_433 = arith.constant 4 : i32
        %add3A_434 = arith.addi %mul3A_65, %add3A_433 : i32
        %get3A_435 = arith.index_cast %add3A_434 : i32 to index
        %get3A_436 = arith.constant 0 : index
        %get3A_437 = tpu.vector_load %arg9[%get3A_435, %get3A_436] {strides = array<i32>} : memref<128x128xf32, #tpu.memory_space<vmem>>, vector<1x16xf32>,
        %get3A_438 = vector.shape_cast %get3A_437 : vector<1x16xf32> to vector<16xf32>
        %mul3A_439 = vector.broadcast %squeeze3A_432 : f32 to vector<16xf32>
        %mul3A_440 = arith.mulf %get3A_438, %mul3A_439 : vector<16xf32>
        %swap3A_441 = arith.index_cast %add3A_434 : i32 to index
        %swap3A_442 = arith.constant 0 : index
        %swap3A_443 = tpu.vector_load %arg9[%swap3A_441, %swap3A_442] {strides = array<i32>} : memref<128x128xf32, #tpu.memory_space<vmem>>, vector<1x16xf32>,
        %swap3A_444 = vector.shape_cast %swap3A_443 : vector<1x16xf32> to vector<16xf32>
        %swap3A_445 = vector.shape_cast %mul3A_440 : vector<16xf32> to vector<1x16xf32>
        tpu.vector_store %arg9[%swap3A_441, %swap3A_442], %swap3A_445 {strides = array<i32>} : memref<128x128xf32, #tpu.memory_space<vmem>>, vector<1x16xf32>,
        %get3A_446 = arith.index_cast %add3A_434 : i32 to index
        %get3A_447 = arith.constant 16 : index
        %get3A_448 = tpu.vector_load %arg9[%get3A_446, %get3A_447] {strides = array<i32>} : memref<128x128xf32, #tpu.memory_space<vmem>>, vector<1x16xf32>,
        %get3A_449 = vector.shape_cast %get3A_448 : vector<1x16xf32> to vector<16xf32>
        %mul3A_450 = vector.broadcast %squeeze3A_432 : f32 to vector<16xf32>
        %mul3A_451 = arith.mulf %get3A_449, %mul3A_450 : vector<16xf32>
        %swap3A_452 = arith.index_cast %add3A_434 : i32 to index
        %swap3A_453 = arith.constant 16 : index
        %swap3A_454 = tpu.vector_load %arg9[%swap3A_452, %swap3A_453] {strides = array<i32>} : memref<128x128xf32, #tpu.memory_space<vmem>>, vector<1x16xf32>,
        %swap3A_455 = vector.shape_cast %swap3A_454 : vector<1x16xf32> to vector<16xf32>
        %swap3A_456 = vector.shape_cast %mul3A_451 : vector<16xf32> to vector<1x16xf32>
        tpu.vector_store %arg9[%swap3A_452, %swap3A_453], %swap3A_456 {strides = array<i32>} : memref<128x128xf32, #tpu.memory_space<vmem>>, vector<1x16xf32>,
        %get3A_457 = arith.index_cast %add3A_434 : i32 to index
        %get3A_458 = arith.constant 32 : index
        %get3A_459 = tpu.vector_load %arg9[%get3A_457, %get3A_458] {strides = array<i32>} : memref<128x128xf32, #tpu.memory_space<vmem>>, vector<1x16xf32>,
        %get3A_460 = vector.shape_cast %get3A_459 : vector<1x16xf32> to vector<16xf32>
        %mul3A_461 = vector.broadcast %squeeze3A_432 : f32 to vector<16xf32>
        %mul3A_462 = arith.mulf %get3A_460, %mul3A_461 : vector<16xf32>
        %swap3A_463 = arith.index_cast %add3A_434 : i32 to index
        %swap3A_464 = arith.constant 32 : index
        %swap3A_465 = tpu.vector_load %arg9[%swap3A_463, %swap3A_464] {strides = array<i32>} : memref<128x128xf32, #tpu.memory_space<vmem>>, vector<1x16xf32>,
        %swap3A_466 = vector.shape_cast %swap3A_465 : vector<1x16xf32> to vector<16xf32>
        %swap3A_467 = vector.shape_cast %mul3A_462 : vector<16xf32> to vector<1x16xf32>
        tpu.vector_store %arg9[%swap3A_463, %swap3A_464], %swap3A_467 {strides = array<i32>} : memref<128x128xf32, #tpu.memory_space<vmem>>, vector<1x16xf32>,
        %get3A_468 = arith.index_cast %add3A_434 : i32 to index
        %get3A_469 = arith.constant 48 : index
        %get3A_470 = tpu.vector_load %arg9[%get3A_468, %get3A_469] {strides = array<i32>} : memref<128x128xf32, #tpu.memory_space<vmem>>, vector<1x16xf32>,
        %get3A_471 = vector.shape_cast %get3A_470 : vector<1x16xf32> to vector<16xf32>
        %mul3A_472 = vector.broadcast %squeeze3A_432 : f32 to vector<16xf32>
        %mul3A_473 = arith.mulf %get3A_471, %mul3A_472 : vector<16xf32>
        %swap3A_474 = arith.index_cast %add3A_434 : i32 to index
        %swap3A_475 = arith.constant 48 : index
        %swap3A_476 = tpu.vector_load %arg9[%swap3A_474, %swap3A_475] {strides = array<i32>} : memref<128x128xf32, #tpu.memory_space<vmem>>, vector<1x16xf32>,
        %swap3A_477 = vector.shape_cast %swap3A_476 : vector<1x16xf32> to vector<16xf32>
        %swap3A_478 = vector.shape_cast %mul3A_473 : vector<16xf32> to vector<1x16xf32>
        tpu.vector_store %arg9[%swap3A_474, %swap3A_475], %swap3A_478 {strides = array<i32>} : memref<128x128xf32, #tpu.memory_space<vmem>>, vector<1x16xf32>,
        %get3A_479 = arith.index_cast %add3A_434 : i32 to index
        %get3A_480 = arith.constant 64 : index
        %get3A_481 = tpu.vector_load %arg9[%get3A_479, %get3A_480] {strides = array<i32>} : memref<128x128xf32, #tpu.memory_space<vmem>>, vector<1x16xf32>,
        %get3A_482 = vector.shape_cast %get3A_481 : vector<1x16xf32> to vector<16xf32>
        %mul3A_483 = vector.broadcast %squeeze3A_432 : f32 to vector<16xf32>
        %mul3A_484 = arith.mulf %get3A_482, %mul3A_483 : vector<16xf32>
        %swap3A_485 = arith.index_cast %add3A_434 : i32 to index
        %swap3A_486 = arith.constant 64 : index
        %swap3A_487 = tpu.vector_load %arg9[%swap3A_485, %swap3A_486] {strides = array<i32>} : memref<128x128xf32, #tpu.memory_space<vmem>>, vector<1x16xf32>,
        %swap3A_488 = vector.shape_cast %swap3A_487 : vector<1x16xf32> to vector<16xf32>
        %swap3A_489 = vector.shape_cast %mul3A_484 : vector<16xf32> to vector<1x16xf32>
        tpu.vector_store %arg9[%swap3A_485, %swap3A_486], %swap3A_489 {strides = array<i32>} : memref<128x128xf32, #tpu.memory_space<vmem>>, vector<1x16xf32>,
        %get3A_490 = arith.index_cast %add3A_434 : i32 to index
        %get3A_491 = arith.constant 80 : index
        %get3A_492 = tpu.vector_load %arg9[%get3A_490, %get3A_491] {strides = array<i32>} : memref<128x128xf32, #tpu.memory_space<vmem>>, vector<1x16xf32>,
        %get3A_493 = vector.shape_cast %get3A_492 : vector<1x16xf32> to vector<16xf32>
        %mul3A_494 = vector.broadcast %squeeze3A_432 : f32 to vector<16xf32>
        %mul3A_495 = arith.mulf %get3A_493, %mul3A_494 : vector<16xf32>
        %swap3A_496 = arith.index_cast %add3A_434 : i32 to index
        %swap3A_497 = arith.constant 80 : index
        %swap3A_498 = tpu.vector_load %arg9[%swap3A_496, %swap3A_497] {strides = array<i32>} : memref<128x128xf32, #tpu.memory_space<vmem>>, vector<1x16xf32>,
        %swap3A_499 = vector.shape_cast %swap3A_498 : vector<1x16xf32> to vector<16xf32>
        %swap3A_500 = vector.shape_cast %mul3A_495 : vector<16xf32> to vector<1x16xf32>
        tpu.vector_store %arg9[%swap3A_496, %swap3A_497], %swap3A_500 {strides = array<i32>} : memref<128x128xf32, #tpu.memory_space<vmem>>, vector<1x16xf32>,
        %get3A_501 = arith.index_cast %add3A_434 : i32 to index
        %get3A_502 = arith.constant 96 : index
        %get3A_503 = tpu.vector_load %arg9[%get3A_501, %get3A_502] {strides = array<i32>} : memref<128x128xf32, #tpu.memory_space<vmem>>, vector<1x16xf32>,
        %get3A_504 = vector.shape_cast %get3A_503 : vector<1x16xf32> to vector<16xf32>
        %mul3A_505 = vector.broadcast %squeeze3A_432 : f32 to vector<16xf32>
        %mul3A_506 = arith.mulf %get3A_504, %mul3A_505 : vector<16xf32>
        %swap3A_507 = arith.index_cast %add3A_434 : i32 to index
        %swap3A_508 = arith.constant 96 : index
        %swap3A_509 = tpu.vector_load %arg9[%swap3A_507, %swap3A_508] {strides = array<i32>} : memref<128x128xf32, #tpu.memory_space<vmem>>, vector<1x16xf32>,
        %swap3A_510 = vector.shape_cast %swap3A_509 : vector<1x16xf32> to vector<16xf32>
        %swap3A_511 = vector.shape_cast %mul3A_506 : vector<16xf32> to vector<1x16xf32>
        tpu.vector_store %arg9[%swap3A_507, %swap3A_508], %swap3A_511 {strides = array<i32>} : memref<128x128xf32, #tpu.memory_space<vmem>>, vector<1x16xf32>,
        %get3A_512 = arith.index_cast %add3A_434 : i32 to index
        %get3A_513 = arith.constant 112 : index
        %get3A_514 = tpu.vector_load %arg9[%get3A_512, %get3A_513] {strides = array<i32>} : memref<128x128xf32, #tpu.memory_space<vmem>>, vector<1x16xf32>,
        %get3A_515 = vector.shape_cast %get3A_514 : vector<1x16xf32> to vector<16xf32>
        %mul3A_516 = vector.broadcast %squeeze3A_432 : f32 to vector<16xf32>
        %mul3A_517 = arith.mulf %get3A_515, %mul3A_516 : vector<16xf32>
        %swap3A_518 = arith.index_cast %add3A_434 : i32 to index
        %swap3A_519 = arith.constant 112 : index
        %swap3A_520 = tpu.vector_load %arg9[%swap3A_518, %swap3A_519] {strides = array<i32>} : memref<128x128xf32, #tpu.memory_space<vmem>>, vector<1x16xf32>,
        %swap3A_521 = vector.shape_cast %swap3A_520 : vector<1x16xf32> to vector<16xf32>
        %swap3A_522 = vector.shape_cast %mul3A_517 : vector<16xf32> to vector<1x16xf32>
        tpu.vector_store %arg9[%swap3A_518, %swap3A_519], %swap3A_522 {strides = array<i32>} : memref<128x128xf32, #tpu.memory_space<vmem>>, vector<1x16xf32>,
        %slice3A_523 = vector.extract_strided_slice %bitcast_convert_type3A {offsets = [5], sizes = [1], strides = [1]} : vector<16xf32> to vector<1xf32>
        %squeeze3A_524 = vector.extract %slice3A_523[0] : f32 from vector<1xf32>
        %add3A_525 = arith.constant 5 : i32
        %add3A_526 = arith.addi %mul3A_65, %add3A_525 : i32
        %get3A_527 = arith.index_cast %add3A_526 : i32 to index
        %get3A_528 = arith.constant 0 : index
        %get3A_529 = tpu.vector_load %arg9[%get3A_527, %get3A_528] {strides = array<i32>} : memref<128x128xf32, #tpu.memory_space<vmem>>, vector<1x16xf32>,
        %get3A_530 = vector.shape_cast %get3A_529 : vector<1x16xf32> to vector<16xf32>
        %mul3A_531 = vector.broadcast %squeeze3A_524 : f32 to vector<16xf32>
        %mul3A_532 = arith.mulf %get3A_530, %mul3A_531 : vector<16xf32>
        %swap3A_533 = arith.index_cast %add3A_526 : i32 to index
        %swap3A_534 = arith.constant 0 : index
        %swap3A_535 = tpu.vector_load %arg9[%swap3A_533, %swap3A_534] {strides = array<i32>} : memref<128x128xf32, #tpu.memory_space<vmem>>, vector<1x16xf32>,
        %swap3A_536 = vector.shape_cast %swap3A_535 : vector<1x16xf32> to vector<16xf32>
        %swap3A_537 = vector.shape_cast %mul3A_532 : vector<16xf32> to vector<1x16xf32>
        tpu.vector_store %arg9[%swap3A_533, %swap3A_534], %swap3A_537 {strides = array<i32>} : memref<128x128xf32, #tpu.memory_space<vmem>>, vector<1x16xf32>,
        %get3A_538 = arith.index_cast %add3A_526 : i32 to index
        %get3A_539 = arith.constant 16 : index
        %get3A_540 = tpu.vector_load %arg9[%get3A_538, %get3A_539] {strides = array<i32>} : memref<128x128xf32, #tpu.memory_space<vmem>>, vector<1x16xf32>,
        %get3A_541 = vector.shape_cast %get3A_540 : vector<1x16xf32> to vector<16xf32>
        %mul3A_542 = vector.broadcast %squeeze3A_524 : f32 to vector<16xf32>
        %mul3A_543 = arith.mulf %get3A_541, %mul3A_542 : vector<16xf32>
        %swap3A_544 = arith.index_cast %add3A_526 : i32 to index
        %swap3A_545 = arith.constant 16 : index
        %swap3A_546 = tpu.vector_load %arg9[%swap3A_544, %swap3A_545] {strides = array<i32>} : memref<128x128xf32, #tpu.memory_space<vmem>>, vector<1x16xf32>,
        %swap3A_547 = vector.shape_cast %swap3A_546 : vector<1x16xf32> to vector<16xf32>
        %swap3A_548 = vector.shape_cast %mul3A_543 : vector<16xf32> to vector<1x16xf32>
        tpu.vector_store %arg9[%swap3A_544, %swap3A_545], %swap3A_548 {strides = array<i32>} : memref<128x128xf32, #tpu.memory_space<vmem>>, vector<1x16xf32>,
        %get3A_549 = arith.index_cast %add3A_526 : i32 to index
        %get3A_550 = arith.constant 32 : index
        %get3A_551 = tpu.vector_load %arg9[%get3A_549, %get3A_550] {strides = array<i32>} : memref<128x128xf32, #tpu.memory_space<vmem>>, vector<1x16xf32>,
        %get3A_552 = vector.shape_cast %get3A_551 : vector<1x16xf32> to vector<16xf32>
        %mul3A_553 = vector.broadcast %squeeze3A_524 : f32 to vector<16xf32>
        %mul3A_554 = arith.mulf %get3A_552, %mul3A_553 : vector<16xf32>
        %swap3A_555 = arith.index_cast %add3A_526 : i32 to index
        %swap3A_556 = arith.constant 32 : index
        %swap3A_557 = tpu.vector_load %arg9[%swap3A_555, %swap3A_556] {strides = array<i32>} : memref<128x128xf32, #tpu.memory_space<vmem>>, vector<1x16xf32>,
        %swap3A_558 = vector.shape_cast %swap3A_557 : vector<1x16xf32> to vector<16xf32>
        %swap3A_559 = vector.shape_cast %mul3A_554 : vector<16xf32> to vector<1x16xf32>
        tpu.vector_store %arg9[%swap3A_555, %swap3A_556], %swap3A_559 {strides = array<i32>} : memref<128x128xf32, #tpu.memory_space<vmem>>, vector<1x16xf32>,
        %get3A_560 = arith.index_cast %add3A_526 : i32 to index
        %get3A_561 = arith.constant 48 : index
        %get3A_562 = tpu.vector_load %arg9[%get3A_560, %get3A_561] {strides = array<i32>} : memref<128x128xf32, #tpu.memory_space<vmem>>, vector<1x16xf32>,
        %get3A_563 = vector.shape_cast %get3A_562 : vector<1x16xf32> to vector<16xf32>
        %mul3A_564 = vector.broadcast %squeeze3A_524 : f32 to vector<16xf32>
        %mul3A_565 = arith.mulf %get3A_563, %mul3A_564 : vector<16xf32>
        %swap3A_566 = arith.index_cast %add3A_526 : i32 to index
        %swap3A_567 = arith.constant 48 : index
        %swap3A_568 = tpu.vector_load %arg9[%swap3A_566, %swap3A_567] {strides = array<i32>} : memref<128x128xf32, #tpu.memory_space<vmem>>, vector<1x16xf32>,
        %swap3A_569 = vector.shape_cast %swap3A_568 : vector<1x16xf32> to vector<16xf32>
        %swap3A_570 = vector.shape_cast %mul3A_565 : vector<16xf32> to vector<1x16xf32>
        tpu.vector_store %arg9[%swap3A_566, %swap3A_567], %swap3A_570 {strides = array<i32>} : memref<128x128xf32, #tpu.memory_space<vmem>>, vector<1x16xf32>,
        %get3A_571 = arith.index_cast %add3A_526 : i32 to index
        %get3A_572 = arith.constant 64 : index
        %get3A_573 = tpu.vector_load %arg9[%get3A_571, %get3A_572] {strides = array<i32>} : memref<128x128xf32, #tpu.memory_space<vmem>>, vector<1x16xf32>,
        %get3A_574 = vector.shape_cast %get3A_573 : vector<1x16xf32> to vector<16xf32>
        %mul3A_575 = vector.broadcast %squeeze3A_524 : f32 to vector<16xf32>
        %mul3A_576 = arith.mulf %get3A_574, %mul3A_575 : vector<16xf32>
        %swap3A_577 = arith.index_cast %add3A_526 : i32 to index
        %swap3A_578 = arith.constant 64 : index
        %swap3A_579 = tpu.vector_load %arg9[%swap3A_577, %swap3A_578] {strides = array<i32>} : memref<128x128xf32, #tpu.memory_space<vmem>>, vector<1x16xf32>,
        %swap3A_580 = vector.shape_cast %swap3A_579 : vector<1x16xf32> to vector<16xf32>
        %swap3A_581 = vector.shape_cast %mul3A_576 : vector<16xf32> to vector<1x16xf32>
        tpu.vector_store %arg9[%swap3A_577, %swap3A_578], %swap3A_581 {strides = array<i32>} : memref<128x128xf32, #tpu.memory_space<vmem>>, vector<1x16xf32>,
        %get3A_582 = arith.index_cast %add3A_526 : i32 to index
        %get3A_583 = arith.constant 80 : index
        %get3A_584 = tpu.vector_load %arg9[%get3A_582, %get3A_583] {strides = array<i32>} : memref<128x128xf32, #tpu.memory_space<vmem>>, vector<1x16xf32>,
        %get3A_585 = vector.shape_cast %get3A_584 : vector<1x16xf32> to vector<16xf32>
        %mul3A_586 = vector.broadcast %squeeze3A_524 : f32 to vector<16xf32>
        %mul3A_587 = arith.mulf %get3A_585, %mul3A_586 : vector<16xf32>
        %swap3A_588 = arith.index_cast %add3A_526 : i32 to index
        %swap3A_589 = arith.constant 80 : index
        %swap3A_590 = tpu.vector_load %arg9[%swap3A_588, %swap3A_589] {strides = array<i32>} : memref<128x128xf32, #tpu.memory_space<vmem>>, vector<1x16xf32>,
        %swap3A_591 = vector.shape_cast %swap3A_590 : vector<1x16xf32> to vector<16xf32>
        %swap3A_592 = vector.shape_cast %mul3A_587 : vector<16xf32> to vector<1x16xf32>
        tpu.vector_store %arg9[%swap3A_588, %swap3A_589], %swap3A_592 {strides = array<i32>} : memref<128x128xf32, #tpu.memory_space<vmem>>, vector<1x16xf32>,
        %get3A_593 = arith.index_cast %add3A_526 : i32 to index
        %get3A_594 = arith.constant 96 : index
        %get3A_595 = tpu.vector_load %arg9[%get3A_593, %get3A_594] {strides = array<i32>} : memref<128x128xf32, #tpu.memory_space<vmem>>, vector<1x16xf32>,
        %get3A_596 = vector.shape_cast %get3A_595 : vector<1x16xf32> to vector<16xf32>
        %mul3A_597 = vector.broadcast %squeeze3A_524 : f32 to vector<16xf32>
        %mul3A_598 = arith.mulf %get3A_596, %mul3A_597 : vector<16xf32>
        %swap3A_599 = arith.index_cast %add3A_526 : i32 to index
        %swap3A_600 = arith.constant 96 : index
        %swap3A_601 = tpu.vector_load %arg9[%swap3A_599, %swap3A_600] {strides = array<i32>} : memref<128x128xf32, #tpu.memory_space<vmem>>, vector<1x16xf32>,
        %swap3A_602 = vector.shape_cast %swap3A_601 : vector<1x16xf32> to vector<16xf32>
        %swap3A_603 = vector.shape_cast %mul3A_598 : vector<16xf32> to vector<1x16xf32>
        tpu.vector_store %arg9[%swap3A_599, %swap3A_600], %swap3A_603 {strides = array<i32>} : memref<128x128xf32, #tpu.memory_space<vmem>>, vector<1x16xf32>,
        %get3A_604 = arith.index_cast %add3A_526 : i32 to index
        %get3A_605 = arith.constant 112 : index
        %get3A_606 = tpu.vector_load %arg9[%get3A_604, %get3A_605] {strides = array<i32>} : memref<128x128xf32, #tpu.memory_space<vmem>>, vector<1x16xf32>,
        %get3A_607 = vector.shape_cast %get3A_606 : vector<1x16xf32> to vector<16xf32>
        %mul3A_608 = vector.broadcast %squeeze3A_524 : f32 to vector<16xf32>
        %mul3A_609 = arith.mulf %get3A_607, %mul3A_608 : vector<16xf32>
        %swap3A_610 = arith.index_cast %add3A_526 : i32 to index
        %swap3A_611 = arith.constant 112 : index
        %swap3A_612 = tpu.vector_load %arg9[%swap3A_610, %swap3A_611] {strides = array<i32>} : memref<128x128xf32, #tpu.memory_space<vmem>>, vector<1x16xf32>,
        %swap3A_613 = vector.shape_cast %swap3A_612 : vector<1x16xf32> to vector<16xf32>
        %swap3A_614 = vector.shape_cast %mul3A_609 : vector<16xf32> to vector<1x16xf32>
        tpu.vector_store %arg9[%swap3A_610, %swap3A_611], %swap3A_614 {strides = array<i32>} : memref<128x128xf32, #tpu.memory_space<vmem>>, vector<1x16xf32>,
        %slice3A_615 = vector.extract_strided_slice %bitcast_convert_type3A {offsets = [6], sizes = [1], strides = [1]} : vector<16xf32> to vector<1xf32>
        %squeeze3A_616 = vector.extract %slice3A_615[0] : f32 from vector<1xf32>
        %add3A_617 = arith.constant 6 : i32
        %add3A_618 = arith.addi %mul3A_65, %add3A_617 : i32
        %get3A_619 = arith.index_cast %add3A_618 : i32 to index
        %get3A_620 = arith.constant 0 : index
        %get3A_621 = tpu.vector_load %arg9[%get3A_619, %get3A_620] {strides = array<i32>} : memref<128x128xf32, #tpu.memory_space<vmem>>, vector<1x16xf32>,
        %get3A_622 = vector.shape_cast %get3A_621 : vector<1x16xf32> to vector<16xf32>
        %mul3A_623 = vector.broadcast %squeeze3A_616 : f32 to vector<16xf32>
        %mul3A_624 = arith.mulf %get3A_622, %mul3A_623 : vector<16xf32>
        %swap3A_625 = arith.index_cast %add3A_618 : i32 to index
        %swap3A_626 = arith.constant 0 : index
        %swap3A_627 = tpu.vector_load %arg9[%swap3A_625, %swap3A_626] {strides = array<i32>} : memref<128x128xf32, #tpu.memory_space<vmem>>, vector<1x16xf32>,
        %swap3A_628 = vector.shape_cast %swap3A_627 : vector<1x16xf32> to vector<16xf32>
        %swap3A_629 = vector.shape_cast %mul3A_624 : vector<16xf32> to vector<1x16xf32>
        tpu.vector_store %arg9[%swap3A_625, %swap3A_626], %swap3A_629 {strides = array<i32>} : memref<128x128xf32, #tpu.memory_space<vmem>>, vector<1x16xf32>,
        %get3A_630 = arith.index_cast %add3A_618 : i32 to index
        %get3A_631 = arith.constant 16 : index
        %get3A_632 = tpu.vector_load %arg9[%get3A_630, %get3A_631] {strides = array<i32>} : memref<128x128xf32, #tpu.memory_space<vmem>>, vector<1x16xf32>,
        %get3A_633 = vector.shape_cast %get3A_632 : vector<1x16xf32> to vector<16xf32>
        %mul3A_634 = vector.broadcast %squeeze3A_616 : f32 to vector<16xf32>
        %mul3A_635 = arith.mulf %get3A_633, %mul3A_634 : vector<16xf32>
        %swap3A_636 = arith.index_cast %add3A_618 : i32 to index
        %swap3A_637 = arith.constant 16 : index
        %swap3A_638 = tpu.vector_load %arg9[%swap3A_636, %swap3A_637] {strides = array<i32>} : memref<128x128xf32, #tpu.memory_space<vmem>>, vector<1x16xf32>,
        %swap3A_639 = vector.shape_cast %swap3A_638 : vector<1x16xf32> to vector<16xf32>
        %swap3A_640 = vector.shape_cast %mul3A_635 : vector<16xf32> to vector<1x16xf32>
        tpu.vector_store %arg9[%swap3A_636, %swap3A_637], %swap3A_640 {strides = array<i32>} : memref<128x128xf32, #tpu.memory_space<vmem>>, vector<1x16xf32>,
        %get3A_641 = arith.index_cast %add3A_618 : i32 to index
        %get3A_642 = arith.constant 32 : index
        %get3A_643 = tpu.vector_load %arg9[%get3A_641, %get3A_642] {strides = array<i32>} : memref<128x128xf32, #tpu.memory_space<vmem>>, vector<1x16xf32>,
        %get3A_644 = vector.shape_cast %get3A_643 : vector<1x16xf32> to vector<16xf32>
        %mul3A_645 = vector.broadcast %squeeze3A_616 : f32 to vector<16xf32>
        %mul3A_646 = arith.mulf %get3A_644, %mul3A_645 : vector<16xf32>
        %swap3A_647 = arith.index_cast %add3A_618 : i32 to index
        %swap3A_648 = arith.constant 32 : index
        %swap3A_649 = tpu.vector_load %arg9[%swap3A_647, %swap3A_648] {strides = array<i32>} : memref<128x128xf32, #tpu.memory_space<vmem>>, vector<1x16xf32>,
        %swap3A_650 = vector.shape_cast %swap3A_649 : vector<1x16xf32> to vector<16xf32>
        %swap3A_651 = vector.shape_cast %mul3A_646 : vector<16xf32> to vector<1x16xf32>
        tpu.vector_store %arg9[%swap3A_647, %swap3A_648], %swap3A_651 {strides = array<i32>} : memref<128x128xf32, #tpu.memory_space<vmem>>, vector<1x16xf32>,
        %get3A_652 = arith.index_cast %add3A_618 : i32 to index
        %get3A_653 = arith.constant 48 : index
        %get3A_654 = tpu.vector_load %arg9[%get3A_652, %get3A_653] {strides = array<i32>} : memref<128x128xf32, #tpu.memory_space<vmem>>, vector<1x16xf32>,
        %get3A_655 = vector.shape_cast %get3A_654 : vector<1x16xf32> to vector<16xf32>
        %mul3A_656 = vector.broadcast %squeeze3A_616 : f32 to vector<16xf32>
        %mul3A_657 = arith.mulf %get3A_655, %mul3A_656 : vector<16xf32>
        %swap3A_658 = arith.index_cast %add3A_618 : i32 to index
        %swap3A_659 = arith.constant 48 : index
        %swap3A_660 = tpu.vector_load %arg9[%swap3A_658, %swap3A_659] {strides = array<i32>} : memref<128x128xf32, #tpu.memory_space<vmem>>, vector<1x16xf32>,
        %swap3A_661 = vector.shape_cast %swap3A_660 : vector<1x16xf32> to vector<16xf32>
        %swap3A_662 = vector.shape_cast %mul3A_657 : vector<16xf32> to vector<1x16xf32>
        tpu.vector_store %arg9[%swap3A_658, %swap3A_659], %swap3A_662 {strides = array<i32>} : memref<128x128xf32, #tpu.memory_space<vmem>>, vector<1x16xf32>,
        %get3A_663 = arith.index_cast %add3A_618 : i32 to index
        %get3A_664 = arith.constant 64 : index
        %get3A_665 = tpu.vector_load %arg9[%get3A_663, %get3A_664] {strides = array<i32>} : memref<128x128xf32, #tpu.memory_space<vmem>>, vector<1x16xf32>,
        %get3A_666 = vector.shape_cast %get3A_665 : vector<1x16xf32> to vector<16xf32>
        %mul3A_667 = vector.broadcast %squeeze3A_616 : f32 to vector<16xf32>
        %mul3A_668 = arith.mulf %get3A_666, %mul3A_667 : vector<16xf32>
        %swap3A_669 = arith.index_cast %add3A_618 : i32 to index
        %swap3A_670 = arith.constant 64 : index
        %swap3A_671 = tpu.vector_load %arg9[%swap3A_669, %swap3A_670] {strides = array<i32>} : memref<128x128xf32, #tpu.memory_space<vmem>>, vector<1x16xf32>,
        %swap3A_672 = vector.shape_cast %swap3A_671 : vector<1x16xf32> to vector<16xf32>
        %swap3A_673 = vector.shape_cast %mul3A_668 : vector<16xf32> to vector<1x16xf32>
        tpu.vector_store %arg9[%swap3A_669, %swap3A_670], %swap3A_673 {strides = array<i32>} : memref<128x128xf32, #tpu.memory_space<vmem>>, vector<1x16xf32>,
        %get3A_674 = arith.index_cast %add3A_618 : i32 to index
        %get3A_675 = arith.constant 80 : index
        %get3A_676 = tpu.vector_load %arg9[%get3A_674, %get3A_675] {strides = array<i32>} : memref<128x128xf32, #tpu.memory_space<vmem>>, vector<1x16xf32>,
        %get3A_677 = vector.shape_cast %get3A_676 : vector<1x16xf32> to vector<16xf32>
        %mul3A_678 = vector.broadcast %squeeze3A_616 : f32 to vector<16xf32>
        %mul3A_679 = arith.mulf %get3A_677, %mul3A_678 : vector<16xf32>
        %swap3A_680 = arith.index_cast %add3A_618 : i32 to index
        %swap3A_681 = arith.constant 80 : index
        %swap3A_682 = tpu.vector_load %arg9[%swap3A_680, %swap3A_681] {strides = array<i32>} : memref<128x128xf32, #tpu.memory_space<vmem>>, vector<1x16xf32>,
        %swap3A_683 = vector.shape_cast %swap3A_682 : vector<1x16xf32> to vector<16xf32>
        %swap3A_684 = vector.shape_cast %mul3A_679 : vector<16xf32> to vector<1x16xf32>
        tpu.vector_store %arg9[%swap3A_680, %swap3A_681], %swap3A_684 {strides = array<i32>} : memref<128x128xf32, #tpu.memory_space<vmem>>, vector<1x16xf32>,
        %get3A_685 = arith.index_cast %add3A_618 : i32 to index
        %get3A_686 = arith.constant 96 : index
        %get3A_687 = tpu.vector_load %arg9[%get3A_685, %get3A_686] {strides = array<i32>} : memref<128x128xf32, #tpu.memory_space<vmem>>, vector<1x16xf32>,
        %get3A_688 = vector.shape_cast %get3A_687 : vector<1x16xf32> to vector<16xf32>
        %mul3A_689 = vector.broadcast %squeeze3A_616 : f32 to vector<16xf32>
        %mul3A_690 = arith.mulf %get3A_688, %mul3A_689 : vector<16xf32>
        %swap3A_691 = arith.index_cast %add3A_618 : i32 to index
        %swap3A_692 = arith.constant 96 : index
        %swap3A_693 = tpu.vector_load %arg9[%swap3A_691, %swap3A_692] {strides = array<i32>} : memref<128x128xf32, #tpu.memory_space<vmem>>, vector<1x16xf32>,
        %swap3A_694 = vector.shape_cast %swap3A_693 : vector<1x16xf32> to vector<16xf32>
        %swap3A_695 = vector.shape_cast %mul3A_690 : vector<16xf32> to vector<1x16xf32>
        tpu.vector_store %arg9[%swap3A_691, %swap3A_692], %swap3A_695 {strides = array<i32>} : memref<128x128xf32, #tpu.memory_space<vmem>>, vector<1x16xf32>,
        %get3A_696 = arith.index_cast %add3A_618 : i32 to index
        %get3A_697 = arith.constant 112 : index
        %get3A_698 = tpu.vector_load %arg9[%get3A_696, %get3A_697] {strides = array<i32>} : memref<128x128xf32, #tpu.memory_space<vmem>>, vector<1x16xf32>,
        %get3A_699 = vector.shape_cast %get3A_698 : vector<1x16xf32> to vector<16xf32>
        %mul3A_700 = vector.broadcast %squeeze3A_616 : f32 to vector<16xf32>
        %mul3A_701 = arith.mulf %get3A_699, %mul3A_700 : vector<16xf32>
        %swap3A_702 = arith.index_cast %add3A_618 : i32 to index
        %swap3A_703 = arith.constant 112 : index
        %swap3A_704 = tpu.vector_load %arg9[%swap3A_702, %swap3A_703] {strides = array<i32>} : memref<128x128xf32, #tpu.memory_space<vmem>>, vector<1x16xf32>,
        %swap3A_705 = vector.shape_cast %swap3A_704 : vector<1x16xf32> to vector<16xf32>
        %swap3A_706 = vector.shape_cast %mul3A_701 : vector<16xf32> to vector<1x16xf32>
        tpu.vector_store %arg9[%swap3A_702, %swap3A_703], %swap3A_706 {strides = array<i32>} : memref<128x128xf32, #tpu.memory_space<vmem>>, vector<1x16xf32>,
        %slice3A_707 = vector.extract_strided_slice %bitcast_convert_type3A {offsets = [7], sizes = [1], strides = [1]} : vector<16xf32> to vector<1xf32>
        %squeeze3A_708 = vector.extract %slice3A_707[0] : f32 from vector<1xf32>
        %add3A_709 = arith.constant 7 : i32
        %add3A_710 = arith.addi %mul3A_65, %add3A_709 : i32
        %get3A_711 = arith.index_cast %add3A_710 : i32 to index
        %get3A_712 = arith.constant 0 : index
        %get3A_713 = tpu.vector_load %arg9[%get3A_711, %get3A_712] {strides = array<i32>} : memref<128x128xf32, #tpu.memory_space<vmem>>, vector<1x16xf32>,
        %get3A_714 = vector.shape_cast %get3A_713 : vector<1x16xf32> to vector<16xf32>
        %mul3A_715 = vector.broadcast %squeeze3A_708 : f32 to vector<16xf32>
        %mul3A_716 = arith.mulf %get3A_714, %mul3A_715 : vector<16xf32>
        %swap3A_717 = arith.index_cast %add3A_710 : i32 to index
        %swap3A_718 = arith.constant 0 : index
        %swap3A_719 = tpu.vector_load %arg9[%swap3A_717, %swap3A_718] {strides = array<i32>} : memref<128x128xf32, #tpu.memory_space<vmem>>, vector<1x16xf32>,
        %swap3A_720 = vector.shape_cast %swap3A_719 : vector<1x16xf32> to vector<16xf32>
        %swap3A_721 = vector.shape_cast %mul3A_716 : vector<16xf32> to vector<1x16xf32>
        tpu.vector_store %arg9[%swap3A_717, %swap3A_718], %swap3A_721 {strides = array<i32>} : memref<128x128xf32, #tpu.memory_space<vmem>>, vector<1x16xf32>,
        %get3A_722 = arith.index_cast %add3A_710 : i32 to index
        %get3A_723 = arith.constant 16 : index
        %get3A_724 = tpu.vector_load %arg9[%get3A_722, %get3A_723] {strides = array<i32>} : memref<128x128xf32, #tpu.memory_space<vmem>>, vector<1x16xf32>,
        %get3A_725 = vector.shape_cast %get3A_724 : vector<1x16xf32> to vector<16xf32>
        %mul3A_726 = vector.broadcast %squeeze3A_708 : f32 to vector<16xf32>
        %mul3A_727 = arith.mulf %get3A_725, %mul3A_726 : vector<16xf32>
        %swap3A_728 = arith.index_cast %add3A_710 : i32 to index
        %swap3A_729 = arith.constant 16 : index
        %swap3A_730 = tpu.vector_load %arg9[%swap3A_728, %swap3A_729] {strides = array<i32>} : memref<128x128xf32, #tpu.memory_space<vmem>>, vector<1x16xf32>,
        %swap3A_731 = vector.shape_cast %swap3A_730 : vector<1x16xf32> to vector<16xf32>
        %swap3A_732 = vector.shape_cast %mul3A_727 : vector<16xf32> to vector<1x16xf32>
        tpu.vector_store %arg9[%swap3A_728, %swap3A_729], %swap3A_732 {strides = array<i32>} : memref<128x128xf32, #tpu.memory_space<vmem>>, vector<1x16xf32>,
        %get3A_733 = arith.index_cast %add3A_710 : i32 to index
        %get3A_734 = arith.constant 32 : index
        %get3A_735 = tpu.vector_load %arg9[%get3A_733, %get3A_734] {strides = array<i32>} : memref<128x128xf32, #tpu.memory_space<vmem>>, vector<1x16xf32>,
        %get3A_736 = vector.shape_cast %get3A_735 : vector<1x16xf32> to vector<16xf32>
        %mul3A_737 = vector.broadcast %squeeze3A_708 : f32 to vector<16xf32>
        %mul3A_738 = arith.mulf %get3A_736, %mul3A_737 : vector<16xf32>
        %swap3A_739 = arith.index_cast %add3A_710 : i32 to index
        %swap3A_740 = arith.constant 32 : index
        %swap3A_741 = tpu.vector_load %arg9[%swap3A_739, %swap3A_740] {strides = array<i32>} : memref<128x128xf32, #tpu.memory_space<vmem>>, vector<1x16xf32>,
        %swap3A_742 = vector.shape_cast %swap3A_741 : vector<1x16xf32> to vector<16xf32>
        %swap3A_743 = vector.shape_cast %mul3A_738 : vector<16xf32> to vector<1x16xf32>
        tpu.vector_store %arg9[%swap3A_739, %swap3A_740], %swap3A_743 {strides = array<i32>} : memref<128x128xf32, #tpu.memory_space<vmem>>, vector<1x16xf32>,
        %get3A_744 = arith.index_cast %add3A_710 : i32 to index
        %get3A_745 = arith.constant 48 : index
        %get3A_746 = tpu.vector_load %arg9[%get3A_744, %get3A_745] {strides = array<i32>} : memref<128x128xf32, #tpu.memory_space<vmem>>, vector<1x16xf32>,
        %get3A_747 = vector.shape_cast %get3A_746 : vector<1x16xf32> to vector<16xf32>
        %mul3A_748 = vector.broadcast %squeeze3A_708 : f32 to vector<16xf32>
        %mul3A_749 = arith.mulf %get3A_747, %mul3A_748 : vector<16xf32>
        %swap3A_750 = arith.index_cast %add3A_710 : i32 to index
        %swap3A_751 = arith.constant 48 : index
        %swap3A_752 = tpu.vector_load %arg9[%swap3A_750, %swap3A_751] {strides = array<i32>} : memref<128x128xf32, #tpu.memory_space<vmem>>, vector<1x16xf32>,
        %swap3A_753 = vector.shape_cast %swap3A_752 : vector<1x16xf32> to vector<16xf32>
        %swap3A_754 = vector.shape_cast %mul3A_749 : vector<16xf32> to vector<1x16xf32>
        tpu.vector_store %arg9[%swap3A_750, %swap3A_751], %swap3A_754 {strides = array<i32>} : memref<128x128xf32, #tpu.memory_space<vmem>>, vector<1x16xf32>,
        %get3A_755 = arith.index_cast %add3A_710 : i32 to index
        %get3A_756 = arith.constant 64 : index
        %get3A_757 = tpu.vector_load %arg9[%get3A_755, %get3A_756] {strides = array<i32>} : memref<128x128xf32, #tpu.memory_space<vmem>>, vector<1x16xf32>,
        %get3A_758 = vector.shape_cast %get3A_757 : vector<1x16xf32> to vector<16xf32>
        %mul3A_759 = vector.broadcast %squeeze3A_708 : f32 to vector<16xf32>
        %mul3A_760 = arith.mulf %get3A_758, %mul3A_759 : vector<16xf32>
        %swap3A_761 = arith.index_cast %add3A_710 : i32 to index
        %swap3A_762 = arith.constant 64 : index
        %swap3A_763 = tpu.vector_load %arg9[%swap3A_761, %swap3A_762] {strides = array<i32>} : memref<128x128xf32, #tpu.memory_space<vmem>>, vector<1x16xf32>,
        %swap3A_764 = vector.shape_cast %swap3A_763 : vector<1x16xf32> to vector<16xf32>
        %swap3A_765 = vector.shape_cast %mul3A_760 : vector<16xf32> to vector<1x16xf32>
        tpu.vector_store %arg9[%swap3A_761, %swap3A_762], %swap3A_765 {strides = array<i32>} : memref<128x128xf32, #tpu.memory_space<vmem>>, vector<1x16xf32>,
        %get3A_766 = arith.index_cast %add3A_710 : i32 to index
        %get3A_767 = arith.constant 80 : index
        %get3A_768 = tpu.vector_load %arg9[%get3A_766, %get3A_767] {strides = array<i32>} : memref<128x128xf32, #tpu.memory_space<vmem>>, vector<1x16xf32>,
        %get3A_769 = vector.shape_cast %get3A_768 : vector<1x16xf32> to vector<16xf32>
        %mul3A_770 = vector.broadcast %squeeze3A_708 : f32 to vector<16xf32>
        %mul3A_771 = arith.mulf %get3A_769, %mul3A_770 : vector<16xf32>
        %swap3A_772 = arith.index_cast %add3A_710 : i32 to index
        %swap3A_773 = arith.constant 80 : index
        %swap3A_774 = tpu.vector_load %arg9[%swap3A_772, %swap3A_773] {strides = array<i32>} : memref<128x128xf32, #tpu.memory_space<vmem>>, vector<1x16xf32>,
        %swap3A_775 = vector.shape_cast %swap3A_774 : vector<1x16xf32> to vector<16xf32>
        %swap3A_776 = vector.shape_cast %mul3A_771 : vector<16xf32> to vector<1x16xf32>
        tpu.vector_store %arg9[%swap3A_772, %swap3A_773], %swap3A_776 {strides = array<i32>} : memref<128x128xf32, #tpu.memory_space<vmem>>, vector<1x16xf32>,
        %get3A_777 = arith.index_cast %add3A_710 : i32 to index
        %get3A_778 = arith.constant 96 : index
        %get3A_779 = tpu.vector_load %arg9[%get3A_777, %get3A_778] {strides = array<i32>} : memref<128x128xf32, #tpu.memory_space<vmem>>, vector<1x16xf32>,
        %get3A_780 = vector.shape_cast %get3A_779 : vector<1x16xf32> to vector<16xf32>
        %mul3A_781 = vector.broadcast %squeeze3A_708 : f32 to vector<16xf32>
        %mul3A_782 = arith.mulf %get3A_780, %mul3A_781 : vector<16xf32>
        %swap3A_783 = arith.index_cast %add3A_710 : i32 to index
        %swap3A_784 = arith.constant 96 : index
        %swap3A_785 = tpu.vector_load %arg9[%swap3A_783, %swap3A_784] {strides = array<i32>} : memref<128x128xf32, #tpu.memory_space<vmem>>, vector<1x16xf32>,
        %swap3A_786 = vector.shape_cast %swap3A_785 : vector<1x16xf32> to vector<16xf32>
        %swap3A_787 = vector.shape_cast %mul3A_782 : vector<16xf32> to vector<1x16xf32>
        tpu.vector_store %arg9[%swap3A_783, %swap3A_784], %swap3A_787 {strides = array<i32>} : memref<128x128xf32, #tpu.memory_space<vmem>>, vector<1x16xf32>,
        %get3A_788 = arith.index_cast %add3A_710 : i32 to index
        %get3A_789 = arith.constant 112 : index
        %get3A_790 = tpu.vector_load %arg9[%get3A_788, %get3A_789] {strides = array<i32>} : memref<128x128xf32, #tpu.memory_space<vmem>>, vector<1x16xf32>,
        %get3A_791 = vector.shape_cast %get3A_790 : vector<1x16xf32> to vector<16xf32>
        %mul3A_792 = vector.broadcast %squeeze3A_708 : f32 to vector<16xf32>
        %mul3A_793 = arith.mulf %get3A_791, %mul3A_792 : vector<16xf32>
        %swap3A_794 = arith.index_cast %add3A_710 : i32 to index
        %swap3A_795 = arith.constant 112 : index
        %swap3A_796 = tpu.vector_load %arg9[%swap3A_794, %swap3A_795] {strides = array<i32>} : memref<128x128xf32, #tpu.memory_space<vmem>>, vector<1x16xf32>,
        %swap3A_797 = vector.shape_cast %swap3A_796 : vector<1x16xf32> to vector<16xf32>
        %swap3A_798 = vector.shape_cast %mul3A_793 : vector<16xf32> to vector<1x16xf32>
        tpu.vector_store %arg9[%swap3A_794, %swap3A_795], %swap3A_798 {strides = array<i32>} : memref<128x128xf32, #tpu.memory_space<vmem>>, vector<1x16xf32>,
        %slice3A_799 = vector.extract_strided_slice %bitcast_convert_type3A {offsets = [8], sizes = [1], strides = [1]} : vector<16xf32> to vector<1xf32>
        %squeeze3A_800 = vector.extract %slice3A_799[0] : f32 from vector<1xf32>
        %add3A_801 = arith.constant 8 : i32
        %add3A_802 = arith.addi %mul3A_65, %add3A_801 : i32
        %get3A_803 = arith.index_cast %add3A_802 : i32 to index
        %get3A_804 = arith.constant 0 : index
        %get3A_805 = tpu.vector_load %arg9[%get3A_803, %get3A_804] {strides = array<i32>} : memref<128x128xf32, #tpu.memory_space<vmem>>, vector<1x16xf32>,
        %get3A_806 = vector.shape_cast %get3A_805 : vector<1x16xf32> to vector<16xf32>
        %mul3A_807 = vector.broadcast %squeeze3A_800 : f32 to vector<16xf32>
        %mul3A_808 = arith.mulf %get3A_806, %mul3A_807 : vector<16xf32>
        %swap3A_809 = arith.index_cast %add3A_802 : i32 to index
        %swap3A_810 = arith.constant 0 : index
        %swap3A_811 = tpu.vector_load %arg9[%swap3A_809, %swap3A_810] {strides = array<i32>} : memref<128x128xf32, #tpu.memory_space<vmem>>, vector<1x16xf32>,
        %swap3A_812 = vector.shape_cast %swap3A_811 : vector<1x16xf32> to vector<16xf32>
        %swap3A_813 = vector.shape_cast %mul3A_808 : vector<16xf32> to vector<1x16xf32>
        tpu.vector_store %arg9[%swap3A_809, %swap3A_810], %swap3A_813 {strides = array<i32>} : memref<128x128xf32, #tpu.memory_space<vmem>>, vector<1x16xf32>,
        %get3A_814 = arith.index_cast %add3A_802 : i32 to index
        %get3A_815 = arith.constant 16 : index
        %get3A_816 = tpu.vector_load %arg9[%get3A_814, %get3A_815] {strides = array<i32>} : memref<128x128xf32, #tpu.memory_space<vmem>>, vector<1x16xf32>,
        %get3A_817 = vector.shape_cast %get3A_816 : vector<1x16xf32> to vector<16xf32>
        %mul3A_818 = vector.broadcast %squeeze3A_800 : f32 to vector<16xf32>
        %mul3A_819 = arith.mulf %get3A_817, %mul3A_818 : vector<16xf32>
        %swap3A_820 = arith.index_cast %add3A_802 : i32 to index
        %swap3A_821 = arith.constant 16 : index
        %swap3A_822 = tpu.vector_load %arg9[%swap3A_820, %swap3A_821] {strides = array<i32>} : memref<128x128xf32, #tpu.memory_space<vmem>>, vector<1x16xf32>,
        %swap3A_823 = vector.shape_cast %swap3A_822 : vector<1x16xf32> to vector<16xf32>
        %swap3A_824 = vector.shape_cast %mul3A_819 : vector<16xf32> to vector<1x16xf32>
        tpu.vector_store %arg9[%swap3A_820, %swap3A_821], %swap3A_824 {strides = array<i32>} : memref<128x128xf32, #tpu.memory_space<vmem>>, vector<1x16xf32>,
        %get3A_825 = arith.index_cast %add3A_802 : i32 to index
        %get3A_826 = arith.constant 32 : index
        %get3A_827 = tpu.vector_load %arg9[%get3A_825, %get3A_826] {strides = array<i32>} : memref<128x128xf32, #tpu.memory_space<vmem>>, vector<1x16xf32>,
        %get3A_828 = vector.shape_cast %get3A_827 : vector<1x16xf32> to vector<16xf32>
        %mul3A_829 = vector.broadcast %squeeze3A_800 : f32 to vector<16xf32>
        %mul3A_830 = arith.mulf %get3A_828, %mul3A_829 : vector<16xf32>
        %swap3A_831 = arith.index_cast %add3A_802 : i32 to index
        %swap3A_832 = arith.constant 32 : index
        %swap3A_833 = tpu.vector_load %arg9[%swap3A_831, %swap3A_832] {strides = array<i32>} : memref<128x128xf32, #tpu.memory_space<vmem>>, vector<1x16xf32>,
        %swap3A_834 = vector.shape_cast %swap3A_833 : vector<1x16xf32> to vector<16xf32>
        %swap3A_835 = vector.shape_cast %mul3A_830 : vector<16xf32> to vector<1x16xf32>
        tpu.vector_store %arg9[%swap3A_831, %swap3A_832], %swap3A_835 {strides = array<i32>} : memref<128x128xf32, #tpu.memory_space<vmem>>, vector<1x16xf32>,
        %get3A_836 = arith.index_cast %add3A_802 : i32 to index
        %get3A_837 = arith.constant 48 : index
        %get3A_838 = tpu.vector_load %arg9[%get3A_836, %get3A_837] {strides = array<i32>} : memref<128x128xf32, #tpu.memory_space<vmem>>, vector<1x16xf32>,
        %get3A_839 = vector.shape_cast %get3A_838 : vector<1x16xf32> to vector<16xf32>
        %mul3A_840 = vector.broadcast %squeeze3A_800 : f32 to vector<16xf32>
        %mul3A_841 = arith.mulf %get3A_839, %mul3A_840 : vector<16xf32>
        %swap3A_842 = arith.index_cast %add3A_802 : i32 to index
        %swap3A_843 = arith.constant 48 : index
        %swap3A_844 = tpu.vector_load %arg9[%swap3A_842, %swap3A_843] {strides = array<i32>} : memref<128x128xf32, #tpu.memory_space<vmem>>, vector<1x16xf32>,
        %swap3A_845 = vector.shape_cast %swap3A_844 : vector<1x16xf32> to vector<16xf32>
        %swap3A_846 = vector.shape_cast %mul3A_841 : vector<16xf32> to vector<1x16xf32>
        tpu.vector_store %arg9[%swap3A_842, %swap3A_843], %swap3A_846 {strides = array<i32>} : memref<128x128xf32, #tpu.memory_space<vmem>>, vector<1x16xf32>,
        %get3A_847 = arith.index_cast %add3A_802 : i32 to index
        %get3A_848 = arith.constant 64 : index
        %get3A_849 = tpu.vector_load %arg9[%get3A_847, %get3A_848] {strides = array<i32>} : memref<128x128xf32, #tpu.memory_space<vmem>>, vector<1x16xf32>,
        %get3A_850 = vector.shape_cast %get3A_849 : vector<1x16xf32> to vector<16xf32>
        %mul3A_851 = vector.broadcast %squeeze3A_800 : f32 to vector<16xf32>
        %mul3A_852 = arith.mulf %get3A_850, %mul3A_851 : vector<16xf32>
        %swap3A_853 = arith.index_cast %add3A_802 : i32 to index
        %swap3A_854 = arith.constant 64 : index
        %swap3A_855 = tpu.vector_load %arg9[%swap3A_853, %swap3A_854] {strides = array<i32>} : memref<128x128xf32, #tpu.memory_space<vmem>>, vector<1x16xf32>,
        %swap3A_856 = vector.shape_cast %swap3A_855 : vector<1x16xf32> to vector<16xf32>
        %swap3A_857 = vector.shape_cast %mul3A_852 : vector<16xf32> to vector<1x16xf32>
        tpu.vector_store %arg9[%swap3A_853, %swap3A_854], %swap3A_857 {strides = array<i32>} : memref<128x128xf32, #tpu.memory_space<vmem>>, vector<1x16xf32>,
        %get3A_858 = arith.index_cast %add3A_802 : i32 to index
        %get3A_859 = arith.constant 80 : index
        %get3A_860 = tpu.vector_load %arg9[%get3A_858, %get3A_859] {strides = array<i32>} : memref<128x128xf32, #tpu.memory_space<vmem>>, vector<1x16xf32>,
        %get3A_861 = vector.shape_cast %get3A_860 : vector<1x16xf32> to vector<16xf32>
        %mul3A_862 = vector.broadcast %squeeze3A_800 : f32 to vector<16xf32>
        %mul3A_863 = arith.mulf %get3A_861, %mul3A_862 : vector<16xf32>
        %swap3A_864 = arith.index_cast %add3A_802 : i32 to index
        %swap3A_865 = arith.constant 80 : index
        %swap3A_866 = tpu.vector_load %arg9[%swap3A_864, %swap3A_865] {strides = array<i32>} : memref<128x128xf32, #tpu.memory_space<vmem>>, vector<1x16xf32>,
        %swap3A_867 = vector.shape_cast %swap3A_866 : vector<1x16xf32> to vector<16xf32>
        %swap3A_868 = vector.shape_cast %mul3A_863 : vector<16xf32> to vector<1x16xf32>
        tpu.vector_store %arg9[%swap3A_864, %swap3A_865], %swap3A_868 {strides = array<i32>} : memref<128x128xf32, #tpu.memory_space<vmem>>, vector<1x16xf32>,
        %get3A_869 = arith.index_cast %add3A_802 : i32 to index
        %get3A_870 = arith.constant 96 : index
        %get3A_871 = tpu.vector_load %arg9[%get3A_869, %get3A_870] {strides = array<i32>} : memref<128x128xf32, #tpu.memory_space<vmem>>, vector<1x16xf32>,
        %get3A_872 = vector.shape_cast %get3A_871 : vector<1x16xf32> to vector<16xf32>
        %mul3A_873 = vector.broadcast %squeeze3A_800 : f32 to vector<16xf32>
        %mul3A_874 = arith.mulf %get3A_872, %mul3A_873 : vector<16xf32>
        %swap3A_875 = arith.index_cast %add3A_802 : i32 to index
        %swap3A_876 = arith.constant 96 : index
        %swap3A_877 = tpu.vector_load %arg9[%swap3A_875, %swap3A_876] {strides = array<i32>} : memref<128x128xf32, #tpu.memory_space<vmem>>, vector<1x16xf32>,
        %swap3A_878 = vector.shape_cast %swap3A_877 : vector<1x16xf32> to vector<16xf32>
        %swap3A_879 = vector.shape_cast %mul3A_874 : vector<16xf32> to vector<1x16xf32>
        tpu.vector_store %arg9[%swap3A_875, %swap3A_876], %swap3A_879 {strides = array<i32>} : memref<128x128xf32, #tpu.memory_space<vmem>>, vector<1x16xf32>,
        %get3A_880 = arith.index_cast %add3A_802 : i32 to index
        %get3A_881 = arith.constant 112 : index
        %get3A_882 = tpu.vector_load %arg9[%get3A_880, %get3A_881] {strides = array<i32>} : memref<128x128xf32, #tpu.memory_space<vmem>>, vector<1x16xf32>,
        %get3A_883 = vector.shape_cast %get3A_882 : vector<1x16xf32> to vector<16xf32>
        %mul3A_884 = vector.broadcast %squeeze3A_800 : f32 to vector<16xf32>
        %mul3A_885 = arith.mulf %get3A_883, %mul3A_884 : vector<16xf32>
        %swap3A_886 = arith.index_cast %add3A_802 : i32 to index
        %swap3A_887 = arith.constant 112 : index
        %swap3A_888 = tpu.vector_load %arg9[%swap3A_886, %swap3A_887] {strides = array<i32>} : memref<128x128xf32, #tpu.memory_space<vmem>>, vector<1x16xf32>,
        %swap3A_889 = vector.shape_cast %swap3A_888 : vector<1x16xf32> to vector<16xf32>
        %swap3A_890 = vector.shape_cast %mul3A_885 : vector<16xf32> to vector<1x16xf32>
        tpu.vector_store %arg9[%swap3A_886, %swap3A_887], %swap3A_890 {strides = array<i32>} : memref<128x128xf32, #tpu.memory_space<vmem>>, vector<1x16xf32>,
        %slice3A_891 = vector.extract_strided_slice %bitcast_convert_type3A {offsets = [9], sizes = [1], strides = [1]} : vector<16xf32> to vector<1xf32>
        %squeeze3A_892 = vector.extract %slice3A_891[0] : f32 from vector<1xf32>
        %add3A_893 = arith.constant 9 : i32
        %add3A_894 = arith.addi %mul3A_65, %add3A_893 : i32
        %get3A_895 = arith.index_cast %add3A_894 : i32 to index
        %get3A_896 = arith.constant 0 : index
        %get3A_897 = tpu.vector_load %arg9[%get3A_895, %get3A_896] {strides = array<i32>} : memref<128x128xf32, #tpu.memory_space<vmem>>, vector<1x16xf32>,
        %get3A_898 = vector.shape_cast %get3A_897 : vector<1x16xf32> to vector<16xf32>
        %mul3A_899 = vector.broadcast %squeeze3A_892 : f32 to vector<16xf32>
        %mul3A_900 = arith.mulf %get3A_898, %mul3A_899 : vector<16xf32>
        %swap3A_901 = arith.index_cast %add3A_894 : i32 to index
        %swap3A_902 = arith.constant 0 : index
        %swap3A_903 = tpu.vector_load %arg9[%swap3A_901, %swap3A_902] {strides = array<i32>} : memref<128x128xf32, #tpu.memory_space<vmem>>, vector<1x16xf32>,
        %swap3A_904 = vector.shape_cast %swap3A_903 : vector<1x16xf32> to vector<16xf32>
        %swap3A_905 = vector.shape_cast %mul3A_900 : vector<16xf32> to vector<1x16xf32>
        tpu.vector_store %arg9[%swap3A_901, %swap3A_902], %swap3A_905 {strides = array<i32>} : memref<128x128xf32, #tpu.memory_space<vmem>>, vector<1x16xf32>,
        %get3A_906 = arith.index_cast %add3A_894 : i32 to index
        %get3A_907 = arith.constant 16 : index
        %get3A_908 = tpu.vector_load %arg9[%get3A_906, %get3A_907] {strides = array<i32>} : memref<128x128xf32, #tpu.memory_space<vmem>>, vector<1x16xf32>,
        %get3A_909 = vector.shape_cast %get3A_908 : vector<1x16xf32> to vector<16xf32>
        %mul3A_910 = vector.broadcast %squeeze3A_892 : f32 to vector<16xf32>
        %mul3A_911 = arith.mulf %get3A_909, %mul3A_910 : vector<16xf32>
        %swap3A_912 = arith.index_cast %add3A_894 : i32 to index
        %swap3A_913 = arith.constant 16 : index
        %swap3A_914 = tpu.vector_load %arg9[%swap3A_912, %swap3A_913] {strides = array<i32>} : memref<128x128xf32, #tpu.memory_space<vmem>>, vector<1x16xf32>,
        %swap3A_915 = vector.shape_cast %swap3A_914 : vector<1x16xf32> to vector<16xf32>
        %swap3A_916 = vector.shape_cast %mul3A_911 : vector<16xf32> to vector<1x16xf32>
        tpu.vector_store %arg9[%swap3A_912, %swap3A_913], %swap3A_916 {strides = array<i32>} : memref<128x128xf32, #tpu.memory_space<vmem>>, vector<1x16xf32>,
        %get3A_917 = arith.index_cast %add3A_894 : i32 to index
        %get3A_918 = arith.constant 32 : index
        %get3A_919 = tpu.vector_load %arg9[%get3A_917, %get3A_918] {strides = array<i32>} : memref<128x128xf32, #tpu.memory_space<vmem>>, vector<1x16xf32>,
        %get3A_920 = vector.shape_cast %get3A_919 : vector<1x16xf32> to vector<16xf32>
        %mul3A_921 = vector.broadcast %squeeze3A_892 : f32 to vector<16xf32>
        %mul3A_922 = arith.mulf %get3A_920, %mul3A_921 : vector<16xf32>
        %swap3A_923 = arith.index_cast %add3A_894 : i32 to index
        %swap3A_924 = arith.constant 32 : index
        %swap3A_925 = tpu.vector_load %arg9[%swap3A_923, %swap3A_924] {strides = array<i32>} : memref<128x128xf32, #tpu.memory_space<vmem>>, vector<1x16xf32>,
        %swap3A_926 = vector.shape_cast %swap3A_925 : vector<1x16xf32> to vector<16xf32>
        %swap3A_927 = vector.shape_cast %mul3A_922 : vector<16xf32> to vector<1x16xf32>
        tpu.vector_store %arg9[%swap3A_923, %swap3A_924], %swap3A_927 {strides = array<i32>} : memref<128x128xf32, #tpu.memory_space<vmem>>, vector<1x16xf32>,
        %get3A_928 = arith.index_cast %add3A_894 : i32 to index
        %get3A_929 = arith.constant 48 : index
        %get3A_930 = tpu.vector_load %arg9[%get3A_928, %get3A_929] {strides = array<i32>} : memref<128x128xf32, #tpu.memory_space<vmem>>, vector<1x16xf32>,
        %get3A_931 = vector.shape_cast %get3A_930 : vector<1x16xf32> to vector<16xf32>
        %mul3A_932 = vector.broadcast %squeeze3A_892 : f32 to vector<16xf32>
        %mul3A_933 = arith.mulf %get3A_931, %mul3A_932 : vector<16xf32>
        %swap3A_934 = arith.index_cast %add3A_894 : i32 to index
        %swap3A_935 = arith.constant 48 : index
        %swap3A_936 = tpu.vector_load %arg9[%swap3A_934, %swap3A_935] {strides = array<i32>} : memref<128x128xf32, #tpu.memory_space<vmem>>, vector<1x16xf32>,
        %swap3A_937 = vector.shape_cast %swap3A_936 : vector<1x16xf32> to vector<16xf32>
        %swap3A_938 = vector.shape_cast %mul3A_933 : vector<16xf32> to vector<1x16xf32>
        tpu.vector_store %arg9[%swap3A_934, %swap3A_935], %swap3A_938 {strides = array<i32>} : memref<128x128xf32, #tpu.memory_space<vmem>>, vector<1x16xf32>,
        %get3A_939 = arith.index_cast %add3A_894 : i32 to index
        %get3A_940 = arith.constant 64 : index
        %get3A_941 = tpu.vector_load %arg9[%get3A_939, %get3A_940] {strides = array<i32>} : memref<128x128xf32, #tpu.memory_space<vmem>>, vector<1x16xf32>,
        %get3A_942 = vector.shape_cast %get3A_941 : vector<1x16xf32> to vector<16xf32>
        %mul3A_943 = vector.broadcast %squeeze3A_892 : f32 to vector<16xf32>
        %mul3A_944 = arith.mulf %get3A_942, %mul3A_943 : vector<16xf32>
        %swap3A_945 = arith.index_cast %add3A_894 : i32 to index
        %swap3A_946 = arith.constant 64 : index
        %swap3A_947 = tpu.vector_load %arg9[%swap3A_945, %swap3A_946] {strides = array<i32>} : memref<128x128xf32, #tpu.memory_space<vmem>>, vector<1x16xf32>,
        %swap3A_948 = vector.shape_cast %swap3A_947 : vector<1x16xf32> to vector<16xf32>
        %swap3A_949 = vector.shape_cast %mul3A_944 : vector<16xf32> to vector<1x16xf32>
        tpu.vector_store %arg9[%swap3A_945, %swap3A_946], %swap3A_949 {strides = array<i32>} : memref<128x128xf32, #tpu.memory_space<vmem>>, vector<1x16xf32>,
        %get3A_950 = arith.index_cast %add3A_894 : i32 to index
        %get3A_951 = arith.constant 80 : index
        %get3A_952 = tpu.vector_load %arg9[%get3A_950, %get3A_951] {strides = array<i32>} : memref<128x128xf32, #tpu.memory_space<vmem>>, vector<1x16xf32>,
        %get3A_953 = vector.shape_cast %get3A_952 : vector<1x16xf32> to vector<16xf32>
        %mul3A_954 = vector.broadcast %squeeze3A_892 : f32 to vector<16xf32>
        %mul3A_955 = arith.mulf %get3A_953, %mul3A_954 : vector<16xf32>
        %swap3A_956 = arith.index_cast %add3A_894 : i32 to index
        %swap3A_957 = arith.constant 80 : index
        %swap3A_958 = tpu.vector_load %arg9[%swap3A_956, %swap3A_957] {strides = array<i32>} : memref<128x128xf32, #tpu.memory_space<vmem>>, vector<1x16xf32>,
        %swap3A_959 = vector.shape_cast %swap3A_958 : vector<1x16xf32> to vector<16xf32>
        %swap3A_960 = vector.shape_cast %mul3A_955 : vector<16xf32> to vector<1x16xf32>
        tpu.vector_store %arg9[%swap3A_956, %swap3A_957], %swap3A_960 {strides = array<i32>} : memref<128x128xf32, #tpu.memory_space<vmem>>, vector<1x16xf32>,
        %get3A_961 = arith.index_cast %add3A_894 : i32 to index
        %get3A_962 = arith.constant 96 : index
        %get3A_963 = tpu.vector_load %arg9[%get3A_961, %get3A_962] {strides = array<i32>} : memref<128x128xf32, #tpu.memory_space<vmem>>, vector<1x16xf32>,
        %get3A_964 = vector.shape_cast %get3A_963 : vector<1x16xf32> to vector<16xf32>
        %mul3A_965 = vector.broadcast %squeeze3A_892 : f32 to vector<16xf32>
        %mul3A_966 = arith.mulf %get3A_964, %mul3A_965 : vector<16xf32>
        %swap3A_967 = arith.index_cast %add3A_894 : i32 to index
        %swap3A_968 = arith.constant 96 : index
        %swap3A_969 = tpu.vector_load %arg9[%swap3A_967, %swap3A_968] {strides = array<i32>} : memref<128x128xf32, #tpu.memory_space<vmem>>, vector<1x16xf32>,
        %swap3A_970 = vector.shape_cast %swap3A_969 : vector<1x16xf32> to vector<16xf32>
        %swap3A_971 = vector.shape_cast %mul3A_966 : vector<16xf32> to vector<1x16xf32>
        tpu.vector_store %arg9[%swap3A_967, %swap3A_968], %swap3A_971 {strides = array<i32>} : memref<128x128xf32, #tpu.memory_space<vmem>>, vector<1x16xf32>,
        %get3A_972 = arith.index_cast %add3A_894 : i32 to index
        %get3A_973 = arith.constant 112 : index
        %get3A_974 = tpu.vector_load %arg9[%get3A_972, %get3A_973] {strides = array<i32>} : memref<128x128xf32, #tpu.memory_space<vmem>>, vector<1x16xf32>,
        %get3A_975 = vector.shape_cast %get3A_974 : vector<1x16xf32> to vector<16xf32>
        %mul3A_976 = vector.broadcast %squeeze3A_892 : f32 to vector<16xf32>
        %mul3A_977 = arith.mulf %get3A_975, %mul3A_976 : vector<16xf32>
        %swap3A_978 = arith.index_cast %add3A_894 : i32 to index
        %swap3A_979 = arith.constant 112 : index
        %swap3A_980 = tpu.vector_load %arg9[%swap3A_978, %swap3A_979] {strides = array<i32>} : memref<128x128xf32, #tpu.memory_space<vmem>>, vector<1x16xf32>,
        %swap3A_981 = vector.shape_cast %swap3A_980 : vector<1x16xf32> to vector<16xf32>
        %swap3A_982 = vector.shape_cast %mul3A_977 : vector<16xf32> to vector<1x16xf32>
        tpu.vector_store %arg9[%swap3A_978, %swap3A_979], %swap3A_982 {strides = array<i32>} : memref<128x128xf32, #tpu.memory_space<vmem>>, vector<1x16xf32>,
        %slice3A_983 = vector.extract_strided_slice %bitcast_convert_type3A {offsets = [10], sizes = [1], strides = [1]} : vector<16xf32> to vector<1xf32>
        %squeeze3A_984 = vector.extract %slice3A_983[0] : f32 from vector<1xf32>
        %add3A_985 = arith.constant 10 : i32
        %add3A_986 = arith.addi %mul3A_65, %add3A_985 : i32
        %get3A_987 = arith.index_cast %add3A_986 : i32 to index
        %get3A_988 = arith.constant 0 : index
        %get3A_989 = tpu.vector_load %arg9[%get3A_987, %get3A_988] {strides = array<i32>} : memref<128x128xf32, #tpu.memory_space<vmem>>, vector<1x16xf32>,
        %get3A_990 = vector.shape_cast %get3A_989 : vector<1x16xf32> to vector<16xf32>
        %mul3A_991 = vector.broadcast %squeeze3A_984 : f32 to vector<16xf32>
        %mul3A_992 = arith.mulf %get3A_990, %mul3A_991 : vector<16xf32>
        %swap3A_993 = arith.index_cast %add3A_986 : i32 to index
        %swap3A_994 = arith.constant 0 : index
        %swap3A_995 = tpu.vector_load %arg9[%swap3A_993, %swap3A_994] {strides = array<i32>} : memref<128x128xf32, #tpu.memory_space<vmem>>, vector<1x16xf32>,
        %swap3A_996 = vector.shape_cast %swap3A_995 : vector<1x16xf32> to vector<16xf32>
        %swap3A_997 = vector.shape_cast %mul3A_992 : vector<16xf32> to vector<1x16xf32>
        tpu.vector_store %arg9[%swap3A_993, %swap3A_994], %swap3A_997 {strides = array<i32>} : memref<128x128xf32, #tpu.memory_space<vmem>>, vector<1x16xf32>,
        %get3A_998 = arith.index_cast %add3A_986 : i32 to index
        %get3A_999 = arith.constant 16 : index
        %get3A_1000 = tpu.vector_load %arg9[%get3A_998, %get3A_999] {strides = array<i32>} : memref<128x128xf32, #tpu.memory_space<vmem>>, vector<1x16xf32>,
        %get3A_1001 = vector.shape_cast %get3A_1000 : vector<1x16xf32> to vector<16xf32>
        %mul3A_1002 = vector.broadcast %squeeze3A_984 : f32 to vector<16xf32>
        %mul3A_1003 = arith.mulf %get3A_1001, %mul3A_1002 : vector<16xf32>
        %swap3A_1004 = arith.index_cast %add3A_986 : i32 to index
        %swap3A_1005 = arith.constant 16 : index
        %swap3A_1006 = tpu.vector_load %arg9[%swap3A_1004, %swap3A_1005] {strides = array<i32>} : memref<128x128xf32, #tpu.memory_space<vmem>>, vector<1x16xf32>,
        %swap3A_1007 = vector.shape_cast %swap3A_1006 : vector<1x16xf32> to vector<16xf32>
        %swap3A_1008 = vector.shape_cast %mul3A_1003 : vector<16xf32> to vector<1x16xf32>
        tpu.vector_store %arg9[%swap3A_1004, %swap3A_1005], %swap3A_1008 {strides = array<i32>} : memref<128x128xf32, #tpu.memory_space<vmem>>, vector<1x16xf32>,
        %get3A_1009 = arith.index_cast %add3A_986 : i32 to index
        %get3A_1010 = arith.constant 32 : index
        %get3A_1011 = tpu.vector_load %arg9[%get3A_1009, %get3A_1010] {strides = array<i32>} : memref<128x128xf32, #tpu.memory_space<vmem>>, vector<1x16xf32>,
        %get3A_1012 = vector.shape_cast %get3A_1011 : vector<1x16xf32> to vector<16xf32>
        %mul3A_1013 = vector.broadcast %squeeze3A_984 : f32 to vector<16xf32>
        %mul3A_1014 = arith.mulf %get3A_1012, %mul3A_1013 : vector<16xf32>
        %swap3A_1015 = arith.index_cast %add3A_986 : i32 to index
        %swap3A_1016 = arith.constant 32 : index
        %swap3A_1017 = tpu.vector_load %arg9[%swap3A_1015, %swap3A_1016] {strides = array<i32>} : memref<128x128xf32, #tpu.memory_space<vmem>>, vector<1x16xf32>,
        %swap3A_1018 = vector.shape_cast %swap3A_1017 : vector<1x16xf32> to vector<16xf32>
        %swap3A_1019 = vector.shape_cast %mul3A_1014 : vector<16xf32> to vector<1x16xf32>
        tpu.vector_store %arg9[%swap3A_1015, %swap3A_1016], %swap3A_1019 {strides = array<i32>} : memref<128x128xf32, #tpu.memory_space<vmem>>, vector<1x16xf32>,
        %get3A_1020 = arith.index_cast %add3A_986 : i32 to index
        %get3A_1021 = arith.constant 48 : index
        %get3A_1022 = tpu.vector_load %arg9[%get3A_1020, %get3A_1021] {strides = array<i32>} : memref<128x128xf32, #tpu.memory_space<vmem>>, vector<1x16xf32>,
        %get3A_1023 = vector.shape_cast %get3A_1022 : vector<1x16xf32> to vector<16xf32>
        %mul3A_1024 = vector.broadcast %squeeze3A_984 : f32 to vector<16xf32>
        %mul3A_1025 = arith.mulf %get3A_1023, %mul3A_1024 : vector<16xf32>
        %swap3A_1026 = arith.index_cast %add3A_986 : i32 to index
        %swap3A_1027 = arith.constant 48 : index
        %swap3A_1028 = tpu.vector_load %arg9[%swap3A_1026, %swap3A_1027] {strides = array<i32>} : memref<128x128xf32, #tpu.memory_space<vmem>>, vector<1x16xf32>,
        %swap3A_1029 = vector.shape_cast %swap3A_1028 : vector<1x16xf32> to vector<16xf32>
        %swap3A_1030 = vector.shape_cast %mul3A_1025 : vector<16xf32> to vector<1x16xf32>
        tpu.vector_store %arg9[%swap3A_1026, %swap3A_1027], %swap3A_1030 {strides = array<i32>} : memref<128x128xf32, #tpu.memory_space<vmem>>, vector<1x16xf32>,
        %get3A_1031 = arith.index_cast %add3A_986 : i32 to index
        %get3A_1032 = arith.constant 64 : index
        %get3A_1033 = tpu.vector_load %arg9[%get3A_1031, %get3A_1032] {strides = array<i32>} : memref<128x128xf32, #tpu.memory_space<vmem>>, vector<1x16xf32>,
        %get3A_1034 = vector.shape_cast %get3A_1033 : vector<1x16xf32> to vector<16xf32>
        %mul3A_1035 = vector.broadcast %squeeze3A_984 : f32 to vector<16xf32>
        %mul3A_1036 = arith.mulf %get3A_1034, %mul3A_1035 : vector<16xf32>
        %swap3A_1037 = arith.index_cast %add3A_986 : i32 to index
        %swap3A_1038 = arith.constant 64 : index
        %swap3A_1039 = tpu.vector_load %arg9[%swap3A_1037, %swap3A_1038] {strides = array<i32>} : memref<128x128xf32, #tpu.memory_space<vmem>>, vector<1x16xf32>,
        %swap3A_1040 = vector.shape_cast %swap3A_1039 : vector<1x16xf32> to vector<16xf32>
        %swap3A_1041 = vector.shape_cast %mul3A_1036 : vector<16xf32> to vector<1x16xf32>
        tpu.vector_store %arg9[%swap3A_1037, %swap3A_1038], %swap3A_1041 {strides = array<i32>} : memref<128x128xf32, #tpu.memory_space<vmem>>, vector<1x16xf32>,
        %get3A_1042 = arith.index_cast %add3A_986 : i32 to index
        %get3A_1043 = arith.constant 80 : index
        %get3A_1044 = tpu.vector_load %arg9[%get3A_1042, %get3A_1043] {strides = array<i32>} : memref<128x128xf32, #tpu.memory_space<vmem>>, vector<1x16xf32>,
        %get3A_1045 = vector.shape_cast %get3A_1044 : vector<1x16xf32> to vector<16xf32>
        %mul3A_1046 = vector.broadcast %squeeze3A_984 : f32 to vector<16xf32>
        %mul3A_1047 = arith.mulf %get3A_1045, %mul3A_1046 : vector<16xf32>
        %swap3A_1048 = arith.index_cast %add3A_986 : i32 to index
        %swap3A_1049 = arith.constant 80 : index
        %swap3A_1050 = tpu.vector_load %arg9[%swap3A_1048, %swap3A_1049] {strides = array<i32>} : memref<128x128xf32, #tpu.memory_space<vmem>>, vector<1x16xf32>,
        %swap3A_1051 = vector.shape_cast %swap3A_1050 : vector<1x16xf32> to vector<16xf32>
        %swap3A_1052 = vector.shape_cast %mul3A_1047 : vector<16xf32> to vector<1x16xf32>
        tpu.vector_store %arg9[%swap3A_1048, %swap3A_1049], %swap3A_1052 {strides = array<i32>} : memref<128x128xf32, #tpu.memory_space<vmem>>, vector<1x16xf32>,
        %get3A_1053 = arith.index_cast %add3A_986 : i32 to index
        %get3A_1054 = arith.constant 96 : index
        %get3A_1055 = tpu.vector_load %arg9[%get3A_1053, %get3A_1054] {strides = array<i32>} : memref<128x128xf32, #tpu.memory_space<vmem>>, vector<1x16xf32>,
        %get3A_1056 = vector.shape_cast %get3A_1055 : vector<1x16xf32> to vector<16xf32>
        %mul3A_1057 = vector.broadcast %squeeze3A_984 : f32 to vector<16xf32>
        %mul3A_1058 = arith.mulf %get3A_1056, %mul3A_1057 : vector<16xf32>
        %swap3A_1059 = arith.index_cast %add3A_986 : i32 to index
        %swap3A_1060 = arith.constant 96 : index
        %swap3A_1061 = tpu.vector_load %arg9[%swap3A_1059, %swap3A_1060] {strides = array<i32>} : memref<128x128xf32, #tpu.memory_space<vmem>>, vector<1x16xf32>,
        %swap3A_1062 = vector.shape_cast %swap3A_1061 : vector<1x16xf32> to vector<16xf32>
        %swap3A_1063 = vector.shape_cast %mul3A_1058 : vector<16xf32> to vector<1x16xf32>
        tpu.vector_store %arg9[%swap3A_1059, %swap3A_1060], %swap3A_1063 {strides = array<i32>} : memref<128x128xf32, #tpu.memory_space<vmem>>, vector<1x16xf32>,
        %get3A_1064 = arith.index_cast %add3A_986 : i32 to index
        %get3A_1065 = arith.constant 112 : index
        %get3A_1066 = tpu.vector_load %arg9[%get3A_1064, %get3A_1065] {strides = array<i32>} : memref<128x128xf32, #tpu.memory_space<vmem>>, vector<1x16xf32>,
        %get3A_1067 = vector.shape_cast %get3A_1066 : vector<1x16xf32> to vector<16xf32>
        %mul3A_1068 = vector.broadcast %squeeze3A_984 : f32 to vector<16xf32>
        %mul3A_1069 = arith.mulf %get3A_1067, %mul3A_1068 : vector<16xf32>
        %swap3A_1070 = arith.index_cast %add3A_986 : i32 to index
        %swap3A_1071 = arith.constant 112 : index
        %swap3A_1072 = tpu.vector_load %arg9[%swap3A_1070, %swap3A_1071] {strides = array<i32>} : memref<128x128xf32, #tpu.memory_space<vmem>>, vector<1x16xf32>,
        %swap3A_1073 = vector.shape_cast %swap3A_1072 : vector<1x16xf32> to vector<16xf32>
        %swap3A_1074 = vector.shape_cast %mul3A_1069 : vector<16xf32> to vector<1x16xf32>
        tpu.vector_store %arg9[%swap3A_1070, %swap3A_1071], %swap3A_1074 {strides = array<i32>} : memref<128x128xf32, #tpu.memory_space<vmem>>, vector<1x16xf32>,
        %slice3A_1075 = vector.extract_strided_slice %bitcast_convert_type3A {offsets = [11], sizes = [1], strides = [1]} : vector<16xf32> to vector<1xf32>
        %squeeze3A_1076 = vector.extract %slice3A_1075[0] : f32 from vector<1xf32>
        %add3A_1077 = arith.constant 11 : i32
        %add3A_1078 = arith.addi %mul3A_65, %add3A_1077 : i32
        %get3A_1079 = arith.index_cast %add3A_1078 : i32 to index
        %get3A_1080 = arith.constant 0 : index
        %get3A_1081 = tpu.vector_load %arg9[%get3A_1079, %get3A_1080] {strides = array<i32>} : memref<128x128xf32, #tpu.memory_space<vmem>>, vector<1x16xf32>,
        %get3A_1082 = vector.shape_cast %get3A_1081 : vector<1x16xf32> to vector<16xf32>
        %mul3A_1083 = vector.broadcast %squeeze3A_1076 : f32 to vector<16xf32>
        %mul3A_1084 = arith.mulf %get3A_1082, %mul3A_1083 : vector<16xf32>
        %swap3A_1085 = arith.index_cast %add3A_1078 : i32 to index
        %swap3A_1086 = arith.constant 0 : index
        %swap3A_1087 = tpu.vector_load %arg9[%swap3A_1085, %swap3A_1086] {strides = array<i32>} : memref<128x128xf32, #tpu.memory_space<vmem>>, vector<1x16xf32>,
        %swap3A_1088 = vector.shape_cast %swap3A_1087 : vector<1x16xf32> to vector<16xf32>
        %swap3A_1089 = vector.shape_cast %mul3A_1084 : vector<16xf32> to vector<1x16xf32>
        tpu.vector_store %arg9[%swap3A_1085, %swap3A_1086], %swap3A_1089 {strides = array<i32>} : memref<128x128xf32, #tpu.memory_space<vmem>>, vector<1x16xf32>,
        %get3A_1090 = arith.index_cast %add3A_1078 : i32 to index
        %get3A_1091 = arith.constant 16 : index
        %get3A_1092 = tpu.vector_load %arg9[%get3A_1090, %get3A_1091] {strides = array<i32>} : memref<128x128xf32, #tpu.memory_space<vmem>>, vector<1x16xf32>,
        %get3A_1093 = vector.shape_cast %get3A_1092 : vector<1x16xf32> to vector<16xf32>
        %mul3A_1094 = vector.broadcast %squeeze3A_1076 : f32 to vector<16xf32>
        %mul3A_1095 = arith.mulf %get3A_1093, %mul3A_1094 : vector<16xf32>
        %swap3A_1096 = arith.index_cast %add3A_1078 : i32 to index
        %swap3A_1097 = arith.constant 16 : index
        %swap3A_1098 = tpu.vector_load %arg9[%swap3A_1096, %swap3A_1097] {strides = array<i32>} : memref<128x128xf32, #tpu.memory_space<vmem>>, vector<1x16xf32>,
        %swap3A_1099 = vector.shape_cast %swap3A_1098 : vector<1x16xf32> to vector<16xf32>
        %swap3A_1100 = vector.shape_cast %mul3A_1095 : vector<16xf32> to vector<1x16xf32>
        tpu.vector_store %arg9[%swap3A_1096, %swap3A_1097], %swap3A_1100 {strides = array<i32>} : memref<128x128xf32, #tpu.memory_space<vmem>>, vector<1x16xf32>,
        %get3A_1101 = arith.index_cast %add3A_1078 : i32 to index
        %get3A_1102 = arith.constant 32 : index
        %get3A_1103 = tpu.vector_load %arg9[%get3A_1101, %get3A_1102] {strides = array<i32>} : memref<128x128xf32, #tpu.memory_space<vmem>>, vector<1x16xf32>,
        %get3A_1104 = vector.shape_cast %get3A_1103 : vector<1x16xf32> to vector<16xf32>
        %mul3A_1105 = vector.broadcast %squeeze3A_1076 : f32 to vector<16xf32>
        %mul3A_1106 = arith.mulf %get3A_1104, %mul3A_1105 : vector<16xf32>
        %swap3A_1107 = arith.index_cast %add3A_1078 : i32 to index
        %swap3A_1108 = arith.constant 32 : index
        %swap3A_1109 = tpu.vector_load %arg9[%swap3A_1107, %swap3A_1108] {strides = array<i32>} : memref<128x128xf32, #tpu.memory_space<vmem>>, vector<1x16xf32>,
        %swap3A_1110 = vector.shape_cast %swap3A_1109 : vector<1x16xf32> to vector<16xf32>
        %swap3A_1111 = vector.shape_cast %mul3A_1106 : vector<16xf32> to vector<1x16xf32>
        tpu.vector_store %arg9[%swap3A_1107, %swap3A_1108], %swap3A_1111 {strides = array<i32>} : memref<128x128xf32, #tpu.memory_space<vmem>>, vector<1x16xf32>,
        %get3A_1112 = arith.index_cast %add3A_1078 : i32 to index
        %get3A_1113 = arith.constant 48 : index
        %get3A_1114 = tpu.vector_load %arg9[%get3A_1112, %get3A_1113] {strides = array<i32>} : memref<128x128xf32, #tpu.memory_space<vmem>>, vector<1x16xf32>,
        %get3A_1115 = vector.shape_cast %get3A_1114 : vector<1x16xf32> to vector<16xf32>
        %mul3A_1116 = vector.broadcast %squeeze3A_1076 : f32 to vector<16xf32>
        %mul3A_1117 = arith.mulf %get3A_1115, %mul3A_1116 : vector<16xf32>
        %swap3A_1118 = arith.index_cast %add3A_1078 : i32 to index
        %swap3A_1119 = arith.constant 48 : index
        %swap3A_1120 = tpu.vector_load %arg9[%swap3A_1118, %swap3A_1119] {strides = array<i32>} : memref<128x128xf32, #tpu.memory_space<vmem>>, vector<1x16xf32>,
        %swap3A_1121 = vector.shape_cast %swap3A_1120 : vector<1x16xf32> to vector<16xf32>
        %swap3A_1122 = vector.shape_cast %mul3A_1117 : vector<16xf32> to vector<1x16xf32>
        tpu.vector_store %arg9[%swap3A_1118, %swap3A_1119], %swap3A_1122 {strides = array<i32>} : memref<128x128xf32, #tpu.memory_space<vmem>>, vector<1x16xf32>,
        %get3A_1123 = arith.index_cast %add3A_1078 : i32 to index
        %get3A_1124 = arith.constant 64 : index
        %get3A_1125 = tpu.vector_load %arg9[%get3A_1123, %get3A_1124] {strides = array<i32>} : memref<128x128xf32, #tpu.memory_space<vmem>>, vector<1x16xf32>,
        %get3A_1126 = vector.shape_cast %get3A_1125 : vector<1x16xf32> to vector<16xf32>
        %mul3A_1127 = vector.broadcast %squeeze3A_1076 : f32 to vector<16xf32>
        %mul3A_1128 = arith.mulf %get3A_1126, %mul3A_1127 : vector<16xf32>
        %swap3A_1129 = arith.index_cast %add3A_1078 : i32 to index
        %swap3A_1130 = arith.constant 64 : index
        %swap3A_1131 = tpu.vector_load %arg9[%swap3A_1129, %swap3A_1130] {strides = array<i32>} : memref<128x128xf32, #tpu.memory_space<vmem>>, vector<1x16xf32>,
        %swap3A_1132 = vector.shape_cast %swap3A_1131 : vector<1x16xf32> to vector<16xf32>
        %swap3A_1133 = vector.shape_cast %mul3A_1128 : vector<16xf32> to vector<1x16xf32>
        tpu.vector_store %arg9[%swap3A_1129, %swap3A_1130], %swap3A_1133 {strides = array<i32>} : memref<128x128xf32, #tpu.memory_space<vmem>>, vector<1x16xf32>,
        %get3A_1134 = arith.index_cast %add3A_1078 : i32 to index
        %get3A_1135 = arith.constant 80 : index
        %get3A_1136 = tpu.vector_load %arg9[%get3A_1134, %get3A_1135] {strides = array<i32>} : memref<128x128xf32, #tpu.memory_space<vmem>>, vector<1x16xf32>,
        %get3A_1137 = vector.shape_cast %get3A_1136 : vector<1x16xf32> to vector<16xf32>
        %mul3A_1138 = vector.broadcast %squeeze3A_1076 : f32 to vector<16xf32>
        %mul3A_1139 = arith.mulf %get3A_1137, %mul3A_1138 : vector<16xf32>
        %swap3A_1140 = arith.index_cast %add3A_1078 : i32 to index
        %swap3A_1141 = arith.constant 80 : index
        %swap3A_1142 = tpu.vector_load %arg9[%swap3A_1140, %swap3A_1141] {strides = array<i32>} : memref<128x128xf32, #tpu.memory_space<vmem>>, vector<1x16xf32>,
        %swap3A_1143 = vector.shape_cast %swap3A_1142 : vector<1x16xf32> to vector<16xf32>
        %swap3A_1144 = vector.shape_cast %mul3A_1139 : vector<16xf32> to vector<1x16xf32>
        tpu.vector_store %arg9[%swap3A_1140, %swap3A_1141], %swap3A_1144 {strides = array<i32>} : memref<128x128xf32, #tpu.memory_space<vmem>>, vector<1x16xf32>,
        %get3A_1145 = arith.index_cast %add3A_1078 : i32 to index
        %get3A_1146 = arith.constant 96 : index
        %get3A_1147 = tpu.vector_load %arg9[%get3A_1145, %get3A_1146] {strides = array<i32>} : memref<128x128xf32, #tpu.memory_space<vmem>>, vector<1x16xf32>,
        %get3A_1148 = vector.shape_cast %get3A_1147 : vector<1x16xf32> to vector<16xf32>
        %mul3A_1149 = vector.broadcast %squeeze3A_1076 : f32 to vector<16xf32>
        %mul3A_1150 = arith.mulf %get3A_1148, %mul3A_1149 : vector<16xf32>
        %swap3A_1151 = arith.index_cast %add3A_1078 : i32 to index
        %swap3A_1152 = arith.constant 96 : index
        %swap3A_1153 = tpu.vector_load %arg9[%swap3A_1151, %swap3A_1152] {strides = array<i32>} : memref<128x128xf32, #tpu.memory_space<vmem>>, vector<1x16xf32>,
        %swap3A_1154 = vector.shape_cast %swap3A_1153 : vector<1x16xf32> to vector<16xf32>
        %swap3A_1155 = vector.shape_cast %mul3A_1150 : vector<16xf32> to vector<1x16xf32>
        tpu.vector_store %arg9[%swap3A_1151, %swap3A_1152], %swap3A_1155 {strides = array<i32>} : memref<128x128xf32, #tpu.memory_space<vmem>>, vector<1x16xf32>,
        %get3A_1156 = arith.index_cast %add3A_1078 : i32 to index
        %get3A_1157 = arith.constant 112 : index
        %get3A_1158 = tpu.vector_load %arg9[%get3A_1156, %get3A_1157] {strides = array<i32>} : memref<128x128xf32, #tpu.memory_space<vmem>>, vector<1x16xf32>,
        %get3A_1159 = vector.shape_cast %get3A_1158 : vector<1x16xf32> to vector<16xf32>
        %mul3A_1160 = vector.broadcast %squeeze3A_1076 : f32 to vector<16xf32>
        %mul3A_1161 = arith.mulf %get3A_1159, %mul3A_1160 : vector<16xf32>
        %swap3A_1162 = arith.index_cast %add3A_1078 : i32 to index
        %swap3A_1163 = arith.constant 112 : index
        %swap3A_1164 = tpu.vector_load %arg9[%swap3A_1162, %swap3A_1163] {strides = array<i32>} : memref<128x128xf32, #tpu.memory_space<vmem>>, vector<1x16xf32>,
        %swap3A_1165 = vector.shape_cast %swap3A_1164 : vector<1x16xf32> to vector<16xf32>
        %swap3A_1166 = vector.shape_cast %mul3A_1161 : vector<16xf32> to vector<1x16xf32>
        tpu.vector_store %arg9[%swap3A_1162, %swap3A_1163], %swap3A_1166 {strides = array<i32>} : memref<128x128xf32, #tpu.memory_space<vmem>>, vector<1x16xf32>,
        %slice3A_1167 = vector.extract_strided_slice %bitcast_convert_type3A {offsets = [12], sizes = [1], strides = [1]} : vector<16xf32> to vector<1xf32>
        %squeeze3A_1168 = vector.extract %slice3A_1167[0] : f32 from vector<1xf32>
        %add3A_1169 = arith.constant 12 : i32
        %add3A_1170 = arith.addi %mul3A_65, %add3A_1169 : i32
        %get3A_1171 = arith.index_cast %add3A_1170 : i32 to index
        %get3A_1172 = arith.constant 0 : index
        %get3A_1173 = tpu.vector_load %arg9[%get3A_1171, %get3A_1172] {strides = array<i32>} : memref<128x128xf32, #tpu.memory_space<vmem>>, vector<1x16xf32>,
        %get3A_1174 = vector.shape_cast %get3A_1173 : vector<1x16xf32> to vector<16xf32>
        %mul3A_1175 = vector.broadcast %squeeze3A_1168 : f32 to vector<16xf32>
        %mul3A_1176 = arith.mulf %get3A_1174, %mul3A_1175 : vector<16xf32>
        %swap3A_1177 = arith.index_cast %add3A_1170 : i32 to index
        %swap3A_1178 = arith.constant 0 : index
        %swap3A_1179 = tpu.vector_load %arg9[%swap3A_1177, %swap3A_1178] {strides = array<i32>} : memref<128x128xf32, #tpu.memory_space<vmem>>, vector<1x16xf32>,
        %swap3A_1180 = vector.shape_cast %swap3A_1179 : vector<1x16xf32> to vector<16xf32>
        %swap3A_1181 = vector.shape_cast %mul3A_1176 : vector<16xf32> to vector<1x16xf32>
        tpu.vector_store %arg9[%swap3A_1177, %swap3A_1178], %swap3A_1181 {strides = array<i32>} : memref<128x128xf32, #tpu.memory_space<vmem>>, vector<1x16xf32>,
        %get3A_1182 = arith.index_cast %add3A_1170 : i32 to index
        %get3A_1183 = arith.constant 16 : index
        %get3A_1184 = tpu.vector_load %arg9[%get3A_1182, %get3A_1183] {strides = array<i32>} : memref<128x128xf32, #tpu.memory_space<vmem>>, vector<1x16xf32>,
        %get3A_1185 = vector.shape_cast %get3A_1184 : vector<1x16xf32> to vector<16xf32>
        %mul3A_1186 = vector.broadcast %squeeze3A_1168 : f32 to vector<16xf32>
        %mul3A_1187 = arith.mulf %get3A_1185, %mul3A_1186 : vector<16xf32>
        %swap3A_1188 = arith.index_cast %add3A_1170 : i32 to index
        %swap3A_1189 = arith.constant 16 : index
        %swap3A_1190 = tpu.vector_load %arg9[%swap3A_1188, %swap3A_1189] {strides = array<i32>} : memref<128x128xf32, #tpu.memory_space<vmem>>, vector<1x16xf32>,
        %swap3A_1191 = vector.shape_cast %swap3A_1190 : vector<1x16xf32> to vector<16xf32>
        %swap3A_1192 = vector.shape_cast %mul3A_1187 : vector<16xf32> to vector<1x16xf32>
        tpu.vector_store %arg9[%swap3A_1188, %swap3A_1189], %swap3A_1192 {strides = array<i32>} : memref<128x128xf32, #tpu.memory_space<vmem>>, vector<1x16xf32>,
        %get3A_1193 = arith.index_cast %add3A_1170 : i32 to index
        %get3A_1194 = arith.constant 32 : index
        %get3A_1195 = tpu.vector_load %arg9[%get3A_1193, %get3A_1194] {strides = array<i32>} : memref<128x128xf32, #tpu.memory_space<vmem>>, vector<1x16xf32>,
        %get3A_1196 = vector.shape_cast %get3A_1195 : vector<1x16xf32> to vector<16xf32>
        %mul3A_1197 = vector.broadcast %squeeze3A_1168 : f32 to vector<16xf32>
        %mul3A_1198 = arith.mulf %get3A_1196, %mul3A_1197 : vector<16xf32>
        %swap3A_1199 = arith.index_cast %add3A_1170 : i32 to index
        %swap3A_1200 = arith.constant 32 : index
        %swap3A_1201 = tpu.vector_load %arg9[%swap3A_1199, %swap3A_1200] {strides = array<i32>} : memref<128x128xf32, #tpu.memory_space<vmem>>, vector<1x16xf32>,
        %swap3A_1202 = vector.shape_cast %swap3A_1201 : vector<1x16xf32> to vector<16xf32>
        %swap3A_1203 = vector.shape_cast %mul3A_1198 : vector<16xf32> to vector<1x16xf32>
        tpu.vector_store %arg9[%swap3A_1199, %swap3A_1200], %swap3A_1203 {strides = array<i32>} : memref<128x128xf32, #tpu.memory_space<vmem>>, vector<1x16xf32>,
        %get3A_1204 = arith.index_cast %add3A_1170 : i32 to index
        %get3A_1205 = arith.constant 48 : index
        %get3A_1206 = tpu.vector_load %arg9[%get3A_1204, %get3A_1205] {strides = array<i32>} : memref<128x128xf32, #tpu.memory_space<vmem>>, vector<1x16xf32>,
        %get3A_1207 = vector.shape_cast %get3A_1206 : vector<1x16xf32> to vector<16xf32>
        %mul3A_1208 = vector.broadcast %squeeze3A_1168 : f32 to vector<16xf32>
        %mul3A_1209 = arith.mulf %get3A_1207, %mul3A_1208 : vector<16xf32>
        %swap3A_1210 = arith.index_cast %add3A_1170 : i32 to index
        %swap3A_1211 = arith.constant 48 : index
        %swap3A_1212 = tpu.vector_load %arg9[%swap3A_1210, %swap3A_1211] {strides = array<i32>} : memref<128x128xf32, #tpu.memory_space<vmem>>, vector<1x16xf32>,
        %swap3A_1213 = vector.shape_cast %swap3A_1212 : vector<1x16xf32> to vector<16xf32>
        %swap3A_1214 = vector.shape_cast %mul3A_1209 : vector<16xf32> to vector<1x16xf32>
        tpu.vector_store %arg9[%swap3A_1210, %swap3A_1211], %swap3A_1214 {strides = array<i32>} : memref<128x128xf32, #tpu.memory_space<vmem>>, vector<1x16xf32>,
        %get3A_1215 = arith.index_cast %add3A_1170 : i32 to index
        %get3A_1216 = arith.constant 64 : index
        %get3A_1217 = tpu.vector_load %arg9[%get3A_1215, %get3A_1216] {strides = array<i32>} : memref<128x128xf32, #tpu.memory_space<vmem>>, vector<1x16xf32>,
        %get3A_1218 = vector.shape_cast %get3A_1217 : vector<1x16xf32> to vector<16xf32>
        %mul3A_1219 = vector.broadcast %squeeze3A_1168 : f32 to vector<16xf32>
        %mul3A_1220 = arith.mulf %get3A_1218, %mul3A_1219 : vector<16xf32>
        %swap3A_1221 = arith.index_cast %add3A_1170 : i32 to index
        %swap3A_1222 = arith.constant 64 : index
        %swap3A_1223 = tpu.vector_load %arg9[%swap3A_1221, %swap3A_1222] {strides = array<i32>} : memref<128x128xf32, #tpu.memory_space<vmem>>, vector<1x16xf32>,
        %swap3A_1224 = vector.shape_cast %swap3A_1223 : vector<1x16xf32> to vector<16xf32>
        %swap3A_1225 = vector.shape_cast %mul3A_1220 : vector<16xf32> to vector<1x16xf32>
        tpu.vector_store %arg9[%swap3A_1221, %swap3A_1222], %swap3A_1225 {strides = array<i32>} : memref<128x128xf32, #tpu.memory_space<vmem>>, vector<1x16xf32>,
        %get3A_1226 = arith.index_cast %add3A_1170 : i32 to index
        %get3A_1227 = arith.constant 80 : index
        %get3A_1228 = tpu.vector_load %arg9[%get3A_1226, %get3A_1227] {strides = array<i32>} : memref<128x128xf32, #tpu.memory_space<vmem>>, vector<1x16xf32>,
        %get3A_1229 = vector.shape_cast %get3A_1228 : vector<1x16xf32> to vector<16xf32>
        %mul3A_1230 = vector.broadcast %squeeze3A_1168 : f32 to vector<16xf32>
        %mul3A_1231 = arith.mulf %get3A_1229, %mul3A_1230 : vector<16xf32>
        %swap3A_1232 = arith.index_cast %add3A_1170 : i32 to index
        %swap3A_1233 = arith.constant 80 : index
        %swap3A_1234 = tpu.vector_load %arg9[%swap3A_1232, %swap3A_1233] {strides = array<i32>} : memref<128x128xf32, #tpu.memory_space<vmem>>, vector<1x16xf32>,
        %swap3A_1235 = vector.shape_cast %swap3A_1234 : vector<1x16xf32> to vector<16xf32>
        %swap3A_1236 = vector.shape_cast %mul3A_1231 : vector<16xf32> to vector<1x16xf32>
        tpu.vector_store %arg9[%swap3A_1232, %swap3A_1233], %swap3A_1236 {strides = array<i32>} : memref<128x128xf32, #tpu.memory_space<vmem>>, vector<1x16xf32>,
        %get3A_1237 = arith.index_cast %add3A_1170 : i32 to index
        %get3A_1238 = arith.constant 96 : index
        %get3A_1239 = tpu.vector_load %arg9[%get3A_1237, %get3A_1238] {strides = array<i32>} : memref<128x128xf32, #tpu.memory_space<vmem>>, vector<1x16xf32>,
        %get3A_1240 = vector.shape_cast %get3A_1239 : vector<1x16xf32> to vector<16xf32>
        %mul3A_1241 = vector.broadcast %squeeze3A_1168 : f32 to vector<16xf32>
        %mul3A_1242 = arith.mulf %get3A_1240, %mul3A_1241 : vector<16xf32>
        %swap3A_1243 = arith.index_cast %add3A_1170 : i32 to index
        %swap3A_1244 = arith.constant 96 : index
        %swap3A_1245 = tpu.vector_load %arg9[%swap3A_1243, %swap3A_1244] {strides = array<i32>} : memref<128x128xf32, #tpu.memory_space<vmem>>, vector<1x16xf32>,
        %swap3A_1246 = vector.shape_cast %swap3A_1245 : vector<1x16xf32> to vector<16xf32>
        %swap3A_1247 = vector.shape_cast %mul3A_1242 : vector<16xf32> to vector<1x16xf32>
        tpu.vector_store %arg9[%swap3A_1243, %swap3A_1244], %swap3A_1247 {strides = array<i32>} : memref<128x128xf32, #tpu.memory_space<vmem>>, vector<1x16xf32>,
        %get3A_1248 = arith.index_cast %add3A_1170 : i32 to index
        %get3A_1249 = arith.constant 112 : index
        %get3A_1250 = tpu.vector_load %arg9[%get3A_1248, %get3A_1249] {strides = array<i32>} : memref<128x128xf32, #tpu.memory_space<vmem>>, vector<1x16xf32>,
        %get3A_1251 = vector.shape_cast %get3A_1250 : vector<1x16xf32> to vector<16xf32>
        %mul3A_1252 = vector.broadcast %squeeze3A_1168 : f32 to vector<16xf32>
        %mul3A_1253 = arith.mulf %get3A_1251, %mul3A_1252 : vector<16xf32>
        %swap3A_1254 = arith.index_cast %add3A_1170 : i32 to index
        %swap3A_1255 = arith.constant 112 : index
        %swap3A_1256 = tpu.vector_load %arg9[%swap3A_1254, %swap3A_1255] {strides = array<i32>} : memref<128x128xf32, #tpu.memory_space<vmem>>, vector<1x16xf32>,
        %swap3A_1257 = vector.shape_cast %swap3A_1256 : vector<1x16xf32> to vector<16xf32>
        %swap3A_1258 = vector.shape_cast %mul3A_1253 : vector<16xf32> to vector<1x16xf32>
        tpu.vector_store %arg9[%swap3A_1254, %swap3A_1255], %swap3A_1258 {strides = array<i32>} : memref<128x128xf32, #tpu.memory_space<vmem>>, vector<1x16xf32>,
        %slice3A_1259 = vector.extract_strided_slice %bitcast_convert_type3A {offsets = [13], sizes = [1], strides = [1]} : vector<16xf32> to vector<1xf32>
        %squeeze3A_1260 = vector.extract %slice3A_1259[0] : f32 from vector<1xf32>
        %add3A_1261 = arith.constant 13 : i32
        %add3A_1262 = arith.addi %mul3A_65, %add3A_1261 : i32
        %get3A_1263 = arith.index_cast %add3A_1262 : i32 to index
        %get3A_1264 = arith.constant 0 : index
        %get3A_1265 = tpu.vector_load %arg9[%get3A_1263, %get3A_1264] {strides = array<i32>} : memref<128x128xf32, #tpu.memory_space<vmem>>, vector<1x16xf32>,
        %get3A_1266 = vector.shape_cast %get3A_1265 : vector<1x16xf32> to vector<16xf32>
        %mul3A_1267 = vector.broadcast %squeeze3A_1260 : f32 to vector<16xf32>
        %mul3A_1268 = arith.mulf %get3A_1266, %mul3A_1267 : vector<16xf32>
        %swap3A_1269 = arith.index_cast %add3A_1262 : i32 to index
        %swap3A_1270 = arith.constant 0 : index
        %swap3A_1271 = tpu.vector_load %arg9[%swap3A_1269, %swap3A_1270] {strides = array<i32>} : memref<128x128xf32, #tpu.memory_space<vmem>>, vector<1x16xf32>,
        %swap3A_1272 = vector.shape_cast %swap3A_1271 : vector<1x16xf32> to vector<16xf32>
        %swap3A_1273 = vector.shape_cast %mul3A_1268 : vector<16xf32> to vector<1x16xf32>
        tpu.vector_store %arg9[%swap3A_1269, %swap3A_1270], %swap3A_1273 {strides = array<i32>} : memref<128x128xf32, #tpu.memory_space<vmem>>, vector<1x16xf32>,
        %get3A_1274 = arith.index_cast %add3A_1262 : i32 to index
        %get3A_1275 = arith.constant 16 : index
        %get3A_1276 = tpu.vector_load %arg9[%get3A_1274, %get3A_1275] {strides = array<i32>} : memref<128x128xf32, #tpu.memory_space<vmem>>, vector<1x16xf32>,
        %get3A_1277 = vector.shape_cast %get3A_1276 : vector<1x16xf32> to vector<16xf32>
        %mul3A_1278 = vector.broadcast %squeeze3A_1260 : f32 to vector<16xf32>
        %mul3A_1279 = arith.mulf %get3A_1277, %mul3A_1278 : vector<16xf32>
        %swap3A_1280 = arith.index_cast %add3A_1262 : i32 to index
        %swap3A_1281 = arith.constant 16 : index
        %swap3A_1282 = tpu.vector_load %arg9[%swap3A_1280, %swap3A_1281] {strides = array<i32>} : memref<128x128xf32, #tpu.memory_space<vmem>>, vector<1x16xf32>,
        %swap3A_1283 = vector.shape_cast %swap3A_1282 : vector<1x16xf32> to vector<16xf32>
        %swap3A_1284 = vector.shape_cast %mul3A_1279 : vector<16xf32> to vector<1x16xf32>
        tpu.vector_store %arg9[%swap3A_1280, %swap3A_1281], %swap3A_1284 {strides = array<i32>} : memref<128x128xf32, #tpu.memory_space<vmem>>, vector<1x16xf32>,
        %get3A_1285 = arith.index_cast %add3A_1262 : i32 to index
        %get3A_1286 = arith.constant 32 : index
        %get3A_1287 = tpu.vector_load %arg9[%get3A_1285, %get3A_1286] {strides = array<i32>} : memref<128x128xf32, #tpu.memory_space<vmem>>, vector<1x16xf32>,
        %get3A_1288 = vector.shape_cast %get3A_1287 : vector<1x16xf32> to vector<16xf32>
        %mul3A_1289 = vector.broadcast %squeeze3A_1260 : f32 to vector<16xf32>
        %mul3A_1290 = arith.mulf %get3A_1288, %mul3A_1289 : vector<16xf32>
        %swap3A_1291 = arith.index_cast %add3A_1262 : i32 to index
        %swap3A_1292 = arith.constant 32 : index
        %swap3A_1293 = tpu.vector_load %arg9[%swap3A_1291, %swap3A_1292] {strides = array<i32>} : memref<128x128xf32, #tpu.memory_space<vmem>>, vector<1x16xf32>,
        %swap3A_1294 = vector.shape_cast %swap3A_1293 : vector<1x16xf32> to vector<16xf32>
        %swap3A_1295 = vector.shape_cast %mul3A_1290 : vector<16xf32> to vector<1x16xf32>
        tpu.vector_store %arg9[%swap3A_1291, %swap3A_1292], %swap3A_1295 {strides = array<i32>} : memref<128x128xf32, #tpu.memory_space<vmem>>, vector<1x16xf32>,
        %get3A_1296 = arith.index_cast %add3A_1262 : i32 to index
        %get3A_1297 = arith.constant 48 : index
        %get3A_1298 = tpu.vector_load %arg9[%get3A_1296, %get3A_1297] {strides = array<i32>} : memref<128x128xf32, #tpu.memory_space<vmem>>, vector<1x16xf32>,
        %get3A_1299 = vector.shape_cast %get3A_1298 : vector<1x16xf32> to vector<16xf32>
        %mul3A_1300 = vector.broadcast %squeeze3A_1260 : f32 to vector<16xf32>
        %mul3A_1301 = arith.mulf %get3A_1299, %mul3A_1300 : vector<16xf32>
        %swap3A_1302 = arith.index_cast %add3A_1262 : i32 to index
        %swap3A_1303 = arith.constant 48 : index
        %swap3A_1304 = tpu.vector_load %arg9[%swap3A_1302, %swap3A_1303] {strides = array<i32>} : memref<128x128xf32, #tpu.memory_space<vmem>>, vector<1x16xf32>,
        %swap3A_1305 = vector.shape_cast %swap3A_1304 : vector<1x16xf32> to vector<16xf32>
        %swap3A_1306 = vector.shape_cast %mul3A_1301 : vector<16xf32> to vector<1x16xf32>
        tpu.vector_store %arg9[%swap3A_1302, %swap3A_1303], %swap3A_1306 {strides = array<i32>} : memref<128x128xf32, #tpu.memory_space<vmem>>, vector<1x16xf32>,
        %get3A_1307 = arith.index_cast %add3A_1262 : i32 to index
        %get3A_1308 = arith.constant 64 : index
        %get3A_1309 = tpu.vector_load %arg9[%get3A_1307, %get3A_1308] {strides = array<i32>} : memref<128x128xf32, #tpu.memory_space<vmem>>, vector<1x16xf32>,
        %get3A_1310 = vector.shape_cast %get3A_1309 : vector<1x16xf32> to vector<16xf32>
        %mul3A_1311 = vector.broadcast %squeeze3A_1260 : f32 to vector<16xf32>
        %mul3A_1312 = arith.mulf %get3A_1310, %mul3A_1311 : vector<16xf32>
        %swap3A_1313 = arith.index_cast %add3A_1262 : i32 to index
        %swap3A_1314 = arith.constant 64 : index
        %swap3A_1315 = tpu.vector_load %arg9[%swap3A_1313, %swap3A_1314] {strides = array<i32>} : memref<128x128xf32, #tpu.memory_space<vmem>>, vector<1x16xf32>,
        %swap3A_1316 = vector.shape_cast %swap3A_1315 : vector<1x16xf32> to vector<16xf32>
        %swap3A_1317 = vector.shape_cast %mul3A_1312 : vector<16xf32> to vector<1x16xf32>
        tpu.vector_store %arg9[%swap3A_1313, %swap3A_1314], %swap3A_1317 {strides = array<i32>} : memref<128x128xf32, #tpu.memory_space<vmem>>, vector<1x16xf32>,
        %get3A_1318 = arith.index_cast %add3A_1262 : i32 to index
        %get3A_1319 = arith.constant 80 : index
        %get3A_1320 = tpu.vector_load %arg9[%get3A_1318, %get3A_1319] {strides = array<i32>} : memref<128x128xf32, #tpu.memory_space<vmem>>, vector<1x16xf32>,
        %get3A_1321 = vector.shape_cast %get3A_1320 : vector<1x16xf32> to vector<16xf32>
        %mul3A_1322 = vector.broadcast %squeeze3A_1260 : f32 to vector<16xf32>
        %mul3A_1323 = arith.mulf %get3A_1321, %mul3A_1322 : vector<16xf32>
        %swap3A_1324 = arith.index_cast %add3A_1262 : i32 to index
        %swap3A_1325 = arith.constant 80 : index
        %swap3A_1326 = tpu.vector_load %arg9[%swap3A_1324, %swap3A_1325] {strides = array<i32>} : memref<128x128xf32, #tpu.memory_space<vmem>>, vector<1x16xf32>,
        %swap3A_1327 = vector.shape_cast %swap3A_1326 : vector<1x16xf32> to vector<16xf32>
        %swap3A_1328 = vector.shape_cast %mul3A_1323 : vector<16xf32> to vector<1x16xf32>
        tpu.vector_store %arg9[%swap3A_1324, %swap3A_1325], %swap3A_1328 {strides = array<i32>} : memref<128x128xf32, #tpu.memory_space<vmem>>, vector<1x16xf32>,
        %get3A_1329 = arith.index_cast %add3A_1262 : i32 to index
        %get3A_1330 = arith.constant 96 : index
        %get3A_1331 = tpu.vector_load %arg9[%get3A_1329, %get3A_1330] {strides = array<i32>} : memref<128x128xf32, #tpu.memory_space<vmem>>, vector<1x16xf32>,
        %get3A_1332 = vector.shape_cast %get3A_1331 : vector<1x16xf32> to vector<16xf32>
        %mul3A_1333 = vector.broadcast %squeeze3A_1260 : f32 to vector<16xf32>
        %mul3A_1334 = arith.mulf %get3A_1332, %mul3A_1333 : vector<16xf32>
        %swap3A_1335 = arith.index_cast %add3A_1262 : i32 to index
        %swap3A_1336 = arith.constant 96 : index
        %swap3A_1337 = tpu.vector_load %arg9[%swap3A_1335, %swap3A_1336] {strides = array<i32>} : memref<128x128xf32, #tpu.memory_space<vmem>>, vector<1x16xf32>,
        %swap3A_1338 = vector.shape_cast %swap3A_1337 : vector<1x16xf32> to vector<16xf32>
        %swap3A_1339 = vector.shape_cast %mul3A_1334 : vector<16xf32> to vector<1x16xf32>
        tpu.vector_store %arg9[%swap3A_1335, %swap3A_1336], %swap3A_1339 {strides = array<i32>} : memref<128x128xf32, #tpu.memory_space<vmem>>, vector<1x16xf32>,
        %get3A_1340 = arith.index_cast %add3A_1262 : i32 to index
        %get3A_1341 = arith.constant 112 : index
        %get3A_1342 = tpu.vector_load %arg9[%get3A_1340, %get3A_1341] {strides = array<i32>} : memref<128x128xf32, #tpu.memory_space<vmem>>, vector<1x16xf32>,
        %get3A_1343 = vector.shape_cast %get3A_1342 : vector<1x16xf32> to vector<16xf32>
        %mul3A_1344 = vector.broadcast %squeeze3A_1260 : f32 to vector<16xf32>
        %mul3A_1345 = arith.mulf %get3A_1343, %mul3A_1344 : vector<16xf32>
        %swap3A_1346 = arith.index_cast %add3A_1262 : i32 to index
        %swap3A_1347 = arith.constant 112 : index
        %swap3A_1348 = tpu.vector_load %arg9[%swap3A_1346, %swap3A_1347] {strides = array<i32>} : memref<128x128xf32, #tpu.memory_space<vmem>>, vector<1x16xf32>,
        %swap3A_1349 = vector.shape_cast %swap3A_1348 : vector<1x16xf32> to vector<16xf32>
        %swap3A_1350 = vector.shape_cast %mul3A_1345 : vector<16xf32> to vector<1x16xf32>
        tpu.vector_store %arg9[%swap3A_1346, %swap3A_1347], %swap3A_1350 {strides = array<i32>} : memref<128x128xf32, #tpu.memory_space<vmem>>, vector<1x16xf32>,
        %slice3A_1351 = vector.extract_strided_slice %bitcast_convert_type3A {offsets = [14], sizes = [1], strides = [1]} : vector<16xf32> to vector<1xf32>
        %squeeze3A_1352 = vector.extract %slice3A_1351[0] : f32 from vector<1xf32>
        %add3A_1353 = arith.constant 14 : i32
        %add3A_1354 = arith.addi %mul3A_65, %add3A_1353 : i32
        %get3A_1355 = arith.index_cast %add3A_1354 : i32 to index
        %get3A_1356 = arith.constant 0 : index
        %get3A_1357 = tpu.vector_load %arg9[%get3A_1355, %get3A_1356] {strides = array<i32>} : memref<128x128xf32, #tpu.memory_space<vmem>>, vector<1x16xf32>,
        %get3A_1358 = vector.shape_cast %get3A_1357 : vector<1x16xf32> to vector<16xf32>
        %mul3A_1359 = vector.broadcast %squeeze3A_1352 : f32 to vector<16xf32>
        %mul3A_1360 = arith.mulf %get3A_1358, %mul3A_1359 : vector<16xf32>
        %swap3A_1361 = arith.index_cast %add3A_1354 : i32 to index
        %swap3A_1362 = arith.constant 0 : index
        %swap3A_1363 = tpu.vector_load %arg9[%swap3A_1361, %swap3A_1362] {strides = array<i32>} : memref<128x128xf32, #tpu.memory_space<vmem>>, vector<1x16xf32>,
        %swap3A_1364 = vector.shape_cast %swap3A_1363 : vector<1x16xf32> to vector<16xf32>
        %swap3A_1365 = vector.shape_cast %mul3A_1360 : vector<16xf32> to vector<1x16xf32>
        tpu.vector_store %arg9[%swap3A_1361, %swap3A_1362], %swap3A_1365 {strides = array<i32>} : memref<128x128xf32, #tpu.memory_space<vmem>>, vector<1x16xf32>,
        %get3A_1366 = arith.index_cast %add3A_1354 : i32 to index
        %get3A_1367 = arith.constant 16 : index
        %get3A_1368 = tpu.vector_load %arg9[%get3A_1366, %get3A_1367] {strides = array<i32>} : memref<128x128xf32, #tpu.memory_space<vmem>>, vector<1x16xf32>,
        %get3A_1369 = vector.shape_cast %get3A_1368 : vector<1x16xf32> to vector<16xf32>
        %mul3A_1370 = vector.broadcast %squeeze3A_1352 : f32 to vector<16xf32>
        %mul3A_1371 = arith.mulf %get3A_1369, %mul3A_1370 : vector<16xf32>
        %swap3A_1372 = arith.index_cast %add3A_1354 : i32 to index
        %swap3A_1373 = arith.constant 16 : index
        %swap3A_1374 = tpu.vector_load %arg9[%swap3A_1372, %swap3A_1373] {strides = array<i32>} : memref<128x128xf32, #tpu.memory_space<vmem>>, vector<1x16xf32>,
        %swap3A_1375 = vector.shape_cast %swap3A_1374 : vector<1x16xf32> to vector<16xf32>
        %swap3A_1376 = vector.shape_cast %mul3A_1371 : vector<16xf32> to vector<1x16xf32>
        tpu.vector_store %arg9[%swap3A_1372, %swap3A_1373], %swap3A_1376 {strides = array<i32>} : memref<128x128xf32, #tpu.memory_space<vmem>>, vector<1x16xf32>,
        %get3A_1377 = arith.index_cast %add3A_1354 : i32 to index
        %get3A_1378 = arith.constant 32 : index
        %get3A_1379 = tpu.vector_load %arg9[%get3A_1377, %get3A_1378] {strides = array<i32>} : memref<128x128xf32, #tpu.memory_space<vmem>>, vector<1x16xf32>,
        %get3A_1380 = vector.shape_cast %get3A_1379 : vector<1x16xf32> to vector<16xf32>
        %mul3A_1381 = vector.broadcast %squeeze3A_1352 : f32 to vector<16xf32>
        %mul3A_1382 = arith.mulf %get3A_1380, %mul3A_1381 : vector<16xf32>
        %swap3A_1383 = arith.index_cast %add3A_1354 : i32 to index
        %swap3A_1384 = arith.constant 32 : index
        %swap3A_1385 = tpu.vector_load %arg9[%swap3A_1383, %swap3A_1384] {strides = array<i32>} : memref<128x128xf32, #tpu.memory_space<vmem>>, vector<1x16xf32>,
        %swap3A_1386 = vector.shape_cast %swap3A_1385 : vector<1x16xf32> to vector<16xf32>
        %swap3A_1387 = vector.shape_cast %mul3A_1382 : vector<16xf32> to vector<1x16xf32>
        tpu.vector_store %arg9[%swap3A_1383, %swap3A_1384], %swap3A_1387 {strides = array<i32>} : memref<128x128xf32, #tpu.memory_space<vmem>>, vector<1x16xf32>,
        %get3A_1388 = arith.index_cast %add3A_1354 : i32 to index
        %get3A_1389 = arith.constant 48 : index
        %get3A_1390 = tpu.vector_load %arg9[%get3A_1388, %get3A_1389] {strides = array<i32>} : memref<128x128xf32, #tpu.memory_space<vmem>>, vector<1x16xf32>,
        %get3A_1391 = vector.shape_cast %get3A_1390 : vector<1x16xf32> to vector<16xf32>
        %mul3A_1392 = vector.broadcast %squeeze3A_1352 : f32 to vector<16xf32>
        %mul3A_1393 = arith.mulf %get3A_1391, %mul3A_1392 : vector<16xf32>
        %swap3A_1394 = arith.index_cast %add3A_1354 : i32 to index
        %swap3A_1395 = arith.constant 48 : index
        %swap3A_1396 = tpu.vector_load %arg9[%swap3A_1394, %swap3A_1395] {strides = array<i32>} : memref<128x128xf32, #tpu.memory_space<vmem>>, vector<1x16xf32>,
        %swap3A_1397 = vector.shape_cast %swap3A_1396 : vector<1x16xf32> to vector<16xf32>
        %swap3A_1398 = vector.shape_cast %mul3A_1393 : vector<16xf32> to vector<1x16xf32>
        tpu.vector_store %arg9[%swap3A_1394, %swap3A_1395], %swap3A_1398 {strides = array<i32>} : memref<128x128xf32, #tpu.memory_space<vmem>>, vector<1x16xf32>,
        %get3A_1399 = arith.index_cast %add3A_1354 : i32 to index
        %get3A_1400 = arith.constant 64 : index
        %get3A_1401 = tpu.vector_load %arg9[%get3A_1399, %get3A_1400] {strides = array<i32>} : memref<128x128xf32, #tpu.memory_space<vmem>>, vector<1x16xf32>,
        %get3A_1402 = vector.shape_cast %get3A_1401 : vector<1x16xf32> to vector<16xf32>
        %mul3A_1403 = vector.broadcast %squeeze3A_1352 : f32 to vector<16xf32>
        %mul3A_1404 = arith.mulf %get3A_1402, %mul3A_1403 : vector<16xf32>
        %swap3A_1405 = arith.index_cast %add3A_1354 : i32 to index
        %swap3A_1406 = arith.constant 64 : index
        %swap3A_1407 = tpu.vector_load %arg9[%swap3A_1405, %swap3A_1406] {strides = array<i32>} : memref<128x128xf32, #tpu.memory_space<vmem>>, vector<1x16xf32>,
        %swap3A_1408 = vector.shape_cast %swap3A_1407 : vector<1x16xf32> to vector<16xf32>
        %swap3A_1409 = vector.shape_cast %mul3A_1404 : vector<16xf32> to vector<1x16xf32>
        tpu.vector_store %arg9[%swap3A_1405, %swap3A_1406], %swap3A_1409 {strides = array<i32>} : memref<128x128xf32, #tpu.memory_space<vmem>>, vector<1x16xf32>,
        %get3A_1410 = arith.index_cast %add3A_1354 : i32 to index
        %get3A_1411 = arith.constant 80 : index
        %get3A_1412 = tpu.vector_load %arg9[%get3A_1410, %get3A_1411] {strides = array<i32>} : memref<128x128xf32, #tpu.memory_space<vmem>>, vector<1x16xf32>,
        %get3A_1413 = vector.shape_cast %get3A_1412 : vector<1x16xf32> to vector<16xf32>
        %mul3A_1414 = vector.broadcast %squeeze3A_1352 : f32 to vector<16xf32>
        %mul3A_1415 = arith.mulf %get3A_1413, %mul3A_1414 : vector<16xf32>
        %swap3A_1416 = arith.index_cast %add3A_1354 : i32 to index
        %swap3A_1417 = arith.constant 80 : index
        %swap3A_1418 = tpu.vector_load %arg9[%swap3A_1416, %swap3A_1417] {strides = array<i32>} : memref<128x128xf32, #tpu.memory_space<vmem>>, vector<1x16xf32>,
        %swap3A_1419 = vector.shape_cast %swap3A_1418 : vector<1x16xf32> to vector<16xf32>
        %swap3A_1420 = vector.shape_cast %mul3A_1415 : vector<16xf32> to vector<1x16xf32>
        tpu.vector_store %arg9[%swap3A_1416, %swap3A_1417], %swap3A_1420 {strides = array<i32>} : memref<128x128xf32, #tpu.memory_space<vmem>>, vector<1x16xf32>,
        %get3A_1421 = arith.index_cast %add3A_1354 : i32 to index
        %get3A_1422 = arith.constant 96 : index
        %get3A_1423 = tpu.vector_load %arg9[%get3A_1421, %get3A_1422] {strides = array<i32>} : memref<128x128xf32, #tpu.memory_space<vmem>>, vector<1x16xf32>,
        %get3A_1424 = vector.shape_cast %get3A_1423 : vector<1x16xf32> to vector<16xf32>
        %mul3A_1425 = vector.broadcast %squeeze3A_1352 : f32 to vector<16xf32>
        %mul3A_1426 = arith.mulf %get3A_1424, %mul3A_1425 : vector<16xf32>
        %swap3A_1427 = arith.index_cast %add3A_1354 : i32 to index
        %swap3A_1428 = arith.constant 96 : index
        %swap3A_1429 = tpu.vector_load %arg9[%swap3A_1427, %swap3A_1428] {strides = array<i32>} : memref<128x128xf32, #tpu.memory_space<vmem>>, vector<1x16xf32>,
        %swap3A_1430 = vector.shape_cast %swap3A_1429 : vector<1x16xf32> to vector<16xf32>
        %swap3A_1431 = vector.shape_cast %mul3A_1426 : vector<16xf32> to vector<1x16xf32>
        tpu.vector_store %arg9[%swap3A_1427, %swap3A_1428], %swap3A_1431 {strides = array<i32>} : memref<128x128xf32, #tpu.memory_space<vmem>>, vector<1x16xf32>,
        %get3A_1432 = arith.index_cast %add3A_1354 : i32 to index
        %get3A_1433 = arith.constant 112 : index
        %get3A_1434 = tpu.vector_load %arg9[%get3A_1432, %get3A_1433] {strides = array<i32>} : memref<128x128xf32, #tpu.memory_space<vmem>>, vector<1x16xf32>,
        %get3A_1435 = vector.shape_cast %get3A_1434 : vector<1x16xf32> to vector<16xf32>
        %mul3A_1436 = vector.broadcast %squeeze3A_1352 : f32 to vector<16xf32>
        %mul3A_1437 = arith.mulf %get3A_1435, %mul3A_1436 : vector<16xf32>
        %swap3A_1438 = arith.index_cast %add3A_1354 : i32 to index
        %swap3A_1439 = arith.constant 112 : index
        %swap3A_1440 = tpu.vector_load %arg9[%swap3A_1438, %swap3A_1439] {strides = array<i32>} : memref<128x128xf32, #tpu.memory_space<vmem>>, vector<1x16xf32>,
        %swap3A_1441 = vector.shape_cast %swap3A_1440 : vector<1x16xf32> to vector<16xf32>
        %swap3A_1442 = vector.shape_cast %mul3A_1437 : vector<16xf32> to vector<1x16xf32>
        tpu.vector_store %arg9[%swap3A_1438, %swap3A_1439], %swap3A_1442 {strides = array<i32>} : memref<128x128xf32, #tpu.memory_space<vmem>>, vector<1x16xf32>,
        %slice3A_1443 = vector.extract_strided_slice %bitcast_convert_type3A {offsets = [15], sizes = [1], strides = [1]} : vector<16xf32> to vector<1xf32>
        %squeeze3A_1444 = vector.extract %slice3A_1443[0] : f32 from vector<1xf32>
        %add3A_1445 = arith.constant 15 : i32
        %add3A_1446 = arith.addi %mul3A_65, %add3A_1445 : i32
        %get3A_1447 = arith.index_cast %add3A_1446 : i32 to index
        %get3A_1448 = arith.constant 0 : index
        %get3A_1449 = tpu.vector_load %arg9[%get3A_1447, %get3A_1448] {strides = array<i32>} : memref<128x128xf32, #tpu.memory_space<vmem>>, vector<1x16xf32>,
        %get3A_1450 = vector.shape_cast %get3A_1449 : vector<1x16xf32> to vector<16xf32>
        %mul3A_1451 = vector.broadcast %squeeze3A_1444 : f32 to vector<16xf32>
        %mul3A_1452 = arith.mulf %get3A_1450, %mul3A_1451 : vector<16xf32>
        %swap3A_1453 = arith.index_cast %add3A_1446 : i32 to index
        %swap3A_1454 = arith.constant 0 : index
        %swap3A_1455 = tpu.vector_load %arg9[%swap3A_1453, %swap3A_1454] {strides = array<i32>} : memref<128x128xf32, #tpu.memory_space<vmem>>, vector<1x16xf32>,
        %swap3A_1456 = vector.shape_cast %swap3A_1455 : vector<1x16xf32> to vector<16xf32>
        %swap3A_1457 = vector.shape_cast %mul3A_1452 : vector<16xf32> to vector<1x16xf32>
        tpu.vector_store %arg9[%swap3A_1453, %swap3A_1454], %swap3A_1457 {strides = array<i32>} : memref<128x128xf32, #tpu.memory_space<vmem>>, vector<1x16xf32>,
        %get3A_1458 = arith.index_cast %add3A_1446 : i32 to index
        %get3A_1459 = arith.constant 16 : index
        %get3A_1460 = tpu.vector_load %arg9[%get3A_1458, %get3A_1459] {strides = array<i32>} : memref<128x128xf32, #tpu.memory_space<vmem>>, vector<1x16xf32>,
        %get3A_1461 = vector.shape_cast %get3A_1460 : vector<1x16xf32> to vector<16xf32>
        %mul3A_1462 = vector.broadcast %squeeze3A_1444 : f32 to vector<16xf32>
        %mul3A_1463 = arith.mulf %get3A_1461, %mul3A_1462 : vector<16xf32>
        %swap3A_1464 = arith.index_cast %add3A_1446 : i32 to index
        %swap3A_1465 = arith.constant 16 : index
        %swap3A_1466 = tpu.vector_load %arg9[%swap3A_1464, %swap3A_1465] {strides = array<i32>} : memref<128x128xf32, #tpu.memory_space<vmem>>, vector<1x16xf32>,
        %swap3A_1467 = vector.shape_cast %swap3A_1466 : vector<1x16xf32> to vector<16xf32>
        %swap3A_1468 = vector.shape_cast %mul3A_1463 : vector<16xf32> to vector<1x16xf32>
        tpu.vector_store %arg9[%swap3A_1464, %swap3A_1465], %swap3A_1468 {strides = array<i32>} : memref<128x128xf32, #tpu.memory_space<vmem>>, vector<1x16xf32>,
        %get3A_1469 = arith.index_cast %add3A_1446 : i32 to index
        %get3A_1470 = arith.constant 32 : index
        %get3A_1471 = tpu.vector_load %arg9[%get3A_1469, %get3A_1470] {strides = array<i32>} : memref<128x128xf32, #tpu.memory_space<vmem>>, vector<1x16xf32>,
        %get3A_1472 = vector.shape_cast %get3A_1471 : vector<1x16xf32> to vector<16xf32>
        %mul3A_1473 = vector.broadcast %squeeze3A_1444 : f32 to vector<16xf32>
        %mul3A_1474 = arith.mulf %get3A_1472, %mul3A_1473 : vector<16xf32>
        %swap3A_1475 = arith.index_cast %add3A_1446 : i32 to index
        %swap3A_1476 = arith.constant 32 : index
        %swap3A_1477 = tpu.vector_load %arg9[%swap3A_1475, %swap3A_1476] {strides = array<i32>} : memref<128x128xf32, #tpu.memory_space<vmem>>, vector<1x16xf32>,
        %swap3A_1478 = vector.shape_cast %swap3A_1477 : vector<1x16xf32> to vector<16xf32>
        %swap3A_1479 = vector.shape_cast %mul3A_1474 : vector<16xf32> to vector<1x16xf32>
        tpu.vector_store %arg9[%swap3A_1475, %swap3A_1476], %swap3A_1479 {strides = array<i32>} : memref<128x128xf32, #tpu.memory_space<vmem>>, vector<1x16xf32>,
        %get3A_1480 = arith.index_cast %add3A_1446 : i32 to index
        %get3A_1481 = arith.constant 48 : index
        %get3A_1482 = tpu.vector_load %arg9[%get3A_1480, %get3A_1481] {strides = array<i32>} : memref<128x128xf32, #tpu.memory_space<vmem>>, vector<1x16xf32>,
        %get3A_1483 = vector.shape_cast %get3A_1482 : vector<1x16xf32> to vector<16xf32>
        %mul3A_1484 = vector.broadcast %squeeze3A_1444 : f32 to vector<16xf32>
        %mul3A_1485 = arith.mulf %get3A_1483, %mul3A_1484 : vector<16xf32>
        %swap3A_1486 = arith.index_cast %add3A_1446 : i32 to index
        %swap3A_1487 = arith.constant 48 : index
        %swap3A_1488 = tpu.vector_load %arg9[%swap3A_1486, %swap3A_1487] {strides = array<i32>} : memref<128x128xf32, #tpu.memory_space<vmem>>, vector<1x16xf32>,
        %swap3A_1489 = vector.shape_cast %swap3A_1488 : vector<1x16xf32> to vector<16xf32>
        %swap3A_1490 = vector.shape_cast %mul3A_1485 : vector<16xf32> to vector<1x16xf32>
        tpu.vector_store %arg9[%swap3A_1486, %swap3A_1487], %swap3A_1490 {strides = array<i32>} : memref<128x128xf32, #tpu.memory_space<vmem>>, vector<1x16xf32>,
        %get3A_1491 = arith.index_cast %add3A_1446 : i32 to index
        %get3A_1492 = arith.constant 64 : index
        %get3A_1493 = tpu.vector_load %arg9[%get3A_1491, %get3A_1492] {strides = array<i32>} : memref<128x128xf32, #tpu.memory_space<vmem>>, vector<1x16xf32>,
        %get3A_1494 = vector.shape_cast %get3A_1493 : vector<1x16xf32> to vector<16xf32>
        %mul3A_1495 = vector.broadcast %squeeze3A_1444 : f32 to vector<16xf32>
        %mul3A_1496 = arith.mulf %get3A_1494, %mul3A_1495 : vector<16xf32>
        %swap3A_1497 = arith.index_cast %add3A_1446 : i32 to index
        %swap3A_1498 = arith.constant 64 : index
        %swap3A_1499 = tpu.vector_load %arg9[%swap3A_1497, %swap3A_1498] {strides = array<i32>} : memref<128x128xf32, #tpu.memory_space<vmem>>, vector<1x16xf32>,
        %swap3A_1500 = vector.shape_cast %swap3A_1499 : vector<1x16xf32> to vector<16xf32>
        %swap3A_1501 = vector.shape_cast %mul3A_1496 : vector<16xf32> to vector<1x16xf32>
        tpu.vector_store %arg9[%swap3A_1497, %swap3A_1498], %swap3A_1501 {strides = array<i32>} : memref<128x128xf32, #tpu.memory_space<vmem>>, vector<1x16xf32>,
        %get3A_1502 = arith.index_cast %add3A_1446 : i32 to index
        %get3A_1503 = arith.constant 80 : index
        %get3A_1504 = tpu.vector_load %arg9[%get3A_1502, %get3A_1503] {strides = array<i32>} : memref<128x128xf32, #tpu.memory_space<vmem>>, vector<1x16xf32>,
        %get3A_1505 = vector.shape_cast %get3A_1504 : vector<1x16xf32> to vector<16xf32>
        %mul3A_1506 = vector.broadcast %squeeze3A_1444 : f32 to vector<16xf32>
        %mul3A_1507 = arith.mulf %get3A_1505, %mul3A_1506 : vector<16xf32>
        %swap3A_1508 = arith.index_cast %add3A_1446 : i32 to index
        %swap3A_1509 = arith.constant 80 : index
        %swap3A_1510 = tpu.vector_load %arg9[%swap3A_1508, %swap3A_1509] {strides = array<i32>} : memref<128x128xf32, #tpu.memory_space<vmem>>, vector<1x16xf32>,
        %swap3A_1511 = vector.shape_cast %swap3A_1510 : vector<1x16xf32> to vector<16xf32>
        %swap3A_1512 = vector.shape_cast %mul3A_1507 : vector<16xf32> to vector<1x16xf32>
        tpu.vector_store %arg9[%swap3A_1508, %swap3A_1509], %swap3A_1512 {strides = array<i32>} : memref<128x128xf32, #tpu.memory_space<vmem>>, vector<1x16xf32>,
        %get3A_1513 = arith.index_cast %add3A_1446 : i32 to index
        %get3A_1514 = arith.constant 96 : index
        %get3A_1515 = tpu.vector_load %arg9[%get3A_1513, %get3A_1514] {strides = array<i32>} : memref<128x128xf32, #tpu.memory_space<vmem>>, vector<1x16xf32>,
        %get3A_1516 = vector.shape_cast %get3A_1515 : vector<1x16xf32> to vector<16xf32>
        %mul3A_1517 = vector.broadcast %squeeze3A_1444 : f32 to vector<16xf32>
        %mul3A_1518 = arith.mulf %get3A_1516, %mul3A_1517 : vector<16xf32>
        %swap3A_1519 = arith.index_cast %add3A_1446 : i32 to index
        %swap3A_1520 = arith.constant 96 : index
        %swap3A_1521 = tpu.vector_load %arg9[%swap3A_1519, %swap3A_1520] {strides = array<i32>} : memref<128x128xf32, #tpu.memory_space<vmem>>, vector<1x16xf32>,
        %swap3A_1522 = vector.shape_cast %swap3A_1521 : vector<1x16xf32> to vector<16xf32>
        %swap3A_1523 = vector.shape_cast %mul3A_1518 : vector<16xf32> to vector<1x16xf32>
        tpu.vector_store %arg9[%swap3A_1519, %swap3A_1520], %swap3A_1523 {strides = array<i32>} : memref<128x128xf32, #tpu.memory_space<vmem>>, vector<1x16xf32>,
        %get3A_1524 = arith.index_cast %add3A_1446 : i32 to index
        %get3A_1525 = arith.constant 112 : index
        %get3A_1526 = tpu.vector_load %arg9[%get3A_1524, %get3A_1525] {strides = array<i32>} : memref<128x128xf32, #tpu.memory_space<vmem>>, vector<1x16xf32>,
        %get3A_1527 = vector.shape_cast %get3A_1526 : vector<1x16xf32> to vector<16xf32>
        %mul3A_1528 = vector.broadcast %squeeze3A_1444 : f32 to vector<16xf32>
        %mul3A_1529 = arith.mulf %get3A_1527, %mul3A_1528 : vector<16xf32>
        %swap3A_1530 = arith.index_cast %add3A_1446 : i32 to index
        %swap3A_1531 = arith.constant 112 : index
        %swap3A_1532 = tpu.vector_load %arg9[%swap3A_1530, %swap3A_1531] {strides = array<i32>} : memref<128x128xf32, #tpu.memory_space<vmem>>, vector<1x16xf32>,
        %swap3A_1533 = vector.shape_cast %swap3A_1532 : vector<1x16xf32> to vector<16xf32>
        %swap3A_1534 = vector.shape_cast %mul3A_1529 : vector<16xf32> to vector<1x16xf32>
        tpu.vector_store %arg9[%swap3A_1530, %swap3A_1531], %swap3A_1534 {strides = array<i32>} : memref<128x128xf32, #tpu.memory_space<vmem>>, vector<1x16xf32>,
        %scan3A_1535 = arith.constant 0 : i32
        scf.yield %scan3A_1535 : i32
      }
      %scan3A_54 = arith.constant 8 : i32
      "tpu.region"() ({
        %run_scoped3A = tpu.sem_alloc : memref<!tpu.dma_semaphore, #tpu.memory_space<semaphore_mem>>
        %dma_start3A_56 = arith.constant 0 : i32
        %dma_start3A_57 = arith.constant 0 : i32
        %dma_start3A_58 = tpu.memref_slice %arg6[%dma_start3A_56, %dma_start3A_57] : memref<10240x128xf32, #tpu.memory_space<vmem_shared>> -> memref<10240x128xf32, #tpu.memory_space<vmem_shared>>
        tpu.enqueue_indirect_dma source(%arg9 : memref<128x128xf32, #tpu.memory_space<vmem>>) target(%dma_start3A_58 : memref<10240x128xf32, #tpu.memory_space<vmem_shared>>) offsets(%arg8 : memref<128xi32, #tpu.memory_space<vmem>>) semaphore(%run_scoped3A : memref<!tpu.dma_semaphore, #tpu.memory_space<semaphore_mem>>) {add = true}
        %dma_wait3A_59 = arith.constant 0 : i32
        %dma_wait3A_60 = arith.constant 0 : i32
        %dma_wait3A_61 = tpu.memref_slice %arg6[%dma_wait3A_59, %dma_wait3A_60] : memref<10240x128xf32, #tpu.memory_space<vmem_shared>> -> memref<10240x128xf32, #tpu.memory_space<vmem_shared>>
        tpu.wait_indirect_dma semaphore(%run_scoped3A : memref<!tpu.dma_semaphore, #tpu.memory_space<semaphore_mem>>) src(%arg9 : memref<128x128xf32, #tpu.memory_space<vmem>>) dst(%dma_wait3A_61 : memref<10240x128xf32, #tpu.memory_space<vmem_shared>>)
        tpu.yield
      }) : () -> ()
      %scan3A_55 = arith.constant 0 : i32
      scf.yield %scan3A_55 : i32
    }
    %scan3A_20 = arith.constant 79 : i32
    %barrier3A_21 = arith.constant 0 : index
    tpu.barrier barrier_id(%barrier3A_21)
    %mul3A_22 = arith.constant 640 : i32
    %mul3A_23 = arith.muli %arg1, %mul3A_22 : i32
    %mul3A_24 = arith.constant 640 : i32
    %mul3A_25 = arith.muli %arg1, %mul3A_24 : i32
    "tpu.region"() ({
      %run_scoped3A = tpu.sem_alloc : memref<!tpu.dma_semaphore, #tpu.memory_space<semaphore_mem>>
      %dma_start3A = arith.constant 0 : i32
      %dma_start3A_26 = tpu.memref_slice %arg5[%arg0, %mul3A_25, %dma_start3A] : memref<2x10240x128xf32, #tpu.memory_space<hbm>> -> memref<1x640x128xf32, #tpu.memory_space<hbm>>
      %dma_start3A_27 = tpu.memref_squeeze %dma_start3A_26 : memref<1x640x128xf32, #tpu.memory_space<hbm>> -> memref<640x128xf32, #tpu.memory_space<hbm>>
      %dma_start3A_28 = arith.constant 0 : i32
      %dma_start3A_29 = tpu.memref_slice %arg6[%mul3A_23, %dma_start3A_28] : memref<10240x128xf32, #tpu.memory_space<vmem_shared>> -> memref<640x128xf32, #tpu.memory_space<vmem_shared>>
      tpu.enqueue_dma source(%dma_start3A_29 : memref<640x128xf32, #tpu.memory_space<vmem_shared>>) target(%dma_start3A_27 : memref<640x128xf32, #tpu.memory_space<hbm>>) target_semaphore(%run_scoped3A : memref<!tpu.dma_semaphore, #tpu.memory_space<semaphore_mem>>)
      %dma_wait3A = arith.constant 0 : i32
      %dma_wait3A_30 = tpu.memref_slice %arg5[%arg0, %mul3A_25, %dma_wait3A] : memref<2x10240x128xf32, #tpu.memory_space<hbm>> -> memref<1x640x128xf32, #tpu.memory_space<hbm>>
      %dma_wait3A_31 = tpu.memref_squeeze %dma_wait3A_30 : memref<1x640x128xf32, #tpu.memory_space<hbm>> -> memref<640x128xf32, #tpu.memory_space<hbm>>
      %dma_wait3A_32 = arith.constant 0 : i32
      %dma_wait3A_33 = tpu.memref_slice %arg6[%mul3A_23, %dma_wait3A_32] : memref<10240x128xf32, #tpu.memory_space<vmem_shared>> -> memref<640x128xf32, #tpu.memory_space<vmem_shared>>
      tpu.wait_dma2 semaphore(%run_scoped3A : memref<!tpu.dma_semaphore, #tpu.memory_space<semaphore_mem>>) src(%dma_wait3A_33 : memref<640x128xf32, #tpu.memory_space<vmem_shared>>) dst(%dma_wait3A_31 : memref<640x128xf32, #tpu.memory_space<hbm>>)
      tpu.yield
    }) : () -> ()
    return
  }
}

module attributes {stable_mosaic.version = 14 : i64} {
  func.func @_g1_body(%arg0: i32, %arg1: memref<1024x128xf32, #tpu.memory_space<vmem>>, %arg2: memref<128x128xf32, #tpu.memory_space<vmem>>, %arg3: memref<2x1024xf32, #tpu.memory_space<vmem>>, %arg4: memref<1024x128xf32, #tpu.memory_space<vmem>>) attributes {dimension_semantics = [#tpu.dimension_semantics<arbitrary>], iteration_bounds = array<i64: 10>, scalar_prefetch = 0 : i64, scratch_operands = 0 : i64, tpu.core_type = #tpu.core_type<tc>, window_params = [{transform_indices = @transform_0, window_bounds = array<i64: 1024, 128>}, {pipeline_mode = #tpu.pipeline_mode<synchronous>, transform_indices = @transform_1, window_bounds = array<i64: 128, 128>}, {transform_indices = @transform_2, window_bounds = array<i64: 2, 1024>}, {transform_indices = @transform_3, window_bounds = array<i64: 1024, 128>}]} {
    %get3A = arith.constant 0 : index
    %get3A_0 = arith.constant 0 : index
    %get3A_1 = vector.load %arg1[%get3A, %get3A_0] : memref<1024x128xf32, #tpu.memory_space<vmem>>, vector<1024x128xf32>
    %get3A_2 = arith.constant 0 : index
    %get3A_3 = arith.constant 0 : index
    %get3A_4 = vector.load %arg2[%get3A_2, %get3A_3] : memref<128x128xf32, #tpu.memory_space<vmem>>, vector<128x128xf32>
    %dot_general3A = arith.constant dense<0.000000e+00> : vector<1024x128xf32>
    %dot_general3A_5 = tpu.matmul %get3A_1, %get3A_4, %dot_general3A {dimension_numbers = #tpu.dot_dimension_numbers<[1], [0], [0], [1], [0, 0, 1, 1], [], []>, transpose_lhs_hint = false} : vector<1024x128xf32>, vector<128x128xf32>, vector<1024x128xf32> -> vector<1024x128xf32>
    %get3A_6 = arith.constant 0 : index
    %get3A_7 = arith.constant 0 : index
    %get3A_8 = vector.load %arg3[%get3A_6, %get3A_7] : memref<2x1024xf32, #tpu.memory_space<vmem>>, vector<2x1024xf32>
    %slice3A = vector.extract_strided_slice %get3A_8 {offsets = [0, 0], sizes = [1, 1024], strides = [1, 1]} : vector<2x1024xf32> to vector<1x1024xf32>
    %squeeze3A = vector.shape_cast %slice3A : vector<1x1024xf32> to vector<1024xf32>
    %add3A = arith.constant 1.000000e+00 : f32
    %add3A_9 = vector.broadcast %add3A : f32 to vector<1024xf32>
    %add3A_10 = arith.addf %add3A_9, %squeeze3A : vector<1024xf32>
    %slice3A_11 = vector.extract_strided_slice %get3A_8 {offsets = [1, 0], sizes = [1, 1024], strides = [1, 1]} : vector<2x1024xf32> to vector<1x1024xf32>
    %squeeze3A_12 = vector.shape_cast %slice3A_11 : vector<1x1024xf32> to vector<1024xf32>
    %add3A_13 = arith.addf %add3A_10, %squeeze3A_12 : vector<1024xf32>
    %rsqrt3A = math.rsqrt %add3A_13 : vector<1024xf32>
    %broadcast_in_dim3A = vector.shape_cast %rsqrt3A : vector<1024xf32> to vector<1024x1xf32>
    %mul3A = vector.broadcast %broadcast_in_dim3A : vector<1024x1xf32> to vector<1024x128xf32>
    %mul3A_14 = arith.mulf %dot_general3A_5, %mul3A : vector<1024x128xf32>
    %swap3A = arith.constant 0 : index
    %swap3A_15 = arith.constant 0 : index
    %swap3A_16 = vector.load %arg4[%swap3A, %swap3A_15] : memref<1024x128xf32, #tpu.memory_space<vmem>>, vector<1024x128xf32>
    tpu.vector_store %arg4[%swap3A, %swap3A_15], %mul3A_14 {strides = array<i32>} : memref<1024x128xf32, #tpu.memory_space<vmem>>, vector<1024x128xf32>,
    return
  }
  func.func @transform_0(%arg0: i32) -> (i32, i32) {
    %c0_i32 = arith.constant 0 : i32
    %c0_i32_0 = arith.constant 0 : i32
    return %arg0, %c0_i32 : i32, i32
  }
  func.func @transform_1(%arg0: i32) -> (i32, i32) {
    %c0_i32 = arith.constant 0 : i32
    %c0_i32_0 = arith.constant 0 : i32
    %c0_i32_1 = arith.constant 0 : i32
    return %c0_i32, %c0_i32_0 : i32, i32
  }
  func.func @transform_2(%arg0: i32) -> (i32, i32) {
    %c0_i32 = arith.constant 0 : i32
    %c0_i32_0 = arith.constant 0 : i32
    return %c0_i32, %arg0 : i32, i32
  }
  func.func @transform_3(%arg0: i32) -> (i32, i32) {
    %c0_i32 = arith.constant 0 : i32
    %c0_i32_0 = arith.constant 0 : i32
    return %arg0, %c0_i32 : i32, i32
  }
}

module attributes {stable_mosaic.version = 14 : i64} {
  func.func @_g2_body(%arg0: i32, %arg1: memref<2x1024x128xf32, #tpu.memory_space<vmem>>, %arg2: memref<1024x128xf32, #tpu.memory_space<vmem>>, %arg3: memref<2x1024xf32, #tpu.memory_space<vmem>>, %arg4: memref<1x128xf32, #tpu.memory_space<vmem>>, %arg5: memref<128x128xf32, #tpu.memory_space<vmem>>, %arg6: memref<1024x128xf32, #tpu.memory_space<vmem>>) attributes {dimension_semantics = [#tpu.dimension_semantics<arbitrary>], iteration_bounds = array<i64: 10>, scalar_prefetch = 0 : i64, scratch_operands = 0 : i64, tpu.core_type = #tpu.core_type<tc>, window_params = [{transform_indices = @transform_0, window_bounds = array<i64: 2, 1024, 128>}, {transform_indices = @transform_1, window_bounds = array<i64: 1024, 128>}, {transform_indices = @transform_2, window_bounds = array<i64: 2, 1024>}, {pipeline_mode = #tpu.pipeline_mode<synchronous>, transform_indices = @transform_3, window_bounds = array<i64: 1, 128>}, {pipeline_mode = #tpu.pipeline_mode<synchronous>, transform_indices = @transform_4, window_bounds = array<i64: 128, 128>}, {transform_indices = @transform_5, window_bounds = array<i64: 1024, 128>}]} {
    %get3A = arith.constant 0 : index
    %get3A_0 = arith.constant 0 : index
    %get3A_1 = vector.load %arg3[%get3A, %get3A_0] : memref<2x1024xf32, #tpu.memory_space<vmem>>, vector<2x1024xf32>
    %slice3A = vector.extract_strided_slice %get3A_1 {offsets = [0, 0], sizes = [1, 1024], strides = [1, 1]} : vector<2x1024xf32> to vector<1x1024xf32>
    %squeeze3A = vector.shape_cast %slice3A : vector<1x1024xf32> to vector<1024xf32>
    %add3A = arith.constant 1.000000e+00 : f32
    %add3A_2 = vector.broadcast %add3A : f32 to vector<1024xf32>
    %add3A_3 = arith.addf %add3A_2, %squeeze3A : vector<1024xf32>
    %slice3A_4 = vector.extract_strided_slice %get3A_1 {offsets = [1, 0], sizes = [1, 1024], strides = [1, 1]} : vector<2x1024xf32> to vector<1x1024xf32>
    %squeeze3A_5 = vector.shape_cast %slice3A_4 : vector<1x1024xf32> to vector<1024xf32>
    %add3A_6 = arith.addf %add3A_3, %squeeze3A_5 : vector<1024xf32>
    %rsqrt3A = math.rsqrt %add3A_6 : vector<1024xf32>
    %get3A_7 = arith.constant 0 : index
    %get3A_8 = arith.constant 0 : index
    %get3A_9 = arith.constant 0 : index
    %get3A_10 = vector.load %arg1[%get3A_7, %get3A_8, %get3A_9] : memref<2x1024x128xf32, #tpu.memory_space<vmem>>, vector<1x1024x128xf32>
    %get3A_11 = vector.shape_cast %get3A_10 : vector<1x1024x128xf32> to vector<1024x128xf32>
    %get3A_12 = arith.constant 1 : index
    %get3A_13 = arith.constant 0 : index
    %get3A_14 = arith.constant 0 : index
    %get3A_15 = vector.load %arg1[%get3A_12, %get3A_13, %get3A_14] : memref<2x1024x128xf32, #tpu.memory_space<vmem>>, vector<1x1024x128xf32>
    %get3A_16 = vector.shape_cast %get3A_15 : vector<1x1024x128xf32> to vector<1024x128xf32>
    %add3A_17 = arith.addf %get3A_11, %get3A_16 : vector<1024x128xf32>
    %get3A_18 = arith.constant 0 : index
    %get3A_19 = arith.constant 0 : index
    %get3A_20 = vector.load %arg2[%get3A_18, %get3A_19] : memref<1024x128xf32, #tpu.memory_space<vmem>>, vector<1024x128xf32>
    %add3A_21 = arith.addf %add3A_17, %get3A_20 : vector<1024x128xf32>
    %broadcast_in_dim3A = vector.shape_cast %rsqrt3A : vector<1024xf32> to vector<1024x1xf32>
    %mul3A = vector.broadcast %broadcast_in_dim3A : vector<1024x1xf32> to vector<1024x128xf32>
    %mul3A_22 = arith.mulf %add3A_21, %mul3A : vector<1024x128xf32>
    %get3A_23 = arith.constant 0 : index
    %get3A_24 = arith.constant 0 : index
    %get3A_25 = vector.load %arg4[%get3A_23, %get3A_24] : memref<1x128xf32, #tpu.memory_space<vmem>>, vector<1x128xf32>
    %add3A_26 = vector.broadcast %get3A_25 : vector<1x128xf32> to vector<1024x128xf32>
    %add3A_27 = arith.addf %mul3A_22, %add3A_26 : vector<1024x128xf32>
    %max3A = arith.constant 0.000000e+00 : f32
    %max3A_28 = vector.broadcast %max3A : f32 to vector<1024x128xf32>
    %max3A_29 = arith.maximumf %add3A_27, %max3A_28 : vector<1024x128xf32>
    %get3A_30 = arith.constant 0 : index
    %get3A_31 = arith.constant 0 : index
    %get3A_32 = vector.load %arg5[%get3A_30, %get3A_31] : memref<128x128xf32, #tpu.memory_space<vmem>>, vector<128x128xf32>
    %dot_general3A = arith.constant dense<0.000000e+00> : vector<1024x128xf32>
    %dot_general3A_33 = tpu.matmul %max3A_29, %get3A_32, %dot_general3A {dimension_numbers = #tpu.dot_dimension_numbers<[1], [0], [0], [1], [0, 0, 1, 1], [], []>, transpose_lhs_hint = false} : vector<1024x128xf32>, vector<128x128xf32>, vector<1024x128xf32> -> vector<1024x128xf32>
    %broadcast_in_dim3A_34 = vector.shape_cast %rsqrt3A : vector<1024xf32> to vector<1024x1xf32>
    %mul3A_35 = vector.broadcast %broadcast_in_dim3A_34 : vector<1024x1xf32> to vector<1024x128xf32>
    %mul3A_36 = arith.mulf %dot_general3A_33, %mul3A_35 : vector<1024x128xf32>
    %swap3A = arith.constant 0 : index
    %swap3A_37 = arith.constant 0 : index
    %swap3A_38 = vector.load %arg6[%swap3A, %swap3A_37] : memref<1024x128xf32, #tpu.memory_space<vmem>>, vector<1024x128xf32>
    tpu.vector_store %arg6[%swap3A, %swap3A_37], %mul3A_36 {strides = array<i32>} : memref<1024x128xf32, #tpu.memory_space<vmem>>, vector<1024x128xf32>,
    return
  }
  func.func @transform_0(%arg0: i32) -> (i32, i32, i32) {
    %c0_i32 = arith.constant 0 : i32
    %c0_i32_0 = arith.constant 0 : i32
    %c0_i32_1 = arith.constant 0 : i32
    return %c0_i32, %arg0, %c0_i32_0 : i32, i32, i32
  }
  func.func @transform_1(%arg0: i32) -> (i32, i32) {
    %c0_i32 = arith.constant 0 : i32
    %c0_i32_0 = arith.constant 0 : i32
    return %arg0, %c0_i32 : i32, i32
  }
  func.func @transform_2(%arg0: i32) -> (i32, i32) {
    %c0_i32 = arith.constant 0 : i32
    %c0_i32_0 = arith.constant 0 : i32
    return %c0_i32, %arg0 : i32, i32
  }
  func.func @transform_3(%arg0: i32) -> (i32, i32) {
    %c0_i32 = arith.constant 0 : i32
    %c0_i32_0 = arith.constant 0 : i32
    %c0_i32_1 = arith.constant 0 : i32
    return %c0_i32, %c0_i32_0 : i32, i32
  }
  func.func @transform_4(%arg0: i32) -> (i32, i32) {
    %c0_i32 = arith.constant 0 : i32
    %c0_i32_0 = arith.constant 0 : i32
    %c0_i32_1 = arith.constant 0 : i32
    return %c0_i32, %c0_i32_0 : i32, i32
  }
  func.func @transform_5(%arg0: i32) -> (i32, i32) {
    %c0_i32 = arith.constant 0 : i32
    %c0_i32_0 = arith.constant 0 : i32
    return %arg0, %c0_i32 : i32, i32
  }
}

module attributes {stable_mosaic.version = 14 : i64} {
  func.func @_out_body(%arg0: i32, %arg1: memref<2x1024x128xf32, #tpu.memory_space<vmem>>, %arg2: memref<1024x128xf32, #tpu.memory_space<vmem>>, %arg3: memref<2x1024xf32, #tpu.memory_space<vmem>>, %arg4: memref<1x128xf32, #tpu.memory_space<vmem>>, %arg5: memref<1024x128xf32, #tpu.memory_space<vmem>>) attributes {dimension_semantics = [#tpu.dimension_semantics<arbitrary>], iteration_bounds = array<i64: 10>, scalar_prefetch = 0 : i64, scratch_operands = 0 : i64, tpu.core_type = #tpu.core_type<tc>, window_params = [{transform_indices = @transform_0, window_bounds = array<i64: 2, 1024, 128>}, {transform_indices = @transform_1, window_bounds = array<i64: 1024, 128>}, {transform_indices = @transform_2, window_bounds = array<i64: 2, 1024>}, {pipeline_mode = #tpu.pipeline_mode<synchronous>, transform_indices = @transform_3, window_bounds = array<i64: 1, 128>}, {transform_indices = @transform_4, window_bounds = array<i64: 1024, 128>}]} {
    %get3A = arith.constant 0 : index
    %get3A_0 = arith.constant 0 : index
    %get3A_1 = vector.load %arg3[%get3A, %get3A_0] : memref<2x1024xf32, #tpu.memory_space<vmem>>, vector<2x1024xf32>
    %slice3A = vector.extract_strided_slice %get3A_1 {offsets = [0, 0], sizes = [1, 1024], strides = [1, 1]} : vector<2x1024xf32> to vector<1x1024xf32>
    %squeeze3A = vector.shape_cast %slice3A : vector<1x1024xf32> to vector<1024xf32>
    %add3A = arith.constant 1.000000e+00 : f32
    %add3A_2 = vector.broadcast %add3A : f32 to vector<1024xf32>
    %add3A_3 = arith.addf %add3A_2, %squeeze3A : vector<1024xf32>
    %slice3A_4 = vector.extract_strided_slice %get3A_1 {offsets = [1, 0], sizes = [1, 1024], strides = [1, 1]} : vector<2x1024xf32> to vector<1x1024xf32>
    %squeeze3A_5 = vector.shape_cast %slice3A_4 : vector<1x1024xf32> to vector<1024xf32>
    %add3A_6 = arith.addf %add3A_3, %squeeze3A_5 : vector<1024xf32>
    %rsqrt3A = math.rsqrt %add3A_6 : vector<1024xf32>
    %get3A_7 = arith.constant 0 : index
    %get3A_8 = arith.constant 0 : index
    %get3A_9 = arith.constant 0 : index
    %get3A_10 = vector.load %arg1[%get3A_7, %get3A_8, %get3A_9] : memref<2x1024x128xf32, #tpu.memory_space<vmem>>, vector<1x1024x128xf32>
    %get3A_11 = vector.shape_cast %get3A_10 : vector<1x1024x128xf32> to vector<1024x128xf32>
    %get3A_12 = arith.constant 1 : index
    %get3A_13 = arith.constant 0 : index
    %get3A_14 = arith.constant 0 : index
    %get3A_15 = vector.load %arg1[%get3A_12, %get3A_13, %get3A_14] : memref<2x1024x128xf32, #tpu.memory_space<vmem>>, vector<1x1024x128xf32>
    %get3A_16 = vector.shape_cast %get3A_15 : vector<1x1024x128xf32> to vector<1024x128xf32>
    %add3A_17 = arith.addf %get3A_11, %get3A_16 : vector<1024x128xf32>
    %get3A_18 = arith.constant 0 : index
    %get3A_19 = arith.constant 0 : index
    %get3A_20 = vector.load %arg2[%get3A_18, %get3A_19] : memref<1024x128xf32, #tpu.memory_space<vmem>>, vector<1024x128xf32>
    %add3A_21 = arith.addf %add3A_17, %get3A_20 : vector<1024x128xf32>
    %broadcast_in_dim3A = vector.shape_cast %rsqrt3A : vector<1024xf32> to vector<1024x1xf32>
    %mul3A = vector.broadcast %broadcast_in_dim3A : vector<1024x1xf32> to vector<1024x128xf32>
    %mul3A_22 = arith.mulf %add3A_21, %mul3A : vector<1024x128xf32>
    %get3A_23 = arith.constant 0 : index
    %get3A_24 = arith.constant 0 : index
    %get3A_25 = vector.load %arg4[%get3A_23, %get3A_24] : memref<1x128xf32, #tpu.memory_space<vmem>>, vector<1x128xf32>
    %add3A_26 = vector.broadcast %get3A_25 : vector<1x128xf32> to vector<1024x128xf32>
    %add3A_27 = arith.addf %mul3A_22, %add3A_26 : vector<1024x128xf32>
    %swap3A = arith.constant 0 : index
    %swap3A_28 = arith.constant 0 : index
    %swap3A_29 = vector.load %arg5[%swap3A, %swap3A_28] : memref<1024x128xf32, #tpu.memory_space<vmem>>, vector<1024x128xf32>
    tpu.vector_store %arg5[%swap3A, %swap3A_28], %add3A_27 {strides = array<i32>} : memref<1024x128xf32, #tpu.memory_space<vmem>>, vector<1024x128xf32>,
    return
  }
  func.func @transform_0(%arg0: i32) -> (i32, i32, i32) {
    %c0_i32 = arith.constant 0 : i32
    %c0_i32_0 = arith.constant 0 : i32
    %c0_i32_1 = arith.constant 0 : i32
    return %c0_i32, %arg0, %c0_i32_0 : i32, i32, i32
  }
  func.func @transform_1(%arg0: i32) -> (i32, i32) {
    %c0_i32 = arith.constant 0 : i32
    %c0_i32_0 = arith.constant 0 : i32
    return %arg0, %c0_i32 : i32, i32
  }
  func.func @transform_2(%arg0: i32) -> (i32, i32) {
    %c0_i32 = arith.constant 0 : i32
    %c0_i32_0 = arith.constant 0 : i32
    return %c0_i32, %arg0 : i32, i32
  }
  func.func @transform_3(%arg0: i32) -> (i32, i32) {
    %c0_i32 = arith.constant 0 : i32
    %c0_i32_0 = arith.constant 0 : i32
    %c0_i32_1 = arith.constant 0 : i32
    return %c0_i32, %c0_i32_0 : i32, i32
  }
  func.func @transform_4(%arg0: i32) -> (i32, i32) {
    %c0_i32 = arith.constant 0 : i32
    %c0_i32_0 = arith.constant 0 : i32
    return %arg0, %c0_i32 : i32, i32
  }
}

</mosaic_0001>

<sc_bundles>
// kernel: kernel.11.cloned.1.call-start
scs
__scs_entry_jumppad:
0x0: {  	(pc) =	sbr.rel $0x88, $3  }
0x1: {  	(tag) =	ssettag $0x0;
	lr =	simm.s32 $0x1  }
0x2: {  	[smem:$0x3F9A] =	sst lr;
	_ =	strace $0xD0000000  }
0x3: {  	_ = 	snop  }
0x4: {  	_ = 	snop  }
0x5: {  	_ = 	snop  }
0x6: {  	_ = 	snop  }
0x7: {  	_ = 	snop  }
__scs_overlays_trampoline_lowered:
0x8: {  	[smem:$0x3FA9] =	sst s0  }
0x9: {  	[smem:$0x3FAA] =	sst s1  }
0xa: {  	[smem:$0x3FAB] =	sst s2  }
0xb: {  	[smem:$0x3FAC] =	sst s3  }
0xc: {  	[smem:$0x3FAD] =	sst s4  }
0xd: {  	[smem:$0x3FAE] =	sst s5  }
0xe: {  	[smem:$0x3FAF] =	sst s6  }
0xf: {  	[smem:$0x3FB0] =	sst s7  }
0x10: {  	[smem:$0x3FB1] =	sst s8  }
0x11: {  	[smem:$0x3FB2] =	sst s9;
	s0 =	simm.s32 @!p0 $0x0  }
0x12: {  	s1 =	sld [smem:$0x3F98];
	s0 =	simm.s32 @p0 $0x1  }
0x13: {  	[smem:$0x3FB3] =	sst s0;
	s0 =	simm.s32 @!p1 $0x0  }
0x14: {  	s2 =	sld [smem:$0x3F97];
	s0 =	simm.s32 @p1 $0x1  }
0x15: {  	[smem:$0x3FB4] =	sst s0;
	s0 =	simm.s32 @!p2 $0x0  }
0x16: {  	s3 =	sld [smem:$0x3FDB];
	s0 =	simm.s32 @p2 $0x1  }
0x17: {  	s4 =	simm.s32 $0x1BF5;
	[smem:$0x3FB6] =	sst s0  }
0x18: {  	s0 =	sld [smem:$0x3F99];
	_ =	swait.ge [sflag:s4], $0x0  }
0x19: {  	s7 =	sld [smem:$0x3F9A]  }
0x1a: {  	s8 =	sadd.s32 $0xFFFFE003, lr  }
0x1b: {  	s9 =	sadd.s32 $0xFFFFFEF7, lr;
	s5 =	simm.s32 $0xFFFFFFFF;
	p2 =	slt.u32 s8, $0xFFFFF086  }
0x1c: {  	p1 =	slt.u32 s9, $0xF7A;
	s5 =	simm.s32 @!p2 $0x0  }
0x1d: {  	s5 =	simm.s32 @p1 $0x1;
	p0 =	seq.s32 s7, s2  }
0x1e: {  	s7 =	smul.u32 @!p0 $0xF7A, s2;
	p2 =	seq.s32 @!p0 s5, $0x0  }
0x1f: {  	s9 =	smul.u32 $0xF7A, s1;
	s8 =	simm.s32 @!p0 $0x1BF5;
	p2 =	por !p2, p0  }
0x20: {  	[sflag:s8] =	ssyncset.s32 @!p0 $0xFFFFF086;
	s6 =	sadd.s32 @!p0 s3, s7;
	s7 =	simm.s32 @!p0 $0x108  }
0x21: {  	s3 =	sadd.s32 s3, s9;
	s6 =	sadd.s32 @!p0 $0x88, s6;
	s7 =	simm.s32 @p2 $0x1082  }
0x22: {  	[simem:s7], [sflag:s8] =	dma.local @!p0 [hbm:s6], $0xF7A  }
0x23: {  	s9 =	sor.u32 $0xD0000000, s2;
	s6 =	simm.s32 $0x108;
	_ =	swait.ge @!p0 [sflag:s8], $0x0  }
0x24: {  	s3 =	sadd.s32 $0x88, s3;
	s6 =	simm.s32 @!p1 $0x1082;
	[sflag:s4] =	ssyncset.s32 $0xFFFFF086  }
0x25: {  	[simem:s6], [sflag:s4] =	dma.local [hbm:s3], $0xF7A  }
0x26: {  	[smem:$0x3F9A] =	sst s1;
	(tag) =	ssettag s2;
	_ =	strace s9  }
0x27: {  	s1 =	sld [smem:$0x3FAA]  }
0x28: {  	s2 =	sld [smem:$0x3FAB]  }
0x29: {  	s4 =	sld [smem:$0x3FAD]  }
0x2a: {  	p0 =	seq.s32 s5, $0x0;
	s5 =	sld [smem:$0x3FAE]  }
0x2b: {  	s6 =	sld [smem:$0x3FAF]  }
0x2c: {  	s7 =	sld [smem:$0x3FB0]  }
0x2d: {  	s3 =	simm.s32 $0x108;
	s8 =	sld [smem:$0x3FB1]  }
0x2e: {  	s3 =	simm.s32 @!p0 $0x1082;
	s9 =	sld [smem:$0x3FB2]  }
0x2f: {  	lr =	sadd.s32 s0, s3;
	s0 =	sld [smem:$0x3FA9]  }
0x30: {  	s3 =	sld [smem:$0x3FAC]  }
0x31: {  	[smem:$0x3FB5] =	sst s10  }
0x32: {  	s10 =	sld [smem:$0x3FB3];
	_ =	sdelay $0x3  }
0x33: {  	p0 =	seq.s32 s10, $0x1;
	s10 =	sld [smem:$0x3FB5];
	_ =	sdelay $0x3  }
0x34: {  	[smem:$0x3FB5] =	sst s10  }
0x35: {  	s10 =	sld [smem:$0x3FB4];
	_ =	sdelay $0x3  }
0x36: {  	p1 =	seq.s32 s10, $0x1;
	s10 =	sld [smem:$0x3FB5];
	_ =	sdelay $0x3  }
0x37: {  	[smem:$0x3FB5] =	sst s10  }
0x38: {  	s10 =	sld [smem:$0x3FB6]  }
0x39: {  	_ = 	snop;
	(pc) =	sbr.ind lr, $3  }
0x3a: {  	_ = 	snop  }
0x3b: {  	_ = 	snop  }
0x3c: {  	p2 =	seq.s32 s10, $0x1;
	s10 =	sld [smem:$0x3FB5]  }
0x3d: {  	_ =	shalt  }
0x3e: {  	_ =	shalt  }
0x3f: {  	_ =	shalt  }
0x40: {  	_ =	shalt  }
0x41: {  	_ =	shalt  }
0x42: {  	_ =	shalt  }
0x43: {  	_ =	shalt  }
0x44: {  	_ =	shalt  }
0x45: {  	_ =	shalt  }
0x46: {  	_ =	shalt  }
0x47: {  	_ =	shalt  }
0x48: {  	_ =	shalt  }
0x49: {  	_ =	shalt  }
0x4a: {  	_ =	shalt  }
0x4b: {  	_ =	shalt  }
0x4c: {  	_ =	shalt  }
0x4d: {  	_ =	shalt  }
0x4e: {  	_ =	shalt  }
0x4f: {  	_ =	shalt  }
0x50: {  	_ =	shalt  }
0x51: {  	_ =	shalt  }
0x52: {  	_ =	shalt  }
0x53: {  	_ =	shalt  }
0x54: {  	_ =	shalt  }
0x55: {  	_ =	shalt  }
0x56: {  	_ =	shalt  }
0x57: {  	_ =	shalt  }
0x58: {  	_ =	shalt  }
0x59: {  	_ =	shalt  }
0x5a: {  	_ =	shalt  }
0x5b: {  	_ =	shalt  }
0x5c: {  	_ =	shalt  }
0x5d: {  	_ =	shalt  }
0x5e: {  	_ =	shalt  }
0x5f: {  	_ =	shalt  }
0x60: {  	_ =	shalt  }
0x61: {  	_ =	shalt  }
0x62: {  	_ =	shalt  }
0x63: {  	_ =	shalt  }
0x64: {  	_ =	shalt  }
0x65: {  	_ =	shalt  }
0x66: {  	_ =	shalt  }
0x67: {  	_ =	shalt  }
0x68: {  	_ =	shalt  }
0x69: {  	_ =	shalt  }
0x6a: {  	_ =	shalt  }
0x6b: {  	_ =	shalt  }
0x6c: {  	_ =	shalt  }
0x6d: {  	_ =	shalt  }
0x6e: {  	_ =	shalt  }
0x6f: {  	_ =	shalt  }
0x70: {  	_ =	shalt  }
0x71: {  	_ =	shalt  }
0x72: {  	_ =	shalt  }
0x73: {  	_ =	shalt  }
0x74: {  	_ =	shalt  }
0x75: {  	_ =	shalt  }
0x76: {  	_ =	shalt  }
0x77: {  	_ =	shalt  }
0x78: {  	_ =	shalt  }
0x79: {  	_ =	shalt  }
0x7a: {  	_ =	shalt  }
0x7b: {  	_ =	shalt  }
0x7c: {  	_ =	shalt  }
0x7d: {  	_ =	shalt  }
0x7e: {  	_ =	shalt  }
0x7f: {  	_ =	shalt  }
0x80: {  	_ =	shalt  }
0x81: {  	_ =	shalt  }
0x82: {  	_ =	shalt  }
0x83: {  	_ =	shalt  }
0x84: {  	_ =	shalt  }
0x85: {  	_ =	shalt  }
0x86: {  	_ =	shalt  }
0x87: {  	_ =	shalt  }
.Lfunc_end0:
.L_simem_size_0:
called_computation.1_lowered:
.L_overlay_start_0:
0x88: {  	s2 =	sld [smem:$0x3FD9]  }
0x89: {  	s3 =	sld [smem:$0x3FFE];
	_ =	sdelay $0x1  }
0x8a: {  	s1 =	srdreg.scid  }
0x8b: {  	s0 =	sand.u32 $0x1, s1  }
0x8c: {  	s17 =	sshll.u32 s0, $0xA;
	s2 =	sadd.s32 s3, s2  }
0x8d: {  	s2 =	sadd.s32 s2, s17  }
0x8e: {  	[smem:$0x3FC1] =	sst s2  }
0x8f: {  	_ = 	snop  }
0x90: {  	s2 =	sld [smem:$0x3FD0];
	(tm) =	ssettm $0x1  }
0x91: {  	s18 =	sld [smem:$0x3FFB];
	_ =	sdelay $0x3  }
0x92: {  	_ =	strace s18  }
0x93: {  	s3 =	sld [smem:$0x3FFC];
	_ =	sdelay $0x3  }
0x94: {  	_ =	strace s3  }
0x95: {  	s3 =	sld [smem:$0x3FFD];
	_ =	sdelay $0x3  }
0x96: {  	_ =	strace s3  }
0x97: {  	_ =	strace $0x8FFFFFFF  }
0x98: {  	s19 =	sld [smem:$0x3FDB];
	_ =	sdelay $0x1  }
0x99: {  	s4 =	simm.s32 $_scs_section_size  }
0x9a: {  	s5 =	simm.s32 $_size__tile_overlayer_lowered;
	s6 =	simm.s32 $_tile_overlayer_lowered  }
0x9b: {  	s22 =	simm.s32 $0x1BFF;
	s21 =	sshll.u32 s6, $0x1;
	s3 =	sadd.s32 s4, s19  }
0x9c: {  	s7 =	simm.s32 $0x0;
	s20 =	sshll.u32 s5, $0x1;
	s5 =	sadd.s32 s21, s3  }
0x9d: {  	[timem:s7], [sflag:s22] =	dma.local [hbm:s5], s20  }
0x9e: {  	_ =	swait.ge [sflag:s22], s20  }
0x9f: {  	s4 =	ssub.s32 $0x0, s20;
	[sflag:s22] =	ssyncset.done $0x0  }
0xa0: {  	[sflag:s22] =	ssyncadd.s32 s4;
	_ =	sdelay $0x1  }
0xa1: {  	s23 =	simm.s32 $0x1B8B  }
0xa2: {  	_ =	swait.ge [sflag:s23], $0x1  }
0xa3: {  	[sflag:s23] =	ssyncset.done $0x0  }
0xa4: {  	s25 =	simm.s32 $0x1B8E;
	s24 =	sld [smem:$0x3FFE];
	[sflag:s23] =	ssyncadd.s32 $0xFFFFFFFF  }
0xa5: {  	s26 =	simm.s32 $execute0_lowered;
	[smem:$0x3FD2] =	sst s25  }
0xa6: {  	s5 =	sshll.u32 s26, $0x1;
	_ =	strace $0x80000049;
	[dreg:$0x1] =	wrdreg $0xFFFFFFFF  }
0xa7: {  	s28 =	simm.s32 $_size_execute0_lowered;
	s3 =	sadd.s32 s3, s5;
	[dreg:$0x0] =	wrdreg $0x0  }
0xa8: {  	s5 =	sshll.u32 s28, $0x1;
	[dreg:$0x2] =	wrdreg s3  }
0xa9: {  	[dreg:$0x3] =	wrdreg s5  }
0xaa: {  	[dreg:$0x4] =	wrdreg $0xC0  }
0xab: {  	_ =	task [dreg:s7], $0x5FFFF  }
0xac: {  	[dreg:$0x1] =	wrdreg $0xFFFFFFFF  }
0xad: {  	[dreg:$0x0] =	wrdreg $0x60  }
0xae: {  	[dreg:$0x2] =	wrdreg s24  }
0xaf: {  	[dreg:$0x3] =	wrdreg s2  }
0xb0: {  	[dreg:$0x4] =	wrdreg $0x0  }
0xb1: {  	[dreg:$0x5] =	wrdreg $0x9  }
0xb2: {  	_ =	task.clear_ibuf [dreg:s7], $0x6FFFF;
	_ =	strace $0x90000049  }
0xb3: {  	s29 =	simm.s32 $0x9;
	_ =	strace $0x8000004B  }
0xb4: {  	_ =	swait.ge [sflag:s29], $0x1  }
0xb5: {  	[sflag:s29] =	ssyncadd.s32 $0xFFFFFFFF  }
0xb6: {  	_ =	strace $0x9000004B  }
0xb7: {  	_ =	sfence  }
0xb8: {  	s30 =	sld [smem:$0x0];
	_ =	sdelay $0x2  }
0xb9: {  	s31 =	sshll.u32 s1, $0xD;
	s1 =	sshrl.u32 s1, $0x2  }
0xba: {  	s3 =	sand.u32 $0x4000, s31;
	s1 =	sadd.s32 s1, s30  }
0xbb: {  	s0 =	sor.u32 s3, s0;
	s1 =	sshll.u32 s1, $0x11  }
0xbc: {  	s0 =	sor.u32 s1, s0  }
0xbd: {  	s0 =	sadd.s32 $0x8F2B, s0  }
0xbe: {  	[sflag:s0] =	ssyncadd.remote.s32 $0x1  }
0xbf: {  	_ =	sfence.sel $0xFFFF  }
0xc0: {  	[dreg:$0x0] =	wrdreg $0xFFFFFFFF;
	(pc) =	sbr.abs _section_cstart, $3  }
0xc1: {  	[dreg:$0x1] =	wrdreg $0xFFFFFFFF  }
0xc2: {  	_ =	task.clear_ibuf [dreg:s7], $0x2FFFF;
	_ =	strace $0x9FFFFFFF  }
0xc3: {  	(tm) =	ssettm $0x7FFFFFFF  }
tec
execute0_lowered:
.L_overlay_start_1:
0x0: {  	(tag) =	ssettag $0x1  }
0x1: {  	s7 =	rddreg [dreg:$0x0]  }
0x2: {  	s2 =	rddreg [dreg:$0x1];
	s0 =	srdreg.scid  }
0x3: {  	s3 =	rddreg [dreg:$0x2];
	s1 =	stileid.u32  }
0x4: {  	s4 =	simm.s32 $0x0;
	s15 =	simm.s32 $0x14180;
	s16 =	simm.s32 $0x2  }
0x5: {  	s17 =	simm.s32 $0x14000;
	s18 =	simm.s32 $0x14100;
	s19 =	simm.s32 $0x80  }
0x6: {  	s20 =	simm.s32 $0x1;
	s8 =	sand.u32 $0x1, s0;
	s0 =	rddreg [dreg:$0x3]  }
0x7: {  	s9 =	smul.u32 $0x14000, s1;
	[smem:$0x7FF] =	sst s4;
	s5 =	sadd.s32 $0x16800, s7  }
0x8: {  	s10 =	smul.u32 $0x50000, s1;
	s11 =	sshll.u32 s1, $0x1;
	s21 =	sshll.u32 s1, $0x6  }
0x9: {  	s6 =	smul.u32 $0x140000, s8;
	_ =	strace $0x8000004A;
	s30 =	ssub.s32 $0x2, s8  }
0xa: {  	s8 =	sor.u32 s8, s11;
	s21 =	sor.u32 $0x1C02, s21;
	s12 =	sshrl.u32 s30, $0x1  }
0xb: {  	s10 =	sshrl.u32 s10, $0x2;
	s8 =	smul.u32 $0x2780, s8;
	s9 =	sadd.s32 s9, s6  }
0xc: {  	s6 =	sadd.s32 $0xCA00, s7;
	s31 =	ssub.s32 s30, s12;
	s9 =	sshrl.u32 s9, $0x3  }
0xd: {  	s9 =	sadd.s32 s9, s7;
	s7 =	sadd.s32 s10, s3;
	s10 =	smax.u32 s31, $0x1  }
0xe: {  	s9 =	sadd.s32 $0x3E800, s9;
	s11 =	sadd.s32 $0x4000, s7;
	s12 =	sadd.s32 $0x8000, s7  }
0xf: {  	v0 =	vimm.f32 $0.0e+00;
	s13 =	sadd.s32 $0xC000, s7;
	s14 =	sadd.s32 $0x10000, s7;
	s22 =	sshrl.u32 s7, $0x3  }
.LBB2_1:
0x10: {  	s23 =	simm.s32 $0x0;
	s24 =	simm.s32 $0x200  }
.LBB2_2:
0x11: {  	p0 =	sne.s32 s24, $0xFE00;
	[tilespmem:s23+$0x141F0] =	vst v0  }
0x12: {  	[tilespmem:s23+$0x14180] =	vst v0  }
0x13: {  	[tilespmem:s23+$0x14190] =	vst v0  }
.Ltmp0:
0x14: {  	[tilespmem:s23+$0x141A0] =	vst v0;
	(pc) =	sbr.rel @p0 .LBB2_2-.Ltmp0, $4  }
0x15: {  	[tilespmem:s23+$0x141B0] =	vst v0  }
0x16: {  	[tilespmem:s23+$0x141C0] =	vst v0  }
0x17: {  	[tilespmem:s23+$0x141D0] =	vst v0  }
0x18: {  	[tilespmem:s23+$0x141E0] =	vst v0;
	s23 =	sshra.s32 s24, $0x2;
	s24 =	sadd.s32 $0x200, s24  }
0x19: {  	[tilespmem:s23+$0x141F0] =	vst v0  }
0x1a: {  	[tilespmem:s23+$0x14180] =	vst v0  }
0x1b: {  	[tilespmem:s23+$0x14190] =	vst v0  }
0x1c: {  	[tilespmem:s23+$0x141A0] =	vst v0  }
0x1d: {  	[tilespmem:s23+$0x141B0] =	vst v0  }
0x1e: {  	[tilespmem:s23+$0x141C0] =	vst v0  }
0x1f: {  	[tilespmem:s23+$0x141D0] =	vst v0  }
0x20: {  	[tilespmem:s23+$0x141E0] =	vst v0  }
0x21: {  	[spmem:s7] =	stream.linear.scatter [tilespmem:s15], [sflag:$0x2], $0x4000, $0x38;
	[tilespmem:$0x18180] =	vst v63  }
0x22: {  	_ =	swait.ge [sflag:s16], $0x4000  }
0x23: {  	[sflag:s16] =	ssyncset.done $0x0  }
0x24: {  	[sflag:s16] =	ssyncadd.s32 $0xFFFFC000  }
0x25: {  	[spmem:s11] =	stream.linear.scatter [tilespmem:s15], [sflag:$0x2], $0x4000, $0x38;
	[tilespmem:$0x18180] =	vst v63  }
0x26: {  	_ =	swait.ge [sflag:s16], $0x4000  }
0x27: {  	[sflag:s16] =	ssyncset.done $0x0  }
0x28: {  	[sflag:s16] =	ssyncadd.s32 $0xFFFFC000  }
0x29: {  	[spmem:s12] =	stream.linear.scatter [tilespmem:s15], [sflag:$0x2], $0x4000, $0x38;
	[tilespmem:$0x18180] =	vst v63  }
0x2a: {  	_ =	swait.ge [sflag:s16], $0x4000  }
0x2b: {  	[sflag:s16] =	ssyncset.done $0x0  }
0x2c: {  	[sflag:s16] =	ssyncadd.s32 $0xFFFFC000  }
0x2d: {  	[spmem:s13] =	stream.linear.scatter [tilespmem:s15], [sflag:$0x2], $0x4000, $0x38;
	[tilespmem:$0x18180] =	vst v63  }
0x2e: {  	_ =	swait.ge [sflag:s16], $0x4000  }
0x2f: {  	[sflag:s16] =	ssyncset.done $0x0  }
0x30: {  	[sflag:s16] =	ssyncadd.s32 $0xFFFFC000  }
0x31: {  	[spmem:s14] =	stream.linear.scatter [tilespmem:s15], [sflag:$0x2], $0x4000, $0x38;
	[tilespmem:$0x18180] =	vst v63  }
0x32: {  	_ =	swait.ge [sflag:s16], $0x4000  }
0x33: {  	[sflag:s16] =	ssyncset.done $0x0  }
0x34: {  	[sflag:s16] =	ssyncadd.s32 $0xFFFFC000  }
0x35: {  	s23 =	simm.s32 $0x0;
	s24 =	simm.s32 $0x0;
	[bflag:$0x0] =	sbarrier.arrive $0xFFFF  }
.LBB2_4:
0x36: {  	s25 =	sshll.u32 s24, $0x7  }
0x37: {  	s25 =	sadd.s32 s8, s25  }
0x38: {  	s26 =	sshrl.u32 s25, $0x2  }
0x39: {  	s26 =	sadd.s32 s2, s26  }
0x3a: {  	[tilespmem:s17], [sflag:$0x2] =	stream.linear.gather [hbm4b:s26+s23], $0x100, $0x38;
	[tilespmem:$0x18180] =	vst v63  }
0x3b: {  	_ =	swait.ge [sflag:s16], $0x100  }
0x3c: {  	s25 =	sshrl.u32 s25, $0x3;
	[sflag:s16] =	ssyncset.done $0x0  }
0x3d: {  	s25 =	sadd.s32 s6, s25;
	[sflag:s16] =	ssyncadd.s32 $0xFFFFFF00  }
0x3e: {  	[tilespmem:s18], [sflag:$0x2] =	stream.linear.gather [hbm4b:s25+s23], $0x80, $0x38;
	[tilespmem:$0x18180] =	vst v63  }
0x3f: {  	_ =	swait.ge [sflag:s16], $0x80  }
0x40: {  	[sflag:s16] =	ssyncset.done $0x0  }
0x41: {  	[sflag:s16] =	ssyncadd.s32 $0xFFFFFF80  }
0x42: {  	[tilespmem:s15], [sflag:$0x1] =	stream.indirect.gather [hbm4b:s5+s19], $0x80, s17, s19, $0xb8;
	[tilespmem:$0x18180] =	vst v63  }
0x43: {  	_ =	swait.ge [sflag:s20], $0x4000  }
0x44: {  	s30 =	simm.s32 $0x0;
	[sflag:s20] =	ssyncset.done $0x0  }
0x45: {  	s25 =	sand.u32 $0x3FFFFFF0, s30;
	[sflag:s20] =	ssyncadd.s32 $0xFFFFC000  }
0x46: {  	s31 =	simm.s32 $0x0;
	v1 =	vld [tilespmem:s25+$0x14080]  }
0x47: {  	s25 =	sand.u32 $0x3FFFF800, s31  }
0x48: {  	v3 =	vld [tilespmem:s25+$0x141A0]  }
0x49: {  	v4 =	vld [tilespmem:s25+$0x141B0]  }
0x4a: {  	v10 =	vld [tilespmem:s25+$0x141E0]  }
0x4b: {  	v11 =	vld [tilespmem:s25+$0x141F0];
	v2 =	vbroadcast v1, $0x0  }
0x4c: {  	v12 =	vld [tilespmem:s25+$0x14200]  }
0x4d: {  	v13 =	vld [tilespmem:s25+$0x14210];
	v3 =	vmul.f32 v3, v2  }
0x4e: {  	v14 =	vld [tilespmem:s25+$0x14220];
	v4 =	vmul.f32 v4, v2  }
0x4f: {  	v9 =	vld [tilespmem:s25+$0x14230];
	v23 =	vbroadcast v1, $0x1;
	v22 =	vmul.f32 v10, v2;
	[tilespmem:s25+$0x141A0] =	vst v3  }
0x50: {  	v7 =	vld [tilespmem:s25+$0x14240];
	v11 =	vmul.f32 v11, v2;
	[tilespmem:s25+$0x141B0] =	vst v4  }
0x51: {  	v8 =	vld [tilespmem:s25+$0x14250];
	v12 =	vmul.f32 v12, v23;
	[tilespmem:s25+$0x141E0] =	vst v22  }
0x52: {  	v25 =	vld [tilespmem:s25+$0x14270];
	v13 =	vmul.f32 v13, v23;
	[tilespmem:s25+$0x141F0] =	vst v11  }
0x53: {  	v26 =	vld [tilespmem:s25+$0x14280];
	v14 =	vmul.f32 v14, v23;
	[tilespmem:s25+$0x14200] =	vst v12  }
0x54: {  	v27 =	vld [tilespmem:s25+$0x14290];
	v9 =	vmul.f32 v9, v23;
	[tilespmem:s25+$0x14210] =	vst v13  }
0x55: {  	v6 =	vld [tilespmem:s25+$0x146F0];
	v7 =	vmul.f32 v7, v23;
	[tilespmem:s25+$0x14220] =	vst v14  }
0x56: {  	v24 =	vld [tilespmem:s25+$0x14260];
	v15 =	vbroadcast v1, $0x2;
	v8 =	vmul.f32 v8, v23;
	[tilespmem:s25+$0x14230] =	vst v9  }
0x57: {  	v28 =	vld [tilespmem:s25+$0x142A0];
	v10 =	vmul.f32 v25, v23;
	[tilespmem:s25+$0x14240] =	vst v7  }
0x58: {  	v29 =	vld [tilespmem:s25+$0x142B0];
	v5 =	vbroadcast v1, $0xA;
	v32 =	vmul.f32 v26, v15;
	[tilespmem:s25+$0x14250] =	vst v8  }
0x59: {  	v30 =	vld [tilespmem:s25+$0x142C0];
	v34 =	vmul.f32 v27, v15;
	[tilespmem:s25+$0x14270] =	vst v10  }
0x5a: {  	v33 =	vld [tilespmem:s25+$0x142E0];
	v3 =	vmul.f32 v6, v5;
	[tilespmem:s25+$0x14280] =	vst v32  }
0x5b: {  	v35 =	vld [tilespmem:s25+$0x142F0];
	v11 =	vmul.f32 v24, v23;
	[tilespmem:s25+$0x14290] =	vst v34  }
0x5c: {  	v36 =	vld [tilespmem:s25+$0x14300];
	v9 =	vmul.f32 v28, v15;
	[tilespmem:s25+$0x146F0] =	vst v3  }
0x5d: {  	v31 =	vld [tilespmem:s25+$0x142D0];
	v7 =	vmul.f32 v29, v15;
	[tilespmem:s25+$0x14260] =	vst v11  }
0x5e: {  	v37 =	vld [tilespmem:s25+$0x14310];
	v8 =	vmul.f32 v30, v15;
	[tilespmem:s25+$0x142A0] =	vst v9  }
0x5f: {  	v38 =	vld [tilespmem:s25+$0x14320];
	v41 =	vbroadcast v1, $0x3;
	v10 =	vmul.f32 v33, v15;
	[tilespmem:s25+$0x142B0] =	vst v7  }
0x60: {  	v39 =	vld [tilespmem:s25+$0x14330];
	v12 =	vmul.f32 v35, v15;
	[tilespmem:s25+$0x142C0] =	vst v8  }
0x61: {  	v42 =	vld [tilespmem:s25+$0x14350];
	v13 =	vmul.f32 v36, v41;
	[tilespmem:s25+$0x142E0] =	vst v10  }
0x62: {  	v43 =	vld [tilespmem:s25+$0x14360];
	v11 =	vmul.f32 v31, v15;
	[tilespmem:s25+$0x142F0] =	vst v12  }
0x63: {  	v44 =	vld [tilespmem:s25+$0x14370];
	v9 =	vmul.f32 v37, v41;
	[tilespmem:s25+$0x14300] =	vst v13  }
0x64: {  	v40 =	vld [tilespmem:s25+$0x14340];
	v7 =	vmul.f32 v38, v41;
	[tilespmem:s25+$0x142D0] =	vst v11  }
0x65: {  	v45 =	vld [tilespmem:s25+$0x14380];
	v8 =	vmul.f32 v39, v41;
	[tilespmem:s25+$0x14310] =	vst v9  }
0x66: {  	v46 =	vld [tilespmem:s25+$0x14390];
	v10 =	vmul.f32 v42, v41;
	[tilespmem:s25+$0x14320] =	vst v7  }
0x67: {  	v47 =	vld [tilespmem:s25+$0x143A0];
	v12 =	vmul.f32 v43, v41;
	[tilespmem:s25+$0x14330] =	vst v8  }
0x68: {  	v49 =	vld [tilespmem:s25+$0x143C0];
	v50 =	vbroadcast v1, $0x4;
	v13 =	vmul.f32 v44, v41;
	[tilespmem:s25+$0x14350] =	vst v10  }
0x69: {  	v51 =	vld [tilespmem:s25+$0x143D0];
	v11 =	vmul.f32 v40, v41;
	[tilespmem:s25+$0x14360] =	vst v12  }
0x6a: {  	v52 =	vld [tilespmem:s25+$0x143E0];
	v9 =	vmul.f32 v45, v50;
	[tilespmem:s25+$0x14370] =	vst v13  }
0x6b: {  	v48 =	vld [tilespmem:s25+$0x143B0];
	v7 =	vmul.f32 v46, v50;
	[tilespmem:s25+$0x14340] =	vst v11  }
0x6c: {  	v53 =	vld [tilespmem:s25+$0x143F0];
	v8 =	vmul.f32 v47, v50;
	[tilespmem:s25+$0x14380] =	vst v9  }
0x6d: {  	v54 =	vld [tilespmem:s25+$0x14400];
	v10 =	vmul.f32 v49, v50;
	[tilespmem:s25+$0x14390] =	vst v7  }
0x6e: {  	v55 =	vld [tilespmem:s25+$0x14410];
	v12 =	vmul.f32 v51, v50;
	[tilespmem:s25+$0x143A0] =	vst v8  }
0x6f: {  	v57 =	vld [tilespmem:s25+$0x14430];
	v13 =	vmul.f32 v52, v50;
	[tilespmem:s25+$0x143C0] =	vst v10  }
0x70: {  	v58 =	vld [tilespmem:s25+$0x14440];
	v59 =	vbroadcast v1, $0x5;
	v11 =	vmul.f32 v48, v50;
	[tilespmem:s25+$0x143D0] =	vst v12  }
0x71: {  	v60 =	vld [tilespmem:s25+$0x14450];
	v9 =	vmul.f32 v53, v50;
	[tilespmem:s25+$0x143E0] =	vst v13  }
0x72: {  	v56 =	vld [tilespmem:s25+$0x14420];
	v7 =	vmul.f32 v54, v59;
	[tilespmem:s25+$0x143B0] =	vst v11  }
0x73: {  	v61 =	vld [tilespmem:s25+$0x14460];
	v8 =	vmul.f32 v55, v59;
	[tilespmem:s25+$0x143F0] =	vst v9  }
0x74: {  	v62 =	vld [tilespmem:s25+$0x14470];
	v10 =	vmul.f32 v57, v59;
	[tilespmem:s25+$0x14400] =	vst v7  }
0x75: {  	v63 =	vld [tilespmem:s25+$0x14480];
	v12 =	vmul.f32 v58, v59;
	[tilespmem:s25+$0x14410] =	vst v8  }
0x76: {  	v19 =	vld [tilespmem:s25+$0x144A0];
	v13 =	vmul.f32 v60, v59;
	[tilespmem:s25+$0x14430] =	vst v10  }
0x77: {  	v20 =	vld [tilespmem:s25+$0x144B0];
	v11 =	vmul.f32 v56, v59;
	[tilespmem:s25+$0x14440] =	vst v12  }
0x78: {  	v21 =	vld [tilespmem:s25+$0x144C0];
	v22 =	vbroadcast v1, $0x6;
	v9 =	vmul.f32 v61, v59;
	[tilespmem:s25+$0x14450] =	vst v13  }
0x79: {  	v18 =	vld [tilespmem:s25+$0x14490];
	v7 =	vmul.f32 v62, v59;
	[tilespmem:s25+$0x14420] =	vst v11  }
0x7a: {  	v23 =	vld [tilespmem:s25+$0x144D0];
	v8 =	vmul.f32 v63, v22;
	[tilespmem:s25+$0x14460] =	vst v9  }
0x7b: {  	v24 =	vld [tilespmem:s25+$0x144E0];
	v10 =	vmul.f32 v19, v22;
	[tilespmem:s25+$0x14470] =	vst v7  }
0x7c: {  	v25 =	vld [tilespmem:s25+$0x144F0];
	v12 =	vmul.f32 v20, v22;
	[tilespmem:s25+$0x14480] =	vst v8  }
0x7d: {  	v27 =	vld [tilespmem:s25+$0x14510];
	v13 =	vmul.f32 v21, v22;
	[tilespmem:s25+$0x144A0] =	vst v10  }
0x7e: {  	v28 =	vld [tilespmem:s25+$0x14520];
	v11 =	vmul.f32 v18, v22;
	[tilespmem:s25+$0x144B0] =	vst v12  }
0x7f: {  	v29 =	vld [tilespmem:s25+$0x14530];
	v9 =	vmul.f32 v23, v22;
	[tilespmem:s25+$0x144C0] =	vst v13  }
0x80: {  	v31 =	vbroadcast v1, $0x7;
	v53 =	vld [tilespmem:s25+$0x14680];
	v7 =	vmul.f32 v24, v22;
	[tilespmem:s25+$0x14490] =	vst v11  }
0x81: {  	v57 =	vld [tilespmem:s25+$0x146C0];
	v8 =	vmul.f32 v25, v22;
	[tilespmem:s25+$0x144D0] =	vst v9  }
0x82: {  	v58 =	vld [tilespmem:s25+$0x146D0];
	v10 =	vmul.f32 v27, v31;
	[tilespmem:s25+$0x144E0] =	vst v7  }
0x83: {  	v26 =	vld [tilespmem:s25+$0x14500];
	v12 =	vmul.f32 v28, v31;
	[tilespmem:s25+$0x144F0] =	vst v8  }
0x84: {  	v30 =	vld [tilespmem:s25+$0x14540];
	v13 =	vmul.f32 v29, v31;
	[tilespmem:s25+$0x14510] =	vst v10  }
0x85: {  	v32 =	vld [tilespmem:s25+$0x14550];
	v59 =	vmul.f32 v53, v5;
	[tilespmem:s25+$0x14520] =	vst v12  }
0x86: {  	v33 =	vld [tilespmem:s25+$0x14560];
	v18 =	vmul.f32 v57, v5;
	[tilespmem:s25+$0x14530] =	vst v13  }
0x87: {  	v35 =	vld [tilespmem:s25+$0x14580];
	v20 =	vmul.f32 v58, v5;
	[tilespmem:s25+$0x14680] =	vst v59  }
0x88: {  	v36 =	vld [tilespmem:s25+$0x14590];
	v11 =	vmul.f32 v26, v31;
	[tilespmem:s25+$0x146C0] =	vst v18  }
0x89: {  	v37 =	vld [tilespmem:s25+$0x145A0];
	v9 =	vmul.f32 v30, v31;
	[tilespmem:s25+$0x146D0] =	vst v20  }
0x8a: {  	v4 =	vld [tilespmem:s25+$0x14700];
	v40 =	vbroadcast v1, $0x8;
	v7 =	vmul.f32 v32, v31;
	[tilespmem:s25+$0x14500] =	vst v11  }
0x8b: {  	v6 =	vld [tilespmem:s25+$0x14710];
	v8 =	vmul.f32 v33, v31;
	[tilespmem:s25+$0x14540] =	vst v9  }
0x8c: {  	v3 =	vld [tilespmem:s25+$0x14950];
	v10 =	vmul.f32 v35, v40;
	[tilespmem:s25+$0x14550] =	vst v7  }
0x8d: {  	v61 =	vld [tilespmem:s25+$0x14180];
	v23 =	vbroadcast v1, $0xB;
	v12 =	vmul.f32 v36, v40;
	[tilespmem:s25+$0x14560] =	vst v8  }
0x8e: {  	v34 =	vld [tilespmem:s25+$0x14570];
	v13 =	vmul.f32 v37, v40;
	[tilespmem:s25+$0x14580] =	vst v10  }
0x8f: {  	v38 =	vld [tilespmem:s25+$0x145B0];
	v27 =	vbroadcast v1, $0xF;
	v4 =	vmul.f32 v4, v23;
	[tilespmem:s25+$0x14590] =	vst v12  }
0x90: {  	v39 =	vld [tilespmem:s25+$0x145C0];
	v6 =	vmul.f32 v6, v23;
	[tilespmem:s25+$0x145A0] =	vst v13  }
0x91: {  	v41 =	vld [tilespmem:s25+$0x145D0];
	v3 =	vmul.f32 v3, v27;
	[tilespmem:s25+$0x14700] =	vst v4  }
0x92: {  	v43 =	vld [tilespmem:s25+$0x145F0];
	v24 =	vmul.f32 v2, v61;
	[tilespmem:s25+$0x14710] =	vst v6  }
0x93: {  	v44 =	vld [tilespmem:s25+$0x14600];
	v11 =	vmul.f32 v34, v31;
	[tilespmem:s25+$0x14950] =	vst v3  }
0x94: {  	v45 =	vld [tilespmem:s25+$0x14610];
	v9 =	vmul.f32 v38, v40;
	[tilespmem:s25+$0x14180] =	vst v24  }
0x95: {  	v63 =	vld [tilespmem:s25+$0x141C0];
	v7 =	vmul.f32 v39, v40;
	[tilespmem:s25+$0x14570] =	vst v11  }
0x96: {  	v49 =	vbroadcast v1, $0x9;
	v29 =	vld [tilespmem:s25+$0x14770];
	v8 =	vmul.f32 v41, v40;
	[tilespmem:s25+$0x145B0] =	vst v9  }
0x97: {  	v42 =	vld [tilespmem:s25+$0x145E0];
	v10 =	vmul.f32 v43, v40;
	[tilespmem:s25+$0x145C0] =	vst v7  }
0x98: {  	v46 =	vld [tilespmem:s25+$0x14620];
	v12 =	vmul.f32 v44, v49;
	[tilespmem:s25+$0x145D0] =	vst v8  }
0x99: {  	v47 =	vld [tilespmem:s25+$0x14630];
	v13 =	vmul.f32 v45, v49;
	[tilespmem:s25+$0x145F0] =	vst v10  }
0x9a: {  	v48 =	vld [tilespmem:s25+$0x14640];
	v3 =	vmul.f32 v63, v2;
	[tilespmem:s25+$0x14600] =	vst v12  }
0x9b: {  	v51 =	vld [tilespmem:s25+$0x14660];
	v6 =	vmul.f32 v29, v23;
	[tilespmem:s25+$0x14610] =	vst v13  }
0x9c: {  	v52 =	vld [tilespmem:s25+$0x14670];
	v11 =	vmul.f32 v42, v40;
	[tilespmem:s25+$0x141C0] =	vst v3  }
0x9d: {  	v28 =	vld [tilespmem:s25+$0x14760];
	v9 =	vmul.f32 v46, v49;
	[tilespmem:s25+$0x14770] =	vst v6  }
0x9e: {  	v26 =	vld [tilespmem:s25+$0x14750];
	v7 =	vmul.f32 v47, v49;
	[tilespmem:s25+$0x145E0] =	vst v11  }
0x9f: {  	v30 =	vld [tilespmem:s25+$0x14780];
	v8 =	vmul.f32 v48, v49;
	[tilespmem:s25+$0x14620] =	vst v9  }
0xa0: {  	v50 =	vld [tilespmem:s25+$0x14650];
	v10 =	vmul.f32 v51, v49;
	[tilespmem:s25+$0x14630] =	vst v7  }
0xa1: {  	v54 =	vld [tilespmem:s25+$0x14690];
	v12 =	vmul.f32 v52, v49;
	[tilespmem:s25+$0x14640] =	vst v8  }
0xa2: {  	v55 =	vld [tilespmem:s25+$0x146A0];
	v35 =	vbroadcast v1, $0xC;
	v40 =	vmul.f32 v28, v23;
	[tilespmem:s25+$0x14660] =	vst v10  }
0xa3: {  	v56 =	vld [tilespmem:s25+$0x146B0];
	v32 =	vmul.f32 v26, v23;
	[tilespmem:s25+$0x14670] =	vst v12  }
0xa4: {  	v60 =	vld [tilespmem:s25+$0x146E0];
	v15 =	vmul.f32 v30, v35;
	[tilespmem:s25+$0x14760] =	vst v40  }
0xa5: {  	v62 =	vld [tilespmem:s25+$0x14190];
	v11 =	vmul.f32 v50, v49;
	[tilespmem:s25+$0x14750] =	vst v32  }
0xa6: {  	v19 =	vld [tilespmem:s25+$0x141D0];
	v9 =	vmul.f32 v54, v5;
	[tilespmem:s25+$0x14780] =	vst v15  }
0xa7: {  	v33 =	vld [tilespmem:s25+$0x147B0];
	v7 =	vmul.f32 v55, v5;
	[tilespmem:s25+$0x14650] =	vst v11  }
0xa8: {  	v61 =	vld [tilespmem:s25+$0x14970];
	v8 =	vmul.f32 v56, v5;
	[tilespmem:s25+$0x14690] =	vst v9  }
0xa9: {  	v38 =	vld [tilespmem:s25+$0x147F0];
	v5 =	vmul.f32 v60, v5;
	[tilespmem:s25+$0x146A0] =	vst v7  }
0xaa: {  	v21 =	vld [tilespmem:s25+$0x14720];
	v12 =	vmul.f32 v62, v2;
	[tilespmem:s25+$0x146B0] =	vst v8  }
0xab: {  	v22 =	vld [tilespmem:s25+$0x14730];
	v2 =	vmul.f32 v19, v2;
	[tilespmem:s25+$0x146E0] =	vst v5  }
0xac: {  	v25 =	vld [tilespmem:s25+$0x14740];
	v62 =	vmul.f32 v33, v35;
	[tilespmem:s25+$0x14190] =	vst v12  }
0xad: {  	v31 =	vld [tilespmem:s25+$0x14790];
	v63 =	vmul.f32 v61, v27;
	[tilespmem:s25+$0x141D0] =	vst v2  }
0xae: {  	v34 =	vld [tilespmem:s25+$0x147C0];
	v15 =	vmul.f32 v38, v35;
	[tilespmem:s25+$0x147B0] =	vst v62  }
0xaf: {  	v41 =	vld [tilespmem:s25+$0x14820];
	v7 =	vmul.f32 v21, v23;
	[tilespmem:s25+$0x14970] =	vst v63  }
0xb0: {  	v46 =	vld [tilespmem:s25+$0x14860];
	v8 =	vmul.f32 v22, v23;
	[tilespmem:s25+$0x147F0] =	vst v15  }
0xb1: {  	v36 =	vld [tilespmem:s25+$0x147D0];
	v5 =	vmul.f32 v25, v23;
	[tilespmem:s25+$0x14720] =	vst v7  }
0xb2: {  	v44 =	vbroadcast v1, $0xD;
	v9 =	vmul.f32 v31, v35;
	v2 =	vld [tilespmem:s25+$0x14810];
	[tilespmem:s25+$0x14730] =	vst v8  }
0xb3: {  	v37 =	vld [tilespmem:s25+$0x147E0];
	v12 =	vmul.f32 v34, v35;
	[tilespmem:s25+$0x14740] =	vst v5  }
0xb4: {  	v39 =	vld [tilespmem:s25+$0x14800];
	v11 =	vmul.f32 v41, v44;
	[tilespmem:s25+$0x14790] =	vst v9  }
0xb5: {  	v42 =	vld [tilespmem:s25+$0x14830];
	v51 =	vmul.f32 v46, v44;
	[tilespmem:s25+$0x147C0] =	vst v12  }
0xb6: {  	v48 =	vld [tilespmem:s25+$0x14890];
	v8 =	vmul.f32 v36, v35;
	[tilespmem:s25+$0x14820] =	vst v11  }
0xb7: {  	v49 =	vld [tilespmem:s25+$0x148A0];
	[tilespmem:s25+$0x14860] =	vst v51;
	v2 =	vmul.f32 v2, v44  }
0xb8: {  	v50 =	vld [tilespmem:s25+$0x148B0];
	v5 =	vmul.f32 v37, v35;
	[tilespmem:s25+$0x147D0] =	vst v8  }
0xb9: {  	v1 =	vbroadcast v1, $0xE;
	v9 =	vmul.f32 v39, v44;
	[tilespmem:s25+$0x14810] =	vst v2;
	v2 =	vld [tilespmem:s25+$0x14880]  }
0xba: {  	v60 =	vld [tilespmem:s25+$0x14960];
	v12 =	vmul.f32 v42, v44;
	[tilespmem:s25+$0x147E0] =	vst v5  }
0xbb: {  	v45 =	vld [tilespmem:s25+$0x14850];
	v11 =	vmul.f32 v48, v1;
	[tilespmem:s25+$0x14800] =	vst v9  }
0xbc: {  	v47 =	vld [tilespmem:s25+$0x14870];
	v10 =	vmul.f32 v49, v1;
	[tilespmem:s25+$0x14830] =	vst v12  }
0xbd: {  	v43 =	vld [tilespmem:s25+$0x14840];
	v6 =	vmul.f32 v50, v1;
	[tilespmem:s25+$0x14890] =	vst v11  }
0xbe: {  	v55 =	vld [tilespmem:s25+$0x14900];
	[tilespmem:s25+$0x148A0] =	vst v10;
	v2 =	vmul.f32 v2, v1  }
0xbf: {  	v57 =	vld [tilespmem:s25+$0x14920];
	v4 =	vmul.f32 v60, v27;
	[tilespmem:s25+$0x148B0] =	vst v6  }
0xc0: {  	v5 =	vmul.f32 v45, v44;
	[tilespmem:s25+$0x14880] =	vst v2;
	v2 =	vld [tilespmem:s25+$0x148F0]  }
0xc1: {  	v52 =	vld [tilespmem:s25+$0x148C0];
	v9 =	vmul.f32 v47, v44;
	[tilespmem:s25+$0x14960] =	vst v4  }
0xc2: {  	v56 =	vld [tilespmem:s25+$0x14910];
	v8 =	vmul.f32 v43, v44;
	[tilespmem:s25+$0x14850] =	vst v5  }
0xc3: {  	v54 =	vld [tilespmem:s25+$0x148E0];
	v11 =	vmul.f32 v55, v27;
	[tilespmem:s25+$0x14870] =	vst v9  }
0xc4: {  	v58 =	vld [tilespmem:s25+$0x14930];
	v6 =	vmul.f32 v57, v27;
	[tilespmem:s25+$0x14840] =	vst v8  }
0xc5: {  	v53 =	vld [tilespmem:s25+$0x148D0];
	[tilespmem:s25+$0x14900] =	vst v11;
	v2 =	vmul.f32 v2, v1  }
0xc6: {  	v59 =	vld [tilespmem:s25+$0x14940];
	v5 =	vmul.f32 v52, v1;
	[tilespmem:s25+$0x14920] =	vst v6  }
0xc7: {  	[tilespmem:s25+$0x148F0] =	vst v2;
	v2 =	vmul.f32 v56, v27  }
0xc8: {  	v3 =	vld [tilespmem:s25+$0x147A0];
	v9 =	vmul.f32 v54, v1;
	[tilespmem:s25+$0x148C0] =	vst v5  }
0xc9: {  	[tilespmem:s25+$0x14910] =	vst v2;
	v2 =	vmul.f32 v58, v27  }
0xca: {  	[tilespmem:s25+$0x148E0] =	vst v9;
	v1 =	vmul.f32 v53, v1  }
0xcb: {  	[tilespmem:s25+$0x14930] =	vst v2;
	v2 =	vmul.f32 v59, v27  }
0xcc: {  	[tilespmem:s25+$0x148D0] =	vst v1  }
0xcd: {  	s26 =	simm.s32 $0x1;
	[tilespmem:s25+$0x14940] =	vst v2;
	v2 =	vmul.f32 v3, v35  }
.LBB2_5:
0xce: {  	s28 =	sshll.u32 s26, $0x4  }
0xcf: {  	p0 =	sne.s32 s26, $0x7;
	[tilespmem:s25+$0x147A0] =	vst v2;
	s25 =	smov.u32 s26;
	s26 =	sadd.s32 $0x1, s26  }
0xd0: {  	s28 =	sand.u32 $0x3FFFFFF0, s28  }
0xd1: {  	s25 =	sshll.u32 s25, $0xB;
	v1 =	vld [tilespmem:s28+$0x14080]  }
0xd2: {  	s25 =	sand.u32 $0x3FFFF800, s25  }
0xd3: {  	v8 =	vld [tilespmem:s25+$0x14240]  }
0xd4: {  	v9 =	vld [tilespmem:s25+$0x14250]  }
0xd5: {  	v10 =	vld [tilespmem:s25+$0x14230]  }
0xd6: {  	v2 =	vbroadcast v1, $0x0;
	v3 =	vld [tilespmem:s25+$0x141A0];
	v7 =	vbroadcast v1, $0x4  }
0xd7: {  	v5 =	vld [tilespmem:s25+$0x141B0]  }
0xd8: {  	v6 =	vld [tilespmem:s25+$0x146F0]  }
0xd9: {  	v11 =	vld [tilespmem:s25+$0x141E0]  }
0xda: {  	v12 =	vld [tilespmem:s25+$0x141F0]  }
0xdb: {  	v4 =	vbroadcast v1, $0xA;
	v3 =	vmul.f32 v3, v2;
	v13 =	vld [tilespmem:s25+$0x14200]  }
0xdc: {  	v5 =	vmul.f32 v5, v2;
	v14 =	vld [tilespmem:s25+$0x14210]  }
0xdd: {  	[tilespmem:s25+$0x141A0] =	vst v3;
	v15 =	vld [tilespmem:s25+$0x14220];
	v3 =	vmul.f32 v6, v4  }
0xde: {  	[tilespmem:s25+$0x141B0] =	vst v5;
	v6 =	vmul.f32 v11, v2;
	v11 =	vbroadcast v1, $0x1;
	v5 =	vld [tilespmem:s25+$0x14700]  }
0xdf: {  	v12 =	vmul.f32 v12, v2;
	[tilespmem:s25+$0x146F0] =	vst v3;
	v3 =	vld [tilespmem:s25+$0x14950]  }
0xe0: {  	[tilespmem:s25+$0x141E0] =	vst v6;
	v13 =	vmul.f32 v13, v11;
	v6 =	vld [tilespmem:s25+$0x14710]  }
0xe1: {  	[tilespmem:s25+$0x141F0] =	vst v12;
	v12 =	vmul.f32 v14, v11;
	v14 =	vld [tilespmem:s25+$0x14260]  }
0xe2: {  	[tilespmem:s25+$0x14200] =	vst v13;
	v13 =	vmul.f32 v15, v11;
	v15 =	vld [tilespmem:s25+$0x14270]  }
0xe3: {  	v10 =	vmul.f32 v10, v11;
	[tilespmem:s25+$0x14210] =	vst v12;
	v12 =	vld [tilespmem:s25+$0x14280]  }
0xe4: {  	v8 =	vmul.f32 v8, v11;
	[tilespmem:s25+$0x14220] =	vst v13;
	v13 =	vld [tilespmem:s25+$0x14290]  }
0xe5: {  	v9 =	vmul.f32 v9, v11;
	[tilespmem:s25+$0x14230] =	vst v10;
	v10 =	vld [tilespmem:s25+$0x142A0]  }
0xe6: {  	[tilespmem:s25+$0x14240] =	vst v8;
	v8 =	vmul.f32 v14, v11;
	v14 =	vbroadcast v1, $0x2;
	v16 =	vld [tilespmem:s25+$0x142B0]  }
0xe7: {  	[tilespmem:s25+$0x14250] =	vst v9;
	v9 =	vmul.f32 v15, v11;
	v11 =	vld [tilespmem:s25+$0x142C0]  }
0xe8: {  	[tilespmem:s25+$0x14260] =	vst v8;
	v8 =	vmul.f32 v12, v14;
	v12 =	vld [tilespmem:s25+$0x142D0]  }
0xe9: {  	[tilespmem:s25+$0x14270] =	vst v9;
	v9 =	vmul.f32 v13, v14;
	v13 =	vld [tilespmem:s25+$0x142E0]  }
0xea: {  	[tilespmem:s25+$0x14280] =	vst v8;
	v8 =	vmul.f32 v10, v14;
	v10 =	vld [tilespmem:s25+$0x142F0]  }
0xeb: {  	[tilespmem:s25+$0x14290] =	vst v9;
	v9 =	vmul.f32 v16, v14;
	v15 =	vld [tilespmem:s25+$0x14300]  }
0xec: {  	[tilespmem:s25+$0x142A0] =	vst v8;
	v8 =	vmul.f32 v11, v14;
	v11 =	vld [tilespmem:s25+$0x14310]  }
0xed: {  	[tilespmem:s25+$0x142B0] =	vst v9;
	v9 =	vmul.f32 v12, v14;
	v12 =	vld [tilespmem:s25+$0x14320]  }
0xee: {  	[tilespmem:s25+$0x142C0] =	vst v8;
	v8 =	vmul.f32 v13, v14;
	v13 =	vbroadcast v1, $0x3;
	v16 =	vld [tilespmem:s25+$0x14330]  }
0xef: {  	[tilespmem:s25+$0x142D0] =	vst v9;
	v9 =	vmul.f32 v10, v14;
	v10 =	vld [tilespmem:s25+$0x14340]  }
0xf0: {  	[tilespmem:s25+$0x142E0] =	vst v8;
	v8 =	vmul.f32 v15, v13;
	v14 =	vld [tilespmem:s25+$0x14350]  }
0xf1: {  	[tilespmem:s25+$0x142F0] =	vst v9;
	v9 =	vmul.f32 v11, v13;
	v11 =	vld [tilespmem:s25+$0x14360]  }
0xf2: {  	[tilespmem:s25+$0x14300] =	vst v8;
	v8 =	vmul.f32 v12, v13;
	v12 =	vld [tilespmem:s25+$0x14370]  }
0xf3: {  	[tilespmem:s25+$0x14310] =	vst v9;
	v9 =	vmul.f32 v16, v13;
	v15 =	vld [tilespmem:s25+$0x14380]  }
0xf4: {  	[tilespmem:s25+$0x14320] =	vst v8;
	v8 =	vmul.f32 v10, v13;
	v10 =	vld [tilespmem:s25+$0x14390]  }
0xf5: {  	[tilespmem:s25+$0x14330] =	vst v9;
	v9 =	vmul.f32 v14, v13;
	v14 =	vld [tilespmem:s25+$0x143A0]  }
0xf6: {  	[tilespmem:s25+$0x14340] =	vst v8;
	v8 =	vmul.f32 v11, v13;
	v11 =	vld [tilespmem:s25+$0x143B0]  }
0xf7: {  	[tilespmem:s25+$0x14350] =	vst v9;
	v9 =	vmul.f32 v12, v13;
	v12 =	vld [tilespmem:s25+$0x143C0]  }
0xf8: {  	[tilespmem:s25+$0x14360] =	vst v8;
	v8 =	vmul.f32 v15, v7;
	v13 =	vld [tilespmem:s25+$0x143D0]  }
0xf9: {  	[tilespmem:s25+$0x14370] =	vst v9;
	v9 =	vmul.f32 v10, v7;
	v10 =	vld [tilespmem:s25+$0x143E0]  }
0xfa: {  	[tilespmem:s25+$0x14380] =	vst v8;
	v8 =	vmul.f32 v14, v7;
	v14 =	vld [tilespmem:s25+$0x143F0]  }
0xfb: {  	[tilespmem:s25+$0x14390] =	vst v9;
	v9 =	vmul.f32 v11, v7;
	v11 =	vld [tilespmem:s25+$0x14400]  }
0xfc: {  	[tilespmem:s25+$0x143A0] =	vst v8;
	v8 =	vmul.f32 v12, v7;
	v12 =	vld [tilespmem:s25+$0x14410]  }
0xfd: {  	[tilespmem:s25+$0x143B0] =	vst v9;
	v9 =	vmul.f32 v13, v7;
	v13 =	vld [tilespmem:s25+$0x14420]  }
0xfe: {  	[tilespmem:s25+$0x143C0] =	vst v8;
	v8 =	vmul.f32 v10, v7;
	v10 =	vbroadcast v1, $0x5;
	v15 =	vld [tilespmem:s25+$0x14430]  }
0xff: {  	[tilespmem:s25+$0x143D0] =	vst v9;
	v7 =	vmul.f32 v14, v7;
	v9 =	vld [tilespmem:s25+$0x14440]  }
0x100: {  	[tilespmem:s25+$0x143E0] =	vst v8;
	v8 =	vmul.f32 v11, v10;
	v11 =	vld [tilespmem:s25+$0x14450]  }
0x101: {  	[tilespmem:s25+$0x143F0] =	vst v7;
	v7 =	vmul.f32 v12, v10;
	v12 =	vld [tilespmem:s25+$0x14460]  }
0x102: {  	[tilespmem:s25+$0x14400] =	vst v8;
	v8 =	vmul.f32 v13, v10;
	v13 =	vld [tilespmem:s25+$0x14470]  }
0x103: {  	[tilespmem:s25+$0x14410] =	vst v7;
	v7 =	vmul.f32 v15, v10;
	v14 =	vld [tilespmem:s25+$0x14480]  }
0x104: {  	[tilespmem:s25+$0x14420] =	vst v8;
	v8 =	vmul.f32 v9, v10;
	v9 =	vld [tilespmem:s25+$0x14490]  }
0x105: {  	[tilespmem:s25+$0x14430] =	vst v7;
	v7 =	vmul.f32 v11, v10;
	v11 =	vld [tilespmem:s25+$0x144A0]  }
0x106: {  	[tilespmem:s25+$0x14440] =	vst v8;
	v8 =	vmul.f32 v12, v10;
	v12 =	vbroadcast v1, $0x6;
	v15 =	vld [tilespmem:s25+$0x144B0]  }
0x107: {  	[tilespmem:s25+$0x14450] =	vst v7;
	v7 =	vmul.f32 v13, v10;
	v10 =	vld [tilespmem:s25+$0x144C0]  }
0x108: {  	[tilespmem:s25+$0x14460] =	vst v8;
	v8 =	vmul.f32 v14, v12;
	v13 =	vld [tilespmem:s25+$0x144D0]  }
0x109: {  	[tilespmem:s25+$0x14470] =	vst v7;
	v7 =	vmul.f32 v9, v12;
	v9 =	vld [tilespmem:s25+$0x144E0]  }
0x10a: {  	[tilespmem:s25+$0x14480] =	vst v8;
	v8 =	vmul.f32 v11, v12;
	v11 =	vld [tilespmem:s25+$0x144F0]  }
0x10b: {  	[tilespmem:s25+$0x14490] =	vst v7;
	v7 =	vmul.f32 v15, v12;
	v14 =	vld [tilespmem:s25+$0x14500]  }
0x10c: {  	[tilespmem:s25+$0x144A0] =	vst v8;
	v8 =	vmul.f32 v10, v12;
	v10 =	vld [tilespmem:s25+$0x14510]  }
0x10d: {  	[tilespmem:s25+$0x144B0] =	vst v7;
	v7 =	vmul.f32 v13, v12;
	v13 =	vld [tilespmem:s25+$0x14520]  }
0x10e: {  	[tilespmem:s25+$0x144C0] =	vst v8;
	v8 =	vmul.f32 v9, v12;
	v9 =	vbroadcast v1, $0x7;
	v15 =	vld [tilespmem:s25+$0x14530]  }
0x10f: {  	[tilespmem:s25+$0x144D0] =	vst v7;
	v7 =	vmul.f32 v11, v12;
	v11 =	vld [tilespmem:s25+$0x14540]  }
0x110: {  	[tilespmem:s25+$0x144E0] =	vst v8;
	v8 =	vmul.f32 v14, v9;
	v12 =	vld [tilespmem:s25+$0x14550]  }
0x111: {  	[tilespmem:s25+$0x144F0] =	vst v7;
	v7 =	vmul.f32 v10, v9;
	v10 =	vld [tilespmem:s25+$0x14560]  }
0x112: {  	[tilespmem:s25+$0x14500] =	vst v8;
	v8 =	vmul.f32 v13, v9;
	v13 =	vld [tilespmem:s25+$0x14570]  }
0x113: {  	[tilespmem:s25+$0x14510] =	vst v7;
	v7 =	vmul.f32 v15, v9;
	v14 =	vld [tilespmem:s25+$0x14580]  }
0x114: {  	[tilespmem:s25+$0x14520] =	vst v8;
	v8 =	vmul.f32 v11, v9;
	v11 =	vld [tilespmem:s25+$0x14590]  }
0x115: {  	[tilespmem:s25+$0x14530] =	vst v7;
	v7 =	vmul.f32 v12, v9;
	v12 =	vld [tilespmem:s25+$0x145A0]  }
0x116: {  	[tilespmem:s25+$0x14540] =	vst v8;
	v8 =	vmul.f32 v10, v9;
	v10 =	vbroadcast v1, $0x8;
	v15 =	vld [tilespmem:s25+$0x145B0]  }
0x117: {  	[tilespmem:s25+$0x14550] =	vst v7;
	v7 =	vmul.f32 v13, v9;
	v9 =	vld [tilespmem:s25+$0x145C0]  }
0x118: {  	[tilespmem:s25+$0x14560] =	vst v8;
	v8 =	vmul.f32 v14, v10;
	v13 =	vld [tilespmem:s25+$0x145D0]  }
0x119: {  	[tilespmem:s25+$0x14570] =	vst v7;
	v7 =	vmul.f32 v11, v10;
	v11 =	vld [tilespmem:s25+$0x145E0]  }
0x11a: {  	[tilespmem:s25+$0x14580] =	vst v8;
	v8 =	vmul.f32 v12, v10;
	v12 =	vld [tilespmem:s25+$0x145F0]  }
0x11b: {  	[tilespmem:s25+$0x14590] =	vst v7;
	v7 =	vmul.f32 v15, v10;
	v14 =	vld [tilespmem:s25+$0x14600]  }
0x11c: {  	[tilespmem:s25+$0x145A0] =	vst v8;
	v8 =	vmul.f32 v9, v10;
	v9 =	vld [tilespmem:s25+$0x14610]  }
0x11d: {  	[tilespmem:s25+$0x145B0] =	vst v7;
	v7 =	vmul.f32 v13, v10;
	v13 =	vld [tilespmem:s25+$0x14620]  }
0x11e: {  	[tilespmem:s25+$0x145C0] =	vst v8;
	v8 =	vmul.f32 v11, v10;
	v11 =	vbroadcast v1, $0x9;
	v15 =	vld [tilespmem:s25+$0x14630]  }
0x11f: {  	[tilespmem:s25+$0x145D0] =	vst v7;
	v7 =	vmul.f32 v12, v10;
	v10 =	vld [tilespmem:s25+$0x14640]  }
0x120: {  	[tilespmem:s25+$0x145E0] =	vst v8;
	v8 =	vmul.f32 v14, v11;
	v12 =	vld [tilespmem:s25+$0x14650]  }
0x121: {  	[tilespmem:s25+$0x145F0] =	vst v7;
	v7 =	vmul.f32 v9, v11;
	v9 =	vld [tilespmem:s25+$0x14660]  }
0x122: {  	[tilespmem:s25+$0x14600] =	vst v8;
	v8 =	vmul.f32 v13, v11;
	v13 =	vld [tilespmem:s25+$0x14670]  }
0x123: {  	[tilespmem:s25+$0x14610] =	vst v7;
	v7 =	vmul.f32 v15, v11;
	v14 =	vld [tilespmem:s25+$0x14680]  }
0x124: {  	[tilespmem:s25+$0x14620] =	vst v8;
	v8 =	vmul.f32 v10, v11;
	v10 =	vld [tilespmem:s25+$0x14690]  }
0x125: {  	[tilespmem:s25+$0x14630] =	vst v7;
	v7 =	vmul.f32 v12, v11;
	v12 =	vld [tilespmem:s25+$0x146A0]  }
0x126: {  	[tilespmem:s25+$0x14640] =	vst v8;
	v8 =	vmul.f32 v9, v11;
	v9 =	vld [tilespmem:s25+$0x146B0]  }
0x127: {  	[tilespmem:s25+$0x14650] =	vst v7;
	v7 =	vmul.f32 v13, v11;
	v11 =	vld [tilespmem:s25+$0x146C0]  }
0x128: {  	[tilespmem:s25+$0x14660] =	vst v8;
	v8 =	vmul.f32 v14, v4;
	v13 =	vld [tilespmem:s25+$0x146D0]  }
0x129: {  	[tilespmem:s25+$0x14670] =	vst v7;
	v7 =	vmul.f32 v10, v4;
	v10 =	vld [tilespmem:s25+$0x146E0]  }
0x12a: {  	v14 =	vld [tilespmem:s25+$0x14180];
	[tilespmem:s25+$0x14680] =	vst v8;
	v8 =	vmul.f32 v12, v4  }
0x12b: {  	v12 =	vld [tilespmem:s25+$0x14190];
	[tilespmem:s25+$0x14690] =	vst v7;
	v7 =	vmul.f32 v9, v4  }
0x12c: {  	v9 =	vld [tilespmem:s25+$0x141C0];
	[tilespmem:s25+$0x146A0] =	vst v8;
	v8 =	vmul.f32 v11, v4  }
0x12d: {  	v11 =	vld [tilespmem:s25+$0x141D0];
	[tilespmem:s25+$0x146B0] =	vst v7;
	v7 =	vmul.f32 v13, v4  }
0x12e: {  	[tilespmem:s25+$0x146C0] =	vst v8;
	v8 =	vmul.f32 v10, v4;
	v10 =	vbroadcast v1, $0xB;
	v13 =	vld [tilespmem:s25+$0x14720]  }
0x12f: {  	v4 =	vbroadcast v1, $0xF;
	v14 =	vmul.f32 v2, v14;
	[tilespmem:s25+$0x146D0] =	vst v7;
	v7 =	vld [tilespmem:s25+$0x14730]  }
0x130: {  	v12 =	vmul.f32 v12, v2;
	[tilespmem:s25+$0x146E0] =	vst v8;
	v5 =	vmul.f32 v5, v10;
	v8 =	vld [tilespmem:s25+$0x14740]  }
0x131: {  	v6 =	vmul.f32 v6, v10;
	[tilespmem:s25+$0x14180] =	vst v14;
	v9 =	vmul.f32 v9, v2;
	v14 =	vld [tilespmem:s25+$0x14750]  }
0x132: {  	v3 =	vmul.f32 v3, v4;
	v11 =	vmul.f32 v11, v2;
	[tilespmem:s25+$0x14700] =	vst v5;
	v2 =	vld [tilespmem:s25+$0x14760]  }
0x133: {  	[tilespmem:s25+$0x14710] =	vst v6;
	v5 =	vmul.f32 v13, v10;
	v6 =	vld [tilespmem:s25+$0x14770]  }
0x134: {  	v7 =	vmul.f32 v7, v10;
	v13 =	vld [tilespmem:s25+$0x14780];
	[tilespmem:s25+$0x14950] =	vst v3  }
0x135: {  	[tilespmem:s25+$0x14190] =	vst v12;
	v3 =	vmul.f32 v8, v10;
	v8 =	vld [tilespmem:s25+$0x14790]  }
0x136: {  	[tilespmem:s25+$0x141C0] =	vst v9;
	v9 =	vmul.f32 v14, v10;
	v12 =	vld [tilespmem:s25+$0x147A0]  }
0x137: {  	v14 =	vbroadcast v1, $0xC;
	[tilespmem:s25+$0x14720] =	vst v5;
	v5 =	vmul.f32 v2, v10;
	v15 =	vld [tilespmem:s25+$0x147B0]  }
0x138: {  	[tilespmem:s25+$0x14750] =	vst v9;
	v6 =	vmul.f32 v6, v10;
	v9 =	vld [tilespmem:s25+$0x147C0]  }
0x139: {  	[tilespmem:s25+$0x14730] =	vst v7;
	v2 =	vmul.f32 v13, v14;
	v7 =	vld [tilespmem:s25+$0x147D0]  }
0x13a: {  	[tilespmem:s25+$0x14740] =	vst v3;
	v3 =	vmul.f32 v8, v14;
	v8 =	vld [tilespmem:s25+$0x147E0]  }
0x13b: {  	[tilespmem:s25+$0x14780] =	vst v2;
	v2 =	vmul.f32 v12, v14;
	v10 =	vld [tilespmem:s25+$0x147F0]  }
0x13c: {  	[tilespmem:s25+$0x14790] =	vst v3;
	v3 =	vld [tilespmem:s25+$0x14800]  }
0x13d: {  	[tilespmem:s25+$0x141D0] =	vst v11;
	v9 =	vmul.f32 v9, v14;
	v11 =	vld [tilespmem:s25+$0x14810]  }
0x13e: {  	[tilespmem:s25+$0x14760] =	vst v5;
	v5 =	vmul.f32 v7, v14;
	v7 =	vld [tilespmem:s25+$0x14820]  }
0x13f: {  	[tilespmem:s25+$0x147C0] =	vst v9;
	v8 =	vmul.f32 v8, v14;
	v9 =	vbroadcast v1, $0xD;
	v12 =	vld [tilespmem:s25+$0x14830]  }
0x140: {  	[tilespmem:s25+$0x147D0] =	vst v5;
	v5 =	vmul.f32 v10, v14;
	v10 =	vld [tilespmem:s25+$0x14840]  }
0x141: {  	[tilespmem:s25+$0x147E0] =	vst v8;
	v3 =	vmul.f32 v3, v9;
	v8 =	vld [tilespmem:s25+$0x14850]  }
0x142: {  	[tilespmem:s25+$0x147F0] =	vst v5;
	v5 =	vmul.f32 v11, v9;
	v11 =	vld [tilespmem:s25+$0x14860]  }
0x143: {  	[tilespmem:s25+$0x14800] =	vst v3;
	v3 =	vmul.f32 v7, v9;
	v7 =	vld [tilespmem:s25+$0x14870]  }
0x144: {  	[tilespmem:s25+$0x14810] =	vst v5;
	v5 =	vmul.f32 v12, v9;
	v12 =	vld [tilespmem:s25+$0x14880]  }
0x145: {  	[tilespmem:s25+$0x14820] =	vst v3;
	v3 =	vmul.f32 v10, v9;
	v10 =	vld [tilespmem:s25+$0x14890]  }
0x146: {  	[tilespmem:s25+$0x14830] =	vst v5;
	v5 =	vmul.f32 v8, v9;
	v8 =	vld [tilespmem:s25+$0x148A0]  }
0x147: {  	v1 =	vbroadcast v1, $0xE;
	[tilespmem:s25+$0x14770] =	vst v6;
	v6 =	vmul.f32 v11, v9;
	v11 =	vld [tilespmem:s25+$0x148B0]  }
0x148: {  	[tilespmem:s25+$0x14850] =	vst v5;
	v5 =	vmul.f32 v7, v9;
	v7 =	vld [tilespmem:s25+$0x148C0]  }
0x149: {  	[tilespmem:s25+$0x14860] =	vst v6;
	v6 =	vmul.f32 v12, v1;
	v9 =	vld [tilespmem:s25+$0x148D0]  }
0x14a: {  	[tilespmem:s25+$0x14870] =	vst v5;
	v5 =	vmul.f32 v10, v1;
	v10 =	vld [tilespmem:s25+$0x148E0]  }
0x14b: {  	[tilespmem:s25+$0x14880] =	vst v6;
	v6 =	vmul.f32 v8, v1;
	v8 =	vld [tilespmem:s25+$0x148F0]  }
0x14c: {  	[tilespmem:s25+$0x14890] =	vst v5;
	v5 =	vmul.f32 v11, v1;
	v11 =	vld [tilespmem:s25+$0x14900]  }
0x14d: {  	[tilespmem:s25+$0x148A0] =	vst v6;
	v6 =	vmul.f32 v7, v1;
	v7 =	vld [tilespmem:s25+$0x14910]  }
0x14e: {  	[tilespmem:s25+$0x148B0] =	vst v5;
	v5 =	vmul.f32 v9, v1;
	v9 =	vld [tilespmem:s25+$0x14920]  }
0x14f: {  	[tilespmem:s25+$0x148C0] =	vst v6;
	v6 =	vmul.f32 v10, v1;
	v10 =	vld [tilespmem:s25+$0x14930]  }
0x150: {  	[tilespmem:s25+$0x14840] =	vst v3;
	v1 =	vmul.f32 v8, v1;
	v3 =	vld [tilespmem:s25+$0x14940]  }
0x151: {  	[tilespmem:s25+$0x148E0] =	vst v6;
	v6 =	vmul.f32 v11, v4;
	v8 =	vld [tilespmem:s25+$0x14960]  }
0x152: {  	[tilespmem:s25+$0x148F0] =	vst v1;
	v1 =	vmul.f32 v7, v4;
	v7 =	vld [tilespmem:s25+$0x14970]  }
0x153: {  	[tilespmem:s25+$0x14900] =	vst v6;
	v6 =	vmul.f32 v9, v4  }
0x154: {  	[tilespmem:s25+$0x14910] =	vst v1;
	v1 =	vmul.f32 v10, v4  }
0x155: {  	v9 =	vmul.f32 v15, v14;
	[tilespmem:s25+$0x14920] =	vst v6  }
0x156: {  	[tilespmem:s25+$0x14930] =	vst v1;
	v1 =	vmul.f32 v3, v4  }
.Ltmp1:
0x157: {  	[tilespmem:s25+$0x147B0] =	vst v9;
	v3 =	vmul.f32 v7, v4;
	(pc) =	sbr.rel @p0 .LBB2_5-.Ltmp1, $4  }
0x158: {  	[tilespmem:s25+$0x14940] =	vst v1  }
0x159: {  	v1 =	vmul.f32 v8, v4;
	[tilespmem:s25+$0x14970] =	vst v3  }
0x15a: {  	[tilespmem:s25+$0x148D0] =	vst v5  }
0x15b: {  	[tilespmem:s25+$0x14960] =	vst v1  }
0x15c: {  	s24 =	sadd.s32 $0x1, s24  }
0x15d: {  	p0 =	sne.s32 s24, $0x4F  }
.Ltmp2:
0x15e: {  	[tilespmem:s25+$0x147A0] =	vst v2;
	(pc) =	sbr.rel @p0 .LBB2_4-.Ltmp2, $4  }
0x15f: {  	[spmem:s3] =	stream.indirect.scatter.add.f32 [tilespmem:s15], [sflag:$0x2], $0x80, s18, s19, $0xb8;
	[tilespmem:$0x18180] =	vst v63  }
0x160: {  	_ =	swait.ge [sflag:s16], $0x4000  }
0x161: {  	[sflag:s16] =	ssyncset.done $0x0  }
0x162: {  	[sflag:s16] =	ssyncadd.s32 $0xFFFFC000  }
0x163: {  	s4 =	sadd.s32 $0x1, s4  }
0x164: {  	p0 =	sne.s32 s4, s10  }
.Ltmp3:
0x165: {  	[bflag:$0x0] =	sbarrier.arrive $0xFFFF;
	(pc) =	sbr.rel @p0 .LBB2_1-.Ltmp3, $4  }
0x166: {  	[hbm:s9], [sflag:s21] =	dma.local [spmem:s22], $0x2800  }
0x167: {  	_ =	swait.ge [sflag:s16], $0x2800  }
0x168: {  	[sflag:s16] =	ssyncset.done $0x0  }
0x169: {  	[sflag:s16] =	ssyncadd.s32 $0xFFFFD800  }
0x16a: {  	_ =	sfence.sel $0x180000  }
0x16b: {  	[bflag:$0x0] =	sbarrier.arrive $0xFFFF  }
0x16c: {  	p0 =	sne.s32 s1, $0x0;
	_ =	strace $0x9000004A  }
0x16d: {  	s0 =	sadd.s32 @!p0 $0x100000, s0;
	[bflag:$0x2] =	sbarrier.arrive $0xFFFF  }
0x16e: {  	[sflag:s0] =	ssyncadd.tile.s32 @!p0 $0x1;
	_ =	shalt  }
.Lfunc_end2:
_tile_overlayer_lowered:
.L_overlay_start_2:
0x16f: {  	(tag) =	ssettag $0x2  }
0x170: {  	s0 =	rddreg [dreg:$0x0];
	s2 =	stileid.u32  }
0x171: {  	s1 =	rddreg [dreg:$0x1];
	p0 =	sne.s32 s2, $0x0  }
0x172: {  	s3 =	rddreg [dreg:$0x2];
	[bflag:$0x3] =	sbarrier.arrive $0xFFFF;
	s2 =	simm.s32 @!p0 $0x1C02  }
0x173: {  	[timem:s3], [sflag:s2] =	dma.local @!p0 [hbm:s0], s1  }
0x174: {  	s0 =	simm.s32 @!p0 $0x2  }
0x175: {  	_ =	swait.ge @!p0 [sflag:s0], s1  }
0x176: {  	s1 =	ssub.s32 @!p0 $0x0, s1;
	[sflag:s0] =	ssyncset.done @!p0 $0x0  }
0x177: {  	[sflag:s0] =	ssyncadd.s32 @!p0 s1  }
0x178: {  	[bflag:$0x3] =	sbarrier.arrive $0xFFFF  }
0x179: {  	_ =	shalt  }

// kernel: kernel.14.cloned.1.call-start
scs
__scs_entry_jumppad:
0x0: {  	(pc) =	sbr.rel $0x88, $3  }
0x1: {  	(tag) =	ssettag $0x0;
	lr =	simm.s32 $0x1  }
0x2: {  	[smem:$0x3F9A] =	sst lr;
	_ =	strace $0xD0000000  }
0x3: {  	_ = 	snop  }
0x4: {  	_ = 	snop  }
0x5: {  	_ = 	snop  }
0x6: {  	_ = 	snop  }
0x7: {  	_ = 	snop  }
__scs_overlays_trampoline_lowered:
0x8: {  	[smem:$0x3FA9] =	sst s0  }
0x9: {  	[smem:$0x3FAA] =	sst s1  }
0xa: {  	[smem:$0x3FAB] =	sst s2  }
0xb: {  	[smem:$0x3FAC] =	sst s3  }
0xc: {  	[smem:$0x3FAD] =	sst s4  }
0xd: {  	[smem:$0x3FAE] =	sst s5  }
0xe: {  	[smem:$0x3FAF] =	sst s6  }
0xf: {  	[smem:$0x3FB0] =	sst s7  }
0x10: {  	[smem:$0x3FB1] =	sst s8  }
0x11: {  	[smem:$0x3FB2] =	sst s9;
	s0 =	simm.s32 @!p0 $0x0  }
0x12: {  	s1 =	sld [smem:$0x3F98];
	s0 =	simm.s32 @p0 $0x1  }
0x13: {  	[smem:$0x3FB3] =	sst s0;
	s0 =	simm.s32 @!p1 $0x0  }
0x14: {  	s2 =	sld [smem:$0x3F97];
	s0 =	simm.s32 @p1 $0x1  }
0x15: {  	[smem:$0x3FB4] =	sst s0;
	s0 =	simm.s32 @!p2 $0x0  }
0x16: {  	s3 =	sld [smem:$0x3FDB];
	s0 =	simm.s32 @p2 $0x1  }
0x17: {  	s4 =	simm.s32 $0x1BF5;
	[smem:$0x3FB6] =	sst s0  }
0x18: {  	s0 =	sld [smem:$0x3F99];
	_ =	swait.ge [sflag:s4], $0x0  }
0x19: {  	s7 =	sld [smem:$0x3F9A]  }
0x1a: {  	s8 =	sadd.s32 $0xFFFFE003, lr  }
0x1b: {  	s9 =	sadd.s32 $0xFFFFFEF7, lr;
	s5 =	simm.s32 $0xFFFFFFFF;
	p2 =	slt.u32 s8, $0xFFFFF086  }
0x1c: {  	p1 =	slt.u32 s9, $0xF7A;
	s5 =	simm.s32 @!p2 $0x0  }
0x1d: {  	s5 =	simm.s32 @p1 $0x1;
	p0 =	seq.s32 s7, s2  }
0x1e: {  	s7 =	smul.u32 @!p0 $0xF7A, s2;
	p2 =	seq.s32 @!p0 s5, $0x0  }
0x1f: {  	s9 =	smul.u32 $0xF7A, s1;
	s8 =	simm.s32 @!p0 $0x1BF5;
	p2 =	por !p2, p0  }
0x20: {  	[sflag:s8] =	ssyncset.s32 @!p0 $0xFFFFF086;
	s6 =	sadd.s32 @!p0 s3, s7;
	s7 =	simm.s32 @!p0 $0x108  }
0x21: {  	s3 =	sadd.s32 s3, s9;
	s6 =	sadd.s32 @!p0 $0x88, s6;
	s7 =	simm.s32 @p2 $0x1082  }
0x22: {  	[simem:s7], [sflag:s8] =	dma.local @!p0 [hbm:s6], $0xF7A  }
0x23: {  	s9 =	sor.u32 $0xD0000000, s2;
	s6 =	simm.s32 $0x108;
	_ =	swait.ge @!p0 [sflag:s8], $0x0  }
0x24: {  	s3 =	sadd.s32 $0x88, s3;
	s6 =	simm.s32 @!p1 $0x1082;
	[sflag:s4] =	ssyncset.s32 $0xFFFFF086  }
0x25: {  	[simem:s6], [sflag:s4] =	dma.local [hbm:s3], $0xF7A  }
0x26: {  	[smem:$0x3F9A] =	sst s1;
	(tag) =	ssettag s2;
	_ =	strace s9  }
0x27: {  	s1 =	sld [smem:$0x3FAA]  }
0x28: {  	s2 =	sld [smem:$0x3FAB]  }
0x29: {  	s4 =	sld [smem:$0x3FAD]  }
0x2a: {  	p0 =	seq.s32 s5, $0x0;
	s5 =	sld [smem:$0x3FAE]  }
0x2b: {  	s6 =	sld [smem:$0x3FAF]  }
0x2c: {  	s7 =	sld [smem:$0x3FB0]  }
0x2d: {  	s3 =	simm.s32 $0x108;
	s8 =	sld [smem:$0x3FB1]  }
0x2e: {  	s3 =	simm.s32 @!p0 $0x1082;
	s9 =	sld [smem:$0x3FB2]  }
0x2f: {  	lr =	sadd.s32 s0, s3;
	s0 =	sld [smem:$0x3FA9]  }
0x30: {  	s3 =	sld [smem:$0x3FAC]  }
0x31: {  	[smem:$0x3FB5] =	sst s10  }
0x32: {  	s10 =	sld [smem:$0x3FB3];
	_ =	sdelay $0x3  }
0x33: {  	p0 =	seq.s32 s10, $0x1;
	s10 =	sld [smem:$0x3FB5];
	_ =	sdelay $0x3  }
0x34: {  	[smem:$0x3FB5] =	sst s10  }
0x35: {  	s10 =	sld [smem:$0x3FB4];
	_ =	sdelay $0x3  }
0x36: {  	p1 =	seq.s32 s10, $0x1;
	s10 =	sld [smem:$0x3FB5];
	_ =	sdelay $0x3  }
0x37: {  	[smem:$0x3FB5] =	sst s10  }
0x38: {  	s10 =	sld [smem:$0x3FB6]  }
0x39: {  	_ = 	snop;
	(pc) =	sbr.ind lr, $3  }
0x3a: {  	_ = 	snop  }
0x3b: {  	_ = 	snop  }
0x3c: {  	p2 =	seq.s32 s10, $0x1;
	s10 =	sld [smem:$0x3FB5]  }
0x3d: {  	_ =	shalt  }
0x3e: {  	_ =	shalt  }
0x3f: {  	_ =	shalt  }
0x40: {  	_ =	shalt  }
0x41: {  	_ =	shalt  }
0x42: {  	_ =	shalt  }
0x43: {  	_ =	shalt  }
0x44: {  	_ =	shalt  }
0x45: {  	_ =	shalt  }
0x46: {  	_ =	shalt  }
0x47: {  	_ =	shalt  }
0x48: {  	_ =	shalt  }
0x49: {  	_ =	shalt  }
0x4a: {  	_ =	shalt  }
0x4b: {  	_ =	shalt  }
0x4c: {  	_ =	shalt  }
0x4d: {  	_ =	shalt  }
0x4e: {  	_ =	shalt  }
0x4f: {  	_ =	shalt  }
0x50: {  	_ =	shalt  }
0x51: {  	_ =	shalt  }
0x52: {  	_ =	shalt  }
0x53: {  	_ =	shalt  }
0x54: {  	_ =	shalt  }
0x55: {  	_ =	shalt  }
0x56: {  	_ =	shalt  }
0x57: {  	_ =	shalt  }
0x58: {  	_ =	shalt  }
0x59: {  	_ =	shalt  }
0x5a: {  	_ =	shalt  }
0x5b: {  	_ =	shalt  }
0x5c: {  	_ =	shalt  }
0x5d: {  	_ =	shalt  }
0x5e: {  	_ =	shalt  }
0x5f: {  	_ =	shalt  }
0x60: {  	_ =	shalt  }
0x61: {  	_ =	shalt  }
0x62: {  	_ =	shalt  }
0x63: {  	_ =	shalt  }
0x64: {  	_ =	shalt  }
0x65: {  	_ =	shalt  }
0x66: {  	_ =	shalt  }
0x67: {  	_ =	shalt  }
0x68: {  	_ =	shalt  }
0x69: {  	_ =	shalt  }
0x6a: {  	_ =	shalt  }
0x6b: {  	_ =	shalt  }
0x6c: {  	_ =	shalt  }
0x6d: {  	_ =	shalt  }
0x6e: {  	_ =	shalt  }
0x6f: {  	_ =	shalt  }
0x70: {  	_ =	shalt  }
0x71: {  	_ =	shalt  }
0x72: {  	_ =	shalt  }
0x73: {  	_ =	shalt  }
0x74: {  	_ =	shalt  }
0x75: {  	_ =	shalt  }
0x76: {  	_ =	shalt  }
0x77: {  	_ =	shalt  }
0x78: {  	_ =	shalt  }
0x79: {  	_ =	shalt  }
0x7a: {  	_ =	shalt  }
0x7b: {  	_ =	shalt  }
0x7c: {  	_ =	shalt  }
0x7d: {  	_ =	shalt  }
0x7e: {  	_ =	shalt  }
0x7f: {  	_ =	shalt  }
0x80: {  	_ =	shalt  }
0x81: {  	_ =	shalt  }
0x82: {  	_ =	shalt  }
0x83: {  	_ =	shalt  }
0x84: {  	_ =	shalt  }
0x85: {  	_ =	shalt  }
0x86: {  	_ =	shalt  }
0x87: {  	_ =	shalt  }
.Lfunc_end0:
.L_simem_size_0:
called_computation.2_lowered:
.L_overlay_start_0:
0x88: {  	s2 =	sld [smem:$0x3FD9]  }
0x89: {  	s3 =	sld [smem:$0x3FFE];
	_ =	sdelay $0x1  }
0x8a: {  	s1 =	srdreg.scid  }
0x8b: {  	s0 =	sand.u32 $0x1, s1  }
0x8c: {  	s17 =	sshll.u32 s0, $0xA;
	s2 =	sadd.s32 s3, s2  }
0x8d: {  	s2 =	sadd.s32 s2, s17  }
0x8e: {  	[smem:$0x3FC1] =	sst s2  }
0x8f: {  	_ = 	snop  }
0x90: {  	s2 =	sld [smem:$0x3FD0];
	(tm) =	ssettm $0x1  }
0x91: {  	s18 =	sld [smem:$0x3FFB];
	_ =	sdelay $0x3  }
0x92: {  	_ =	strace s18  }
0x93: {  	s3 =	sld [smem:$0x3FFC];
	_ =	sdelay $0x3  }
0x94: {  	_ =	strace s3  }
0x95: {  	s3 =	sld [smem:$0x3FFD];
	_ =	sdelay $0x3  }
0x96: {  	_ =	strace s3  }
0x97: {  	_ =	strace $0x8FFFFFFF  }
0x98: {  	s19 =	sld [smem:$0x3FDB];
	_ =	sdelay $0x1  }
0x99: {  	s4 =	simm.s32 $_scs_section_size  }
0x9a: {  	s5 =	simm.s32 $_size__tile_overlayer_lowered;
	s6 =	simm.s32 $_tile_overlayer_lowered  }
0x9b: {  	s22 =	simm.s32 $0x1BFF;
	s21 =	sshll.u32 s6, $0x1;
	s3 =	sadd.s32 s4, s19  }
0x9c: {  	s7 =	simm.s32 $0x0;
	s20 =	sshll.u32 s5, $0x1;
	s5 =	sadd.s32 s21, s3  }
0x9d: {  	[timem:s7], [sflag:s22] =	dma.local [hbm:s5], s20  }
0x9e: {  	_ =	swait.ge [sflag:s22], s20  }
0x9f: {  	s4 =	ssub.s32 $0x0, s20;
	[sflag:s22] =	ssyncset.done $0x0  }
0xa0: {  	[sflag:s22] =	ssyncadd.s32 s4;
	_ =	sdelay $0x1  }
0xa1: {  	s23 =	simm.s32 $0x1B8B  }
0xa2: {  	_ =	swait.ge [sflag:s23], $0x1  }
0xa3: {  	[sflag:s23] =	ssyncset.done $0x0  }
0xa4: {  	s25 =	simm.s32 $0x1B8E;
	s24 =	sld [smem:$0x3FFE];
	[sflag:s23] =	ssyncadd.s32 $0xFFFFFFFF  }
0xa5: {  	s26 =	simm.s32 $execute0_lowered;
	[smem:$0x3FD2] =	sst s25  }
0xa6: {  	s5 =	sshll.u32 s26, $0x1;
	_ =	strace $0x8000004C;
	[dreg:$0x1] =	wrdreg $0xFFFFFFFF  }
0xa7: {  	s28 =	simm.s32 $_size_execute0_lowered;
	s3 =	sadd.s32 s3, s5;
	[dreg:$0x0] =	wrdreg $0x0  }
0xa8: {  	s5 =	sshll.u32 s28, $0x1;
	[dreg:$0x2] =	wrdreg s3  }
0xa9: {  	[dreg:$0x3] =	wrdreg s5  }
0xaa: {  	[dreg:$0x4] =	wrdreg $0xC0  }
0xab: {  	_ =	task [dreg:s7], $0x5FFFF  }
0xac: {  	[dreg:$0x1] =	wrdreg $0xFFFFFFFF  }
0xad: {  	[dreg:$0x0] =	wrdreg $0x60  }
0xae: {  	[dreg:$0x2] =	wrdreg s24  }
0xaf: {  	[dreg:$0x3] =	wrdreg s2  }
0xb0: {  	[dreg:$0x4] =	wrdreg $0x0  }
0xb1: {  	[dreg:$0x5] =	wrdreg $0x9  }
0xb2: {  	_ =	task.clear_ibuf [dreg:s7], $0x6FFFF;
	_ =	strace $0x9000004C  }
0xb3: {  	s29 =	simm.s32 $0x9;
	_ =	strace $0x8000004E  }
0xb4: {  	_ =	swait.ge [sflag:s29], $0x1  }
0xb5: {  	[sflag:s29] =	ssyncadd.s32 $0xFFFFFFFF  }
0xb6: {  	_ =	strace $0x9000004E  }
0xb7: {  	_ =	sfence  }
0xb8: {  	s30 =	sld [smem:$0x0];
	_ =	sdelay $0x2  }
0xb9: {  	s31 =	sshll.u32 s1, $0xD;
	s1 =	sshrl.u32 s1, $0x2  }
0xba: {  	s3 =	sand.u32 $0x4000, s31;
	s1 =	sadd.s32 s1, s30  }
0xbb: {  	s0 =	sor.u32 s3, s0;
	s1 =	sshll.u32 s1, $0x11  }
0xbc: {  	s0 =	sor.u32 s1, s0  }
0xbd: {  	s0 =	sadd.s32 $0x8F2B, s0  }
0xbe: {  	[sflag:s0] =	ssyncadd.remote.s32 $0x1  }
0xbf: {  	_ =	sfence.sel $0xFFFF  }
0xc0: {  	[dreg:$0x0] =	wrdreg $0xFFFFFFFF;
	(pc) =	sbr.abs _section_cstart, $3  }
0xc1: {  	[dreg:$0x1] =	wrdreg $0xFFFFFFFF  }
0xc2: {  	_ =	task.clear_ibuf [dreg:s7], $0x2FFFF;
	_ =	strace $0x9FFFFFFF  }
0xc3: {  	(tm) =	ssettm $0x7FFFFFFF  }
tec
execute0_lowered:
.L_overlay_start_1:
0x0: {  	(tag) =	ssettag $0x1  }
0x1: {  	s7 =	rddreg [dreg:$0x0]  }
0x2: {  	s2 =	rddreg [dreg:$0x1];
	s0 =	srdreg.scid  }
0x3: {  	s3 =	rddreg [dreg:$0x2];
	s1 =	stileid.u32  }
0x4: {  	s4 =	simm.s32 $0x0;
	s15 =	simm.s32 $0x14180;
	s16 =	simm.s32 $0x2  }
0x5: {  	s17 =	simm.s32 $0x14000;
	s18 =	simm.s32 $0x14100;
	s19 =	simm.s32 $0x80  }
0x6: {  	s20 =	simm.s32 $0x1;
	s8 =	sand.u32 $0x1, s0;
	s0 =	rddreg [dreg:$0x3]  }
0x7: {  	s9 =	smul.u32 $0x14000, s1;
	[smem:$0x7FF] =	sst s4;
	s5 =	sadd.s32 $0x16800, s7  }
0x8: {  	s10 =	smul.u32 $0x50000, s1;
	s11 =	sshll.u32 s1, $0x1;
	s21 =	sshll.u32 s1, $0x6  }
0x9: {  	s6 =	smul.u32 $0x140000, s8;
	_ =	strace $0x8000004D;
	s30 =	ssub.s32 $0x2, s8  }
0xa: {  	s8 =	sor.u32 s8, s11;
	s21 =	sor.u32 $0x1C02, s21;
	s12 =	sshrl.u32 s30, $0x1  }
0xb: {  	s10 =	sshrl.u32 s10, $0x2;
	s8 =	smul.u32 $0x2780, s8;
	s9 =	sadd.s32 s9, s6  }
0xc: {  	s6 =	sadd.s32 $0xCA00, s7;
	s31 =	ssub.s32 s30, s12;
	s9 =	sshrl.u32 s9, $0x3  }
0xd: {  	s9 =	sadd.s32 s9, s7;
	s7 =	sadd.s32 s10, s3;
	s10 =	smax.u32 s31, $0x1  }
0xe: {  	s9 =	sadd.s32 $0x3E800, s9;
	s11 =	sadd.s32 $0x4000, s7;
	s12 =	sadd.s32 $0x8000, s7  }
0xf: {  	v0 =	vimm.f32 $0.0e+00;
	s13 =	sadd.s32 $0xC000, s7;
	s14 =	sadd.s32 $0x10000, s7;
	s22 =	sshrl.u32 s7, $0x3  }
.LBB2_1:
0x10: {  	s23 =	simm.s32 $0x0;
	s24 =	simm.s32 $0x200  }
.LBB2_2:
0x11: {  	p0 =	sne.s32 s24, $0xFE00;
	[tilespmem:s23+$0x141F0] =	vst v0  }
0x12: {  	[tilespmem:s23+$0x14180] =	vst v0  }
0x13: {  	[tilespmem:s23+$0x14190] =	vst v0  }
.Ltmp0:
0x14: {  	[tilespmem:s23+$0x141A0] =	vst v0;
	(pc) =	sbr.rel @p0 .LBB2_2-.Ltmp0, $4  }
0x15: {  	[tilespmem:s23+$0x141B0] =	vst v0  }
0x16: {  	[tilespmem:s23+$0x141C0] =	vst v0  }
0x17: {  	[tilespmem:s23+$0x141D0] =	vst v0  }
0x18: {  	[tilespmem:s23+$0x141E0] =	vst v0;
	s23 =	sshra.s32 s24, $0x2;
	s24 =	sadd.s32 $0x200, s24  }
0x19: {  	[tilespmem:s23+$0x141F0] =	vst v0  }
0x1a: {  	[tilespmem:s23+$0x14180] =	vst v0  }
0x1b: {  	[tilespmem:s23+$0x14190] =	vst v0  }
0x1c: {  	[tilespmem:s23+$0x141A0] =	vst v0  }
0x1d: {  	[tilespmem:s23+$0x141B0] =	vst v0  }
0x1e: {  	[tilespmem:s23+$0x141C0] =	vst v0  }
0x1f: {  	[tilespmem:s23+$0x141D0] =	vst v0  }
0x20: {  	[tilespmem:s23+$0x141E0] =	vst v0  }
0x21: {  	[spmem:s7] =	stream.linear.scatter [tilespmem:s15], [sflag:$0x2], $0x4000, $0x38;
	[tilespmem:$0x18180] =	vst v63  }
0x22: {  	_ =	swait.ge [sflag:s16], $0x4000  }
0x23: {  	[sflag:s16] =	ssyncset.done $0x0  }
0x24: {  	[sflag:s16] =	ssyncadd.s32 $0xFFFFC000  }
0x25: {  	[spmem:s11] =	stream.linear.scatter [tilespmem:s15], [sflag:$0x2], $0x4000, $0x38;
	[tilespmem:$0x18180] =	vst v63  }
0x26: {  	_ =	swait.ge [sflag:s16], $0x4000  }
0x27: {  	[sflag:s16] =	ssyncset.done $0x0  }
0x28: {  	[sflag:s16] =	ssyncadd.s32 $0xFFFFC000  }
0x29: {  	[spmem:s12] =	stream.linear.scatter [tilespmem:s15], [sflag:$0x2], $0x4000, $0x38;
	[tilespmem:$0x18180] =	vst v63  }
0x2a: {  	_ =	swait.ge [sflag:s16], $0x4000  }
0x2b: {  	[sflag:s16] =	ssyncset.done $0x0  }
0x2c: {  	[sflag:s16] =	ssyncadd.s32 $0xFFFFC000  }
0x2d: {  	[spmem:s13] =	stream.linear.scatter [tilespmem:s15], [sflag:$0x2], $0x4000, $0x38;
	[tilespmem:$0x18180] =	vst v63  }
0x2e: {  	_ =	swait.ge [sflag:s16], $0x4000  }
0x2f: {  	[sflag:s16] =	ssyncset.done $0x0  }
0x30: {  	[sflag:s16] =	ssyncadd.s32 $0xFFFFC000  }
0x31: {  	[spmem:s14] =	stream.linear.scatter [tilespmem:s15], [sflag:$0x2], $0x4000, $0x38;
	[tilespmem:$0x18180] =	vst v63  }
0x32: {  	_ =	swait.ge [sflag:s16], $0x4000  }
0x33: {  	[sflag:s16] =	ssyncset.done $0x0  }
0x34: {  	[sflag:s16] =	ssyncadd.s32 $0xFFFFC000  }
0x35: {  	s23 =	simm.s32 $0x0;
	s24 =	simm.s32 $0x0;
	[bflag:$0x0] =	sbarrier.arrive $0xFFFF  }
.LBB2_4:
0x36: {  	s25 =	sshll.u32 s24, $0x7  }
0x37: {  	s25 =	sadd.s32 s8, s25  }
0x38: {  	s26 =	sshrl.u32 s25, $0x2  }
0x39: {  	s26 =	sadd.s32 s2, s26  }
0x3a: {  	[tilespmem:s17], [sflag:$0x2] =	stream.linear.gather [hbm4b:s26+s23], $0x100, $0x38;
	[tilespmem:$0x18180] =	vst v63  }
0x3b: {  	_ =	swait.ge [sflag:s16], $0x100  }
0x3c: {  	s25 =	sshrl.u32 s25, $0x3;
	[sflag:s16] =	ssyncset.done $0x0  }
0x3d: {  	s25 =	sadd.s32 s6, s25;
	[sflag:s16] =	ssyncadd.s32 $0xFFFFFF00  }
0x3e: {  	[tilespmem:s18], [sflag:$0x2] =	stream.linear.gather [hbm4b:s25+s23], $0x80, $0x38;
	[tilespmem:$0x18180] =	vst v63  }
0x3f: {  	_ =	swait.ge [sflag:s16], $0x80  }
0x40: {  	[sflag:s16] =	ssyncset.done $0x0  }
0x41: {  	[sflag:s16] =	ssyncadd.s32 $0xFFFFFF80  }
0x42: {  	[tilespmem:s15], [sflag:$0x1] =	stream.indirect.gather [hbm4b:s5+s19], $0x80, s17, s19, $0xb8;
	[tilespmem:$0x18180] =	vst v63  }
0x43: {  	_ =	swait.ge [sflag:s20], $0x4000  }
0x44: {  	s30 =	simm.s32 $0x0;
	[sflag:s20] =	ssyncset.done $0x0  }
0x45: {  	s25 =	sand.u32 $0x3FFFFFF0, s30;
	[sflag:s20] =	ssyncadd.s32 $0xFFFFC000  }
0x46: {  	s31 =	simm.s32 $0x0;
	v1 =	vld [tilespmem:s25+$0x14080]  }
0x47: {  	s25 =	sand.u32 $0x3FFFF800, s31  }
0x48: {  	v3 =	vld [tilespmem:s25+$0x141A0]  }
0x49: {  	v4 =	vld [tilespmem:s25+$0x141B0]  }
0x4a: {  	v10 =	vld [tilespmem:s25+$0x141E0]  }
0x4b: {  	v11 =	vld [tilespmem:s25+$0x141F0];
	v2 =	vbroadcast v1, $0x0  }
0x4c: {  	v12 =	vld [tilespmem:s25+$0x14200]  }
0x4d: {  	v13 =	vld [tilespmem:s25+$0x14210];
	v3 =	vmul.f32 v3, v2  }
0x4e: {  	v14 =	vld [tilespmem:s25+$0x14220];
	v4 =	vmul.f32 v4, v2  }
0x4f: {  	v9 =	vld [tilespmem:s25+$0x14230];
	v23 =	vbroadcast v1, $0x1;
	v22 =	vmul.f32 v10, v2;
	[tilespmem:s25+$0x141A0] =	vst v3  }
0x50: {  	v7 =	vld [tilespmem:s25+$0x14240];
	v11 =	vmul.f32 v11, v2;
	[tilespmem:s25+$0x141B0] =	vst v4  }
0x51: {  	v8 =	vld [tilespmem:s25+$0x14250];
	v12 =	vmul.f32 v12, v23;
	[tilespmem:s25+$0x141E0] =	vst v22  }
0x52: {  	v25 =	vld [tilespmem:s25+$0x14270];
	v13 =	vmul.f32 v13, v23;
	[tilespmem:s25+$0x141F0] =	vst v11  }
0x53: {  	v26 =	vld [tilespmem:s25+$0x14280];
	v14 =	vmul.f32 v14, v23;
	[tilespmem:s25+$0x14200] =	vst v12  }
0x54: {  	v27 =	vld [tilespmem:s25+$0x14290];
	v9 =	vmul.f32 v9, v23;
	[tilespmem:s25+$0x14210] =	vst v13  }
0x55: {  	v6 =	vld [tilespmem:s25+$0x146F0];
	v7 =	vmul.f32 v7, v23;
	[tilespmem:s25+$0x14220] =	vst v14  }
0x56: {  	v24 =	vld [tilespmem:s25+$0x14260];
	v15 =	vbroadcast v1, $0x2;
	v8 =	vmul.f32 v8, v23;
	[tilespmem:s25+$0x14230] =	vst v9  }
0x57: {  	v28 =	vld [tilespmem:s25+$0x142A0];
	v10 =	vmul.f32 v25, v23;
	[tilespmem:s25+$0x14240] =	vst v7  }
0x58: {  	v29 =	vld [tilespmem:s25+$0x142B0];
	v5 =	vbroadcast v1, $0xA;
	v32 =	vmul.f32 v26, v15;
	[tilespmem:s25+$0x14250] =	vst v8  }
0x59: {  	v30 =	vld [tilespmem:s25+$0x142C0];
	v34 =	vmul.f32 v27, v15;
	[tilespmem:s25+$0x14270] =	vst v10  }
0x5a: {  	v33 =	vld [tilespmem:s25+$0x142E0];
	v3 =	vmul.f32 v6, v5;
	[tilespmem:s25+$0x14280] =	vst v32  }
0x5b: {  	v35 =	vld [tilespmem:s25+$0x142F0];
	v11 =	vmul.f32 v24, v23;
	[tilespmem:s25+$0x14290] =	vst v34  }
0x5c: {  	v36 =	vld [tilespmem:s25+$0x14300];
	v9 =	vmul.f32 v28, v15;
	[tilespmem:s25+$0x146F0] =	vst v3  }
0x5d: {  	v31 =	vld [tilespmem:s25+$0x142D0];
	v7 =	vmul.f32 v29, v15;
	[tilespmem:s25+$0x14260] =	vst v11  }
0x5e: {  	v37 =	vld [tilespmem:s25+$0x14310];
	v8 =	vmul.f32 v30, v15;
	[tilespmem:s25+$0x142A0] =	vst v9  }
0x5f: {  	v38 =	vld [tilespmem:s25+$0x14320];
	v41 =	vbroadcast v1, $0x3;
	v10 =	vmul.f32 v33, v15;
	[tilespmem:s25+$0x142B0] =	vst v7  }
0x60: {  	v39 =	vld [tilespmem:s25+$0x14330];
	v12 =	vmul.f32 v35, v15;
	[tilespmem:s25+$0x142C0] =	vst v8  }
0x61: {  	v42 =	vld [tilespmem:s25+$0x14350];
	v13 =	vmul.f32 v36, v41;
	[tilespmem:s25+$0x142E0] =	vst v10  }
0x62: {  	v43 =	vld [tilespmem:s25+$0x14360];
	v11 =	vmul.f32 v31, v15;
	[tilespmem:s25+$0x142F0] =	vst v12  }
0x63: {  	v44 =	vld [tilespmem:s25+$0x14370];
	v9 =	vmul.f32 v37, v41;
	[tilespmem:s25+$0x14300] =	vst v13  }
0x64: {  	v40 =	vld [tilespmem:s25+$0x14340];
	v7 =	vmul.f32 v38, v41;
	[tilespmem:s25+$0x142D0] =	vst v11  }
0x65: {  	v45 =	vld [tilespmem:s25+$0x14380];
	v8 =	vmul.f32 v39, v41;
	[tilespmem:s25+$0x14310] =	vst v9  }
0x66: {  	v46 =	vld [tilespmem:s25+$0x14390];
	v10 =	vmul.f32 v42, v41;
	[tilespmem:s25+$0x14320] =	vst v7  }
0x67: {  	v47 =	vld [tilespmem:s25+$0x143A0];
	v12 =	vmul.f32 v43, v41;
	[tilespmem:s25+$0x14330] =	vst v8  }
0x68: {  	v49 =	vld [tilespmem:s25+$0x143C0];
	v50 =	vbroadcast v1, $0x4;
	v13 =	vmul.f32 v44, v41;
	[tilespmem:s25+$0x14350] =	vst v10  }
0x69: {  	v51 =	vld [tilespmem:s25+$0x143D0];
	v11 =	vmul.f32 v40, v41;
	[tilespmem:s25+$0x14360] =	vst v12  }
0x6a: {  	v52 =	vld [tilespmem:s25+$0x143E0];
	v9 =	vmul.f32 v45, v50;
	[tilespmem:s25+$0x14370] =	vst v13  }
0x6b: {  	v48 =	vld [tilespmem:s25+$0x143B0];
	v7 =	vmul.f32 v46, v50;
	[tilespmem:s25+$0x14340] =	vst v11  }
0x6c: {  	v53 =	vld [tilespmem:s25+$0x143F0];
	v8 =	vmul.f32 v47, v50;
	[tilespmem:s25+$0x14380] =	vst v9  }
0x6d: {  	v54 =	vld [tilespmem:s25+$0x14400];
	v10 =	vmul.f32 v49, v50;
	[tilespmem:s25+$0x14390] =	vst v7  }
0x6e: {  	v55 =	vld [tilespmem:s25+$0x14410];
	v12 =	vmul.f32 v51, v50;
	[tilespmem:s25+$0x143A0] =	vst v8  }
0x6f: {  	v57 =	vld [tilespmem:s25+$0x14430];
	v13 =	vmul.f32 v52, v50;
	[tilespmem:s25+$0x143C0] =	vst v10  }
0x70: {  	v58 =	vld [tilespmem:s25+$0x14440];
	v59 =	vbroadcast v1, $0x5;
	v11 =	vmul.f32 v48, v50;
	[tilespmem:s25+$0x143D0] =	vst v12  }
0x71: {  	v60 =	vld [tilespmem:s25+$0x14450];
	v9 =	vmul.f32 v53, v50;
	[tilespmem:s25+$0x143E0] =	vst v13  }
0x72: {  	v56 =	vld [tilespmem:s25+$0x14420];
	v7 =	vmul.f32 v54, v59;
	[tilespmem:s25+$0x143B0] =	vst v11  }
0x73: {  	v61 =	vld [tilespmem:s25+$0x14460];
	v8 =	vmul.f32 v55, v59;
	[tilespmem:s25+$0x143F0] =	vst v9  }
0x74: {  	v62 =	vld [tilespmem:s25+$0x14470];
	v10 =	vmul.f32 v57, v59;
	[tilespmem:s25+$0x14400] =	vst v7  }
0x75: {  	v63 =	vld [tilespmem:s25+$0x14480];
	v12 =	vmul.f32 v58, v59;
	[tilespmem:s25+$0x14410] =	vst v8  }
0x76: {  	v19 =	vld [tilespmem:s25+$0x144A0];
	v13 =	vmul.f32 v60, v59;
	[tilespmem:s25+$0x14430] =	vst v10  }
0x77: {  	v20 =	vld [tilespmem:s25+$0x144B0];
	v11 =	vmul.f32 v56, v59;
	[tilespmem:s25+$0x14440] =	vst v12  }
0x78: {  	v21 =	vld [tilespmem:s25+$0x144C0];
	v22 =	vbroadcast v1, $0x6;
	v9 =	vmul.f32 v61, v59;
	[tilespmem:s25+$0x14450] =	vst v13  }
0x79: {  	v18 =	vld [tilespmem:s25+$0x14490];
	v7 =	vmul.f32 v62, v59;
	[tilespmem:s25+$0x14420] =	vst v11  }
0x7a: {  	v23 =	vld [tilespmem:s25+$0x144D0];
	v8 =	vmul.f32 v63, v22;
	[tilespmem:s25+$0x14460] =	vst v9  }
0x7b: {  	v24 =	vld [tilespmem:s25+$0x144E0];
	v10 =	vmul.f32 v19, v22;
	[tilespmem:s25+$0x14470] =	vst v7  }
0x7c: {  	v25 =	vld [tilespmem:s25+$0x144F0];
	v12 =	vmul.f32 v20, v22;
	[tilespmem:s25+$0x14480] =	vst v8  }
0x7d: {  	v27 =	vld [tilespmem:s25+$0x14510];
	v13 =	vmul.f32 v21, v22;
	[tilespmem:s25+$0x144A0] =	vst v10  }
0x7e: {  	v28 =	vld [tilespmem:s25+$0x14520];
	v11 =	vmul.f32 v18, v22;
	[tilespmem:s25+$0x144B0] =	vst v12  }
0x7f: {  	v29 =	vld [tilespmem:s25+$0x14530];
	v9 =	vmul.f32 v23, v22;
	[tilespmem:s25+$0x144C0] =	vst v13  }
0x80: {  	v31 =	vbroadcast v1, $0x7;
	v53 =	vld [tilespmem:s25+$0x14680];
	v7 =	vmul.f32 v24, v22;
	[tilespmem:s25+$0x14490] =	vst v11  }
0x81: {  	v57 =	vld [tilespmem:s25+$0x146C0];
	v8 =	vmul.f32 v25, v22;
	[tilespmem:s25+$0x144D0] =	vst v9  }
0x82: {  	v58 =	vld [tilespmem:s25+$0x146D0];
	v10 =	vmul.f32 v27, v31;
	[tilespmem:s25+$0x144E0] =	vst v7  }
0x83: {  	v26 =	vld [tilespmem:s25+$0x14500];
	v12 =	vmul.f32 v28, v31;
	[tilespmem:s25+$0x144F0] =	vst v8  }
0x84: {  	v30 =	vld [tilespmem:s25+$0x14540];
	v13 =	vmul.f32 v29, v31;
	[tilespmem:s25+$0x14510] =	vst v10  }
0x85: {  	v32 =	vld [tilespmem:s25+$0x14550];
	v59 =	vmul.f32 v53, v5;
	[tilespmem:s25+$0x14520] =	vst v12  }
0x86: {  	v33 =	vld [tilespmem:s25+$0x14560];
	v18 =	vmul.f32 v57, v5;
	[tilespmem:s25+$0x14530] =	vst v13  }
0x87: {  	v35 =	vld [tilespmem:s25+$0x14580];
	v20 =	vmul.f32 v58, v5;
	[tilespmem:s25+$0x14680] =	vst v59  }
0x88: {  	v36 =	vld [tilespmem:s25+$0x14590];
	v11 =	vmul.f32 v26, v31;
	[tilespmem:s25+$0x146C0] =	vst v18  }
0x89: {  	v37 =	vld [tilespmem:s25+$0x145A0];
	v9 =	vmul.f32 v30, v31;
	[tilespmem:s25+$0x146D0] =	vst v20  }
0x8a: {  	v4 =	vld [tilespmem:s25+$0x14700];
	v40 =	vbroadcast v1, $0x8;
	v7 =	vmul.f32 v32, v31;
	[tilespmem:s25+$0x14500] =	vst v11  }
0x8b: {  	v6 =	vld [tilespmem:s25+$0x14710];
	v8 =	vmul.f32 v33, v31;
	[tilespmem:s25+$0x14540] =	vst v9  }
0x8c: {  	v3 =	vld [tilespmem:s25+$0x14950];
	v10 =	vmul.f32 v35, v40;
	[tilespmem:s25+$0x14550] =	vst v7  }
0x8d: {  	v61 =	vld [tilespmem:s25+$0x14180];
	v23 =	vbroadcast v1, $0xB;
	v12 =	vmul.f32 v36, v40;
	[tilespmem:s25+$0x14560] =	vst v8  }
0x8e: {  	v34 =	vld [tilespmem:s25+$0x14570];
	v13 =	vmul.f32 v37, v40;
	[tilespmem:s25+$0x14580] =	vst v10  }
0x8f: {  	v38 =	vld [tilespmem:s25+$0x145B0];
	v27 =	vbroadcast v1, $0xF;
	v4 =	vmul.f32 v4, v23;
	[tilespmem:s25+$0x14590] =	vst v12  }
0x90: {  	v39 =	vld [tilespmem:s25+$0x145C0];
	v6 =	vmul.f32 v6, v23;
	[tilespmem:s25+$0x145A0] =	vst v13  }
0x91: {  	v41 =	vld [tilespmem:s25+$0x145D0];
	v3 =	vmul.f32 v3, v27;
	[tilespmem:s25+$0x14700] =	vst v4  }
0x92: {  	v43 =	vld [tilespmem:s25+$0x145F0];
	v24 =	vmul.f32 v2, v61;
	[tilespmem:s25+$0x14710] =	vst v6  }
0x93: {  	v44 =	vld [tilespmem:s25+$0x14600];
	v11 =	vmul.f32 v34, v31;
	[tilespmem:s25+$0x14950] =	vst v3  }
0x94: {  	v45 =	vld [tilespmem:s25+$0x14610];
	v9 =	vmul.f32 v38, v40;
	[tilespmem:s25+$0x14180] =	vst v24  }
0x95: {  	v63 =	vld [tilespmem:s25+$0x141C0];
	v7 =	vmul.f32 v39, v40;
	[tilespmem:s25+$0x14570] =	vst v11  }
0x96: {  	v49 =	vbroadcast v1, $0x9;
	v29 =	vld [tilespmem:s25+$0x14770];
	v8 =	vmul.f32 v41, v40;
	[tilespmem:s25+$0x145B0] =	vst v9  }
0x97: {  	v42 =	vld [tilespmem:s25+$0x145E0];
	v10 =	vmul.f32 v43, v40;
	[tilespmem:s25+$0x145C0] =	vst v7  }
0x98: {  	v46 =	vld [tilespmem:s25+$0x14620];
	v12 =	vmul.f32 v44, v49;
	[tilespmem:s25+$0x145D0] =	vst v8  }
0x99: {  	v47 =	vld [tilespmem:s25+$0x14630];
	v13 =	vmul.f32 v45, v49;
	[tilespmem:s25+$0x145F0] =	vst v10  }
0x9a: {  	v48 =	vld [tilespmem:s25+$0x14640];
	v3 =	vmul.f32 v63, v2;
	[tilespmem:s25+$0x14600] =	vst v12  }
0x9b: {  	v51 =	vld [tilespmem:s25+$0x14660];
	v6 =	vmul.f32 v29, v23;
	[tilespmem:s25+$0x14610] =	vst v13  }
0x9c: {  	v52 =	vld [tilespmem:s25+$0x14670];
	v11 =	vmul.f32 v42, v40;
	[tilespmem:s25+$0x141C0] =	vst v3  }
0x9d: {  	v28 =	vld [tilespmem:s25+$0x14760];
	v9 =	vmul.f32 v46, v49;
	[tilespmem:s25+$0x14770] =	vst v6  }
0x9e: {  	v26 =	vld [tilespmem:s25+$0x14750];
	v7 =	vmul.f32 v47, v49;
	[tilespmem:s25+$0x145E0] =	vst v11  }
0x9f: {  	v30 =	vld [tilespmem:s25+$0x14780];
	v8 =	vmul.f32 v48, v49;
	[tilespmem:s25+$0x14620] =	vst v9  }
0xa0: {  	v50 =	vld [tilespmem:s25+$0x14650];
	v10 =	vmul.f32 v51, v49;
	[tilespmem:s25+$0x14630] =	vst v7  }
0xa1: {  	v54 =	vld [tilespmem:s25+$0x14690];
	v12 =	vmul.f32 v52, v49;
	[tilespmem:s25+$0x14640] =	vst v8  }
0xa2: {  	v55 =	vld [tilespmem:s25+$0x146A0];
	v35 =	vbroadcast v1, $0xC;
	v40 =	vmul.f32 v28, v23;
	[tilespmem:s25+$0x14660] =	vst v10  }
0xa3: {  	v56 =	vld [tilespmem:s25+$0x146B0];
	v32 =	vmul.f32 v26, v23;
	[tilespmem:s25+$0x14670] =	vst v12  }
0xa4: {  	v60 =	vld [tilespmem:s25+$0x146E0];
	v15 =	vmul.f32 v30, v35;
	[tilespmem:s25+$0x14760] =	vst v40  }
0xa5: {  	v62 =	vld [tilespmem:s25+$0x14190];
	v11 =	vmul.f32 v50, v49;
	[tilespmem:s25+$0x14750] =	vst v32  }
0xa6: {  	v19 =	vld [tilespmem:s25+$0x141D0];
	v9 =	vmul.f32 v54, v5;
	[tilespmem:s25+$0x14780] =	vst v15  }
0xa7: {  	v33 =	vld [tilespmem:s25+$0x147B0];
	v7 =	vmul.f32 v55, v5;
	[tilespmem:s25+$0x14650] =	vst v11  }
0xa8: {  	v61 =	vld [tilespmem:s25+$0x14970];
	v8 =	vmul.f32 v56, v5;
	[tilespmem:s25+$0x14690] =	vst v9  }
0xa9: {  	v38 =	vld [tilespmem:s25+$0x147F0];
	v5 =	vmul.f32 v60, v5;
	[tilespmem:s25+$0x146A0] =	vst v7  }
0xaa: {  	v21 =	vld [tilespmem:s25+$0x14720];
	v12 =	vmul.f32 v62, v2;
	[tilespmem:s25+$0x146B0] =	vst v8  }
0xab: {  	v22 =	vld [tilespmem:s25+$0x14730];
	v2 =	vmul.f32 v19, v2;
	[tilespmem:s25+$0x146E0] =	vst v5  }
0xac: {  	v25 =	vld [tilespmem:s25+$0x14740];
	v62 =	vmul.f32 v33, v35;
	[tilespmem:s25+$0x14190] =	vst v12  }
0xad: {  	v31 =	vld [tilespmem:s25+$0x14790];
	v63 =	vmul.f32 v61, v27;
	[tilespmem:s25+$0x141D0] =	vst v2  }
0xae: {  	v34 =	vld [tilespmem:s25+$0x147C0];
	v15 =	vmul.f32 v38, v35;
	[tilespmem:s25+$0x147B0] =	vst v62  }
0xaf: {  	v41 =	vld [tilespmem:s25+$0x14820];
	v7 =	vmul.f32 v21, v23;
	[tilespmem:s25+$0x14970] =	vst v63  }
0xb0: {  	v46 =	vld [tilespmem:s25+$0x14860];
	v8 =	vmul.f32 v22, v23;
	[tilespmem:s25+$0x147F0] =	vst v15  }
0xb1: {  	v36 =	vld [tilespmem:s25+$0x147D0];
	v5 =	vmul.f32 v25, v23;
	[tilespmem:s25+$0x14720] =	vst v7  }
0xb2: {  	v44 =	vbroadcast v1, $0xD;
	v9 =	vmul.f32 v31, v35;
	v2 =	vld [tilespmem:s25+$0x14810];
	[tilespmem:s25+$0x14730] =	vst v8  }
0xb3: {  	v37 =	vld [tilespmem:s25+$0x147E0];
	v12 =	vmul.f32 v34, v35;
	[tilespmem:s25+$0x14740] =	vst v5  }
0xb4: {  	v39 =	vld [tilespmem:s25+$0x14800];
	v11 =	vmul.f32 v41, v44;
	[tilespmem:s25+$0x14790] =	vst v9  }
0xb5: {  	v42 =	vld [tilespmem:s25+$0x14830];
	v51 =	vmul.f32 v46, v44;
	[tilespmem:s25+$0x147C0] =	vst v12  }
0xb6: {  	v48 =	vld [tilespmem:s25+$0x14890];
	v8 =	vmul.f32 v36, v35;
	[tilespmem:s25+$0x14820] =	vst v11  }
0xb7: {  	v49 =	vld [tilespmem:s25+$0x148A0];
	[tilespmem:s25+$0x14860] =	vst v51;
	v2 =	vmul.f32 v2, v44  }
0xb8: {  	v50 =	vld [tilespmem:s25+$0x148B0];
	v5 =	vmul.f32 v37, v35;
	[tilespmem:s25+$0x147D0] =	vst v8  }
0xb9: {  	v1 =	vbroadcast v1, $0xE;
	v9 =	vmul.f32 v39, v44;
	[tilespmem:s25+$0x14810] =	vst v2;
	v2 =	vld [tilespmem:s25+$0x14880]  }
0xba: {  	v60 =	vld [tilespmem:s25+$0x14960];
	v12 =	vmul.f32 v42, v44;
	[tilespmem:s25+$0x147E0] =	vst v5  }
0xbb: {  	v45 =	vld [tilespmem:s25+$0x14850];
	v11 =	vmul.f32 v48, v1;
	[tilespmem:s25+$0x14800] =	vst v9  }
0xbc: {  	v47 =	vld [tilespmem:s25+$0x14870];
	v10 =	vmul.f32 v49, v1;
	[tilespmem:s25+$0x14830] =	vst v12  }
0xbd: {  	v43 =	vld [tilespmem:s25+$0x14840];
	v6 =	vmul.f32 v50, v1;
	[tilespmem:s25+$0x14890] =	vst v11  }
0xbe: {  	v55 =	vld [tilespmem:s25+$0x14900];
	[tilespmem:s25+$0x148A0] =	vst v10;
	v2 =	vmul.f32 v2, v1  }
0xbf: {  	v57 =	vld [tilespmem:s25+$0x14920];
	v4 =	vmul.f32 v60, v27;
	[tilespmem:s25+$0x148B0] =	vst v6  }
0xc0: {  	v5 =	vmul.f32 v45, v44;
	[tilespmem:s25+$0x14880] =	vst v2;
	v2 =	vld [tilespmem:s25+$0x148F0]  }
0xc1: {  	v52 =	vld [tilespmem:s25+$0x148C0];
	v9 =	vmul.f32 v47, v44;
	[tilespmem:s25+$0x14960] =	vst v4  }
0xc2: {  	v56 =	vld [tilespmem:s25+$0x14910];
	v8 =	vmul.f32 v43, v44;
	[tilespmem:s25+$0x14850] =	vst v5  }
0xc3: {  	v54 =	vld [tilespmem:s25+$0x148E0];
	v11 =	vmul.f32 v55, v27;
	[tilespmem:s25+$0x14870] =	vst v9  }
0xc4: {  	v58 =	vld [tilespmem:s25+$0x14930];
	v6 =	vmul.f32 v57, v27;
	[tilespmem:s25+$0x14840] =	vst v8  }
0xc5: {  	v53 =	vld [tilespmem:s25+$0x148D0];
	[tilespmem:s25+$0x14900] =	vst v11;
	v2 =	vmul.f32 v2, v1  }
0xc6: {  	v59 =	vld [tilespmem:s25+$0x14940];
	v5 =	vmul.f32 v52, v1;
	[tilespmem:s25+$0x14920] =	vst v6  }
0xc7: {  	[tilespmem:s25+$0x148F0] =	vst v2;
	v2 =	vmul.f32 v56, v27  }
0xc8: {  	v3 =	vld [tilespmem:s25+$0x147A0];
	v9 =	vmul.f32 v54, v1;
	[tilespmem:s25+$0x148C0] =	vst v5  }
0xc9: {  	[tilespmem:s25+$0x14910] =	vst v2;
	v2 =	vmul.f32 v58, v27  }
0xca: {  	[tilespmem:s25+$0x148E0] =	vst v9;
	v1 =	vmul.f32 v53, v1  }
0xcb: {  	[tilespmem:s25+$0x14930] =	vst v2;
	v2 =	vmul.f32 v59, v27  }
0xcc: {  	[tilespmem:s25+$0x148D0] =	vst v1  }
0xcd: {  	s26 =	simm.s32 $0x1;
	[tilespmem:s25+$0x14940] =	vst v2;
	v2 =	vmul.f32 v3, v35  }
.LBB2_5:
0xce: {  	s28 =	sshll.u32 s26, $0x4  }
0xcf: {  	p0 =	sne.s32 s26, $0x7;
	[tilespmem:s25+$0x147A0] =	vst v2;
	s25 =	smov.u32 s26;
	s26 =	sadd.s32 $0x1, s26  }
0xd0: {  	s28 =	sand.u32 $0x3FFFFFF0, s28  }
0xd1: {  	s25 =	sshll.u32 s25, $0xB;
	v1 =	vld [tilespmem:s28+$0x14080]  }
0xd2: {  	s25 =	sand.u32 $0x3FFFF800, s25  }
0xd3: {  	v8 =	vld [tilespmem:s25+$0x14240]  }
0xd4: {  	v9 =	vld [tilespmem:s25+$0x14250]  }
0xd5: {  	v10 =	vld [tilespmem:s25+$0x14230]  }
0xd6: {  	v2 =	vbroadcast v1, $0x0;
	v3 =	vld [tilespmem:s25+$0x141A0];
	v7 =	vbroadcast v1, $0x4  }
0xd7: {  	v5 =	vld [tilespmem:s25+$0x141B0]  }
0xd8: {  	v6 =	vld [tilespmem:s25+$0x146F0]  }
0xd9: {  	v11 =	vld [tilespmem:s25+$0x141E0]  }
0xda: {  	v12 =	vld [tilespmem:s25+$0x141F0]  }
0xdb: {  	v4 =	vbroadcast v1, $0xA;
	v3 =	vmul.f32 v3, v2;
	v13 =	vld [tilespmem:s25+$0x14200]  }
0xdc: {  	v5 =	vmul.f32 v5, v2;
	v14 =	vld [tilespmem:s25+$0x14210]  }
0xdd: {  	[tilespmem:s25+$0x141A0] =	vst v3;
	v15 =	vld [tilespmem:s25+$0x14220];
	v3 =	vmul.f32 v6, v4  }
0xde: {  	[tilespmem:s25+$0x141B0] =	vst v5;
	v6 =	vmul.f32 v11, v2;
	v11 =	vbroadcast v1, $0x1;
	v5 =	vld [tilespmem:s25+$0x14700]  }
0xdf: {  	v12 =	vmul.f32 v12, v2;
	[tilespmem:s25+$0x146F0] =	vst v3;
	v3 =	vld [tilespmem:s25+$0x14950]  }
0xe0: {  	[tilespmem:s25+$0x141E0] =	vst v6;
	v13 =	vmul.f32 v13, v11;
	v6 =	vld [tilespmem:s25+$0x14710]  }
0xe1: {  	[tilespmem:s25+$0x141F0] =	vst v12;
	v12 =	vmul.f32 v14, v11;
	v14 =	vld [tilespmem:s25+$0x14260]  }
0xe2: {  	[tilespmem:s25+$0x14200] =	vst v13;
	v13 =	vmul.f32 v15, v11;
	v15 =	vld [tilespmem:s25+$0x14270]  }
0xe3: {  	v10 =	vmul.f32 v10, v11;
	[tilespmem:s25+$0x14210] =	vst v12;
	v12 =	vld [tilespmem:s25+$0x14280]  }
0xe4: {  	v8 =	vmul.f32 v8, v11;
	[tilespmem:s25+$0x14220] =	vst v13;
	v13 =	vld [tilespmem:s25+$0x14290]  }
0xe5: {  	v9 =	vmul.f32 v9, v11;
	[tilespmem:s25+$0x14230] =	vst v10;
	v10 =	vld [tilespmem:s25+$0x142A0]  }
0xe6: {  	[tilespmem:s25+$0x14240] =	vst v8;
	v8 =	vmul.f32 v14, v11;
	v14 =	vbroadcast v1, $0x2;
	v16 =	vld [tilespmem:s25+$0x142B0]  }
0xe7: {  	[tilespmem:s25+$0x14250] =	vst v9;
	v9 =	vmul.f32 v15, v11;
	v11 =	vld [tilespmem:s25+$0x142C0]  }
0xe8: {  	[tilespmem:s25+$0x14260] =	vst v8;
	v8 =	vmul.f32 v12, v14;
	v12 =	vld [tilespmem:s25+$0x142D0]  }
0xe9: {  	[tilespmem:s25+$0x14270] =	vst v9;
	v9 =	vmul.f32 v13, v14;
	v13 =	vld [tilespmem:s25+$0x142E0]  }
0xea: {  	[tilespmem:s25+$0x14280] =	vst v8;
	v8 =	vmul.f32 v10, v14;
	v10 =	vld [tilespmem:s25+$0x142F0]  }
0xeb: {  	[tilespmem:s25+$0x14290] =	vst v9;
	v9 =	vmul.f32 v16, v14;
	v15 =	vld [tilespmem:s25+$0x14300]  }
0xec: {  	[tilespmem:s25+$0x142A0] =	vst v8;
	v8 =	vmul.f32 v11, v14;
	v11 =	vld [tilespmem:s25+$0x14310]  }
0xed: {  	[tilespmem:s25+$0x142B0] =	vst v9;
	v9 =	vmul.f32 v12, v14;
	v12 =	vld [tilespmem:s25+$0x14320]  }
0xee: {  	[tilespmem:s25+$0x142C0] =	vst v8;
	v8 =	vmul.f32 v13, v14;
	v13 =	vbroadcast v1, $0x3;
	v16 =	vld [tilespmem:s25+$0x14330]  }
0xef: {  	[tilespmem:s25+$0x142D0] =	vst v9;
	v9 =	vmul.f32 v10, v14;
	v10 =	vld [tilespmem:s25+$0x14340]  }
0xf0: {  	[tilespmem:s25+$0x142E0] =	vst v8;
	v8 =	vmul.f32 v15, v13;
	v14 =	vld [tilespmem:s25+$0x14350]  }
0xf1: {  	[tilespmem:s25+$0x142F0] =	vst v9;
	v9 =	vmul.f32 v11, v13;
	v11 =	vld [tilespmem:s25+$0x14360]  }
0xf2: {  	[tilespmem:s25+$0x14300] =	vst v8;
	v8 =	vmul.f32 v12, v13;
	v12 =	vld [tilespmem:s25+$0x14370]  }
0xf3: {  	[tilespmem:s25+$0x14310] =	vst v9;
	v9 =	vmul.f32 v16, v13;
	v15 =	vld [tilespmem:s25+$0x14380]  }
0xf4: {  	[tilespmem:s25+$0x14320] =	vst v8;
	v8 =	vmul.f32 v10, v13;
	v10 =	vld [tilespmem:s25+$0x14390]  }
0xf5: {  	[tilespmem:s25+$0x14330] =	vst v9;
	v9 =	vmul.f32 v14, v13;
	v14 =	vld [tilespmem:s25+$0x143A0]  }
0xf6: {  	[tilespmem:s25+$0x14340] =	vst v8;
	v8 =	vmul.f32 v11, v13;
	v11 =	vld [tilespmem:s25+$0x143B0]  }
0xf7: {  	[tilespmem:s25+$0x14350] =	vst v9;
	v9 =	vmul.f32 v12, v13;
	v12 =	vld [tilespmem:s25+$0x143C0]  }
0xf8: {  	[tilespmem:s25+$0x14360] =	vst v8;
	v8 =	vmul.f32 v15, v7;
	v13 =	vld [tilespmem:s25+$0x143D0]  }
0xf9: {  	[tilespmem:s25+$0x14370] =	vst v9;
	v9 =	vmul.f32 v10, v7;
	v10 =	vld [tilespmem:s25+$0x143E0]  }
0xfa: {  	[tilespmem:s25+$0x14380] =	vst v8;
	v8 =	vmul.f32 v14, v7;
	v14 =	vld [tilespmem:s25+$0x143F0]  }
0xfb: {  	[tilespmem:s25+$0x14390] =	vst v9;
	v9 =	vmul.f32 v11, v7;
	v11 =	vld [tilespmem:s25+$0x14400]  }
0xfc: {  	[tilespmem:s25+$0x143A0] =	vst v8;
	v8 =	vmul.f32 v12, v7;
	v12 =	vld [tilespmem:s25+$0x14410]  }
0xfd: {  	[tilespmem:s25+$0x143B0] =	vst v9;
	v9 =	vmul.f32 v13, v7;
	v13 =	vld [tilespmem:s25+$0x14420]  }
0xfe: {  	[tilespmem:s25+$0x143C0] =	vst v8;
	v8 =	vmul.f32 v10, v7;
	v10 =	vbroadcast v1, $0x5;
	v15 =	vld [tilespmem:s25+$0x14430]  }
0xff: {  	[tilespmem:s25+$0x143D0] =	vst v9;
	v7 =	vmul.f32 v14, v7;
	v9 =	vld [tilespmem:s25+$0x14440]  }
0x100: {  	[tilespmem:s25+$0x143E0] =	vst v8;
	v8 =	vmul.f32 v11, v10;
	v11 =	vld [tilespmem:s25+$0x14450]  }
0x101: {  	[tilespmem:s25+$0x143F0] =	vst v7;
	v7 =	vmul.f32 v12, v10;
	v12 =	vld [tilespmem:s25+$0x14460]  }
0x102: {  	[tilespmem:s25+$0x14400] =	vst v8;
	v8 =	vmul.f32 v13, v10;
	v13 =	vld [tilespmem:s25+$0x14470]  }
0x103: {  	[tilespmem:s25+$0x14410] =	vst v7;
	v7 =	vmul.f32 v15, v10;
	v14 =	vld [tilespmem:s25+$0x14480]  }
0x104: {  	[tilespmem:s25+$0x14420] =	vst v8;
	v8 =	vmul.f32 v9, v10;
	v9 =	vld [tilespmem:s25+$0x14490]  }
0x105: {  	[tilespmem:s25+$0x14430] =	vst v7;
	v7 =	vmul.f32 v11, v10;
	v11 =	vld [tilespmem:s25+$0x144A0]  }
0x106: {  	[tilespmem:s25+$0x14440] =	vst v8;
	v8 =	vmul.f32 v12, v10;
	v12 =	vbroadcast v1, $0x6;
	v15 =	vld [tilespmem:s25+$0x144B0]  }
0x107: {  	[tilespmem:s25+$0x14450] =	vst v7;
	v7 =	vmul.f32 v13, v10;
	v10 =	vld [tilespmem:s25+$0x144C0]  }
0x108: {  	[tilespmem:s25+$0x14460] =	vst v8;
	v8 =	vmul.f32 v14, v12;
	v13 =	vld [tilespmem:s25+$0x144D0]  }
0x109: {  	[tilespmem:s25+$0x14470] =	vst v7;
	v7 =	vmul.f32 v9, v12;
	v9 =	vld [tilespmem:s25+$0x144E0]  }
0x10a: {  	[tilespmem:s25+$0x14480] =	vst v8;
	v8 =	vmul.f32 v11, v12;
	v11 =	vld [tilespmem:s25+$0x144F0]  }
0x10b: {  	[tilespmem:s25+$0x14490] =	vst v7;
	v7 =	vmul.f32 v15, v12;
	v14 =	vld [tilespmem:s25+$0x14500]  }
0x10c: {  	[tilespmem:s25+$0x144A0] =	vst v8;
	v8 =	vmul.f32 v10, v12;
	v10 =	vld [tilespmem:s25+$0x14510]  }
0x10d: {  	[tilespmem:s25+$0x144B0] =	vst v7;
	v7 =	vmul.f32 v13, v12;
	v13 =	vld [tilespmem:s25+$0x14520]  }
0x10e: {  	[tilespmem:s25+$0x144C0] =	vst v8;
	v8 =	vmul.f32 v9, v12;
	v9 =	vbroadcast v1, $0x7;
	v15 =	vld [tilespmem:s25+$0x14530]  }
0x10f: {  	[tilespmem:s25+$0x144D0] =	vst v7;
	v7 =	vmul.f32 v11, v12;
	v11 =	vld [tilespmem:s25+$0x14540]  }
0x110: {  	[tilespmem:s25+$0x144E0] =	vst v8;
	v8 =	vmul.f32 v14, v9;
	v12 =	vld [tilespmem:s25+$0x14550]  }
0x111: {  	[tilespmem:s25+$0x144F0] =	vst v7;
	v7 =	vmul.f32 v10, v9;
	v10 =	vld [tilespmem:s25+$0x14560]  }
0x112: {  	[tilespmem:s25+$0x14500] =	vst v8;
	v8 =	vmul.f32 v13, v9;
	v13 =	vld [tilespmem:s25+$0x14570]  }
0x113: {  	[tilespmem:s25+$0x14510] =	vst v7;
	v7 =	vmul.f32 v15, v9;
	v14 =	vld [tilespmem:s25+$0x14580]  }
0x114: {  	[tilespmem:s25+$0x14520] =	vst v8;
	v8 =	vmul.f32 v11, v9;
	v11 =	vld [tilespmem:s25+$0x14590]  }
0x115: {  	[tilespmem:s25+$0x14530] =	vst v7;
	v7 =	vmul.f32 v12, v9;
	v12 =	vld [tilespmem:s25+$0x145A0]  }
0x116: {  	[tilespmem:s25+$0x14540] =	vst v8;
	v8 =	vmul.f32 v10, v9;
	v10 =	vbroadcast v1, $0x8;
	v15 =	vld [tilespmem:s25+$0x145B0]  }
0x117: {  	[tilespmem:s25+$0x14550] =	vst v7;
	v7 =	vmul.f32 v13, v9;
	v9 =	vld [tilespmem:s25+$0x145C0]  }
0x118: {  	[tilespmem:s25+$0x14560] =	vst v8;
	v8 =	vmul.f32 v14, v10;
	v13 =	vld [tilespmem:s25+$0x145D0]  }
0x119: {  	[tilespmem:s25+$0x14570] =	vst v7;
	v7 =	vmul.f32 v11, v10;
	v11 =	vld [tilespmem:s25+$0x145E0]  }
0x11a: {  	[tilespmem:s25+$0x14580] =	vst v8;
	v8 =	vmul.f32 v12, v10;
	v12 =	vld [tilespmem:s25+$0x145F0]  }
0x11b: {  	[tilespmem:s25+$0x14590] =	vst v7;
	v7 =	vmul.f32 v15, v10;
	v14 =	vld [tilespmem:s25+$0x14600]  }
0x11c: {  	[tilespmem:s25+$0x145A0] =	vst v8;
	v8 =	vmul.f32 v9, v10;
	v9 =	vld [tilespmem:s25+$0x14610]  }
0x11d: {  	[tilespmem:s25+$0x145B0] =	vst v7;
	v7 =	vmul.f32 v13, v10;
	v13 =	vld [tilespmem:s25+$0x14620]  }
0x11e: {  	[tilespmem:s25+$0x145C0] =	vst v8;
	v8 =	vmul.f32 v11, v10;
	v11 =	vbroadcast v1, $0x9;
	v15 =	vld [tilespmem:s25+$0x14630]  }
0x11f: {  	[tilespmem:s25+$0x145D0] =	vst v7;
	v7 =	vmul.f32 v12, v10;
	v10 =	vld [tilespmem:s25+$0x14640]  }
0x120: {  	[tilespmem:s25+$0x145E0] =	vst v8;
	v8 =	vmul.f32 v14, v11;
	v12 =	vld [tilespmem:s25+$0x14650]  }
0x121: {  	[tilespmem:s25+$0x145F0] =	vst v7;
	v7 =	vmul.f32 v9, v11;
	v9 =	vld [tilespmem:s25+$0x14660]  }
0x122: {  	[tilespmem:s25+$0x14600] =	vst v8;
	v8 =	vmul.f32 v13, v11;
	v13 =	vld [tilespmem:s25+$0x14670]  }
0x123: {  	[tilespmem:s25+$0x14610] =	vst v7;
	v7 =	vmul.f32 v15, v11;
	v14 =	vld [tilespmem:s25+$0x14680]  }
0x124: {  	[tilespmem:s25+$0x14620] =	vst v8;
	v8 =	vmul.f32 v10, v11;
	v10 =	vld [tilespmem:s25+$0x14690]  }
0x125: {  	[tilespmem:s25+$0x14630] =	vst v7;
	v7 =	vmul.f32 v12, v11;
	v12 =	vld [tilespmem:s25+$0x146A0]  }
0x126: {  	[tilespmem:s25+$0x14640] =	vst v8;
	v8 =	vmul.f32 v9, v11;
	v9 =	vld [tilespmem:s25+$0x146B0]  }
0x127: {  	[tilespmem:s25+$0x14650] =	vst v7;
	v7 =	vmul.f32 v13, v11;
	v11 =	vld [tilespmem:s25+$0x146C0]  }
0x128: {  	[tilespmem:s25+$0x14660] =	vst v8;
	v8 =	vmul.f32 v14, v4;
	v13 =	vld [tilespmem:s25+$0x146D0]  }
0x129: {  	[tilespmem:s25+$0x14670] =	vst v7;
	v7 =	vmul.f32 v10, v4;
	v10 =	vld [tilespmem:s25+$0x146E0]  }
0x12a: {  	v14 =	vld [tilespmem:s25+$0x14180];
	[tilespmem:s25+$0x14680] =	vst v8;
	v8 =	vmul.f32 v12, v4  }
0x12b: {  	v12 =	vld [tilespmem:s25+$0x14190];
	[tilespmem:s25+$0x14690] =	vst v7;
	v7 =	vmul.f32 v9, v4  }
0x12c: {  	v9 =	vld [tilespmem:s25+$0x141C0];
	[tilespmem:s25+$0x146A0] =	vst v8;
	v8 =	vmul.f32 v11, v4  }
0x12d: {  	v11 =	vld [tilespmem:s25+$0x141D0];
	[tilespmem:s25+$0x146B0] =	vst v7;
	v7 =	vmul.f32 v13, v4  }
0x12e: {  	[tilespmem:s25+$0x146C0] =	vst v8;
	v8 =	vmul.f32 v10, v4;
	v10 =	vbroadcast v1, $0xB;
	v13 =	vld [tilespmem:s25+$0x14720]  }
0x12f: {  	v4 =	vbroadcast v1, $0xF;
	v14 =	vmul.f32 v2, v14;
	[tilespmem:s25+$0x146D0] =	vst v7;
	v7 =	vld [tilespmem:s25+$0x14730]  }
0x130: {  	v12 =	vmul.f32 v12, v2;
	[tilespmem:s25+$0x146E0] =	vst v8;
	v5 =	vmul.f32 v5, v10;
	v8 =	vld [tilespmem:s25+$0x14740]  }
0x131: {  	v6 =	vmul.f32 v6, v10;
	[tilespmem:s25+$0x14180] =	vst v14;
	v9 =	vmul.f32 v9, v2;
	v14 =	vld [tilespmem:s25+$0x14750]  }
0x132: {  	v3 =	vmul.f32 v3, v4;
	v11 =	vmul.f32 v11, v2;
	[tilespmem:s25+$0x14700] =	vst v5;
	v2 =	vld [tilespmem:s25+$0x14760]  }
0x133: {  	[tilespmem:s25+$0x14710] =	vst v6;
	v5 =	vmul.f32 v13, v10;
	v6 =	vld [tilespmem:s25+$0x14770]  }
0x134: {  	v7 =	vmul.f32 v7, v10;
	v13 =	vld [tilespmem:s25+$0x14780];
	[tilespmem:s25+$0x14950] =	vst v3  }
0x135: {  	[tilespmem:s25+$0x14190] =	vst v12;
	v3 =	vmul.f32 v8, v10;
	v8 =	vld [tilespmem:s25+$0x14790]  }
0x136: {  	[tilespmem:s25+$0x141C0] =	vst v9;
	v9 =	vmul.f32 v14, v10;
	v12 =	vld [tilespmem:s25+$0x147A0]  }
0x137: {  	v14 =	vbroadcast v1, $0xC;
	[tilespmem:s25+$0x14720] =	vst v5;
	v5 =	vmul.f32 v2, v10;
	v15 =	vld [tilespmem:s25+$0x147B0]  }
0x138: {  	[tilespmem:s25+$0x14750] =	vst v9;
	v6 =	vmul.f32 v6, v10;
	v9 =	vld [tilespmem:s25+$0x147C0]  }
0x139: {  	[tilespmem:s25+$0x14730] =	vst v7;
	v2 =	vmul.f32 v13, v14;
	v7 =	vld [tilespmem:s25+$0x147D0]  }
0x13a: {  	[tilespmem:s25+$0x14740] =	vst v3;
	v3 =	vmul.f32 v8, v14;
	v8 =	vld [tilespmem:s25+$0x147E0]  }
0x13b: {  	[tilespmem:s25+$0x14780] =	vst v2;
	v2 =	vmul.f32 v12, v14;
	v10 =	vld [tilespmem:s25+$0x147F0]  }
0x13c: {  	[tilespmem:s25+$0x14790] =	vst v3;
	v3 =	vld [tilespmem:s25+$0x14800]  }
0x13d: {  	[tilespmem:s25+$0x141D0] =	vst v11;
	v9 =	vmul.f32 v9, v14;
	v11 =	vld [tilespmem:s25+$0x14810]  }
0x13e: {  	[tilespmem:s25+$0x14760] =	vst v5;
	v5 =	vmul.f32 v7, v14;
	v7 =	vld [tilespmem:s25+$0x14820]  }
0x13f: {  	[tilespmem:s25+$0x147C0] =	vst v9;
	v8 =	vmul.f32 v8, v14;
	v9 =	vbroadcast v1, $0xD;
	v12 =	vld [tilespmem:s25+$0x14830]  }
0x140: {  	[tilespmem:s25+$0x147D0] =	vst v5;
	v5 =	vmul.f32 v10, v14;
	v10 =	vld [tilespmem:s25+$0x14840]  }
0x141: {  	[tilespmem:s25+$0x147E0] =	vst v8;
	v3 =	vmul.f32 v3, v9;
	v8 =	vld [tilespmem:s25+$0x14850]  }
0x142: {  	[tilespmem:s25+$0x147F0] =	vst v5;
	v5 =	vmul.f32 v11, v9;
	v11 =	vld [tilespmem:s25+$0x14860]  }
0x143: {  	[tilespmem:s25+$0x14800] =	vst v3;
	v3 =	vmul.f32 v7, v9;
	v7 =	vld [tilespmem:s25+$0x14870]  }
0x144: {  	[tilespmem:s25+$0x14810] =	vst v5;
	v5 =	vmul.f32 v12, v9;
	v12 =	vld [tilespmem:s25+$0x14880]  }
0x145: {  	[tilespmem:s25+$0x14820] =	vst v3;
	v3 =	vmul.f32 v10, v9;
	v10 =	vld [tilespmem:s25+$0x14890]  }
0x146: {  	[tilespmem:s25+$0x14830] =	vst v5;
	v5 =	vmul.f32 v8, v9;
	v8 =	vld [tilespmem:s25+$0x148A0]  }
0x147: {  	v1 =	vbroadcast v1, $0xE;
	[tilespmem:s25+$0x14770] =	vst v6;
	v6 =	vmul.f32 v11, v9;
	v11 =	vld [tilespmem:s25+$0x148B0]  }
0x148: {  	[tilespmem:s25+$0x14850] =	vst v5;
	v5 =	vmul.f32 v7, v9;
	v7 =	vld [tilespmem:s25+$0x148C0]  }
0x149: {  	[tilespmem:s25+$0x14860] =	vst v6;
	v6 =	vmul.f32 v12, v1;
	v9 =	vld [tilespmem:s25+$0x148D0]  }
0x14a: {  	[tilespmem:s25+$0x14870] =	vst v5;
	v5 =	vmul.f32 v10, v1;
	v10 =	vld [tilespmem:s25+$0x148E0]  }
0x14b: {  	[tilespmem:s25+$0x14880] =	vst v6;
	v6 =	vmul.f32 v8, v1;
	v8 =	vld [tilespmem:s25+$0x148F0]  }
0x14c: {  	[tilespmem:s25+$0x14890] =	vst v5;
	v5 =	vmul.f32 v11, v1;
	v11 =	vld [tilespmem:s25+$0x14900]  }
0x14d: {  	[tilespmem:s25+$0x148A0] =	vst v6;
	v6 =	vmul.f32 v7, v1;
	v7 =	vld [tilespmem:s25+$0x14910]  }
0x14e: {  	[tilespmem:s25+$0x148B0] =	vst v5;
	v5 =	vmul.f32 v9, v1;
	v9 =	vld [tilespmem:s25+$0x14920]  }
0x14f: {  	[tilespmem:s25+$0x148C0] =	vst v6;
	v6 =	vmul.f32 v10, v1;
	v10 =	vld [tilespmem:s25+$0x14930]  }
0x150: {  	[tilespmem:s25+$0x14840] =	vst v3;
	v1 =	vmul.f32 v8, v1;
	v3 =	vld [tilespmem:s25+$0x14940]  }
0x151: {  	[tilespmem:s25+$0x148E0] =	vst v6;
	v6 =	vmul.f32 v11, v4;
	v8 =	vld [tilespmem:s25+$0x14960]  }
0x152: {  	[tilespmem:s25+$0x148F0] =	vst v1;
	v1 =	vmul.f32 v7, v4;
	v7 =	vld [tilespmem:s25+$0x14970]  }
0x153: {  	[tilespmem:s25+$0x14900] =	vst v6;
	v6 =	vmul.f32 v9, v4  }
0x154: {  	[tilespmem:s25+$0x14910] =	vst v1;
	v1 =	vmul.f32 v10, v4  }
0x155: {  	v9 =	vmul.f32 v15, v14;
	[tilespmem:s25+$0x14920] =	vst v6  }
0x156: {  	[tilespmem:s25+$0x14930] =	vst v1;
	v1 =	vmul.f32 v3, v4  }
.Ltmp1:
0x157: {  	[tilespmem:s25+$0x147B0] =	vst v9;
	v3 =	vmul.f32 v7, v4;
	(pc) =	sbr.rel @p0 .LBB2_5-.Ltmp1, $4  }
0x158: {  	[tilespmem:s25+$0x14940] =	vst v1  }
0x159: {  	v1 =	vmul.f32 v8, v4;
	[tilespmem:s25+$0x14970] =	vst v3  }
0x15a: {  	[tilespmem:s25+$0x148D0] =	vst v5  }
0x15b: {  	[tilespmem:s25+$0x14960] =	vst v1  }
0x15c: {  	s24 =	sadd.s32 $0x1, s24  }
0x15d: {  	p0 =	sne.s32 s24, $0x4F  }
.Ltmp2:
0x15e: {  	[tilespmem:s25+$0x147A0] =	vst v2;
	(pc) =	sbr.rel @p0 .LBB2_4-.Ltmp2, $4  }
0x15f: {  	[spmem:s3] =	stream.indirect.scatter.add.f32 [tilespmem:s15], [sflag:$0x2], $0x80, s18, s19, $0xb8;
	[tilespmem:$0x18180] =	vst v63  }
0x160: {  	_ =	swait.ge [sflag:s16], $0x4000  }
0x161: {  	[sflag:s16] =	ssyncset.done $0x0  }
0x162: {  	[sflag:s16] =	ssyncadd.s32 $0xFFFFC000  }
0x163: {  	s4 =	sadd.s32 $0x1, s4  }
0x164: {  	p0 =	sne.s32 s4, s10  }
.Ltmp3:
0x165: {  	[bflag:$0x0] =	sbarrier.arrive $0xFFFF;
	(pc) =	sbr.rel @p0 .LBB2_1-.Ltmp3, $4  }
0x166: {  	[hbm:s9], [sflag:s21] =	dma.local [spmem:s22], $0x2800  }
0x167: {  	_ =	swait.ge [sflag:s16], $0x2800  }
0x168: {  	[sflag:s16] =	ssyncset.done $0x0  }
0x169: {  	[sflag:s16] =	ssyncadd.s32 $0xFFFFD800  }
0x16a: {  	_ =	sfence.sel $0x180000  }
0x16b: {  	[bflag:$0x0] =	sbarrier.arrive $0xFFFF  }
0x16c: {  	p0 =	sne.s32 s1, $0x0;
	_ =	strace $0x9000004D  }
0x16d: {  	s0 =	sadd.s32 @!p0 $0x100000, s0;
	[bflag:$0x2] =	sbarrier.arrive $0xFFFF  }
0x16e: {  	[sflag:s0] =	ssyncadd.tile.s32 @!p0 $0x1;
	_ =	shalt  }
.Lfunc_end2:
_tile_overlayer_lowered:
.L_overlay_start_2:
0x16f: {  	(tag) =	ssettag $0x2  }
0x170: {  	s0 =	rddreg [dreg:$0x0];
	s2 =	stileid.u32  }
0x171: {  	s1 =	rddreg [dreg:$0x1];
	p0 =	sne.s32 s2, $0x0  }
0x172: {  	s3 =	rddreg [dreg:$0x2];
	[bflag:$0x3] =	sbarrier.arrive $0xFFFF;
	s2 =	simm.s32 @!p0 $0x1C02  }
0x173: {  	[timem:s3], [sflag:s2] =	dma.local @!p0 [hbm:s0], s1  }
0x174: {  	s0 =	simm.s32 @!p0 $0x2  }
0x175: {  	_ =	swait.ge @!p0 [sflag:s0], s1  }
0x176: {  	s1 =	ssub.s32 @!p0 $0x0, s1;
	[sflag:s0] =	ssyncset.done @!p0 $0x0  }
0x177: {  	[sflag:s0] =	ssyncadd.s32 @!p0 s1  }
0x178: {  	[bflag:$0x3] =	sbarrier.arrive $0xFFFF  }
0x179: {  	_ =	shalt  }

// kernel: kernel.8.cloned.1.call-start
scs
__scs_entry_jumppad:
0x0: {  	(pc) =	sbr.rel $0x88, $3  }
0x1: {  	(tag) =	ssettag $0x0;
	lr =	simm.s32 $0x1  }
0x2: {  	[smem:$0x3F9A] =	sst lr;
	_ =	strace $0xD0000000  }
0x3: {  	_ = 	snop  }
0x4: {  	_ = 	snop  }
0x5: {  	_ = 	snop  }
0x6: {  	_ = 	snop  }
0x7: {  	_ = 	snop  }
__scs_overlays_trampoline_lowered:
0x8: {  	[smem:$0x3FA9] =	sst s0  }
0x9: {  	[smem:$0x3FAA] =	sst s1  }
0xa: {  	[smem:$0x3FAB] =	sst s2  }
0xb: {  	[smem:$0x3FAC] =	sst s3  }
0xc: {  	[smem:$0x3FAD] =	sst s4  }
0xd: {  	[smem:$0x3FAE] =	sst s5  }
0xe: {  	[smem:$0x3FAF] =	sst s6  }
0xf: {  	[smem:$0x3FB0] =	sst s7  }
0x10: {  	[smem:$0x3FB1] =	sst s8  }
0x11: {  	[smem:$0x3FB2] =	sst s9;
	s0 =	simm.s32 @!p0 $0x0  }
0x12: {  	s1 =	sld [smem:$0x3F98];
	s0 =	simm.s32 @p0 $0x1  }
0x13: {  	[smem:$0x3FB3] =	sst s0;
	s0 =	simm.s32 @!p1 $0x0  }
0x14: {  	s2 =	sld [smem:$0x3F97];
	s0 =	simm.s32 @p1 $0x1  }
0x15: {  	[smem:$0x3FB4] =	sst s0;
	s0 =	simm.s32 @!p2 $0x0  }
0x16: {  	s3 =	sld [smem:$0x3FDB];
	s0 =	simm.s32 @p2 $0x1  }
0x17: {  	s4 =	simm.s32 $0x1BF5;
	[smem:$0x3FB6] =	sst s0  }
0x18: {  	s0 =	sld [smem:$0x3F99];
	_ =	swait.ge [sflag:s4], $0x0  }
0x19: {  	s7 =	sld [smem:$0x3F9A]  }
0x1a: {  	s8 =	sadd.s32 $0xFFFFE003, lr  }
0x1b: {  	s9 =	sadd.s32 $0xFFFFFEF7, lr;
	s5 =	simm.s32 $0xFFFFFFFF;
	p2 =	slt.u32 s8, $0xFFFFF086  }
0x1c: {  	p1 =	slt.u32 s9, $0xF7A;
	s5 =	simm.s32 @!p2 $0x0  }
0x1d: {  	s5 =	simm.s32 @p1 $0x1;
	p0 =	seq.s32 s7, s2  }
0x1e: {  	s7 =	smul.u32 @!p0 $0xF7A, s2;
	p2 =	seq.s32 @!p0 s5, $0x0  }
0x1f: {  	s9 =	smul.u32 $0xF7A, s1;
	s8 =	simm.s32 @!p0 $0x1BF5;
	p2 =	por !p2, p0  }
0x20: {  	[sflag:s8] =	ssyncset.s32 @!p0 $0xFFFFF086;
	s6 =	sadd.s32 @!p0 s3, s7;
	s7 =	simm.s32 @!p0 $0x108  }
0x21: {  	s3 =	sadd.s32 s3, s9;
	s6 =	sadd.s32 @!p0 $0x88, s6;
	s7 =	simm.s32 @p2 $0x1082  }
0x22: {  	[simem:s7], [sflag:s8] =	dma.local @!p0 [hbm:s6], $0xF7A  }
0x23: {  	s9 =	sor.u32 $0xD0000000, s2;
	s6 =	simm.s32 $0x108;
	_ =	swait.ge @!p0 [sflag:s8], $0x0  }
0x24: {  	s3 =	sadd.s32 $0x88, s3;
	s6 =	simm.s32 @!p1 $0x1082;
	[sflag:s4] =	ssyncset.s32 $0xFFFFF086  }
0x25: {  	[simem:s6], [sflag:s4] =	dma.local [hbm:s3], $0xF7A  }
0x26: {  	[smem:$0x3F9A] =	sst s1;
	(tag) =	ssettag s2;
	_ =	strace s9  }
0x27: {  	s1 =	sld [smem:$0x3FAA]  }
0x28: {  	s2 =	sld [smem:$0x3FAB]  }
0x29: {  	s4 =	sld [smem:$0x3FAD]  }
0x2a: {  	p0 =	seq.s32 s5, $0x0;
	s5 =	sld [smem:$0x3FAE]  }
0x2b: {  	s6 =	sld [smem:$0x3FAF]  }
0x2c: {  	s7 =	sld [smem:$0x3FB0]  }
0x2d: {  	s3 =	simm.s32 $0x108;
	s8 =	sld [smem:$0x3FB1]  }
0x2e: {  	s3 =	simm.s32 @!p0 $0x1082;
	s9 =	sld [smem:$0x3FB2]  }
0x2f: {  	lr =	sadd.s32 s0, s3;
	s0 =	sld [smem:$0x3FA9]  }
0x30: {  	s3 =	sld [smem:$0x3FAC]  }
0x31: {  	[smem:$0x3FB5] =	sst s10  }
0x32: {  	s10 =	sld [smem:$0x3FB3];
	_ =	sdelay $0x3  }
0x33: {  	p0 =	seq.s32 s10, $0x1;
	s10 =	sld [smem:$0x3FB5];
	_ =	sdelay $0x3  }
0x34: {  	[smem:$0x3FB5] =	sst s10  }
0x35: {  	s10 =	sld [smem:$0x3FB4];
	_ =	sdelay $0x3  }
0x36: {  	p1 =	seq.s32 s10, $0x1;
	s10 =	sld [smem:$0x3FB5];
	_ =	sdelay $0x3  }
0x37: {  	[smem:$0x3FB5] =	sst s10  }
0x38: {  	s10 =	sld [smem:$0x3FB6]  }
0x39: {  	_ = 	snop;
	(pc) =	sbr.ind lr, $3  }
0x3a: {  	_ = 	snop  }
0x3b: {  	_ = 	snop  }
0x3c: {  	p2 =	seq.s32 s10, $0x1;
	s10 =	sld [smem:$0x3FB5]  }
0x3d: {  	_ =	shalt  }
0x3e: {  	_ =	shalt  }
0x3f: {  	_ =	shalt  }
0x40: {  	_ =	shalt  }
0x41: {  	_ =	shalt  }
0x42: {  	_ =	shalt  }
0x43: {  	_ =	shalt  }
0x44: {  	_ =	shalt  }
0x45: {  	_ =	shalt  }
0x46: {  	_ =	shalt  }
0x47: {  	_ =	shalt  }
0x48: {  	_ =	shalt  }
0x49: {  	_ =	shalt  }
0x4a: {  	_ =	shalt  }
0x4b: {  	_ =	shalt  }
0x4c: {  	_ =	shalt  }
0x4d: {  	_ =	shalt  }
0x4e: {  	_ =	shalt  }
0x4f: {  	_ =	shalt  }
0x50: {  	_ =	shalt  }
0x51: {  	_ =	shalt  }
0x52: {  	_ =	shalt  }
0x53: {  	_ =	shalt  }
0x54: {  	_ =	shalt  }
0x55: {  	_ =	shalt  }
0x56: {  	_ =	shalt  }
0x57: {  	_ =	shalt  }
0x58: {  	_ =	shalt  }
0x59: {  	_ =	shalt  }
0x5a: {  	_ =	shalt  }
0x5b: {  	_ =	shalt  }
0x5c: {  	_ =	shalt  }
0x5d: {  	_ =	shalt  }
0x5e: {  	_ =	shalt  }
0x5f: {  	_ =	shalt  }
0x60: {  	_ =	shalt  }
0x61: {  	_ =	shalt  }
0x62: {  	_ =	shalt  }
0x63: {  	_ =	shalt  }
0x64: {  	_ =	shalt  }
0x65: {  	_ =	shalt  }
0x66: {  	_ =	shalt  }
0x67: {  	_ =	shalt  }
0x68: {  	_ =	shalt  }
0x69: {  	_ =	shalt  }
0x6a: {  	_ =	shalt  }
0x6b: {  	_ =	shalt  }
0x6c: {  	_ =	shalt  }
0x6d: {  	_ =	shalt  }
0x6e: {  	_ =	shalt  }
0x6f: {  	_ =	shalt  }
0x70: {  	_ =	shalt  }
0x71: {  	_ =	shalt  }
0x72: {  	_ =	shalt  }
0x73: {  	_ =	shalt  }
0x74: {  	_ =	shalt  }
0x75: {  	_ =	shalt  }
0x76: {  	_ =	shalt  }
0x77: {  	_ =	shalt  }
0x78: {  	_ =	shalt  }
0x79: {  	_ =	shalt  }
0x7a: {  	_ =	shalt  }
0x7b: {  	_ =	shalt  }
0x7c: {  	_ =	shalt  }
0x7d: {  	_ =	shalt  }
0x7e: {  	_ =	shalt  }
0x7f: {  	_ =	shalt  }
0x80: {  	_ =	shalt  }
0x81: {  	_ =	shalt  }
0x82: {  	_ =	shalt  }
0x83: {  	_ =	shalt  }
0x84: {  	_ =	shalt  }
0x85: {  	_ =	shalt  }
0x86: {  	_ =	shalt  }
0x87: {  	_ =	shalt  }
.Lfunc_end0:
.L_simem_size_0:
called_computation_lowered:
.L_overlay_start_0:
0x88: {  	s2 =	sld [smem:$0x3FD9]  }
0x89: {  	s3 =	sld [smem:$0x3FFE];
	_ =	sdelay $0x1  }
0x8a: {  	s1 =	srdreg.scid  }
0x8b: {  	s0 =	sand.u32 $0x1, s1  }
0x8c: {  	s16 =	sshll.u32 s0, $0xA;
	s2 =	sadd.s32 s3, s2  }
0x8d: {  	s2 =	sadd.s32 s2, s16  }
0x8e: {  	[smem:$0x3FC1] =	sst s2  }
0x8f: {  	_ = 	snop  }
0x90: {  	(tm) =	ssettm $0x1  }
0x91: {  	s17 =	sld [smem:$0x3FFB];
	_ =	sdelay $0x3  }
0x92: {  	_ =	strace s17  }
0x93: {  	s2 =	sld [smem:$0x3FFC];
	_ =	sdelay $0x3  }
0x94: {  	_ =	strace s2  }
0x95: {  	s2 =	sld [smem:$0x3FFD];
	_ =	sdelay $0x3  }
0x96: {  	_ =	strace s2  }
0x97: {  	_ =	strace $0x8FFFFFFF  }
0x98: {  	s18 =	sld [smem:$0x3FDB];
	_ =	sdelay $0x1  }
0x99: {  	s19 =	simm.s32 $_scs_section_size  }
0x9a: {  	s4 =	simm.s32 $_size__tile_overlayer_lowered;
	s5 =	simm.s32 $_tile_overlayer_lowered  }
0x9b: {  	s22 =	simm.s32 $0x1BFF;
	s21 =	sshll.u32 s5, $0x1;
	s2 =	sadd.s32 s19, s18  }
0x9c: {  	s6 =	simm.s32 $0x0;
	s20 =	sshll.u32 s4, $0x1;
	s4 =	sadd.s32 s21, s2  }
0x9d: {  	[timem:s6], [sflag:s22] =	dma.local [hbm:s4], s20  }
0x9e: {  	_ =	swait.ge [sflag:s22], s20  }
0x9f: {  	s3 =	ssub.s32 $0x0, s20;
	[sflag:s22] =	ssyncset.done $0x0  }
0xa0: {  	[sflag:s22] =	ssyncadd.s32 s3;
	_ =	sdelay $0x1  }
0xa1: {  	s23 =	simm.s32 $0x1B8B  }
0xa2: {  	_ =	swait.ge [sflag:s23], $0x1  }
0xa3: {  	[sflag:s23] =	ssyncset.done $0x0  }
0xa4: {  	s25 =	simm.s32 $0x1B8E;
	s24 =	sld [smem:$0x3FFE];
	[sflag:s23] =	ssyncadd.s32 $0xFFFFFFFF  }
0xa5: {  	s26 =	simm.s32 $execute0_lowered;
	[smem:$0x3FD2] =	sst s25  }
0xa6: {  	s4 =	sshll.u32 s26, $0x1;
	_ =	strace $0x80000046;
	[dreg:$0x1] =	wrdreg $0xFFFFFFFF  }
0xa7: {  	s28 =	simm.s32 $_size_execute0_lowered;
	s2 =	sadd.s32 s2, s4;
	[dreg:$0x0] =	wrdreg $0x0  }
0xa8: {  	s4 =	sshll.u32 s28, $0x1;
	[dreg:$0x2] =	wrdreg s2  }
0xa9: {  	[dreg:$0x3] =	wrdreg s4  }
0xaa: {  	[dreg:$0x4] =	wrdreg $0xC0  }
0xab: {  	_ =	task [dreg:s6], $0x5FFFF  }
0xac: {  	[dreg:$0x1] =	wrdreg $0xFFFFFFFF  }
0xad: {  	[dreg:$0x0] =	wrdreg $0x60  }
0xae: {  	[dreg:$0x2] =	wrdreg s24  }
0xaf: {  	[dreg:$0x3] =	wrdreg $0x0  }
0xb0: {  	[dreg:$0x4] =	wrdreg $0x9  }
0xb1: {  	_ =	task.clear_ibuf [dreg:s6], $0x5FFFF;
	_ =	strace $0x90000046  }
0xb2: {  	s29 =	simm.s32 $0x9;
	_ =	strace $0x80000048  }
0xb3: {  	_ =	swait.ge [sflag:s29], $0x1  }
0xb4: {  	[sflag:s29] =	ssyncadd.s32 $0xFFFFFFFF  }
0xb5: {  	_ =	strace $0x90000048  }
0xb6: {  	_ =	sfence  }
0xb7: {  	s30 =	sld [smem:$0x0];
	_ =	sdelay $0x2  }
0xb8: {  	s31 =	sshll.u32 s1, $0xD;
	s1 =	sshrl.u32 s1, $0x2  }
0xb9: {  	s3 =	sand.u32 $0x4000, s31;
	s1 =	sadd.s32 s1, s30  }
0xba: {  	s0 =	sor.u32 s3, s0;
	s1 =	sshll.u32 s1, $0x11  }
0xbb: {  	s0 =	sor.u32 s1, s0  }
0xbc: {  	s0 =	sadd.s32 $0x8F2B, s0  }
0xbd: {  	[sflag:s0] =	ssyncadd.remote.s32 $0x1  }
0xbe: {  	_ =	sfence.sel $0xFFFF  }
0xbf: {  	[dreg:$0x0] =	wrdreg $0xFFFFFFFF;
	(pc) =	sbr.abs _section_cstart, $3  }
0xc0: {  	[dreg:$0x1] =	wrdreg $0xFFFFFFFF  }
0xc1: {  	_ =	task.clear_ibuf [dreg:s6], $0x2FFFF;
	_ =	strace $0x9FFFFFFF  }
0xc2: {  	(tm) =	ssettm $0x7FFFFFFF  }
0xc3: {  	_ =	shalt  }
tec
execute0_lowered:
.L_overlay_start_1:
0x0: {  	(tag) =	ssettag $0x1  }
0x1: {  	s4 =	rddreg [dreg:$0x0]  }
0x2: {  	s2 =	rddreg [dreg:$0x1]  }
0x3: {  	s0 =	rddreg [dreg:$0x2]  }
0x4: {  	s1 =	stileid.u32;
	s3 =	simm.s32 $0x0;
	s6 =	srdreg.scid  }
0x5: {  	s10 =	simm.s32 $0x1;
	s11 =	simm.s32 $0x280;
	s12 =	simm.s32 $0x300  }
0x6: {  	s13 =	simm.s32 $0x80;
	s16 =	simm.s32 $0x20;
	s5 =	smul.u32 $0x9E0, s1  }
0x7: {  	s17 =	simm.s32 $0x10;
	s18 =	simm.s32 $0x0;
	s7 =	smul.u32 $0x500, s1  }
0x8: {  	[smem:$0x7FF] =	sst s3;
	s6 =	sand.u32 $0x1, s6;
	s29 =	smul.u32 $0xA00, s1  }
0x9: {  	s14 =	sshll.u32 s1, $0x6;
	_ =	strace $0x80000047;
	s8 =	sshll.u32 s6, $0x7  }
0xa: {  	s9 =	ssub.s32 $0x2, s6;
	s6 =	smul.u32 $0x4F0, s6;
	s14 =	sor.u32 $0x1C01, s14  }
0xb: {  	s5 =	sadd.s32 s5, s4;
	s7 =	sor.u32 s8, s7;
	s30 =	sshrl.u32 s9, $0x1  }
0xc: {  	s8 =	sshrl.u32 s29, $0x2;
	s7 =	sshrl.u32 s7, $0x3;
	s9 =	ssub.s32 s9, s30  }
0xd: {  	s31 =	sadd.s32 s6, s5;
	s7 =	sadd.s32 s7, s4;
	s4 =	sadd.s32 s8, s2  }
0xe: {  	s6 =	smax.u32 s9, $0x1;
	s8 =	sadd.s32 $0xCA00, s31;
	s9 =	simm.s32 $0x380  }
0xf: {  	v0 =	vimm.f32 $0.0e+00;
	s5 =	sadd.s32 $0x16800, s7;
	s7 =	sadd.s32 $0x2C00, s31;
	s15 =	sshrl.u32 s4, $0x3  }
.LBB2_1:
0x10: {  	[tilespmem:$0x380] =	vst v0  }
0x11: {  	[tilespmem:$0x390] =	vst v0  }
0x12: {  	[tilespmem:$0x3A0] =	vst v0  }
0x13: {  	[tilespmem:$0x3B0] =	vst v0  }
0x14: {  	[tilespmem:$0x3C0] =	vst v0  }
0x15: {  	[tilespmem:$0x3D0] =	vst v0  }
0x16: {  	[tilespmem:$0x3E0] =	vst v0  }
0x17: {  	[tilespmem:$0x3F0] =	vst v0  }
0x18: {  	[tilespmem:$0x400] =	vst v0  }
0x19: {  	[tilespmem:$0x410] =	vst v0  }
0x1a: {  	[tilespmem:$0x420] =	vst v0  }
0x1b: {  	[tilespmem:$0x430] =	vst v0  }
0x1c: {  	[tilespmem:$0x440] =	vst v0  }
0x1d: {  	[tilespmem:$0x450] =	vst v0  }
0x1e: {  	[tilespmem:$0x460] =	vst v0  }
0x1f: {  	[tilespmem:$0x470] =	vst v0  }
0x20: {  	[tilespmem:$0x480] =	vst v0  }
0x21: {  	[tilespmem:$0x490] =	vst v0  }
0x22: {  	[tilespmem:$0x4A0] =	vst v0  }
0x23: {  	[tilespmem:$0x4B0] =	vst v0  }
0x24: {  	[tilespmem:$0x4C0] =	vst v0  }
0x25: {  	[tilespmem:$0x4D0] =	vst v0  }
0x26: {  	[tilespmem:$0x4E0] =	vst v0  }
0x27: {  	[tilespmem:$0x4F0] =	vst v0  }
0x28: {  	[tilespmem:$0x500] =	vst v0  }
0x29: {  	[tilespmem:$0x510] =	vst v0  }
0x2a: {  	[tilespmem:$0x520] =	vst v0  }
0x2b: {  	[tilespmem:$0x530] =	vst v0  }
0x2c: {  	[tilespmem:$0x540] =	vst v0  }
0x2d: {  	[tilespmem:$0x550] =	vst v0  }
0x2e: {  	[tilespmem:$0x560] =	vst v0  }
0x2f: {  	[tilespmem:$0x570] =	vst v0  }
0x30: {  	[tilespmem:$0x580] =	vst v0  }
0x31: {  	[tilespmem:$0x590] =	vst v0  }
0x32: {  	[tilespmem:$0x5A0] =	vst v0  }
0x33: {  	[tilespmem:$0x5B0] =	vst v0  }
0x34: {  	[tilespmem:$0x5C0] =	vst v0  }
0x35: {  	[tilespmem:$0x5D0] =	vst v0  }
0x36: {  	[tilespmem:$0x5E0] =	vst v0  }
0x37: {  	[tilespmem:$0x5F0] =	vst v0  }
0x38: {  	[spmem:s4] =	stream.linear.scatter [tilespmem:s9], [sflag:$0x1], $0x280, $0x38;
	[tilespmem:$0x600] =	vst v63  }
0x39: {  	_ =	swait.ge [sflag:s10], $0x280  }
0x3a: {  	[sflag:s10] =	ssyncset.done $0x0  }
0x3b: {  	[sflag:s10] =	ssyncadd.s32 $0xFFFFFD80  }
0x3c: {  	s19 =	sadd.s32 $0x0, s8;
	[bflag:$0x0] =	sbarrier.arrive $0xFFFF  }
0x3d: {  	[tilespmem:s11], [sflag:$0x1] =	stream.linear.gather [hbm4b:s19+s3], $0x80, $0x38;
	[tilespmem:$0x600] =	vst v63  }
0x3e: {  	_ =	swait.ge [sflag:s10], $0x80  }
0x3f: {  	[sflag:s10] =	ssyncset.done $0x0  }
0x40: {  	s31 =	sadd.s32 $0x0, s7;
	[sflag:s10] =	ssyncadd.s32 $0xFFFFFF80  }
0x41: {  	[tilespmem:s12], [sflag:$0x1] =	stream.linear.gather [hbm4b:s31+s3], $0x80, $0x38;
	[tilespmem:$0x600] =	vst v63  }
0x42: {  	_ =	swait.ge [sflag:s10], $0x80  }
0x43: {  	[sflag:s10] =	ssyncset.done $0x0  }
0x44: {  	[sflag:s10] =	ssyncadd.s32 $0xFFFFFF80  }
0x45: {  	[spmem:s2] =	stream.indirect.scatter.add.f32 [tilespmem:s12], [sflag:$0x1], $0x1, s11, s13, $0xb8;
	[tilespmem:$0x600] =	vst v63  }
0x46: {  	_ =	swait.ge [sflag:s10], $0x80  }
0x47: {  	s20 =	simm.s32 $0x20;
	s19 =	simm.s32 $0x10;
	[sflag:s10] =	ssyncset.done $0x0  }
.LBB2_2:
0x48: {  	s21 =	sadd.s32 s19, s8  }
0x49: {  	[sflag:s10] =	ssyncadd.s32 $0xFFFFFF80;
	s22 =	smov.u32 s20;
	s23 =	sadd.s32 $0x10, s20  }
0x4a: {  	[tilespmem:s11], [sflag:$0x1] =	stream.linear.gather [hbm4b:s21+s3], $0x80, $0x38;
	[tilespmem:$0x600] =	vst v63  }
0x4b: {  	p0 =	sne.s32 s20, $0x4E0;
	_ =	swait.ge [sflag:s10], $0x80  }
0x4c: {  	[sflag:s10] =	ssyncset.done $0x0  }
0x4d: {  	s20 =	sadd.s32 s19, s7;
	s19 =	smov.u32 s22;
	[sflag:s10] =	ssyncadd.s32 $0xFFFFFF80  }
0x4e: {  	[tilespmem:s12], [sflag:$0x1] =	stream.linear.gather [hbm4b:s20+s3], $0x80, $0x38;
	[tilespmem:$0x600] =	vst v63  }
0x4f: {  	_ =	swait.ge [sflag:s10], $0x80  }
.Ltmp0:
0x50: {  	[sflag:s10] =	ssyncset.done $0x0;
	(pc) =	sbr.rel @p0 .LBB2_2-.Ltmp0, $4  }
0x51: {  	[sflag:s10] =	ssyncadd.s32 $0xFFFFFF80  }
0x52: {  	[spmem:s2] =	stream.indirect.scatter.add.f32 [tilespmem:s12], [sflag:$0x1], $0x1, s11, s13, $0xb8;
	[tilespmem:$0x600] =	vst v63  }
0x53: {  	_ =	swait.ge [sflag:s10], $0x80  }
0x54: {  	s20 =	smov.u32 s23;
	[sflag:s10] =	ssyncset.done $0x0  }
0x55: {  	s20 =	sadd.s32 s19, s8;
	[sflag:s10] =	ssyncadd.s32 $0xFFFFFF80  }
0x56: {  	[tilespmem:s11], [sflag:$0x1] =	stream.linear.gather [hbm4b:s20+s3], $0x80, $0x38;
	[tilespmem:$0x600] =	vst v63  }
0x57: {  	_ =	swait.ge [sflag:s10], $0x80  }
0x58: {  	[sflag:s10] =	ssyncset.done $0x0  }
0x59: {  	s31 =	sadd.s32 s19, s7;
	[sflag:s10] =	ssyncadd.s32 $0xFFFFFF80  }
0x5a: {  	[tilespmem:s12], [sflag:$0x1] =	stream.linear.gather [hbm4b:s31+s3], $0x80, $0x38;
	[tilespmem:$0x600] =	vst v63  }
0x5b: {  	_ =	swait.ge [sflag:s10], $0x80  }
0x5c: {  	[sflag:s10] =	ssyncset.done $0x0  }
0x5d: {  	[sflag:s10] =	ssyncadd.s32 $0xFFFFFF80  }
0x5e: {  	[spmem:s2] =	stream.indirect.scatter.add.f32 [tilespmem:s12], [sflag:$0x1], $0x1, s11, s13, $0xb8;
	[tilespmem:$0x600] =	vst v63  }
0x5f: {  	_ =	swait.ge [sflag:s10], $0x80  }
0x60: {  	s18 =	sadd.s32 $0x1, s18;
	[sflag:s10] =	ssyncset.done $0x0  }
0x61: {  	p0 =	sne.s32 s18, s6;
	[sflag:s10] =	ssyncadd.s32 $0xFFFFFF80  }
.Ltmp1:
0x62: {  	[bflag:$0x0] =	sbarrier.arrive $0xFFFF;
	(pc) =	sbr.rel @p0 .LBB2_1-.Ltmp1, $4  }
0x63: {  	[hbm:s5@s16], [sflag:s14] =	dma.strided [spmem:s15@s17], $0x50, s10, $0x10   }
0x64: {  	_ =	swait.ge [sflag:s10], $0x50  }
0x65: {  	[sflag:s10] =	ssyncset.done $0x0  }
0x66: {  	[sflag:s10] =	ssyncadd.s32 $0xFFFFFFB0  }
0x67: {  	_ =	sfence.sel $0x180000  }
0x68: {  	[bflag:$0x0] =	sbarrier.arrive $0xFFFF  }
0x69: {  	p0 =	sne.s32 s1, $0x0;
	_ =	strace $0x90000047  }
0x6a: {  	s0 =	sadd.s32 @!p0 $0x100000, s0;
	[bflag:$0x2] =	sbarrier.arrive $0xFFFF  }
0x6b: {  	[sflag:s0] =	ssyncadd.tile.s32 @!p0 $0x1;
	_ =	shalt  }
.Lfunc_end2:
_tile_overlayer_lowered:
.L_overlay_start_2:
0x6c: {  	(tag) =	ssettag $0x2  }
0x6d: {  	s0 =	rddreg [dreg:$0x0];
	s2 =	stileid.u32  }
0x6e: {  	s1 =	rddreg [dreg:$0x1];
	p0 =	sne.s32 s2, $0x0  }
0x6f: {  	s3 =	rddreg [dreg:$0x2];
	[bflag:$0x3] =	sbarrier.arrive $0xFFFF;
	s2 =	simm.s32 @!p0 $0x1C01  }
0x70: {  	[timem:s3], [sflag:s2] =	dma.local @!p0 [hbm:s0], s1  }
0x71: {  	s0 =	simm.s32 @!p0 $0x1  }
0x72: {  	_ =	swait.ge @!p0 [sflag:s0], s1  }
0x73: {  	s1 =	ssub.s32 @!p0 $0x0, s1;
	[sflag:s0] =	ssyncset.done @!p0 $0x0  }
0x74: {  	[sflag:s0] =	ssyncadd.s32 @!p0 s1  }
0x75: {  	[bflag:$0x3] =	sbarrier.arrive $0xFFFF  }
0x76: {  	_ =	shalt  }

</sc_bundles>
